<compile_context>
chip_gen: v7x
topology: tpu7x:2x2x1
jax: 0.10.2.dev20260603
libtpu: 0.0.44.dev20260713+nightly
codegen_flags: <defaults>
</compile_context>

<pallas_src>
import jax
import jax.numpy as jnp
from jax import lax
from jax.experimental import pallas as pl
from jax.experimental.pallas import tpu as pltpu
from jax.experimental.pallas import tpu_sc as plsc

N = 10000
E = 40000
IN_DIM = 512
EMB = 3000
NUM_GRAPHS = 16
K = 50
OUT = 33

NP = 10240
F = 128
C = 24
EMB_P = C * F
NC = 2
NT = 16
EPT = 2560
EP = NT * EPT
EB = 64
NBM = EPT // EB
SLICE = NP // NT

_mesh = plsc.VectorSubcoreMesh(core_axis_name="c", subcore_axis_name="s")
_SC_PARAMS = pltpu.CompilerParams(needs_layout_passes=False)


def _i16(v):
    return jnp.full((16,), v, dtype=jnp.int32)


def _k1_body(col_hbm, deg_hbm, acc_sh, colv, onesv, zerosv, degb):
    tid = lax.axis_index("s")
    cid = lax.axis_index("c")
    pltpu.sync_copy(col_hbm.at[tid], colv)

    def fill(i, _):
        onesv[pl.ds(i * 16, 16)] = jnp.full((16,), 1.0, jnp.float32)
        return 0
    lax.fori_loop(0, EB // 16, fill, 0)

    def fillz(i, _):
        zerosv[pl.ds(i * 16, 16)] = jnp.zeros((16,), jnp.float32)
        return 0
    lax.fori_loop(0, SLICE // 16, fillz, 0)

    pltpu.sync_copy(zerosv, acc_sh.at[pl.ds(tid * SLICE, SLICE)])
    plsc.subcore_barrier()

    def cnt(b, _):
        pltpu.sync_copy(onesv, acc_sh.at[colv.at[b]], add=True)
        return 0
    lax.fori_loop(0, NBM, cnt, 0)
    plsc.subcore_barrier()

    @pl.when(cid == 0)
    def _():
        pltpu.sync_copy(acc_sh.at[pl.ds(tid * SLICE, SLICE)], degb)

        def mkdeg(i, _):
            degb[pl.ds(i * 16, 16)] = degb[pl.ds(i * 16, 16)] + 1.0
            return 0
        lax.fori_loop(0, SLICE // 16, mkdeg, 0)
        pltpu.sync_copy(degb, deg_hbm.at[pl.ds(tid * SLICE, SLICE)])


_k1 = pl.kernel(
    _k1_body,
    out_type=jax.ShapeDtypeStruct((NP,), jnp.float32),
    mesh=_mesh,
    compiler_params=_SC_PARAMS,
    scratch_types=[
        pltpu.VMEM_SHARED((NP,), jnp.float32),
        pltpu.VMEM((NBM, EB), jnp.int32),
        pltpu.VMEM((EB,), jnp.float32),
        pltpu.VMEM((SLICE,), jnp.float32),
        pltpu.VMEM((SLICE,), jnp.float32),
    ],
)


def _conv_body(tbl_hbm, hs_hbm, row_hbm, col_hbm, dis_hbm,
               out_hbm,
               acc_sh, g0, g1, rowv, colv, disv, a0, h0b, a1, h1b, zbuf,
               sem0, sem1, sf0, sf1):
    tid = lax.axis_index("s")
    cid = lax.axis_index("c")
    pltpu.sync_copy(row_hbm.at[tid], rowv)
    pltpu.sync_copy(col_hbm.at[tid], colv)
    pltpu.sync_copy(dis_hbm.at[pl.ds(tid * SLICE, SLICE)], disv)

    def zg(i, _):
        for j in range(8):
            zbuf[i, pl.ds(j * 16, 16)] = jnp.zeros((16,), jnp.float32)
        return 0
    lax.fori_loop(0, 32, zg, 0)

    def zacc(s, _):
        pltpu.sync_copy(zbuf, acc_sh.at[pl.ds(tid * SLICE + s * 32, 32)])
        return 0
    lax.fori_loop(0, SLICE // 32, zacc, 0)

    def chunk_body(ci, _):
        c = 2 * ci + cid
        plsc.subcore_barrier()

        def gath(b, buf, sem):
            return pltpu.async_copy(tbl_hbm.at[c].at[rowv.at[b]], buf, sem)

        def wait(b, buf, sem):
            pltpu.make_async_copy(tbl_hbm.at[c].at[rowv.at[b]], buf,
                                  sem).wait()

        def scat(b, buf, sem):
            return pltpu.async_copy(buf, acc_sh.at[colv.at[b]], sem,
                                    add=True)

        def swait(b, buf, sem):
            pltpu.make_async_copy(buf, acc_sh.at[colv.at[b]], sem).wait()

        gath(0, g0, sem0)

        def msg(bb, _):
            b0 = 2 * bb
            b1 = 2 * bb + 1

            @pl.when(bb > 0)
            def _():
                swait(b1 - 2, g1, sf1)
            gath(b1, g1, sem1)
            wait(b0, g0, sem0)
            scat(b0, g0, sf0)

            @pl.when(bb + 1 < NBM // 2)
            def _():
                swait(b0, g0, sf0)
                gath(b0 + 2, g0, sem0)
            wait(b1, g1, sem1)
            scat(b1, g1, sf1)
            return 0
        lax.fori_loop(0, NBM // 2, msg, 0)
        swait(NBM - 2, g0, sf0)
        swait(NBM - 1, g1, sf1)
        plsc.subcore_barrier()

        def fload(s, ab, hb, sfa, sfh):
            r0 = tid * SLICE + s * 32
            pltpu.async_copy(acc_sh.at[pl.ds(r0, 32)], ab, sfa)
            pltpu.async_copy(hs_hbm.at[c, pl.ds(r0, 32)], hb, sfh)

        def fwait(s, ab, hb, sfa, sfh):
            r0 = tid * SLICE + s * 32
            pltpu.make_async_copy(acc_sh.at[pl.ds(r0, 32)], ab, sfa).wait()
            pltpu.make_async_copy(hs_hbm.at[c, pl.ds(r0, 32)], hb,
                                  sfh).wait()

        def fcomp(s, ab, hb):
            r0 = tid * SLICE + s * 32

            def rowf(i, _):
                dd = plsc.load_gather(disv, [_i16(s * 32 + i)])
                for j in range(8):
                    sl = pl.ds(j * 16, 16)
                    ab[i, sl] = ab[i, sl] * dd + hb[i, sl]
                return 0
            lax.fori_loop(0, 32, rowf, 0)
            pltpu.sync_copy(ab, out_hbm.at[c, pl.ds(r0, 32)])
            pltpu.sync_copy(zbuf, acc_sh.at[pl.ds(r0, 32)])

        fload(0, a0, h0b, sf0, sem0)

        def fin(ss2, _):
            s0 = 2 * ss2
            s1 = 2 * ss2 + 1
            fload(s1, a1, h1b, sf1, sem1)
            fwait(s0, a0, h0b, sf0, sem0)
            fcomp(s0, a0, h0b)

            @pl.when(ss2 + 1 < SLICE // 64)
            def _():
                fload(s0 + 2, a0, h0b, sf0, sem0)
            fwait(s1, a1, h1b, sf1, sem1)
            fcomp(s1, a1, h1b)
            return 0
        lax.fori_loop(0, SLICE // 64, fin, 0)
        return 0
    lax.fori_loop(0, C // 2, chunk_body, 0)


_conv = pl.kernel(
    _conv_body,
    out_type=jax.ShapeDtypeStruct((C, NP, F), jnp.float32),
    mesh=_mesh,
    compiler_params=_SC_PARAMS,
    scratch_types=[
        pltpu.VMEM_SHARED((NP, F), jnp.float32),
        pltpu.VMEM((EB, F), jnp.float32),
        pltpu.VMEM((EB, F), jnp.float32),
        pltpu.VMEM((NBM, EB), jnp.int32),
        pltpu.VMEM((NBM, EB), jnp.int32),
        pltpu.VMEM((SLICE,), jnp.float32),
        pltpu.VMEM((32, F), jnp.float32),
        pltpu.VMEM((32, F), jnp.float32),
        pltpu.VMEM((32, F), jnp.float32),
        pltpu.VMEM((32, F), jnp.float32),
        pltpu.VMEM((32, F), jnp.float32),
        pltpu.SemaphoreType.DMA,
        pltpu.SemaphoreType.DMA,
        pltpu.SemaphoreType.DMA,
        pltpu.SemaphoreType.DMA,
    ],
)


def _degpost_body(deg_ref, inv_ref, dis_ref):
    d = deg_ref[...]
    idx = (lax.broadcasted_iota(jnp.int32, (NP // 128, 128), 0) * 128 +
           lax.broadcasted_iota(jnp.int32, (NP // 128, 128), 1))
    m = jnp.where(idx < N, 1.0, 0.0)
    inv_ref[...] = m / d
    dis_ref[...] = lax.rsqrt(d) * m


def _degpost(deg2d):
    return pl.pallas_call(
        _degpost_body,
        out_shape=(
            jax.ShapeDtypeStruct((NP // 128, 128), jnp.float32),
            jax.ShapeDtypeStruct((NP // 128, 128), jnp.float32),
        ),
    )(deg2d)


def _mm_body(x_ref, w_ref, scale_ref, bias_ref, disb_ref, ivb_ref, root_ref,
             t_ref, s_ref):
    mm = lax.dot_general(x_ref[...], w_ref[...], (((1,), (1,)), ((), ())),
                         preferred_element_type=jnp.float32)
    h = (mm + bias_ref[0, 0][None, :]) * scale_ref[0, 0][None, :]
    t_ref[0] = jnp.maximum(h * disb_ref[...], 0.0)
    s_ref[0] = jnp.maximum(h + root_ref[0, 0][None, :], 0.0) * ivb_ref[...]


def _emb_matmul(x_pad, wemb_pad, scale3, bias3, disb, ivb, root3):
    return pl.pallas_call(
        _mm_body,
        grid=(NP // 512, C),
        in_specs=[
            pl.BlockSpec((512, IN_DIM), lambda i, c: (i, 0)),
            pl.BlockSpec((F, IN_DIM), lambda i, c: (c, 0)),
            pl.BlockSpec((1, 1, F), lambda i, c: (c, 0, 0)),
            pl.BlockSpec((1, 1, F), lambda i, c: (c, 0, 0)),
            pl.BlockSpec((512, F), lambda i, c: (i, 0)),
            pl.BlockSpec((512, F), lambda i, c: (i, 0)),
            pl.BlockSpec((1, 1, F), lambda i, c: (c, 0, 0)),
        ],
        out_specs=[
            pl.BlockSpec((1, 512, F), lambda i, c: (c, i, 0)),
            pl.BlockSpec((1, 512, F), lambda i, c: (c, i, 0)),
        ],
        out_shape=(
            jax.ShapeDtypeStruct((C, NP, F), jnp.float32),
            jax.ShapeDtypeStruct((C, NP, F), jnp.float32),
        ),
    )(x_pad, wemb_pad, scale3, bias3, disb, ivb, root3)


def _stats_body(h_ref, gamma_ref, beta_ref, a_ref, c_ref):
    d = h_ref[0]
    s = jnp.sum(d, axis=0)
    q = jnp.sum(d * d, axis=0)
    mu = s / float(N)
    var = q / float(N) - mu * mu
    a = gamma_ref[0, 0] * lax.rsqrt(var + 1e-5)
    cc = beta_ref[0, 0] - mu * a
    a_ref[0, 0] = a
    c_ref[0, 0] = cc


def _stats_affine(h, gamma3, beta3):
    return pl.pallas_call(
        _stats_body,
        grid=(C,),
        in_specs=[
            pl.BlockSpec((1, NP, F), lambda c: (c, 0, 0)),
            pl.BlockSpec((1, 1, F), lambda c: (c, 0, 0)),
            pl.BlockSpec((1, 1, F), lambda c: (c, 0, 0)),
        ],
        out_specs=[
            pl.BlockSpec((1, 1, F), lambda c: (c, 0, 0)),
            pl.BlockSpec((1, 1, F), lambda c: (c, 0, 0)),
        ],
        out_shape=(
            jax.ShapeDtypeStruct((C, 1, F), jnp.float32),
            jax.ShapeDtypeStruct((C, 1, F), jnp.float32),
        ),
    )(h, gamma3, beta3)


def _t1_body(h_ref, a_ref, c_ref, disb_ref, ivb_ref, root_ref, t_ref, s_ref):
    u = jnp.maximum(h_ref[0] * a_ref[0, 0][None, :] +
                    c_ref[0, 0][None, :], 0.0)
    t_ref[0] = u * disb_ref[...]
    s_ref[0] = jnp.maximum(u + root_ref[0, 0][None, :], 0.0) * ivb_ref[...]


def _t1(h, a3, c3, disb, ivb, root3):
    return pl.pallas_call(
        _t1_body,
        grid=(C, NP // 1024),
        in_specs=[
            pl.BlockSpec((1, 1024, F), lambda c, i: (c, i, 0)),
            pl.BlockSpec((1, 1, F), lambda c, i: (c, 0, 0)),
            pl.BlockSpec((1, 1, F), lambda c, i: (c, 0, 0)),
            pl.BlockSpec((1024, F), lambda c, i: (i, 0)),
            pl.BlockSpec((1024, F), lambda c, i: (i, 0)),
            pl.BlockSpec((1, 1, F), lambda c, i: (c, 0, 0)),
        ],
        out_specs=[
            pl.BlockSpec((1, 1024, F), lambda c, i: (c, i, 0)),
            pl.BlockSpec((1, 1024, F), lambda c, i: (c, i, 0)),
        ],
        out_shape=(
            jax.ShapeDtypeStruct((C, NP, F), jnp.float32),
            jax.ShapeDtypeStruct((C, NP, F), jnp.float32),
        ),
    )(h, a3, c3, disb, ivb, root3)


def _head_body(h_ref, gamma_ref, beta_ref, batch_ref, wp_ref, bp_ref,
               out_ref):
    c = pl.program_id(0)
    d = h_ref[0]
    s = jnp.sum(d, axis=0)
    q = jnp.sum(d * d, axis=0)
    mu = s / float(N)
    var = q / float(N) - mu * mu
    a2 = gamma_ref[0, 0] * lax.rsqrt(var + 1e-5)
    c2 = beta_ref[0, 0] - mu * a2
    iota_g = lax.broadcasted_iota(jnp.int32, (NUM_GRAPHS, NP), 0)
    oh = (batch_ref[0, :][None, :] == iota_g).astype(jnp.float32)
    psum = lax.dot_general(oh, d, (((1,), (0,)), ((), ())),
                           preferred_element_type=jnp.float32)
    cnt = jnp.sum(oh, axis=1)[:, None]
    pb = psum * a2[None, :] + cnt * c2[None, :]
    pr = lax.dot_general(pb, wp_ref[0], (((1,), (1,)), ((), ())),
                         preferred_element_type=jnp.float32)

    @pl.when(c == 0)
    def _():
        out_ref[...] = jnp.broadcast_to(bp_ref[0, 0][None, :],
                                        (NUM_GRAPHS, F))
    out_ref[...] += pr


def _head(h2, gamma3, beta3, batch2d, wp_chunks, bp3):
    return pl.pallas_call(
        _head_body,
        grid=(C,),
        in_specs=[
            pl.BlockSpec((1, NP, F), lambda c: (c, 0, 0)),
            pl.BlockSpec((1, 1, F), lambda c: (c, 0, 0)),
            pl.BlockSpec((1, 1, F), lambda c: (c, 0, 0)),
            pl.BlockSpec((8, NP), lambda c: (0, 0)),
            pl.BlockSpec((1, F, F), lambda c: (c, 0, 0)),
            pl.BlockSpec((1, 1, F), lambda c: (0, 0, 0)),
        ],
        out_specs=pl.BlockSpec((NUM_GRAPHS, F), lambda c: (0, 0)),
        out_shape=jax.ShapeDtypeStruct((NUM_GRAPHS, F), jnp.float32),
    )(h2, gamma3, beta3, batch2d, wp_chunks, bp3)


def _topk_body(w_ref, out_ref):
    w = w_ref[...]
    iota_lin = (lax.broadcasted_iota(jnp.int32, (C, F), 0) * F +
                lax.broadcasted_iota(jnp.int32, (C, F), 1))
    oidx = lax.broadcasted_iota(jnp.int32, (8, 128), 0) * 128 + \
        lax.broadcasted_iota(jnp.int32, (8, 128), 1)
    out = jnp.zeros((8, 128), jnp.int32)
    for k in range(K):
        m = jnp.max(w)
        idx = jnp.min(jnp.where(w == m, iota_lin, jnp.int32(2**30)))
        out = jnp.where(oidx == k, idx, out)
        w = jnp.where(iota_lin == idx, -jnp.inf, w)
    out_ref[...] = out


def _topk(w_pad2):
    return pl.pallas_call(
        _topk_body,
        out_shape=jax.ShapeDtypeStruct((8, 128), jnp.int32),
    )(w_pad2)


def kernel(x, edge_index, batch, W, W_emb, b_emb, root0, root1,
           gamma0, beta0, gamma1, beta1, Wp, bp):
    f32 = jnp.float32
    x_pad = jnp.pad(x, ((0, NP - N), (0, 0)))
    wemb_pad = jnp.pad(W_emb, ((0, EMB_P - EMB), (0, 0)))
    scale3 = jnp.pad(W, (0, EMB_P - EMB)).reshape(C, 1, F)
    bias3 = jnp.pad(b_emb, (0, EMB_P - EMB)).reshape(C, 1, F)
    root0c = jnp.pad(root0, (0, EMB_P - EMB)).reshape(C, 1, F)
    root1c = jnp.pad(root1, (0, EMB_P - EMB)).reshape(C, 1, F)
    g0 = jnp.pad(gamma0, (0, EMB_P - EMB)).reshape(C, 1, F)
    b0 = jnp.pad(beta0, (0, EMB_P - EMB)).reshape(C, 1, F)
    g1 = jnp.pad(gamma1, (0, EMB_P - EMB)).reshape(C, 1, F)
    b1 = jnp.pad(beta1, (0, EMB_P - EMB)).reshape(C, 1, F)

    npad = EP - E
    row_p = jnp.concatenate([edge_index[0], jnp.zeros((npad,), jnp.int32)])
    col_p = jnp.concatenate(
        [edge_index[1], N + (jnp.arange(npad, dtype=jnp.int32) % (NP - N))])
    row3d = row_p.reshape(NT, NBM, EB)
    col3d = col_p.reshape(NT, NBM, EB)

    batch_pad = jnp.concatenate(
        [batch, jnp.full((NP - N,), NUM_GRAPHS, jnp.int32)])
    batch2d = jnp.broadcast_to(batch_pad[None, :], (8, NP))

    wp_pad = jnp.pad(Wp, ((0, F - OUT), (0, EMB_P - EMB)))
    wp_chunks = jnp.transpose(wp_pad.reshape(F, C, F), (1, 0, 2))
    bp3 = jnp.pad(bp, (0, F - OUT)).reshape(1, 1, F)

    w_pad2 = jnp.pad(W, (0, EMB_P - EMB),
                     constant_values=-jnp.inf).reshape(C, F)

    deg = _k1(col3d)
    inv2d, dis2d = _degpost(deg.reshape(NP // 128, 128))
    inv1 = inv2d.reshape(NP)
    dis1 = dis2d.reshape(NP)
    disb = jnp.broadcast_to(dis1[:, None], (NP, F))
    ivb = jnp.broadcast_to(inv1[:, None], (NP, F))

    t0p, s0t = _emb_matmul(x_pad, wemb_pad, scale3, bias3, disb, ivb, root0c)
    out1 = _conv(t0p, s0t, row3d, col3d, dis1)
    a1, c1 = _stats_affine(out1, g0, b0)
    t1p, s1t = _t1(out1, a1, c1, disb, ivb, root1c)
    out2 = _conv(t1p, s1t, row3d, col3d, dis1)
    pred_pad = _head(out2, g1, b1, batch2d, wp_chunks, bp3)
    topk_pad = _topk(w_pad2)

    pred = pred_pad[:, :OUT]
    topk_indices = topk_pad.reshape(-1)[:K]
    return pred, topk_indices

# --- scband reference (transcript-rebuilt; emitter-appended) ---
"""Pipeline reference for scband-gnn-model-57973468562122 (READ-ONLY COPY).

The authoritative reference and input builder live on the scoring server;
editing this copy changes nothing except your own understanding.
"""

import jax, jax.numpy as jnp
import numpy as np

N = 10000
E = 40000
IN_DIM = 512
EMB = 3000
NUM_LAYERS = 2
NUM_GRAPHS = 16
K = 50
OUT = 33


def setup_inputs(seed: int = 0):
    key = jax.random.key(seed)
    ks = jax.random.split(key, 10)
    x = jax.random.normal(ks[0], (N, IN_DIM), dtype=jnp.float32)
    edge_index = jax.random.randint(ks[1], (2, E), 0, N, dtype=jnp.int32)
    batch = jnp.sort(jax.random.randint(ks[2], (N,), 0, NUM_GRAPHS, dtype=jnp.int32))
    W = jax.random.normal(ks[3], (EMB,), dtype=jnp.float32)
    W_emb = jax.random.normal(ks[4], (EMB, IN_DIM), dtype=jnp.float32) * 0.02
    b_emb = jnp.zeros((EMB,), dtype=jnp.float32)
    root0 = jax.random.normal(ks[5], (EMB,), dtype=jnp.float32) * 0.02
    root1 = jax.random.normal(ks[6], (EMB,), dtype=jnp.float32) * 0.02
    gamma0 = jnp.ones((EMB,), dtype=jnp.float32)
    beta0 = jnp.zeros((EMB,), dtype=jnp.float32)
    gamma1 = jnp.ones((EMB,), dtype=jnp.float32)
    beta1 = jnp.zeros((EMB,), dtype=jnp.float32)
    Wp = jax.random.normal(ks[7], (OUT, EMB), dtype=jnp.float32) * 0.02
    bp = jnp.zeros((OUT,), dtype=jnp.float32)
    return dict(x=x, edge_index=edge_index, batch=batch, W=W, W_emb=W_emb, b_emb=b_emb,
                root0=root0, root1=root1, gamma0=gamma0, beta0=beta0,
                gamma1=gamma1, beta1=beta1, Wp=Wp, bp=bp)


def _gcn_conv(h, row, col, root):
    # deg = in-degree at col + 1 (PyG degree(col) + 1)
    deg = jax.ops.segment_sum(jnp.ones(col.shape[0], h.dtype), col, num_segments=N) + 1.0
    dis = deg ** -0.5  # deg >= 1 so never inf
    norm = dis[row] * dis[col]
    msg = norm[:, None] * jax.nn.relu(h[row])          # message: norm * relu(x_j)
    agg = jax.ops.segment_sum(msg, col, num_segments=N)  # aggr='add' at dst
    return agg + jax.nn.relu(h + root[None, :]) / deg[:, None]


def _bn(h, gamma, beta):
    # BatchNorm1d, training-mode batch statistics (biased variance, eps=1e-5)
    mu = jnp.mean(h, axis=0)
    var = jnp.var(h, axis=0)
    return gamma * (h - mu) * jax.lax.rsqrt(var + 1e-5) + beta


def reference(x, edge_index, batch, W, W_emb, b_emb, root0, root1,
              gamma0, beta0, gamma1, beta1, Wp, bp):
    topk_indices = jax.lax.top_k(W, K)[1]
    row, col = edge_index[0], edge_index[1]
    h = x @ W_emb.T + b_emb        # emb_layer
    h = h * W                      # elementwise scale by W (EMB == 3000)
    roots = [root0, root1]
    gammas = [gamma0, gamma1]
    betas = [beta0, beta1]
    for layer in range(NUM_LAYERS):
        h = _gcn_conv(h, row, col, roots[layer])
        h = _bn(h, gammas[layer], betas[layer])
        if layer < NUM_LAYERS - 1:
            h = jax.nn.relu(h)
        # dropout p=0.25 -> identity in eval mode
    pooled = jax.ops.segment_sum(h, batch, num_segments=NUM_GRAPHS)  # global_add_pool
    pred = pooled @ Wp.T + bp      # pred_layer (out_indim = 50*(3000//50) = 3000)
    return pred, topk_indices

if __name__ == "__main__":
    import jax
    _d = setup_inputs()
    print(jax.jit(kernel)(*tuple(_d.values())))

</pallas_src>

<mosaic_0001>
#map = affine_map<(d0, d1) -> (0, 0, 0)>
#map1 = affine_map<(d0, d1) -> (0)>
module attributes {stable_mosaic.version = 14 : i64} {
  func.func @_conv_body(%arg0: i32, %arg1: i32, %arg2: memref<24x10240x128xf32, #tpu.memory_space<hbm>>, %arg3: memref<24x10240x128xf32, #tpu.memory_space<hbm>>, %arg4: memref<16x40x64xi32, #tpu.memory_space<hbm>>, %arg5: memref<16x40x64xi32, #tpu.memory_space<hbm>>, %arg6: memref<10240xf32, #tpu.memory_space<hbm>>, %arg7: memref<24x10240x128xf32, #tpu.memory_space<hbm>>, %arg8: memref<10240x128xf32, #tpu.memory_space<vmem_shared>>, %arg9: memref<64x128xf32, #tpu.memory_space<vmem>>, %arg10: memref<64x128xf32, #tpu.memory_space<vmem>>, %arg11: memref<40x64xi32, #tpu.memory_space<vmem>>, %arg12: memref<40x64xi32, #tpu.memory_space<vmem>>, %arg13: memref<640xf32, #tpu.memory_space<vmem>>, %arg14: memref<32x128xf32, #tpu.memory_space<vmem>>, %arg15: memref<32x128xf32, #tpu.memory_space<vmem>>, %arg16: memref<32x128xf32, #tpu.memory_space<vmem>>, %arg17: memref<32x128xf32, #tpu.memory_space<vmem>>, %arg18: memref<32x128xf32, #tpu.memory_space<vmem>>, %arg19: memref<!tpu.dma_semaphore, #tpu.memory_space<semaphore_mem>>, %arg20: memref<!tpu.dma_semaphore, #tpu.memory_space<semaphore_mem>>, %arg21: memref<!tpu.dma_semaphore, #tpu.memory_space<semaphore_mem>>, %arg22: memref<!tpu.dma_semaphore, #tpu.memory_space<semaphore_mem>>) attributes {dimension_semantics = [#tpu.dimension_semantics<core_parallel>, #tpu.dimension_semantics<subcore_parallel>], iteration_bounds = array<i64: 2, 16>, scalar_prefetch = 0 : i64, scratch_operands = 15 : i64, tpu.core_type = #tpu.core_type<sc_vector_subcore>, window_params = [{transform_indices = #map}, {transform_indices = #map}, {transform_indices = #map}, {transform_indices = #map}, {transform_indices = #map1}, {transform_indices = #map}]} {
    "tpu.region"() ({
      %run_scoped3A = tpu.sem_alloc : memref<!tpu.dma_semaphore, #tpu.memory_space<semaphore_mem>>
      %dma_start3A = arith.constant 0 : i32
      %dma_start3A_21 = arith.constant 0 : i32
      %dma_start3A_22 = tpu.memref_slice %arg4[%arg1, %dma_start3A, %dma_start3A_21] : memref<16x40x64xi32, #tpu.memory_space<hbm>> -> memref<1x40x64xi32, #tpu.memory_space<hbm>>
      %dma_start3A_23 = tpu.memref_squeeze %dma_start3A_22 : memref<1x40x64xi32, #tpu.memory_space<hbm>> -> memref<40x64xi32, #tpu.memory_space<hbm>>
      %dma_start3A_24 = arith.constant 0 : i32
      %dma_start3A_25 = arith.constant 0 : i32
      %dma_start3A_26 = tpu.memref_slice %arg4[%arg1, %dma_start3A_24, %dma_start3A_25] : memref<16x40x64xi32, #tpu.memory_space<hbm>> -> memref<1x40x64xi32, #tpu.memory_space<hbm>>
      %dma_start3A_27 = tpu.memref_squeeze %dma_start3A_26 : memref<1x40x64xi32, #tpu.memory_space<hbm>> -> memref<40x64xi32, #tpu.memory_space<hbm>>
      tpu.enqueue_dma source(%dma_start3A_27 : memref<40x64xi32, #tpu.memory_space<hbm>>) target(%arg11 : memref<40x64xi32, #tpu.memory_space<vmem>>) target_semaphore(%run_scoped3A : memref<!tpu.dma_semaphore, #tpu.memory_space<semaphore_mem>>)
      %dma_wait3A = arith.constant 0 : i32
      %dma_wait3A_28 = arith.constant 0 : i32
      %dma_wait3A_29 = tpu.memref_slice %arg4[%arg1, %dma_wait3A, %dma_wait3A_28] : memref<16x40x64xi32, #tpu.memory_space<hbm>> -> memref<1x40x64xi32, #tpu.memory_space<hbm>>
      %dma_wait3A_30 = tpu.memref_squeeze %dma_wait3A_29 : memref<1x40x64xi32, #tpu.memory_space<hbm>> -> memref<40x64xi32, #tpu.memory_space<hbm>>
      %dma_wait3A_31 = arith.constant 0 : i32
      %dma_wait3A_32 = arith.constant 0 : i32
      %dma_wait3A_33 = tpu.memref_slice %arg4[%arg1, %dma_wait3A_31, %dma_wait3A_32] : memref<16x40x64xi32, #tpu.memory_space<hbm>> -> memref<1x40x64xi32, #tpu.memory_space<hbm>>
      %dma_wait3A_34 = tpu.memref_squeeze %dma_wait3A_33 : memref<1x40x64xi32, #tpu.memory_space<hbm>> -> memref<40x64xi32, #tpu.memory_space<hbm>>
      tpu.wait_dma2 semaphore(%run_scoped3A : memref<!tpu.dma_semaphore, #tpu.memory_space<semaphore_mem>>) src(%dma_wait3A_34 : memref<40x64xi32, #tpu.memory_space<hbm>>) dst(%arg11 : memref<40x64xi32, #tpu.memory_space<vmem>>)
      tpu.yield
    }) : () -> ()
    "tpu.region"() ({
      %run_scoped3A = tpu.sem_alloc : memref<!tpu.dma_semaphore, #tpu.memory_space<semaphore_mem>>
      %dma_start3A = arith.constant 0 : i32
      %dma_start3A_21 = arith.constant 0 : i32
      %dma_start3A_22 = tpu.memref_slice %arg5[%arg1, %dma_start3A, %dma_start3A_21] : memref<16x40x64xi32, #tpu.memory_space<hbm>> -> memref<1x40x64xi32, #tpu.memory_space<hbm>>
      %dma_start3A_23 = tpu.memref_squeeze %dma_start3A_22 : memref<1x40x64xi32, #tpu.memory_space<hbm>> -> memref<40x64xi32, #tpu.memory_space<hbm>>
      %dma_start3A_24 = arith.constant 0 : i32
      %dma_start3A_25 = arith.constant 0 : i32
      %dma_start3A_26 = tpu.memref_slice %arg5[%arg1, %dma_start3A_24, %dma_start3A_25] : memref<16x40x64xi32, #tpu.memory_space<hbm>> -> memref<1x40x64xi32, #tpu.memory_space<hbm>>
      %dma_start3A_27 = tpu.memref_squeeze %dma_start3A_26 : memref<1x40x64xi32, #tpu.memory_space<hbm>> -> memref<40x64xi32, #tpu.memory_space<hbm>>
      tpu.enqueue_dma source(%dma_start3A_27 : memref<40x64xi32, #tpu.memory_space<hbm>>) target(%arg12 : memref<40x64xi32, #tpu.memory_space<vmem>>) target_semaphore(%run_scoped3A : memref<!tpu.dma_semaphore, #tpu.memory_space<semaphore_mem>>)
      %dma_wait3A = arith.constant 0 : i32
      %dma_wait3A_28 = arith.constant 0 : i32
      %dma_wait3A_29 = tpu.memref_slice %arg5[%arg1, %dma_wait3A, %dma_wait3A_28] : memref<16x40x64xi32, #tpu.memory_space<hbm>> -> memref<1x40x64xi32, #tpu.memory_space<hbm>>
      %dma_wait3A_30 = tpu.memref_squeeze %dma_wait3A_29 : memref<1x40x64xi32, #tpu.memory_space<hbm>> -> memref<40x64xi32, #tpu.memory_space<hbm>>
      %dma_wait3A_31 = arith.constant 0 : i32
      %dma_wait3A_32 = arith.constant 0 : i32
      %dma_wait3A_33 = tpu.memref_slice %arg5[%arg1, %dma_wait3A_31, %dma_wait3A_32] : memref<16x40x64xi32, #tpu.memory_space<hbm>> -> memref<1x40x64xi32, #tpu.memory_space<hbm>>
      %dma_wait3A_34 = tpu.memref_squeeze %dma_wait3A_33 : memref<1x40x64xi32, #tpu.memory_space<hbm>> -> memref<40x64xi32, #tpu.memory_space<hbm>>
      tpu.wait_dma2 semaphore(%run_scoped3A : memref<!tpu.dma_semaphore, #tpu.memory_space<semaphore_mem>>) src(%dma_wait3A_34 : memref<40x64xi32, #tpu.memory_space<hbm>>) dst(%arg12 : memref<40x64xi32, #tpu.memory_space<vmem>>)
      tpu.yield
    }) : () -> ()
    %mul3A = arith.constant 640 : i32
    %mul3A_0 = arith.muli %arg1, %mul3A : i32
    "tpu.region"() ({
      %run_scoped3A = tpu.sem_alloc : memref<!tpu.dma_semaphore, #tpu.memory_space<semaphore_mem>>
      %dma_start3A = tpu.memref_slice %arg6[%mul3A_0] : memref<10240xf32, #tpu.memory_space<hbm>> -> memref<640xf32, #tpu.memory_space<hbm>>
      %dma_start3A_21 = tpu.memref_slice %arg6[%mul3A_0] : memref<10240xf32, #tpu.memory_space<hbm>> -> memref<640xf32, #tpu.memory_space<hbm>>
      tpu.enqueue_dma source(%dma_start3A_21 : memref<640xf32, #tpu.memory_space<hbm>>) target(%arg13 : memref<640xf32, #tpu.memory_space<vmem>>) target_semaphore(%run_scoped3A : memref<!tpu.dma_semaphore, #tpu.memory_space<semaphore_mem>>)
      %dma_wait3A = tpu.memref_slice %arg6[%mul3A_0] : memref<10240xf32, #tpu.memory_space<hbm>> -> memref<640xf32, #tpu.memory_space<hbm>>
      %dma_wait3A_22 = tpu.memref_slice %arg6[%mul3A_0] : memref<10240xf32, #tpu.memory_space<hbm>> -> memref<640xf32, #tpu.memory_space<hbm>>
      tpu.wait_dma2 semaphore(%run_scoped3A : memref<!tpu.dma_semaphore, #tpu.memory_space<semaphore_mem>>) src(%dma_wait3A_22 : memref<640xf32, #tpu.memory_space<hbm>>) dst(%arg13 : memref<640xf32, #tpu.memory_space<vmem>>)
      tpu.yield
    }) : () -> ()
    %scan3A = arith.constant 0 : i32
    %scan3A_1 = arith.constant 0 : i32
    %scan3A_2 = arith.constant 32 : i32
    %scan3A_3 = arith.addi %scan3A_1, %scan3A_2 : i32
    %scan3A_4 = arith.constant 1 : i32
    %scan3A_5 = scf.for %scan3A_21 = %scan3A_1 to %scan3A_3 step %scan3A_4 iter_args(%scan3A_22 = %scan3A) -> (i32)  : i32 {
      %broadcast_in_dim3A = arith.constant 0.000000e+00 : f32
      %broadcast_in_dim3A_23 = vector.broadcast %broadcast_in_dim3A : f32 to vector<16xf32>
      %swap3A = arith.index_cast %scan3A_21 : i32 to index
      %swap3A_24 = arith.constant 0 : index
      %swap3A_25 = tpu.vector_load %arg18[%swap3A, %swap3A_24] {strides = array<i32>} : memref<32x128xf32, #tpu.memory_space<vmem>>, vector<16xf32>,
      tpu.vector_store %arg18[%swap3A, %swap3A_24], %broadcast_in_dim3A_23 {strides = array<i32>} : memref<32x128xf32, #tpu.memory_space<vmem>>, vector<16xf32>,
      %broadcast_in_dim3A_26 = arith.constant 0.000000e+00 : f32
      %broadcast_in_dim3A_27 = vector.broadcast %broadcast_in_dim3A_26 : f32 to vector<16xf32>
      %swap3A_28 = arith.index_cast %scan3A_21 : i32 to index
      %swap3A_29 = arith.constant 16 : index
      %swap3A_30 = tpu.vector_load %arg18[%swap3A_28, %swap3A_29] {strides = array<i32>} : memref<32x128xf32, #tpu.memory_space<vmem>>, vector<16xf32>,
      tpu.vector_store %arg18[%swap3A_28, %swap3A_29], %broadcast_in_dim3A_27 {strides = array<i32>} : memref<32x128xf32, #tpu.memory_space<vmem>>, vector<16xf32>,
      %broadcast_in_dim3A_31 = arith.constant 0.000000e+00 : f32
      %broadcast_in_dim3A_32 = vector.broadcast %broadcast_in_dim3A_31 : f32 to vector<16xf32>
      %swap3A_33 = arith.index_cast %scan3A_21 : i32 to index
      %swap3A_34 = arith.constant 32 : index
      %swap3A_35 = tpu.vector_load %arg18[%swap3A_33, %swap3A_34] {strides = array<i32>} : memref<32x128xf32, #tpu.memory_space<vmem>>, vector<16xf32>,
      tpu.vector_store %arg18[%swap3A_33, %swap3A_34], %broadcast_in_dim3A_32 {strides = array<i32>} : memref<32x128xf32, #tpu.memory_space<vmem>>, vector<16xf32>,
      %broadcast_in_dim3A_36 = arith.constant 0.000000e+00 : f32
      %broadcast_in_dim3A_37 = vector.broadcast %broadcast_in_dim3A_36 : f32 to vector<16xf32>
      %swap3A_38 = arith.index_cast %scan3A_21 : i32 to index
      %swap3A_39 = arith.constant 48 : index
      %swap3A_40 = tpu.vector_load %arg18[%swap3A_38, %swap3A_39] {strides = array<i32>} : memref<32x128xf32, #tpu.memory_space<vmem>>, vector<16xf32>,
      tpu.vector_store %arg18[%swap3A_38, %swap3A_39], %broadcast_in_dim3A_37 {strides = array<i32>} : memref<32x128xf32, #tpu.memory_space<vmem>>, vector<16xf32>,
      %broadcast_in_dim3A_41 = arith.constant 0.000000e+00 : f32
      %broadcast_in_dim3A_42 = vector.broadcast %broadcast_in_dim3A_41 : f32 to vector<16xf32>
      %swap3A_43 = arith.index_cast %scan3A_21 : i32 to index
      %swap3A_44 = arith.constant 64 : index
      %swap3A_45 = tpu.vector_load %arg18[%swap3A_43, %swap3A_44] {strides = array<i32>} : memref<32x128xf32, #tpu.memory_space<vmem>>, vector<16xf32>,
      tpu.vector_store %arg18[%swap3A_43, %swap3A_44], %broadcast_in_dim3A_42 {strides = array<i32>} : memref<32x128xf32, #tpu.memory_space<vmem>>, vector<16xf32>,
      %broadcast_in_dim3A_46 = arith.constant 0.000000e+00 : f32
      %broadcast_in_dim3A_47 = vector.broadcast %broadcast_in_dim3A_46 : f32 to vector<16xf32>
      %swap3A_48 = arith.index_cast %scan3A_21 : i32 to index
      %swap3A_49 = arith.constant 80 : index
      %swap3A_50 = tpu.vector_load %arg18[%swap3A_48, %swap3A_49] {strides = array<i32>} : memref<32x128xf32, #tpu.memory_space<vmem>>, vector<16xf32>,
      tpu.vector_store %arg18[%swap3A_48, %swap3A_49], %broadcast_in_dim3A_47 {strides = array<i32>} : memref<32x128xf32, #tpu.memory_space<vmem>>, vector<16xf32>,
      %broadcast_in_dim3A_51 = arith.constant 0.000000e+00 : f32
      %broadcast_in_dim3A_52 = vector.broadcast %broadcast_in_dim3A_51 : f32 to vector<16xf32>
      %swap3A_53 = arith.index_cast %scan3A_21 : i32 to index
      %swap3A_54 = arith.constant 96 : index
      %swap3A_55 = tpu.vector_load %arg18[%swap3A_53, %swap3A_54] {strides = array<i32>} : memref<32x128xf32, #tpu.memory_space<vmem>>, vector<16xf32>,
      tpu.vector_store %arg18[%swap3A_53, %swap3A_54], %broadcast_in_dim3A_52 {strides = array<i32>} : memref<32x128xf32, #tpu.memory_space<vmem>>, vector<16xf32>,
      %broadcast_in_dim3A_56 = arith.constant 0.000000e+00 : f32
      %broadcast_in_dim3A_57 = vector.broadcast %broadcast_in_dim3A_56 : f32 to vector<16xf32>
      %swap3A_58 = arith.index_cast %scan3A_21 : i32 to index
      %swap3A_59 = arith.constant 112 : index
      %swap3A_60 = tpu.vector_load %arg18[%swap3A_58, %swap3A_59] {strides = array<i32>} : memref<32x128xf32, #tpu.memory_space<vmem>>, vector<16xf32>,
      tpu.vector_store %arg18[%swap3A_58, %swap3A_59], %broadcast_in_dim3A_57 {strides = array<i32>} : memref<32x128xf32, #tpu.memory_space<vmem>>, vector<16xf32>,
      %scan3A_61 = arith.constant 0 : i32
      scf.yield %scan3A_61 : i32
    }
    %scan3A_6 = arith.constant 32 : i32
    %scan3A_7 = arith.constant 0 : i32
    %scan3A_8 = arith.constant 0 : i32
    %scan3A_9 = arith.constant 20 : i32
    %scan3A_10 = arith.addi %scan3A_8, %scan3A_9 : i32
    %scan3A_11 = arith.constant 1 : i32
    %scan3A_12 = scf.for %scan3A_21 = %scan3A_8 to %scan3A_10 step %scan3A_11 iter_args(%scan3A_22 = %scan3A_7) -> (i32)  : i32 {
      %mul3A_23 = arith.constant 640 : i32
      %mul3A_24 = arith.muli %arg1, %mul3A_23 : i32
      %mul3A_25 = arith.constant 32 : i32
      %mul3A_26 = arith.muli %scan3A_21, %mul3A_25 : i32
      %add3A = arith.addi %mul3A_24, %mul3A_26 : i32
      "tpu.region"() ({
        %run_scoped3A = tpu.sem_alloc : memref<!tpu.dma_semaphore, #tpu.memory_space<semaphore_mem>>
        %dma_start3A = arith.constant 0 : i32
        %dma_start3A_28 = tpu.memref_slice %arg8[%add3A, %dma_start3A] : memref<10240x128xf32, #tpu.memory_space<vmem_shared>> -> memref<32x128xf32, #tpu.memory_space<vmem_shared>>
        %dma_start3A_29 = arith.constant 0 : i32
        %dma_start3A_30 = tpu.memref_slice %arg8[%add3A, %dma_start3A_29] : memref<10240x128xf32, #tpu.memory_space<vmem_shared>> -> memref<32x128xf32, #tpu.memory_space<vmem_shared>>
        tpu.enqueue_dma source(%arg18 : memref<32x128xf32, #tpu.memory_space<vmem>>) target(%dma_start3A_30 : memref<32x128xf32, #tpu.memory_space<vmem_shared>>) target_semaphore(%run_scoped3A : memref<!tpu.dma_semaphore, #tpu.memory_space<semaphore_mem>>)
        %dma_wait3A = arith.constant 0 : i32
        %dma_wait3A_31 = tpu.memref_slice %arg8[%add3A, %dma_wait3A] : memref<10240x128xf32, #tpu.memory_space<vmem_shared>> -> memref<32x128xf32, #tpu.memory_space<vmem_shared>>
        %dma_wait3A_32 = arith.constant 0 : i32
        %dma_wait3A_33 = tpu.memref_slice %arg8[%add3A, %dma_wait3A_32] : memref<10240x128xf32, #tpu.memory_space<vmem_shared>> -> memref<32x128xf32, #tpu.memory_space<vmem_shared>>
        tpu.wait_dma2 semaphore(%run_scoped3A : memref<!tpu.dma_semaphore, #tpu.memory_space<semaphore_mem>>) src(%arg18 : memref<32x128xf32, #tpu.memory_space<vmem>>) dst(%dma_wait3A_33 : memref<32x128xf32, #tpu.memory_space<vmem_shared>>)
        tpu.yield
      }) : () -> ()
      %scan3A_27 = arith.constant 0 : i32
      scf.yield %scan3A_27 : i32
    }
    %scan3A_13 = arith.constant 20 : i32
    %scan3A_14 = arith.constant 0 : i32
    %scan3A_15 = arith.constant 0 : i32
    %scan3A_16 = arith.constant 12 : i32
    %scan3A_17 = arith.addi %scan3A_15, %scan3A_16 : i32
    %scan3A_18 = arith.constant 1 : i32
    %scan3A_19 = scf.for %scan3A_21 = %scan3A_15 to %scan3A_17 step %scan3A_18 iter_args(%scan3A_22 = %scan3A_14) -> (i32)  : i32 {
      %mul3A_23 = arith.constant 2 : i32
      %mul3A_24 = arith.muli %mul3A_23, %scan3A_21 : i32
      %add3A = arith.addi %mul3A_24, %arg0 : i32
      %barrier3A = arith.constant 0 : index
      tpu.barrier barrier_id(%barrier3A)
      %dma_start3A = arith.constant 0 : i32
      %dma_start3A_25 = arith.constant 0 : i32
      %dma_start3A_26 = tpu.memref_slice %arg11[%dma_start3A, %dma_start3A_25] : memref<40x64xi32, #tpu.memory_space<vmem>> -> memref<1x64xi32, #tpu.memory_space<vmem>>
      %dma_start3A_27 = tpu.memref_squeeze %dma_start3A_26 : memref<1x64xi32, #tpu.memory_space<vmem>> -> memref<64xi32, #tpu.memory_space<vmem>>
      %dma_start3A_28 = arith.constant 0 : i32
      %dma_start3A_29 = arith.constant 0 : i32
      %dma_start3A_30 = tpu.memref_slice %arg2[%add3A, %dma_start3A_28, %dma_start3A_29] : memref<24x10240x128xf32, #tpu.memory_space<hbm>> -> memref<1x10240x128xf32, #tpu.memory_space<hbm>>
      %dma_start3A_31 = tpu.memref_squeeze %dma_start3A_30 : memref<1x10240x128xf32, #tpu.memory_space<hbm>> -> memref<10240x128xf32, #tpu.memory_space<hbm>>
      %dma_start3A_32 = arith.constant 0 : i32
      %dma_start3A_33 = arith.constant 0 : i32
      %dma_start3A_34 = tpu.memref_slice %dma_start3A_31[%dma_start3A_32, %dma_start3A_33] : memref<10240x128xf32, #tpu.memory_space<hbm>> -> memref<10240x128xf32, #tpu.memory_space<hbm>>
      tpu.enqueue_indirect_dma source(%dma_start3A_34 : memref<10240x128xf32, #tpu.memory_space<hbm>>) target(%arg9 : memref<64x128xf32, #tpu.memory_space<vmem>>) offsets(%dma_start3A_27 : memref<64xi32, #tpu.memory_space<vmem>>) semaphore(%arg19 : memref<!tpu.dma_semaphore, #tpu.memory_space<semaphore_mem>>)
      %scan3A_35 = arith.constant 0 : i32
      %scan3A_36 = arith.constant 0 : i32
      %scan3A_37 = arith.constant 20 : i32
      %scan3A_38 = arith.addi %scan3A_36, %scan3A_37 : i32
      %scan3A_39 = arith.constant 1 : i32
      %scan3A_40 = scf.for %scan3A_78 = %scan3A_36 to %scan3A_38 step %scan3A_39 iter_args(%scan3A_79 = %scan3A_35) -> (i32)  : i32 {
        %mul3A_80 = arith.constant 2 : i32
        %mul3A_81 = arith.muli %mul3A_80, %scan3A_78 : i32
        %mul3A_82 = arith.constant 2 : i32
        %mul3A_83 = arith.muli %mul3A_82, %scan3A_78 : i32
        %add3A_84 = arith.constant 1 : i32
        %add3A_85 = arith.addi %mul3A_83, %add3A_84 : i32
        %gt3A = arith.constant 0 : i32
        %gt3A_86 = arith.cmpi sgt, %scan3A_78, %gt3A : i32
        %convert_element_type3A = arith.extui %gt3A_86 : i1 to i32
        %cond3A = arith.constant 0 : i32
        %cond3A_87 = arith.cmpi ne, %convert_element_type3A, %cond3A : i32
        scf.if %cond3A_87 {
          %sub3A = arith.constant 2 : i32
          %sub3A_137 = arith.subi %add3A_85, %sub3A : i32
          %dma_wait3A_138 = arith.constant 0 : i32
          %dma_wait3A_139 = tpu.memref_slice %arg12[%sub3A_137, %dma_wait3A_138] : memref<40x64xi32, #tpu.memory_space<vmem>> -> memref<1x64xi32, #tpu.memory_space<vmem>>
          %dma_wait3A_140 = tpu.memref_squeeze %dma_wait3A_139 : memref<1x64xi32, #tpu.memory_space<vmem>> -> memref<64xi32, #tpu.memory_space<vmem>>
          %dma_wait3A_141 = arith.constant 0 : i32
          %dma_wait3A_142 = arith.constant 0 : i32
          %dma_wait3A_143 = tpu.memref_slice %arg8[%dma_wait3A_141, %dma_wait3A_142] : memref<10240x128xf32, #tpu.memory_space<vmem_shared>> -> memref<10240x128xf32, #tpu.memory_space<vmem_shared>>
          tpu.wait_indirect_dma semaphore(%arg22 : memref<!tpu.dma_semaphore, #tpu.memory_space<semaphore_mem>>) src(%arg10 : memref<64x128xf32, #tpu.memory_space<vmem>>) dst(%dma_wait3A_143 : memref<10240x128xf32, #tpu.memory_space<vmem_shared>>)
        } else {
        }
        %dma_start3A_88 = arith.constant 0 : i32
        %dma_start3A_89 = tpu.memref_slice %arg11[%add3A_85, %dma_start3A_88] : memref<40x64xi32, #tpu.memory_space<vmem>> -> memref<1x64xi32, #tpu.memory_space<vmem>>
        %dma_start3A_90 = tpu.memref_squeeze %dma_start3A_89 : memref<1x64xi32, #tpu.memory_space<vmem>> -> memref<64xi32, #tpu.memory_space<vmem>>
        %dma_start3A_91 = arith.constant 0 : i32
        %dma_start3A_92 = arith.constant 0 : i32
        %dma_start3A_93 = tpu.memref_slice %arg2[%add3A, %dma_start3A_91, %dma_start3A_92] : memref<24x10240x128xf32, #tpu.memory_space<hbm>> -> memref<1x10240x128xf32, #tpu.memory_space<hbm>>
        %dma_start3A_94 = tpu.memref_squeeze %dma_start3A_93 : memref<1x10240x128xf32, #tpu.memory_space<hbm>> -> memref<10240x128xf32, #tpu.memory_space<hbm>>
        %dma_start3A_95 = arith.constant 0 : i32
        %dma_start3A_96 = arith.constant 0 : i32
        %dma_start3A_97 = tpu.memref_slice %dma_start3A_94[%dma_start3A_95, %dma_start3A_96] : memref<10240x128xf32, #tpu.memory_space<hbm>> -> memref<10240x128xf32, #tpu.memory_space<hbm>>
        tpu.enqueue_indirect_dma source(%dma_start3A_97 : memref<10240x128xf32, #tpu.memory_space<hbm>>) target(%arg10 : memref<64x128xf32, #tpu.memory_space<vmem>>) offsets(%dma_start3A_90 : memref<64xi32, #tpu.memory_space<vmem>>) semaphore(%arg20 : memref<!tpu.dma_semaphore, #tpu.memory_space<semaphore_mem>>)
        %dma_wait3A_98 = arith.constant 0 : i32
        %dma_wait3A_99 = tpu.memref_slice %arg11[%mul3A_81, %dma_wait3A_98] : memref<40x64xi32, #tpu.memory_space<vmem>> -> memref<1x64xi32, #tpu.memory_space<vmem>>
        %dma_wait3A_100 = tpu.memref_squeeze %dma_wait3A_99 : memref<1x64xi32, #tpu.memory_space<vmem>> -> memref<64xi32, #tpu.memory_space<vmem>>
        %dma_wait3A_101 = arith.constant 0 : i32
        %dma_wait3A_102 = arith.constant 0 : i32
        %dma_wait3A_103 = tpu.memref_slice %arg2[%add3A, %dma_wait3A_101, %dma_wait3A_102] : memref<24x10240x128xf32, #tpu.memory_space<hbm>> -> memref<1x10240x128xf32, #tpu.memory_space<hbm>>
        %dma_wait3A_104 = tpu.memref_squeeze %dma_wait3A_103 : memref<1x10240x128xf32, #tpu.memory_space<hbm>> -> memref<10240x128xf32, #tpu.memory_space<hbm>>
        %dma_wait3A_105 = arith.constant 0 : i32
        %dma_wait3A_106 = arith.constant 0 : i32
        %dma_wait3A_107 = tpu.memref_slice %dma_wait3A_104[%dma_wait3A_105, %dma_wait3A_106] : memref<10240x128xf32, #tpu.memory_space<hbm>> -> memref<10240x128xf32, #tpu.memory_space<hbm>>
        tpu.wait_indirect_dma semaphore(%arg19 : memref<!tpu.dma_semaphore, #tpu.memory_space<semaphore_mem>>) src(%dma_wait3A_107 : memref<10240x128xf32, #tpu.memory_space<hbm>>) dst(%arg9 : memref<64x128xf32, #tpu.memory_space<vmem>>)
        %dma_start3A_108 = arith.constant 0 : i32
        %dma_start3A_109 = tpu.memref_slice %arg12[%mul3A_81, %dma_start3A_108] : memref<40x64xi32, #tpu.memory_space<vmem>> -> memref<1x64xi32, #tpu.memory_space<vmem>>
        %dma_start3A_110 = tpu.memref_squeeze %dma_start3A_109 : memref<1x64xi32, #tpu.memory_space<vmem>> -> memref<64xi32, #tpu.memory_space<vmem>>
        %dma_start3A_111 = arith.constant 0 : i32
        %dma_start3A_112 = arith.constant 0 : i32
        %dma_start3A_113 = tpu.memref_slice %arg8[%dma_start3A_111, %dma_start3A_112] : memref<10240x128xf32, #tpu.memory_space<vmem_shared>> -> memref<10240x128xf32, #tpu.memory_space<vmem_shared>>
        tpu.enqueue_indirect_dma source(%arg9 : memref<64x128xf32, #tpu.memory_space<vmem>>) target(%dma_start3A_113 : memref<10240x128xf32, #tpu.memory_space<vmem_shared>>) offsets(%dma_start3A_110 : memref<64xi32, #tpu.memory_space<vmem>>) semaphore(%arg21 : memref<!tpu.dma_semaphore, #tpu.memory_space<semaphore_mem>>) {add = true}
        %add3A_114 = arith.constant 1 : i32
        %add3A_115 = arith.addi %scan3A_78, %add3A_114 : i32
        %lt3A = arith.constant 20 : i32
        %lt3A_116 = arith.cmpi slt, %add3A_115, %lt3A : i32
        %convert_element_type3A_117 = arith.extui %lt3A_116 : i1 to i32
        %cond3A_118 = arith.constant 0 : i32
        %cond3A_119 = arith.cmpi ne, %convert_element_type3A_117, %cond3A_118 : i32
        scf.if %cond3A_119 {
          %dma_wait3A_137 = arith.constant 0 : i32
          %dma_wait3A_138 = tpu.memref_slice %arg12[%mul3A_81, %dma_wait3A_137] : memref<40x64xi32, #tpu.memory_space<vmem>> -> memref<1x64xi32, #tpu.memory_space<vmem>>
          %dma_wait3A_139 = tpu.memref_squeeze %dma_wait3A_138 : memref<1x64xi32, #tpu.memory_space<vmem>> -> memref<64xi32, #tpu.memory_space<vmem>>
          %dma_wait3A_140 = arith.constant 0 : i32
          %dma_wait3A_141 = arith.constant 0 : i32
          %dma_wait3A_142 = tpu.memref_slice %arg8[%dma_wait3A_140, %dma_wait3A_141] : memref<10240x128xf32, #tpu.memory_space<vmem_shared>> -> memref<10240x128xf32, #tpu.memory_space<vmem_shared>>
          tpu.wait_indirect_dma semaphore(%arg21 : memref<!tpu.dma_semaphore, #tpu.memory_space<semaphore_mem>>) src(%arg9 : memref<64x128xf32, #tpu.memory_space<vmem>>) dst(%dma_wait3A_142 : memref<10240x128xf32, #tpu.memory_space<vmem_shared>>)
          %add3A_143 = arith.constant 2 : i32
          %add3A_144 = arith.addi %mul3A_81, %add3A_143 : i32
          %dma_start3A_145 = arith.constant 0 : i32
          %dma_start3A_146 = tpu.memref_slice %arg11[%add3A_144, %dma_start3A_145] : memref<40x64xi32, #tpu.memory_space<vmem>> -> memref<1x64xi32, #tpu.memory_space<vmem>>
          %dma_start3A_147 = tpu.memref_squeeze %dma_start3A_146 : memref<1x64xi32, #tpu.memory_space<vmem>> -> memref<64xi32, #tpu.memory_space<vmem>>
          %dma_start3A_148 = arith.constant 0 : i32
          %dma_start3A_149 = arith.constant 0 : i32
          %dma_start3A_150 = tpu.memref_slice %arg2[%add3A, %dma_start3A_148, %dma_start3A_149] : memref<24x10240x128xf32, #tpu.memory_space<hbm>> -> memref<1x10240x128xf32, #tpu.memory_space<hbm>>
          %dma_start3A_151 = tpu.memref_squeeze %dma_start3A_150 : memref<1x10240x128xf32, #tpu.memory_space<hbm>> -> memref<10240x128xf32, #tpu.memory_space<hbm>>
          %dma_start3A_152 = arith.constant 0 : i32
          %dma_start3A_153 = arith.constant 0 : i32
          %dma_start3A_154 = tpu.memref_slice %dma_start3A_151[%dma_start3A_152, %dma_start3A_153] : memref<10240x128xf32, #tpu.memory_space<hbm>> -> memref<10240x128xf32, #tpu.memory_space<hbm>>
          tpu.enqueue_indirect_dma source(%dma_start3A_154 : memref<10240x128xf32, #tpu.memory_space<hbm>>) target(%arg9 : memref<64x128xf32, #tpu.memory_space<vmem>>) offsets(%dma_start3A_147 : memref<64xi32, #tpu.memory_space<vmem>>) semaphore(%arg19 : memref<!tpu.dma_semaphore, #tpu.memory_space<semaphore_mem>>)
        } else {
        }
        %dma_wait3A_120 = arith.constant 0 : i32
        %dma_wait3A_121 = tpu.memref_slice %arg11[%add3A_85, %dma_wait3A_120] : memref<40x64xi32, #tpu.memory_space<vmem>> -> memref<1x64xi32, #tpu.memory_space<vmem>>
        %dma_wait3A_122 = tpu.memref_squeeze %dma_wait3A_121 : memref<1x64xi32, #tpu.memory_space<vmem>> -> memref<64xi32, #tpu.memory_space<vmem>>
        %dma_wait3A_123 = arith.constant 0 : i32
        %dma_wait3A_124 = arith.constant 0 : i32
        %dma_wait3A_125 = tpu.memref_slice %arg2[%add3A, %dma_wait3A_123, %dma_wait3A_124] : memref<24x10240x128xf32, #tpu.memory_space<hbm>> -> memref<1x10240x128xf32, #tpu.memory_space<hbm>>
        %dma_wait3A_126 = tpu.memref_squeeze %dma_wait3A_125 : memref<1x10240x128xf32, #tpu.memory_space<hbm>> -> memref<10240x128xf32, #tpu.memory_space<hbm>>
        %dma_wait3A_127 = arith.constant 0 : i32
        %dma_wait3A_128 = arith.constant 0 : i32
        %dma_wait3A_129 = tpu.memref_slice %dma_wait3A_126[%dma_wait3A_127, %dma_wait3A_128] : memref<10240x128xf32, #tpu.memory_space<hbm>> -> memref<10240x128xf32, #tpu.memory_space<hbm>>
        tpu.wait_indirect_dma semaphore(%arg20 : memref<!tpu.dma_semaphore, #tpu.memory_space<semaphore_mem>>) src(%dma_wait3A_129 : memref<10240x128xf32, #tpu.memory_space<hbm>>) dst(%arg10 : memref<64x128xf32, #tpu.memory_space<vmem>>)
        %dma_start3A_130 = arith.constant 0 : i32
        %dma_start3A_131 = tpu.memref_slice %arg12[%add3A_85, %dma_start3A_130] : memref<40x64xi32, #tpu.memory_space<vmem>> -> memref<1x64xi32, #tpu.memory_space<vmem>>
        %dma_start3A_132 = tpu.memref_squeeze %dma_start3A_131 : memref<1x64xi32, #tpu.memory_space<vmem>> -> memref<64xi32, #tpu.memory_space<vmem>>
        %dma_start3A_133 = arith.constant 0 : i32
        %dma_start3A_134 = arith.constant 0 : i32
        %dma_start3A_135 = tpu.memref_slice %arg8[%dma_start3A_133, %dma_start3A_134] : memref<10240x128xf32, #tpu.memory_space<vmem_shared>> -> memref<10240x128xf32, #tpu.memory_space<vmem_shared>>
        tpu.enqueue_indirect_dma source(%arg10 : memref<64x128xf32, #tpu.memory_space<vmem>>) target(%dma_start3A_135 : memref<10240x128xf32, #tpu.memory_space<vmem_shared>>) offsets(%dma_start3A_132 : memref<64xi32, #tpu.memory_space<vmem>>) semaphore(%arg22 : memref<!tpu.dma_semaphore, #tpu.memory_space<semaphore_mem>>) {add = true}
        %scan3A_136 = arith.constant 0 : i32
        scf.yield %scan3A_136 : i32
      }
      %scan3A_41 = arith.constant 20 : i32
      %dma_wait3A = arith.constant 38 : i32
      %dma_wait3A_42 = arith.constant 0 : i32
      %dma_wait3A_43 = tpu.memref_slice %arg12[%dma_wait3A, %dma_wait3A_42] : memref<40x64xi32, #tpu.memory_space<vmem>> -> memref<1x64xi32, #tpu.memory_space<vmem>>
      %dma_wait3A_44 = tpu.memref_squeeze %dma_wait3A_43 : memref<1x64xi32, #tpu.memory_space<vmem>> -> memref<64xi32, #tpu.memory_space<vmem>>
      %dma_wait3A_45 = arith.constant 0 : i32
      %dma_wait3A_46 = arith.constant 0 : i32
      %dma_wait3A_47 = tpu.memref_slice %arg8[%dma_wait3A_45, %dma_wait3A_46] : memref<10240x128xf32, #tpu.memory_space<vmem_shared>> -> memref<10240x128xf32, #tpu.memory_space<vmem_shared>>
      tpu.wait_indirect_dma semaphore(%arg21 : memref<!tpu.dma_semaphore, #tpu.memory_space<semaphore_mem>>) src(%arg9 : memref<64x128xf32, #tpu.memory_space<vmem>>) dst(%dma_wait3A_47 : memref<10240x128xf32, #tpu.memory_space<vmem_shared>>)
      %dma_wait3A_48 = arith.constant 39 : i32
      %dma_wait3A_49 = arith.constant 0 : i32
      %dma_wait3A_50 = tpu.memref_slice %arg12[%dma_wait3A_48, %dma_wait3A_49] : memref<40x64xi32, #tpu.memory_space<vmem>> -> memref<1x64xi32, #tpu.memory_space<vmem>>
      %dma_wait3A_51 = tpu.memref_squeeze %dma_wait3A_50 : memref<1x64xi32, #tpu.memory_space<vmem>> -> memref<64xi32, #tpu.memory_space<vmem>>
      %dma_wait3A_52 = arith.constant 0 : i32
      %dma_wait3A_53 = arith.constant 0 : i32
      %dma_wait3A_54 = tpu.memref_slice %arg8[%dma_wait3A_52, %dma_wait3A_53] : memref<10240x128xf32, #tpu.memory_space<vmem_shared>> -> memref<10240x128xf32, #tpu.memory_space<vmem_shared>>
      tpu.wait_indirect_dma semaphore(%arg22 : memref<!tpu.dma_semaphore, #tpu.memory_space<semaphore_mem>>) src(%arg10 : memref<64x128xf32, #tpu.memory_space<vmem>>) dst(%dma_wait3A_54 : memref<10240x128xf32, #tpu.memory_space<vmem_shared>>)
      %barrier3A_55 = arith.constant 0 : index
      tpu.barrier barrier_id(%barrier3A_55)
      %mul3A_56 = arith.constant 640 : i32
      %mul3A_57 = arith.muli %arg1, %mul3A_56 : i32
      %add3A_58 = arith.constant 0 : i32
      %add3A_59 = arith.addi %mul3A_57, %add3A_58 : i32
      %dma_start3A_60 = arith.constant 0 : i32
      %dma_start3A_61 = tpu.memref_slice %arg8[%add3A_59, %dma_start3A_60] : memref<10240x128xf32, #tpu.memory_space<vmem_shared>> -> memref<32x128xf32, #tpu.memory_space<vmem_shared>>
      %dma_start3A_62 = arith.constant 0 : i32
      %dma_start3A_63 = tpu.memref_slice %arg8[%add3A_59, %dma_start3A_62] : memref<10240x128xf32, #tpu.memory_space<vmem_shared>> -> memref<32x128xf32, #tpu.memory_space<vmem_shared>>
      tpu.enqueue_dma source(%dma_start3A_63 : memref<32x128xf32, #tpu.memory_space<vmem_shared>>) target(%arg14 : memref<32x128xf32, #tpu.memory_space<vmem>>) target_semaphore(%arg21 : memref<!tpu.dma_semaphore, #tpu.memory_space<semaphore_mem>>)
      %dma_start3A_64 = arith.constant 0 : i32
      %dma_start3A_65 = tpu.memref_slice %arg3[%add3A, %add3A_59, %dma_start3A_64] : memref<24x10240x128xf32, #tpu.memory_space<hbm>> -> memref<1x32x128xf32, #tpu.memory_space<hbm>>
      %dma_start3A_66 = tpu.memref_squeeze %dma_start3A_65 : memref<1x32x128xf32, #tpu.memory_space<hbm>> -> memref<32x128xf32, #tpu.memory_space<hbm>>
      %dma_start3A_67 = arith.constant 0 : i32
      %dma_start3A_68 = tpu.memref_slice %arg3[%add3A, %add3A_59, %dma_start3A_67] : memref<24x10240x128xf32, #tpu.memory_space<hbm>> -> memref<1x32x128xf32, #tpu.memory_space<hbm>>
      %dma_start3A_69 = tpu.memref_squeeze %dma_start3A_68 : memref<1x32x128xf32, #tpu.memory_space<hbm>> -> memref<32x128xf32, #tpu.memory_space<hbm>>
      tpu.enqueue_dma source(%dma_start3A_69 : memref<32x128xf32, #tpu.memory_space<hbm>>) target(%arg15 : memref<32x128xf32, #tpu.memory_space<vmem>>) target_semaphore(%arg19 : memref<!tpu.dma_semaphore, #tpu.memory_space<semaphore_mem>>)
      %scan3A_70 = arith.constant 0 : i32
      %scan3A_71 = arith.constant 0 : i32
      %scan3A_72 = arith.constant 10 : i32
      %scan3A_73 = arith.addi %scan3A_71, %scan3A_72 : i32
      %scan3A_74 = arith.constant 1 : i32
      %scan3A_75 = scf.for %scan3A_78 = %scan3A_71 to %scan3A_73 step %scan3A_74 iter_args(%scan3A_79 = %scan3A_70) -> (i32)  : i32 {
        %mul3A_80 = arith.constant 2 : i32
        %mul3A_81 = arith.muli %mul3A_80, %scan3A_78 : i32
        %mul3A_82 = arith.constant 2 : i32
        %mul3A_83 = arith.muli %mul3A_82, %scan3A_78 : i32
        %add3A_84 = arith.constant 1 : i32
        %add3A_85 = arith.addi %mul3A_83, %add3A_84 : i32
        %mul3A_86 = arith.constant 640 : i32
        %mul3A_87 = arith.muli %arg1, %mul3A_86 : i32
        %mul3A_88 = arith.constant 32 : i32
        %mul3A_89 = arith.muli %add3A_85, %mul3A_88 : i32
        %add3A_90 = arith.addi %mul3A_87, %mul3A_89 : i32
        %dma_start3A_91 = arith.constant 0 : i32
        %dma_start3A_92 = tpu.memref_slice %arg8[%add3A_90, %dma_start3A_91] : memref<10240x128xf32, #tpu.memory_space<vmem_shared>> -> memref<32x128xf32, #tpu.memory_space<vmem_shared>>
        %dma_start3A_93 = arith.constant 0 : i32
        %dma_start3A_94 = tpu.memref_slice %arg8[%add3A_90, %dma_start3A_93] : memref<10240x128xf32, #tpu.memory_space<vmem_shared>> -> memref<32x128xf32, #tpu.memory_space<vmem_shared>>
        tpu.enqueue_dma source(%dma_start3A_94 : memref<32x128xf32, #tpu.memory_space<vmem_shared>>) target(%arg16 : memref<32x128xf32, #tpu.memory_space<vmem>>) target_semaphore(%arg22 : memref<!tpu.dma_semaphore, #tpu.memory_space<semaphore_mem>>)
        %dma_start3A_95 = arith.constant 0 : i32
        %dma_start3A_96 = tpu.memref_slice %arg3[%add3A, %add3A_90, %dma_start3A_95] : memref<24x10240x128xf32, #tpu.memory_space<hbm>> -> memref<1x32x128xf32, #tpu.memory_space<hbm>>
        %dma_start3A_97 = tpu.memref_squeeze %dma_start3A_96 : memref<1x32x128xf32, #tpu.memory_space<hbm>> -> memref<32x128xf32, #tpu.memory_space<hbm>>
        %dma_start3A_98 = arith.constant 0 : i32
        %dma_start3A_99 = tpu.memref_slice %arg3[%add3A, %add3A_90, %dma_start3A_98] : memref<24x10240x128xf32, #tpu.memory_space<hbm>> -> memref<1x32x128xf32, #tpu.memory_space<hbm>>
        %dma_start3A_100 = tpu.memref_squeeze %dma_start3A_99 : memref<1x32x128xf32, #tpu.memory_space<hbm>> -> memref<32x128xf32, #tpu.memory_space<hbm>>
        tpu.enqueue_dma source(%dma_start3A_100 : memref<32x128xf32, #tpu.memory_space<hbm>>) target(%arg17 : memref<32x128xf32, #tpu.memory_space<vmem>>) target_semaphore(%arg20 : memref<!tpu.dma_semaphore, #tpu.memory_space<semaphore_mem>>)
        %mul3A_101 = arith.constant 640 : i32
        %mul3A_102 = arith.muli %arg1, %mul3A_101 : i32
        %mul3A_103 = arith.constant 32 : i32
        %mul3A_104 = arith.muli %mul3A_81, %mul3A_103 : i32
        %add3A_105 = arith.addi %mul3A_102, %mul3A_104 : i32
        %dma_wait3A_106 = arith.constant 0 : i32
        %dma_wait3A_107 = tpu.memref_slice %arg8[%add3A_105, %dma_wait3A_106] : memref<10240x128xf32, #tpu.memory_space<vmem_shared>> -> memref<32x128xf32, #tpu.memory_space<vmem_shared>>
        %dma_wait3A_108 = arith.constant 0 : i32
        %dma_wait3A_109 = tpu.memref_slice %arg8[%add3A_105, %dma_wait3A_108] : memref<10240x128xf32, #tpu.memory_space<vmem_shared>> -> memref<32x128xf32, #tpu.memory_space<vmem_shared>>
        tpu.wait_dma2 semaphore(%arg21 : memref<!tpu.dma_semaphore, #tpu.memory_space<semaphore_mem>>) src(%dma_wait3A_109 : memref<32x128xf32, #tpu.memory_space<vmem_shared>>) dst(%arg14 : memref<32x128xf32, #tpu.memory_space<vmem>>)
        %dma_wait3A_110 = arith.constant 0 : i32
        %dma_wait3A_111 = tpu.memref_slice %arg3[%add3A, %add3A_105, %dma_wait3A_110] : memref<24x10240x128xf32, #tpu.memory_space<hbm>> -> memref<1x32x128xf32, #tpu.memory_space<hbm>>
        %dma_wait3A_112 = tpu.memref_squeeze %dma_wait3A_111 : memref<1x32x128xf32, #tpu.memory_space<hbm>> -> memref<32x128xf32, #tpu.memory_space<hbm>>
        %dma_wait3A_113 = arith.constant 0 : i32
        %dma_wait3A_114 = tpu.memref_slice %arg3[%add3A, %add3A_105, %dma_wait3A_113] : memref<24x10240x128xf32, #tpu.memory_space<hbm>> -> memref<1x32x128xf32, #tpu.memory_space<hbm>>
        %dma_wait3A_115 = tpu.memref_squeeze %dma_wait3A_114 : memref<1x32x128xf32, #tpu.memory_space<hbm>> -> memref<32x128xf32, #tpu.memory_space<hbm>>
        tpu.wait_dma2 semaphore(%arg19 : memref<!tpu.dma_semaphore, #tpu.memory_space<semaphore_mem>>) src(%dma_wait3A_115 : memref<32x128xf32, #tpu.memory_space<hbm>>) dst(%arg15 : memref<32x128xf32, #tpu.memory_space<vmem>>)
        %mul3A_116 = arith.constant 640 : i32
        %mul3A_117 = arith.muli %arg1, %mul3A_116 : i32
        %mul3A_118 = arith.constant 32 : i32
        %mul3A_119 = arith.muli %mul3A_81, %mul3A_118 : i32
        %add3A_120 = arith.addi %mul3A_117, %mul3A_119 : i32
        %scan3A_121 = arith.constant 0 : i32
        %scan3A_122 = arith.constant 0 : i32
        %scan3A_123 = arith.constant 32 : i32
        %scan3A_124 = arith.addi %scan3A_122, %scan3A_123 : i32
        %scan3A_125 = arith.constant 1 : i32
        %scan3A_126 = scf.for %scan3A_160 = %scan3A_122 to %scan3A_124 step %scan3A_125 iter_args(%scan3A_161 = %scan3A_121) -> (i32)  : i32 {
          %mul3A_162 = arith.constant 32 : i32
          %mul3A_163 = arith.muli %mul3A_81, %mul3A_162 : i32
          %add3A_164 = arith.addi %mul3A_163, %scan3A_160 : i32
          %broadcast_in_dim3A = vector.broadcast %add3A_164 : i32 to vector<16xi32>
          %gather3A = tpu.vector_load_idx %arg13[%broadcast_in_dim3A] : memref<640xf32, #tpu.memory_space<vmem>>[vector<16xi32>], vector<16xf32>,
          %get3A = arith.index_cast %scan3A_160 : i32 to index
          %get3A_165 = arith.constant 0 : index
          %get3A_166 = tpu.vector_load %arg14[%get3A, %get3A_165] {strides = array<i32>} : memref<32x128xf32, #tpu.memory_space<vmem>>, vector<16xf32>,
          %mul3A_167 = arith.mulf %get3A_166, %gather3A : vector<16xf32>
          %get3A_168 = arith.index_cast %scan3A_160 : i32 to index
          %get3A_169 = arith.constant 0 : index
          %get3A_170 = tpu.vector_load %arg15[%get3A_168, %get3A_169] {strides = array<i32>} : memref<32x128xf32, #tpu.memory_space<vmem>>, vector<16xf32>,
          %add3A_171 = arith.addf %mul3A_167, %get3A_170 : vector<16xf32>
          %swap3A = arith.index_cast %scan3A_160 : i32 to index
          %swap3A_172 = arith.constant 0 : index
          %swap3A_173 = tpu.vector_load %arg14[%swap3A, %swap3A_172] {strides = array<i32>} : memref<32x128xf32, #tpu.memory_space<vmem>>, vector<16xf32>,
          tpu.vector_store %arg14[%swap3A, %swap3A_172], %add3A_171 {strides = array<i32>} : memref<32x128xf32, #tpu.memory_space<vmem>>, vector<16xf32>,
          %get3A_174 = arith.index_cast %scan3A_160 : i32 to index
          %get3A_175 = arith.constant 16 : index
          %get3A_176 = tpu.vector_load %arg14[%get3A_174, %get3A_175] {strides = array<i32>} : memref<32x128xf32, #tpu.memory_space<vmem>>, vector<16xf32>,
          %mul3A_177 = arith.mulf %get3A_176, %gather3A : vector<16xf32>
          %get3A_178 = arith.index_cast %scan3A_160 : i32 to index
          %get3A_179 = arith.constant 16 : index
          %get3A_180 = tpu.vector_load %arg15[%get3A_178, %get3A_179] {strides = array<i32>} : memref<32x128xf32, #tpu.memory_space<vmem>>, vector<16xf32>,
          %add3A_181 = arith.addf %mul3A_177, %get3A_180 : vector<16xf32>
          %swap3A_182 = arith.index_cast %scan3A_160 : i32 to index
          %swap3A_183 = arith.constant 16 : index
          %swap3A_184 = tpu.vector_load %arg14[%swap3A_182, %swap3A_183] {strides = array<i32>} : memref<32x128xf32, #tpu.memory_space<vmem>>, vector<16xf32>,
          tpu.vector_store %arg14[%swap3A_182, %swap3A_183], %add3A_181 {strides = array<i32>} : memref<32x128xf32, #tpu.memory_space<vmem>>, vector<16xf32>,
          %get3A_185 = arith.index_cast %scan3A_160 : i32 to index
          %get3A_186 = arith.constant 32 : index
          %get3A_187 = tpu.vector_load %arg14[%get3A_185, %get3A_186] {strides = array<i32>} : memref<32x128xf32, #tpu.memory_space<vmem>>, vector<16xf32>,
          %mul3A_188 = arith.mulf %get3A_187, %gather3A : vector<16xf32>
          %get3A_189 = arith.index_cast %scan3A_160 : i32 to index
          %get3A_190 = arith.constant 32 : index
          %get3A_191 = tpu.vector_load %arg15[%get3A_189, %get3A_190] {strides = array<i32>} : memref<32x128xf32, #tpu.memory_space<vmem>>, vector<16xf32>,
          %add3A_192 = arith.addf %mul3A_188, %get3A_191 : vector<16xf32>
          %swap3A_193 = arith.index_cast %scan3A_160 : i32 to index
          %swap3A_194 = arith.constant 32 : index
          %swap3A_195 = tpu.vector_load %arg14[%swap3A_193, %swap3A_194] {strides = array<i32>} : memref<32x128xf32, #tpu.memory_space<vmem>>, vector<16xf32>,
          tpu.vector_store %arg14[%swap3A_193, %swap3A_194], %add3A_192 {strides = array<i32>} : memref<32x128xf32, #tpu.memory_space<vmem>>, vector<16xf32>,
          %get3A_196 = arith.index_cast %scan3A_160 : i32 to index
          %get3A_197 = arith.constant 48 : index
          %get3A_198 = tpu.vector_load %arg14[%get3A_196, %get3A_197] {strides = array<i32>} : memref<32x128xf32, #tpu.memory_space<vmem>>, vector<16xf32>,
          %mul3A_199 = arith.mulf %get3A_198, %gather3A : vector<16xf32>
          %get3A_200 = arith.index_cast %scan3A_160 : i32 to index
          %get3A_201 = arith.constant 48 : index
          %get3A_202 = tpu.vector_load %arg15[%get3A_200, %get3A_201] {strides = array<i32>} : memref<32x128xf32, #tpu.memory_space<vmem>>, vector<16xf32>,
          %add3A_203 = arith.addf %mul3A_199, %get3A_202 : vector<16xf32>
          %swap3A_204 = arith.index_cast %scan3A_160 : i32 to index
          %swap3A_205 = arith.constant 48 : index
          %swap3A_206 = tpu.vector_load %arg14[%swap3A_204, %swap3A_205] {strides = array<i32>} : memref<32x128xf32, #tpu.memory_space<vmem>>, vector<16xf32>,
          tpu.vector_store %arg14[%swap3A_204, %swap3A_205], %add3A_203 {strides = array<i32>} : memref<32x128xf32, #tpu.memory_space<vmem>>, vector<16xf32>,
          %get3A_207 = arith.index_cast %scan3A_160 : i32 to index
          %get3A_208 = arith.constant 64 : index
          %get3A_209 = tpu.vector_load %arg14[%get3A_207, %get3A_208] {strides = array<i32>} : memref<32x128xf32, #tpu.memory_space<vmem>>, vector<16xf32>,
          %mul3A_210 = arith.mulf %get3A_209, %gather3A : vector<16xf32>
          %get3A_211 = arith.index_cast %scan3A_160 : i32 to index
          %get3A_212 = arith.constant 64 : index
          %get3A_213 = tpu.vector_load %arg15[%get3A_211, %get3A_212] {strides = array<i32>} : memref<32x128xf32, #tpu.memory_space<vmem>>, vector<16xf32>,
          %add3A_214 = arith.addf %mul3A_210, %get3A_213 : vector<16xf32>
          %swap3A_215 = arith.index_cast %scan3A_160 : i32 to index
          %swap3A_216 = arith.constant 64 : index
          %swap3A_217 = tpu.vector_load %arg14[%swap3A_215, %swap3A_216] {strides = array<i32>} : memref<32x128xf32, #tpu.memory_space<vmem>>, vector<16xf32>,
          tpu.vector_store %arg14[%swap3A_215, %swap3A_216], %add3A_214 {strides = array<i32>} : memref<32x128xf32, #tpu.memory_space<vmem>>, vector<16xf32>,
          %get3A_218 = arith.index_cast %scan3A_160 : i32 to index
          %get3A_219 = arith.constant 80 : index
          %get3A_220 = tpu.vector_load %arg14[%get3A_218, %get3A_219] {strides = array<i32>} : memref<32x128xf32, #tpu.memory_space<vmem>>, vector<16xf32>,
          %mul3A_221 = arith.mulf %get3A_220, %gather3A : vector<16xf32>
          %get3A_222 = arith.index_cast %scan3A_160 : i32 to index
          %get3A_223 = arith.constant 80 : index
          %get3A_224 = tpu.vector_load %arg15[%get3A_222, %get3A_223] {strides = array<i32>} : memref<32x128xf32, #tpu.memory_space<vmem>>, vector<16xf32>,
          %add3A_225 = arith.addf %mul3A_221, %get3A_224 : vector<16xf32>
          %swap3A_226 = arith.index_cast %scan3A_160 : i32 to index
          %swap3A_227 = arith.constant 80 : index
          %swap3A_228 = tpu.vector_load %arg14[%swap3A_226, %swap3A_227] {strides = array<i32>} : memref<32x128xf32, #tpu.memory_space<vmem>>, vector<16xf32>,
          tpu.vector_store %arg14[%swap3A_226, %swap3A_227], %add3A_225 {strides = array<i32>} : memref<32x128xf32, #tpu.memory_space<vmem>>, vector<16xf32>,
          %get3A_229 = arith.index_cast %scan3A_160 : i32 to index
          %get3A_230 = arith.constant 96 : index
          %get3A_231 = tpu.vector_load %arg14[%get3A_229, %get3A_230] {strides = array<i32>} : memref<32x128xf32, #tpu.memory_space<vmem>>, vector<16xf32>,
          %mul3A_232 = arith.mulf %get3A_231, %gather3A : vector<16xf32>
          %get3A_233 = arith.index_cast %scan3A_160 : i32 to index
          %get3A_234 = arith.constant 96 : index
          %get3A_235 = tpu.vector_load %arg15[%get3A_233, %get3A_234] {strides = array<i32>} : memref<32x128xf32, #tpu.memory_space<vmem>>, vector<16xf32>,
          %add3A_236 = arith.addf %mul3A_232, %get3A_235 : vector<16xf32>
          %swap3A_237 = arith.index_cast %scan3A_160 : i32 to index
          %swap3A_238 = arith.constant 96 : index
          %swap3A_239 = tpu.vector_load %arg14[%swap3A_237, %swap3A_238] {strides = array<i32>} : memref<32x128xf32, #tpu.memory_space<vmem>>, vector<16xf32>,
          tpu.vector_store %arg14[%swap3A_237, %swap3A_238], %add3A_236 {strides = array<i32>} : memref<32x128xf32, #tpu.memory_space<vmem>>, vector<16xf32>,
          %get3A_240 = arith.index_cast %scan3A_160 : i32 to index
          %get3A_241 = arith.constant 112 : index
          %get3A_242 = tpu.vector_load %arg14[%get3A_240, %get3A_241] {strides = array<i32>} : memref<32x128xf32, #tpu.memory_space<vmem>>, vector<16xf32>,
          %mul3A_243 = arith.mulf %get3A_242, %gather3A : vector<16xf32>
          %get3A_244 = arith.index_cast %scan3A_160 : i32 to index
          %get3A_245 = arith.constant 112 : index
          %get3A_246 = tpu.vector_load %arg15[%get3A_244, %get3A_245] {strides = array<i32>} : memref<32x128xf32, #tpu.memory_space<vmem>>, vector<16xf32>,
          %add3A_247 = arith.addf %mul3A_243, %get3A_246 : vector<16xf32>
          %swap3A_248 = arith.index_cast %scan3A_160 : i32 to index
          %swap3A_249 = arith.constant 112 : index
          %swap3A_250 = tpu.vector_load %arg14[%swap3A_248, %swap3A_249] {strides = array<i32>} : memref<32x128xf32, #tpu.memory_space<vmem>>, vector<16xf32>,
          tpu.vector_store %arg14[%swap3A_248, %swap3A_249], %add3A_247 {strides = array<i32>} : memref<32x128xf32, #tpu.memory_space<vmem>>, vector<16xf32>,
          %scan3A_251 = arith.constant 0 : i32
          scf.yield %scan3A_251 : i32
        }
        %scan3A_127 = arith.constant 32 : i32
        "tpu.region"() ({
          %run_scoped3A = tpu.sem_alloc : memref<!tpu.dma_semaphore, #tpu.memory_space<semaphore_mem>>
          %dma_start3A_160 = arith.constant 0 : i32
          %dma_start3A_161 = tpu.memref_slice %arg7[%add3A, %add3A_120, %dma_start3A_160] : memref<24x10240x128xf32, #tpu.memory_space<hbm>> -> memref<1x32x128xf32, #tpu.memory_space<hbm>>
          %dma_start3A_162 = tpu.memref_squeeze %dma_start3A_161 : memref<1x32x128xf32, #tpu.memory_space<hbm>> -> memref<32x128xf32, #tpu.memory_space<hbm>>
          %dma_start3A_163 = arith.constant 0 : i32
          %dma_start3A_164 = tpu.memref_slice %arg7[%add3A, %add3A_120, %dma_start3A_163] : memref<24x10240x128xf32, #tpu.memory_space<hbm>> -> memref<1x32x128xf32, #tpu.memory_space<hbm>>
          %dma_start3A_165 = tpu.memref_squeeze %dma_start3A_164 : memref<1x32x128xf32, #tpu.memory_space<hbm>> -> memref<32x128xf32, #tpu.memory_space<hbm>>
          tpu.enqueue_dma source(%arg14 : memref<32x128xf32, #tpu.memory_space<vmem>>) target(%dma_start3A_165 : memref<32x128xf32, #tpu.memory_space<hbm>>) target_semaphore(%run_scoped3A : memref<!tpu.dma_semaphore, #tpu.memory_space<semaphore_mem>>)
          %dma_wait3A_166 = arith.constant 0 : i32
          %dma_wait3A_167 = tpu.memref_slice %arg7[%add3A, %add3A_120, %dma_wait3A_166] : memref<24x10240x128xf32, #tpu.memory_space<hbm>> -> memref<1x32x128xf32, #tpu.memory_space<hbm>>
          %dma_wait3A_168 = tpu.memref_squeeze %dma_wait3A_167 : memref<1x32x128xf32, #tpu.memory_space<hbm>> -> memref<32x128xf32, #tpu.memory_space<hbm>>
          %dma_wait3A_169 = arith.constant 0 : i32
          %dma_wait3A_170 = tpu.memref_slice %arg7[%add3A, %add3A_120, %dma_wait3A_169] : memref<24x10240x128xf32, #tpu.memory_space<hbm>> -> memref<1x32x128xf32, #tpu.memory_space<hbm>>
          %dma_wait3A_171 = tpu.memref_squeeze %dma_wait3A_170 : memref<1x32x128xf32, #tpu.memory_space<hbm>> -> memref<32x128xf32, #tpu.memory_space<hbm>>
          tpu.wait_dma2 semaphore(%run_scoped3A : memref<!tpu.dma_semaphore, #tpu.memory_space<semaphore_mem>>) src(%arg14 : memref<32x128xf32, #tpu.memory_space<vmem>>) dst(%dma_wait3A_171 : memref<32x128xf32, #tpu.memory_space<hbm>>)
          tpu.yield
        }) : () -> ()
        "tpu.region"() ({
          %run_scoped3A = tpu.sem_alloc : memref<!tpu.dma_semaphore, #tpu.memory_space<semaphore_mem>>
          %dma_start3A_160 = arith.constant 0 : i32
          %dma_start3A_161 = tpu.memref_slice %arg8[%add3A_120, %dma_start3A_160] : memref<10240x128xf32, #tpu.memory_space<vmem_shared>> -> memref<32x128xf32, #tpu.memory_space<vmem_shared>>
          %dma_start3A_162 = arith.constant 0 : i32
          %dma_start3A_163 = tpu.memref_slice %arg8[%add3A_120, %dma_start3A_162] : memref<10240x128xf32, #tpu.memory_space<vmem_shared>> -> memref<32x128xf32, #tpu.memory_space<vmem_shared>>
          tpu.enqueue_dma source(%arg18 : memref<32x128xf32, #tpu.memory_space<vmem>>) target(%dma_start3A_163 : memref<32x128xf32, #tpu.memory_space<vmem_shared>>) target_semaphore(%run_scoped3A : memref<!tpu.dma_semaphore, #tpu.memory_space<semaphore_mem>>)
          %dma_wait3A_164 = arith.constant 0 : i32
          %dma_wait3A_165 = tpu.memref_slice %arg8[%add3A_120, %dma_wait3A_164] : memref<10240x128xf32, #tpu.memory_space<vmem_shared>> -> memref<32x128xf32, #tpu.memory_space<vmem_shared>>
          %dma_wait3A_166 = arith.constant 0 : i32
          %dma_wait3A_167 = tpu.memref_slice %arg8[%add3A_120, %dma_wait3A_166] : memref<10240x128xf32, #tpu.memory_space<vmem_shared>> -> memref<32x128xf32, #tpu.memory_space<vmem_shared>>
          tpu.wait_dma2 semaphore(%run_scoped3A : memref<!tpu.dma_semaphore, #tpu.memory_space<semaphore_mem>>) src(%arg18 : memref<32x128xf32, #tpu.memory_space<vmem>>) dst(%dma_wait3A_167 : memref<32x128xf32, #tpu.memory_space<vmem_shared>>)
          tpu.yield
        }) : () -> ()
        %add3A_128 = arith.constant 1 : i32
        %add3A_129 = arith.addi %scan3A_78, %add3A_128 : i32
        %lt3A = arith.constant 10 : i32
        %lt3A_130 = arith.cmpi slt, %add3A_129, %lt3A : i32
        %convert_element_type3A = arith.extui %lt3A_130 : i1 to i32
        %cond3A = arith.constant 0 : i32
        %cond3A_131 = arith.cmpi ne, %convert_element_type3A, %cond3A : i32
        scf.if %cond3A_131 {
          %add3A_160 = arith.constant 2 : i32
          %add3A_161 = arith.addi %mul3A_81, %add3A_160 : i32
          %mul3A_162 = arith.constant 640 : i32
          %mul3A_163 = arith.muli %arg1, %mul3A_162 : i32
          %mul3A_164 = arith.constant 32 : i32
          %mul3A_165 = arith.muli %add3A_161, %mul3A_164 : i32
          %add3A_166 = arith.addi %mul3A_163, %mul3A_165 : i32
          %dma_start3A_167 = arith.constant 0 : i32
          %dma_start3A_168 = tpu.memref_slice %arg8[%add3A_166, %dma_start3A_167] : memref<10240x128xf32, #tpu.memory_space<vmem_shared>> -> memref<32x128xf32, #tpu.memory_space<vmem_shared>>
          %dma_start3A_169 = arith.constant 0 : i32
          %dma_start3A_170 = tpu.memref_slice %arg8[%add3A_166, %dma_start3A_169] : memref<10240x128xf32, #tpu.memory_space<vmem_shared>> -> memref<32x128xf32, #tpu.memory_space<vmem_shared>>
          tpu.enqueue_dma source(%dma_start3A_170 : memref<32x128xf32, #tpu.memory_space<vmem_shared>>) target(%arg14 : memref<32x128xf32, #tpu.memory_space<vmem>>) target_semaphore(%arg21 : memref<!tpu.dma_semaphore, #tpu.memory_space<semaphore_mem>>)
          %dma_start3A_171 = arith.constant 0 : i32
          %dma_start3A_172 = tpu.memref_slice %arg3[%add3A, %add3A_166, %dma_start3A_171] : memref<24x10240x128xf32, #tpu.memory_space<hbm>> -> memref<1x32x128xf32, #tpu.memory_space<hbm>>
          %dma_start3A_173 = tpu.memref_squeeze %dma_start3A_172 : memref<1x32x128xf32, #tpu.memory_space<hbm>> -> memref<32x128xf32, #tpu.memory_space<hbm>>
          %dma_start3A_174 = arith.constant 0 : i32
          %dma_start3A_175 = tpu.memref_slice %arg3[%add3A, %add3A_166, %dma_start3A_174] : memref<24x10240x128xf32, #tpu.memory_space<hbm>> -> memref<1x32x128xf32, #tpu.memory_space<hbm>>
          %dma_start3A_176 = tpu.memref_squeeze %dma_start3A_175 : memref<1x32x128xf32, #tpu.memory_space<hbm>> -> memref<32x128xf32, #tpu.memory_space<hbm>>
          tpu.enqueue_dma source(%dma_start3A_176 : memref<32x128xf32, #tpu.memory_space<hbm>>) target(%arg15 : memref<32x128xf32, #tpu.memory_space<vmem>>) target_semaphore(%arg19 : memref<!tpu.dma_semaphore, #tpu.memory_space<semaphore_mem>>)
        } else {
        }
        %mul3A_132 = arith.constant 640 : i32
        %mul3A_133 = arith.muli %arg1, %mul3A_132 : i32
        %mul3A_134 = arith.constant 32 : i32
        %mul3A_135 = arith.muli %add3A_85, %mul3A_134 : i32
        %add3A_136 = arith.addi %mul3A_133, %mul3A_135 : i32
        %dma_wait3A_137 = arith.constant 0 : i32
        %dma_wait3A_138 = tpu.memref_slice %arg8[%add3A_136, %dma_wait3A_137] : memref<10240x128xf32, #tpu.memory_space<vmem_shared>> -> memref<32x128xf32, #tpu.memory_space<vmem_shared>>
        %dma_wait3A_139 = arith.constant 0 : i32
        %dma_wait3A_140 = tpu.memref_slice %arg8[%add3A_136, %dma_wait3A_139] : memref<10240x128xf32, #tpu.memory_space<vmem_shared>> -> memref<32x128xf32, #tpu.memory_space<vmem_shared>>
        tpu.wait_dma2 semaphore(%arg22 : memref<!tpu.dma_semaphore, #tpu.memory_space<semaphore_mem>>) src(%dma_wait3A_140 : memref<32x128xf32, #tpu.memory_space<vmem_shared>>) dst(%arg16 : memref<32x128xf32, #tpu.memory_space<vmem>>)
        %dma_wait3A_141 = arith.constant 0 : i32
        %dma_wait3A_142 = tpu.memref_slice %arg3[%add3A, %add3A_136, %dma_wait3A_141] : memref<24x10240x128xf32, #tpu.memory_space<hbm>> -> memref<1x32x128xf32, #tpu.memory_space<hbm>>
        %dma_wait3A_143 = tpu.memref_squeeze %dma_wait3A_142 : memref<1x32x128xf32, #tpu.memory_space<hbm>> -> memref<32x128xf32, #tpu.memory_space<hbm>>
        %dma_wait3A_144 = arith.constant 0 : i32
        %dma_wait3A_145 = tpu.memref_slice %arg3[%add3A, %add3A_136, %dma_wait3A_144] : memref<24x10240x128xf32, #tpu.memory_space<hbm>> -> memref<1x32x128xf32, #tpu.memory_space<hbm>>
        %dma_wait3A_146 = tpu.memref_squeeze %dma_wait3A_145 : memref<1x32x128xf32, #tpu.memory_space<hbm>> -> memref<32x128xf32, #tpu.memory_space<hbm>>
        tpu.wait_dma2 semaphore(%arg20 : memref<!tpu.dma_semaphore, #tpu.memory_space<semaphore_mem>>) src(%dma_wait3A_146 : memref<32x128xf32, #tpu.memory_space<hbm>>) dst(%arg17 : memref<32x128xf32, #tpu.memory_space<vmem>>)
        %mul3A_147 = arith.constant 640 : i32
        %mul3A_148 = arith.muli %arg1, %mul3A_147 : i32
        %mul3A_149 = arith.constant 32 : i32
        %mul3A_150 = arith.muli %add3A_85, %mul3A_149 : i32
        %add3A_151 = arith.addi %mul3A_148, %mul3A_150 : i32
        %scan3A_152 = arith.constant 0 : i32
        %scan3A_153 = arith.constant 0 : i32
        %scan3A_154 = arith.constant 32 : i32
        %scan3A_155 = arith.addi %scan3A_153, %scan3A_154 : i32
        %scan3A_156 = arith.constant 1 : i32
        %scan3A_157 = scf.for %scan3A_160 = %scan3A_153 to %scan3A_155 step %scan3A_156 iter_args(%scan3A_161 = %scan3A_152) -> (i32)  : i32 {
          %mul3A_162 = arith.constant 32 : i32
          %mul3A_163 = arith.muli %add3A_85, %mul3A_162 : i32
          %add3A_164 = arith.addi %mul3A_163, %scan3A_160 : i32
          %broadcast_in_dim3A = vector.broadcast %add3A_164 : i32 to vector<16xi32>
          %gather3A = tpu.vector_load_idx %arg13[%broadcast_in_dim3A] : memref<640xf32, #tpu.memory_space<vmem>>[vector<16xi32>], vector<16xf32>,
          %get3A = arith.index_cast %scan3A_160 : i32 to index
          %get3A_165 = arith.constant 0 : index
          %get3A_166 = tpu.vector_load %arg16[%get3A, %get3A_165] {strides = array<i32>} : memref<32x128xf32, #tpu.memory_space<vmem>>, vector<16xf32>,
          %mul3A_167 = arith.mulf %get3A_166, %gather3A : vector<16xf32>
          %get3A_168 = arith.index_cast %scan3A_160 : i32 to index
          %get3A_169 = arith.constant 0 : index
          %get3A_170 = tpu.vector_load %arg17[%get3A_168, %get3A_169] {strides = array<i32>} : memref<32x128xf32, #tpu.memory_space<vmem>>, vector<16xf32>,
          %add3A_171 = arith.addf %mul3A_167, %get3A_170 : vector<16xf32>
          %swap3A = arith.index_cast %scan3A_160 : i32 to index
          %swap3A_172 = arith.constant 0 : index
          %swap3A_173 = tpu.vector_load %arg16[%swap3A, %swap3A_172] {strides = array<i32>} : memref<32x128xf32, #tpu.memory_space<vmem>>, vector<16xf32>,
          tpu.vector_store %arg16[%swap3A, %swap3A_172], %add3A_171 {strides = array<i32>} : memref<32x128xf32, #tpu.memory_space<vmem>>, vector<16xf32>,
          %get3A_174 = arith.index_cast %scan3A_160 : i32 to index
          %get3A_175 = arith.constant 16 : index
          %get3A_176 = tpu.vector_load %arg16[%get3A_174, %get3A_175] {strides = array<i32>} : memref<32x128xf32, #tpu.memory_space<vmem>>, vector<16xf32>,
          %mul3A_177 = arith.mulf %get3A_176, %gather3A : vector<16xf32>
          %get3A_178 = arith.index_cast %scan3A_160 : i32 to index
          %get3A_179 = arith.constant 16 : index
          %get3A_180 = tpu.vector_load %arg17[%get3A_178, %get3A_179] {strides = array<i32>} : memref<32x128xf32, #tpu.memory_space<vmem>>, vector<16xf32>,
          %add3A_181 = arith.addf %mul3A_177, %get3A_180 : vector<16xf32>
          %swap3A_182 = arith.index_cast %scan3A_160 : i32 to index
          %swap3A_183 = arith.constant 16 : index
          %swap3A_184 = tpu.vector_load %arg16[%swap3A_182, %swap3A_183] {strides = array<i32>} : memref<32x128xf32, #tpu.memory_space<vmem>>, vector<16xf32>,
          tpu.vector_store %arg16[%swap3A_182, %swap3A_183], %add3A_181 {strides = array<i32>} : memref<32x128xf32, #tpu.memory_space<vmem>>, vector<16xf32>,
          %get3A_185 = arith.index_cast %scan3A_160 : i32 to index
          %get3A_186 = arith.constant 32 : index
          %get3A_187 = tpu.vector_load %arg16[%get3A_185, %get3A_186] {strides = array<i32>} : memref<32x128xf32, #tpu.memory_space<vmem>>, vector<16xf32>,
          %mul3A_188 = arith.mulf %get3A_187, %gather3A : vector<16xf32>
          %get3A_189 = arith.index_cast %scan3A_160 : i32 to index
          %get3A_190 = arith.constant 32 : index
          %get3A_191 = tpu.vector_load %arg17[%get3A_189, %get3A_190] {strides = array<i32>} : memref<32x128xf32, #tpu.memory_space<vmem>>, vector<16xf32>,
          %add3A_192 = arith.addf %mul3A_188, %get3A_191 : vector<16xf32>
          %swap3A_193 = arith.index_cast %scan3A_160 : i32 to index
          %swap3A_194 = arith.constant 32 : index
          %swap3A_195 = tpu.vector_load %arg16[%swap3A_193, %swap3A_194] {strides = array<i32>} : memref<32x128xf32, #tpu.memory_space<vmem>>, vector<16xf32>,
          tpu.vector_store %arg16[%swap3A_193, %swap3A_194], %add3A_192 {strides = array<i32>} : memref<32x128xf32, #tpu.memory_space<vmem>>, vector<16xf32>,
          %get3A_196 = arith.index_cast %scan3A_160 : i32 to index
          %get3A_197 = arith.constant 48 : index
          %get3A_198 = tpu.vector_load %arg16[%get3A_196, %get3A_197] {strides = array<i32>} : memref<32x128xf32, #tpu.memory_space<vmem>>, vector<16xf32>,
          %mul3A_199 = arith.mulf %get3A_198, %gather3A : vector<16xf32>
          %get3A_200 = arith.index_cast %scan3A_160 : i32 to index
          %get3A_201 = arith.constant 48 : index
          %get3A_202 = tpu.vector_load %arg17[%get3A_200, %get3A_201] {strides = array<i32>} : memref<32x128xf32, #tpu.memory_space<vmem>>, vector<16xf32>,
          %add3A_203 = arith.addf %mul3A_199, %get3A_202 : vector<16xf32>
          %swap3A_204 = arith.index_cast %scan3A_160 : i32 to index
          %swap3A_205 = arith.constant 48 : index
          %swap3A_206 = tpu.vector_load %arg16[%swap3A_204, %swap3A_205] {strides = array<i32>} : memref<32x128xf32, #tpu.memory_space<vmem>>, vector<16xf32>,
          tpu.vector_store %arg16[%swap3A_204, %swap3A_205], %add3A_203 {strides = array<i32>} : memref<32x128xf32, #tpu.memory_space<vmem>>, vector<16xf32>,
          %get3A_207 = arith.index_cast %scan3A_160 : i32 to index
          %get3A_208 = arith.constant 64 : index
          %get3A_209 = tpu.vector_load %arg16[%get3A_207, %get3A_208] {strides = array<i32>} : memref<32x128xf32, #tpu.memory_space<vmem>>, vector<16xf32>,
          %mul3A_210 = arith.mulf %get3A_209, %gather3A : vector<16xf32>
          %get3A_211 = arith.index_cast %scan3A_160 : i32 to index
          %get3A_212 = arith.constant 64 : index
          %get3A_213 = tpu.vector_load %arg17[%get3A_211, %get3A_212] {strides = array<i32>} : memref<32x128xf32, #tpu.memory_space<vmem>>, vector<16xf32>,
          %add3A_214 = arith.addf %mul3A_210, %get3A_213 : vector<16xf32>
          %swap3A_215 = arith.index_cast %scan3A_160 : i32 to index
          %swap3A_216 = arith.constant 64 : index
          %swap3A_217 = tpu.vector_load %arg16[%swap3A_215, %swap3A_216] {strides = array<i32>} : memref<32x128xf32, #tpu.memory_space<vmem>>, vector<16xf32>,
          tpu.vector_store %arg16[%swap3A_215, %swap3A_216], %add3A_214 {strides = array<i32>} : memref<32x128xf32, #tpu.memory_space<vmem>>, vector<16xf32>,
          %get3A_218 = arith.index_cast %scan3A_160 : i32 to index
          %get3A_219 = arith.constant 80 : index
          %get3A_220 = tpu.vector_load %arg16[%get3A_218, %get3A_219] {strides = array<i32>} : memref<32x128xf32, #tpu.memory_space<vmem>>, vector<16xf32>,
          %mul3A_221 = arith.mulf %get3A_220, %gather3A : vector<16xf32>
          %get3A_222 = arith.index_cast %scan3A_160 : i32 to index
          %get3A_223 = arith.constant 80 : index
          %get3A_224 = tpu.vector_load %arg17[%get3A_222, %get3A_223] {strides = array<i32>} : memref<32x128xf32, #tpu.memory_space<vmem>>, vector<16xf32>,
          %add3A_225 = arith.addf %mul3A_221, %get3A_224 : vector<16xf32>
          %swap3A_226 = arith.index_cast %scan3A_160 : i32 to index
          %swap3A_227 = arith.constant 80 : index
          %swap3A_228 = tpu.vector_load %arg16[%swap3A_226, %swap3A_227] {strides = array<i32>} : memref<32x128xf32, #tpu.memory_space<vmem>>, vector<16xf32>,
          tpu.vector_store %arg16[%swap3A_226, %swap3A_227], %add3A_225 {strides = array<i32>} : memref<32x128xf32, #tpu.memory_space<vmem>>, vector<16xf32>,
          %get3A_229 = arith.index_cast %scan3A_160 : i32 to index
          %get3A_230 = arith.constant 96 : index
          %get3A_231 = tpu.vector_load %arg16[%get3A_229, %get3A_230] {strides = array<i32>} : memref<32x128xf32, #tpu.memory_space<vmem>>, vector<16xf32>,
          %mul3A_232 = arith.mulf %get3A_231, %gather3A : vector<16xf32>
          %get3A_233 = arith.index_cast %scan3A_160 : i32 to index
          %get3A_234 = arith.constant 96 : index
          %get3A_235 = tpu.vector_load %arg17[%get3A_233, %get3A_234] {strides = array<i32>} : memref<32x128xf32, #tpu.memory_space<vmem>>, vector<16xf32>,
          %add3A_236 = arith.addf %mul3A_232, %get3A_235 : vector<16xf32>
          %swap3A_237 = arith.index_cast %scan3A_160 : i32 to index
          %swap3A_238 = arith.constant 96 : index
          %swap3A_239 = tpu.vector_load %arg16[%swap3A_237, %swap3A_238] {strides = array<i32>} : memref<32x128xf32, #tpu.memory_space<vmem>>, vector<16xf32>,
          tpu.vector_store %arg16[%swap3A_237, %swap3A_238], %add3A_236 {strides = array<i32>} : memref<32x128xf32, #tpu.memory_space<vmem>>, vector<16xf32>,
          %get3A_240 = arith.index_cast %scan3A_160 : i32 to index
          %get3A_241 = arith.constant 112 : index
          %get3A_242 = tpu.vector_load %arg16[%get3A_240, %get3A_241] {strides = array<i32>} : memref<32x128xf32, #tpu.memory_space<vmem>>, vector<16xf32>,
          %mul3A_243 = arith.mulf %get3A_242, %gather3A : vector<16xf32>
          %get3A_244 = arith.index_cast %scan3A_160 : i32 to index
          %get3A_245 = arith.constant 112 : index
          %get3A_246 = tpu.vector_load %arg17[%get3A_244, %get3A_245] {strides = array<i32>} : memref<32x128xf32, #tpu.memory_space<vmem>>, vector<16xf32>,
          %add3A_247 = arith.addf %mul3A_243, %get3A_246 : vector<16xf32>
          %swap3A_248 = arith.index_cast %scan3A_160 : i32 to index
          %swap3A_249 = arith.constant 112 : index
          %swap3A_250 = tpu.vector_load %arg16[%swap3A_248, %swap3A_249] {strides = array<i32>} : memref<32x128xf32, #tpu.memory_space<vmem>>, vector<16xf32>,
          tpu.vector_store %arg16[%swap3A_248, %swap3A_249], %add3A_247 {strides = array<i32>} : memref<32x128xf32, #tpu.memory_space<vmem>>, vector<16xf32>,
          %scan3A_251 = arith.constant 0 : i32
          scf.yield %scan3A_251 : i32
        }
        %scan3A_158 = arith.constant 32 : i32
        "tpu.region"() ({
          %run_scoped3A = tpu.sem_alloc : memref<!tpu.dma_semaphore, #tpu.memory_space<semaphore_mem>>
          %dma_start3A_160 = arith.constant 0 : i32
          %dma_start3A_161 = tpu.memref_slice %arg7[%add3A, %add3A_151, %dma_start3A_160] : memref<24x10240x128xf32, #tpu.memory_space<hbm>> -> memref<1x32x128xf32, #tpu.memory_space<hbm>>
          %dma_start3A_162 = tpu.memref_squeeze %dma_start3A_161 : memref<1x32x128xf32, #tpu.memory_space<hbm>> -> memref<32x128xf32, #tpu.memory_space<hbm>>
          %dma_start3A_163 = arith.constant 0 : i32
          %dma_start3A_164 = tpu.memref_slice %arg7[%add3A, %add3A_151, %dma_start3A_163] : memref<24x10240x128xf32, #tpu.memory_space<hbm>> -> memref<1x32x128xf32, #tpu.memory_space<hbm>>
          %dma_start3A_165 = tpu.memref_squeeze %dma_start3A_164 : memref<1x32x128xf32, #tpu.memory_space<hbm>> -> memref<32x128xf32, #tpu.memory_space<hbm>>
          tpu.enqueue_dma source(%arg16 : memref<32x128xf32, #tpu.memory_space<vmem>>) target(%dma_start3A_165 : memref<32x128xf32, #tpu.memory_space<hbm>>) target_semaphore(%run_scoped3A : memref<!tpu.dma_semaphore, #tpu.memory_space<semaphore_mem>>)
          %dma_wait3A_166 = arith.constant 0 : i32
          %dma_wait3A_167 = tpu.memref_slice %arg7[%add3A, %add3A_151, %dma_wait3A_166] : memref<24x10240x128xf32, #tpu.memory_space<hbm>> -> memref<1x32x128xf32, #tpu.memory_space<hbm>>
          %dma_wait3A_168 = tpu.memref_squeeze %dma_wait3A_167 : memref<1x32x128xf32, #tpu.memory_space<hbm>> -> memref<32x128xf32, #tpu.memory_space<hbm>>
          %dma_wait3A_169 = arith.constant 0 : i32
          %dma_wait3A_170 = tpu.memref_slice %arg7[%add3A, %add3A_151, %dma_wait3A_169] : memref<24x10240x128xf32, #tpu.memory_space<hbm>> -> memref<1x32x128xf32, #tpu.memory_space<hbm>>
          %dma_wait3A_171 = tpu.memref_squeeze %dma_wait3A_170 : memref<1x32x128xf32, #tpu.memory_space<hbm>> -> memref<32x128xf32, #tpu.memory_space<hbm>>
          tpu.wait_dma2 semaphore(%run_scoped3A : memref<!tpu.dma_semaphore, #tpu.memory_space<semaphore_mem>>) src(%arg16 : memref<32x128xf32, #tpu.memory_space<vmem>>) dst(%dma_wait3A_171 : memref<32x128xf32, #tpu.memory_space<hbm>>)
          tpu.yield
        }) : () -> ()
        "tpu.region"() ({
          %run_scoped3A = tpu.sem_alloc : memref<!tpu.dma_semaphore, #tpu.memory_space<semaphore_mem>>
          %dma_start3A_160 = arith.constant 0 : i32
          %dma_start3A_161 = tpu.memref_slice %arg8[%add3A_151, %dma_start3A_160] : memref<10240x128xf32, #tpu.memory_space<vmem_shared>> -> memref<32x128xf32, #tpu.memory_space<vmem_shared>>
          %dma_start3A_162 = arith.constant 0 : i32
          %dma_start3A_163 = tpu.memref_slice %arg8[%add3A_151, %dma_start3A_162] : memref<10240x128xf32, #tpu.memory_space<vmem_shared>> -> memref<32x128xf32, #tpu.memory_space<vmem_shared>>
          tpu.enqueue_dma source(%arg18 : memref<32x128xf32, #tpu.memory_space<vmem>>) target(%dma_start3A_163 : memref<32x128xf32, #tpu.memory_space<vmem_shared>>) target_semaphore(%run_scoped3A : memref<!tpu.dma_semaphore, #tpu.memory_space<semaphore_mem>>)
          %dma_wait3A_164 = arith.constant 0 : i32
          %dma_wait3A_165 = tpu.memref_slice %arg8[%add3A_151, %dma_wait3A_164] : memref<10240x128xf32, #tpu.memory_space<vmem_shared>> -> memref<32x128xf32, #tpu.memory_space<vmem_shared>>
          %dma_wait3A_166 = arith.constant 0 : i32
          %dma_wait3A_167 = tpu.memref_slice %arg8[%add3A_151, %dma_wait3A_166] : memref<10240x128xf32, #tpu.memory_space<vmem_shared>> -> memref<32x128xf32, #tpu.memory_space<vmem_shared>>
          tpu.wait_dma2 semaphore(%run_scoped3A : memref<!tpu.dma_semaphore, #tpu.memory_space<semaphore_mem>>) src(%arg18 : memref<32x128xf32, #tpu.memory_space<vmem>>) dst(%dma_wait3A_167 : memref<32x128xf32, #tpu.memory_space<vmem_shared>>)
          tpu.yield
        }) : () -> ()
        %scan3A_159 = arith.constant 0 : i32
        scf.yield %scan3A_159 : i32
      }
      %scan3A_76 = arith.constant 10 : i32
      %scan3A_77 = arith.constant 0 : i32
      scf.yield %scan3A_77 : i32
    }
    %scan3A_20 = arith.constant 12 : i32
    return
  }
}

#map = affine_map<(d0, d1) -> (0, 0, 0)>
#map1 = affine_map<(d0, d1) -> (0)>
module attributes {stable_mosaic.version = 14 : i64} {
  func.func @_conv_body(%arg0: i32, %arg1: i32, %arg2: memref<24x10240x128xf32, #tpu.memory_space<hbm>>, %arg3: memref<24x10240x128xf32, #tpu.memory_space<hbm>>, %arg4: memref<16x40x64xi32, #tpu.memory_space<hbm>>, %arg5: memref<16x40x64xi32, #tpu.memory_space<hbm>>, %arg6: memref<10240xf32, #tpu.memory_space<hbm>>, %arg7: memref<24x10240x128xf32, #tpu.memory_space<hbm>>, %arg8: memref<10240x128xf32, #tpu.memory_space<vmem_shared>>, %arg9: memref<64x128xf32, #tpu.memory_space<vmem>>, %arg10: memref<64x128xf32, #tpu.memory_space<vmem>>, %arg11: memref<40x64xi32, #tpu.memory_space<vmem>>, %arg12: memref<40x64xi32, #tpu.memory_space<vmem>>, %arg13: memref<640xf32, #tpu.memory_space<vmem>>, %arg14: memref<32x128xf32, #tpu.memory_space<vmem>>, %arg15: memref<32x128xf32, #tpu.memory_space<vmem>>, %arg16: memref<32x128xf32, #tpu.memory_space<vmem>>, %arg17: memref<32x128xf32, #tpu.memory_space<vmem>>, %arg18: memref<32x128xf32, #tpu.memory_space<vmem>>, %arg19: memref<!tpu.dma_semaphore, #tpu.memory_space<semaphore_mem>>, %arg20: memref<!tpu.dma_semaphore, #tpu.memory_space<semaphore_mem>>, %arg21: memref<!tpu.dma_semaphore, #tpu.memory_space<semaphore_mem>>, %arg22: memref<!tpu.dma_semaphore, #tpu.memory_space<semaphore_mem>>) attributes {dimension_semantics = [#tpu.dimension_semantics<core_parallel>, #tpu.dimension_semantics<subcore_parallel>], iteration_bounds = array<i64: 2, 16>, scalar_prefetch = 0 : i64, scratch_operands = 15 : i64, tpu.core_type = #tpu.core_type<sc_vector_subcore>, window_params = [{transform_indices = #map}, {transform_indices = #map}, {transform_indices = #map}, {transform_indices = #map}, {transform_indices = #map1}, {transform_indices = #map}]} {
    "tpu.region"() ({
      %run_scoped3A = tpu.sem_alloc : memref<!tpu.dma_semaphore, #tpu.memory_space<semaphore_mem>>
      %dma_start3A = arith.constant 0 : i32
      %dma_start3A_21 = arith.constant 0 : i32
      %dma_start3A_22 = tpu.memref_slice %arg4[%arg1, %dma_start3A, %dma_start3A_21] : memref<16x40x64xi32, #tpu.memory_space<hbm>> -> memref<1x40x64xi32, #tpu.memory_space<hbm>>
      %dma_start3A_23 = tpu.memref_squeeze %dma_start3A_22 : memref<1x40x64xi32, #tpu.memory_space<hbm>> -> memref<40x64xi32, #tpu.memory_space<hbm>>
      %dma_start3A_24 = arith.constant 0 : i32
      %dma_start3A_25 = arith.constant 0 : i32
      %dma_start3A_26 = tpu.memref_slice %arg4[%arg1, %dma_start3A_24, %dma_start3A_25] : memref<16x40x64xi32, #tpu.memory_space<hbm>> -> memref<1x40x64xi32, #tpu.memory_space<hbm>>
      %dma_start3A_27 = tpu.memref_squeeze %dma_start3A_26 : memref<1x40x64xi32, #tpu.memory_space<hbm>> -> memref<40x64xi32, #tpu.memory_space<hbm>>
      tpu.enqueue_dma source(%dma_start3A_27 : memref<40x64xi32, #tpu.memory_space<hbm>>) target(%arg11 : memref<40x64xi32, #tpu.memory_space<vmem>>) target_semaphore(%run_scoped3A : memref<!tpu.dma_semaphore, #tpu.memory_space<semaphore_mem>>)
      %dma_wait3A = arith.constant 0 : i32
      %dma_wait3A_28 = arith.constant 0 : i32
      %dma_wait3A_29 = tpu.memref_slice %arg4[%arg1, %dma_wait3A, %dma_wait3A_28] : memref<16x40x64xi32, #tpu.memory_space<hbm>> -> memref<1x40x64xi32, #tpu.memory_space<hbm>>
      %dma_wait3A_30 = tpu.memref_squeeze %dma_wait3A_29 : memref<1x40x64xi32, #tpu.memory_space<hbm>> -> memref<40x64xi32, #tpu.memory_space<hbm>>
      %dma_wait3A_31 = arith.constant 0 : i32
      %dma_wait3A_32 = arith.constant 0 : i32
      %dma_wait3A_33 = tpu.memref_slice %arg4[%arg1, %dma_wait3A_31, %dma_wait3A_32] : memref<16x40x64xi32, #tpu.memory_space<hbm>> -> memref<1x40x64xi32, #tpu.memory_space<hbm>>
      %dma_wait3A_34 = tpu.memref_squeeze %dma_wait3A_33 : memref<1x40x64xi32, #tpu.memory_space<hbm>> -> memref<40x64xi32, #tpu.memory_space<hbm>>
      tpu.wait_dma2 semaphore(%run_scoped3A : memref<!tpu.dma_semaphore, #tpu.memory_space<semaphore_mem>>) src(%dma_wait3A_34 : memref<40x64xi32, #tpu.memory_space<hbm>>) dst(%arg11 : memref<40x64xi32, #tpu.memory_space<vmem>>)
      tpu.yield
    }) : () -> ()
    "tpu.region"() ({
      %run_scoped3A = tpu.sem_alloc : memref<!tpu.dma_semaphore, #tpu.memory_space<semaphore_mem>>
      %dma_start3A = arith.constant 0 : i32
      %dma_start3A_21 = arith.constant 0 : i32
      %dma_start3A_22 = tpu.memref_slice %arg5[%arg1, %dma_start3A, %dma_start3A_21] : memref<16x40x64xi32, #tpu.memory_space<hbm>> -> memref<1x40x64xi32, #tpu.memory_space<hbm>>
      %dma_start3A_23 = tpu.memref_squeeze %dma_start3A_22 : memref<1x40x64xi32, #tpu.memory_space<hbm>> -> memref<40x64xi32, #tpu.memory_space<hbm>>
      %dma_start3A_24 = arith.constant 0 : i32
      %dma_start3A_25 = arith.constant 0 : i32
      %dma_start3A_26 = tpu.memref_slice %arg5[%arg1, %dma_start3A_24, %dma_start3A_25] : memref<16x40x64xi32, #tpu.memory_space<hbm>> -> memref<1x40x64xi32, #tpu.memory_space<hbm>>
      %dma_start3A_27 = tpu.memref_squeeze %dma_start3A_26 : memref<1x40x64xi32, #tpu.memory_space<hbm>> -> memref<40x64xi32, #tpu.memory_space<hbm>>
      tpu.enqueue_dma source(%dma_start3A_27 : memref<40x64xi32, #tpu.memory_space<hbm>>) target(%arg12 : memref<40x64xi32, #tpu.memory_space<vmem>>) target_semaphore(%run_scoped3A : memref<!tpu.dma_semaphore, #tpu.memory_space<semaphore_mem>>)
      %dma_wait3A = arith.constant 0 : i32
      %dma_wait3A_28 = arith.constant 0 : i32
      %dma_wait3A_29 = tpu.memref_slice %arg5[%arg1, %dma_wait3A, %dma_wait3A_28] : memref<16x40x64xi32, #tpu.memory_space<hbm>> -> memref<1x40x64xi32, #tpu.memory_space<hbm>>
      %dma_wait3A_30 = tpu.memref_squeeze %dma_wait3A_29 : memref<1x40x64xi32, #tpu.memory_space<hbm>> -> memref<40x64xi32, #tpu.memory_space<hbm>>
      %dma_wait3A_31 = arith.constant 0 : i32
      %dma_wait3A_32 = arith.constant 0 : i32
      %dma_wait3A_33 = tpu.memref_slice %arg5[%arg1, %dma_wait3A_31, %dma_wait3A_32] : memref<16x40x64xi32, #tpu.memory_space<hbm>> -> memref<1x40x64xi32, #tpu.memory_space<hbm>>
      %dma_wait3A_34 = tpu.memref_squeeze %dma_wait3A_33 : memref<1x40x64xi32, #tpu.memory_space<hbm>> -> memref<40x64xi32, #tpu.memory_space<hbm>>
      tpu.wait_dma2 semaphore(%run_scoped3A : memref<!tpu.dma_semaphore, #tpu.memory_space<semaphore_mem>>) src(%dma_wait3A_34 : memref<40x64xi32, #tpu.memory_space<hbm>>) dst(%arg12 : memref<40x64xi32, #tpu.memory_space<vmem>>)
      tpu.yield
    }) : () -> ()
    %mul3A = arith.constant 640 : i32
    %mul3A_0 = arith.muli %arg1, %mul3A : i32
    "tpu.region"() ({
      %run_scoped3A = tpu.sem_alloc : memref<!tpu.dma_semaphore, #tpu.memory_space<semaphore_mem>>
      %dma_start3A = tpu.memref_slice %arg6[%mul3A_0] : memref<10240xf32, #tpu.memory_space<hbm>> -> memref<640xf32, #tpu.memory_space<hbm>>
      %dma_start3A_21 = tpu.memref_slice %arg6[%mul3A_0] : memref<10240xf32, #tpu.memory_space<hbm>> -> memref<640xf32, #tpu.memory_space<hbm>>
      tpu.enqueue_dma source(%dma_start3A_21 : memref<640xf32, #tpu.memory_space<hbm>>) target(%arg13 : memref<640xf32, #tpu.memory_space<vmem>>) target_semaphore(%run_scoped3A : memref<!tpu.dma_semaphore, #tpu.memory_space<semaphore_mem>>)
      %dma_wait3A = tpu.memref_slice %arg6[%mul3A_0] : memref<10240xf32, #tpu.memory_space<hbm>> -> memref<640xf32, #tpu.memory_space<hbm>>
      %dma_wait3A_22 = tpu.memref_slice %arg6[%mul3A_0] : memref<10240xf32, #tpu.memory_space<hbm>> -> memref<640xf32, #tpu.memory_space<hbm>>
      tpu.wait_dma2 semaphore(%run_scoped3A : memref<!tpu.dma_semaphore, #tpu.memory_space<semaphore_mem>>) src(%dma_wait3A_22 : memref<640xf32, #tpu.memory_space<hbm>>) dst(%arg13 : memref<640xf32, #tpu.memory_space<vmem>>)
      tpu.yield
    }) : () -> ()
    %scan3A = arith.constant 0 : i32
    %scan3A_1 = arith.constant 0 : i32
    %scan3A_2 = arith.constant 32 : i32
    %scan3A_3 = arith.addi %scan3A_1, %scan3A_2 : i32
    %scan3A_4 = arith.constant 1 : i32
    %scan3A_5 = scf.for %scan3A_21 = %scan3A_1 to %scan3A_3 step %scan3A_4 iter_args(%scan3A_22 = %scan3A) -> (i32)  : i32 {
      %broadcast_in_dim3A = arith.constant 0.000000e+00 : f32
      %broadcast_in_dim3A_23 = vector.broadcast %broadcast_in_dim3A : f32 to vector<16xf32>
      %swap3A = arith.index_cast %scan3A_21 : i32 to index
      %swap3A_24 = arith.constant 0 : index
      %swap3A_25 = tpu.vector_load %arg18[%swap3A, %swap3A_24] {strides = array<i32>} : memref<32x128xf32, #tpu.memory_space<vmem>>, vector<16xf32>,
      tpu.vector_store %arg18[%swap3A, %swap3A_24], %broadcast_in_dim3A_23 {strides = array<i32>} : memref<32x128xf32, #tpu.memory_space<vmem>>, vector<16xf32>,
      %broadcast_in_dim3A_26 = arith.constant 0.000000e+00 : f32
      %broadcast_in_dim3A_27 = vector.broadcast %broadcast_in_dim3A_26 : f32 to vector<16xf32>
      %swap3A_28 = arith.index_cast %scan3A_21 : i32 to index
      %swap3A_29 = arith.constant 16 : index
      %swap3A_30 = tpu.vector_load %arg18[%swap3A_28, %swap3A_29] {strides = array<i32>} : memref<32x128xf32, #tpu.memory_space<vmem>>, vector<16xf32>,
      tpu.vector_store %arg18[%swap3A_28, %swap3A_29], %broadcast_in_dim3A_27 {strides = array<i32>} : memref<32x128xf32, #tpu.memory_space<vmem>>, vector<16xf32>,
      %broadcast_in_dim3A_31 = arith.constant 0.000000e+00 : f32
      %broadcast_in_dim3A_32 = vector.broadcast %broadcast_in_dim3A_31 : f32 to vector<16xf32>
      %swap3A_33 = arith.index_cast %scan3A_21 : i32 to index
      %swap3A_34 = arith.constant 32 : index
      %swap3A_35 = tpu.vector_load %arg18[%swap3A_33, %swap3A_34] {strides = array<i32>} : memref<32x128xf32, #tpu.memory_space<vmem>>, vector<16xf32>,
      tpu.vector_store %arg18[%swap3A_33, %swap3A_34], %broadcast_in_dim3A_32 {strides = array<i32>} : memref<32x128xf32, #tpu.memory_space<vmem>>, vector<16xf32>,
      %broadcast_in_dim3A_36 = arith.constant 0.000000e+00 : f32
      %broadcast_in_dim3A_37 = vector.broadcast %broadcast_in_dim3A_36 : f32 to vector<16xf32>
      %swap3A_38 = arith.index_cast %scan3A_21 : i32 to index
      %swap3A_39 = arith.constant 48 : index
      %swap3A_40 = tpu.vector_load %arg18[%swap3A_38, %swap3A_39] {strides = array<i32>} : memref<32x128xf32, #tpu.memory_space<vmem>>, vector<16xf32>,
      tpu.vector_store %arg18[%swap3A_38, %swap3A_39], %broadcast_in_dim3A_37 {strides = array<i32>} : memref<32x128xf32, #tpu.memory_space<vmem>>, vector<16xf32>,
      %broadcast_in_dim3A_41 = arith.constant 0.000000e+00 : f32
      %broadcast_in_dim3A_42 = vector.broadcast %broadcast_in_dim3A_41 : f32 to vector<16xf32>
      %swap3A_43 = arith.index_cast %scan3A_21 : i32 to index
      %swap3A_44 = arith.constant 64 : index
      %swap3A_45 = tpu.vector_load %arg18[%swap3A_43, %swap3A_44] {strides = array<i32>} : memref<32x128xf32, #tpu.memory_space<vmem>>, vector<16xf32>,
      tpu.vector_store %arg18[%swap3A_43, %swap3A_44], %broadcast_in_dim3A_42 {strides = array<i32>} : memref<32x128xf32, #tpu.memory_space<vmem>>, vector<16xf32>,
      %broadcast_in_dim3A_46 = arith.constant 0.000000e+00 : f32
      %broadcast_in_dim3A_47 = vector.broadcast %broadcast_in_dim3A_46 : f32 to vector<16xf32>
      %swap3A_48 = arith.index_cast %scan3A_21 : i32 to index
      %swap3A_49 = arith.constant 80 : index
      %swap3A_50 = tpu.vector_load %arg18[%swap3A_48, %swap3A_49] {strides = array<i32>} : memref<32x128xf32, #tpu.memory_space<vmem>>, vector<16xf32>,
      tpu.vector_store %arg18[%swap3A_48, %swap3A_49], %broadcast_in_dim3A_47 {strides = array<i32>} : memref<32x128xf32, #tpu.memory_space<vmem>>, vector<16xf32>,
      %broadcast_in_dim3A_51 = arith.constant 0.000000e+00 : f32
      %broadcast_in_dim3A_52 = vector.broadcast %broadcast_in_dim3A_51 : f32 to vector<16xf32>
      %swap3A_53 = arith.index_cast %scan3A_21 : i32 to index
      %swap3A_54 = arith.constant 96 : index
      %swap3A_55 = tpu.vector_load %arg18[%swap3A_53, %swap3A_54] {strides = array<i32>} : memref<32x128xf32, #tpu.memory_space<vmem>>, vector<16xf32>,
      tpu.vector_store %arg18[%swap3A_53, %swap3A_54], %broadcast_in_dim3A_52 {strides = array<i32>} : memref<32x128xf32, #tpu.memory_space<vmem>>, vector<16xf32>,
      %broadcast_in_dim3A_56 = arith.constant 0.000000e+00 : f32
      %broadcast_in_dim3A_57 = vector.broadcast %broadcast_in_dim3A_56 : f32 to vector<16xf32>
      %swap3A_58 = arith.index_cast %scan3A_21 : i32 to index
      %swap3A_59 = arith.constant 112 : index
      %swap3A_60 = tpu.vector_load %arg18[%swap3A_58, %swap3A_59] {strides = array<i32>} : memref<32x128xf32, #tpu.memory_space<vmem>>, vector<16xf32>,
      tpu.vector_store %arg18[%swap3A_58, %swap3A_59], %broadcast_in_dim3A_57 {strides = array<i32>} : memref<32x128xf32, #tpu.memory_space<vmem>>, vector<16xf32>,
      %scan3A_61 = arith.constant 0 : i32
      scf.yield %scan3A_61 : i32
    }
    %scan3A_6 = arith.constant 32 : i32
    %scan3A_7 = arith.constant 0 : i32
    %scan3A_8 = arith.constant 0 : i32
    %scan3A_9 = arith.constant 20 : i32
    %scan3A_10 = arith.addi %scan3A_8, %scan3A_9 : i32
    %scan3A_11 = arith.constant 1 : i32
    %scan3A_12 = scf.for %scan3A_21 = %scan3A_8 to %scan3A_10 step %scan3A_11 iter_args(%scan3A_22 = %scan3A_7) -> (i32)  : i32 {
      %mul3A_23 = arith.constant 640 : i32
      %mul3A_24 = arith.muli %arg1, %mul3A_23 : i32
      %mul3A_25 = arith.constant 32 : i32
      %mul3A_26 = arith.muli %scan3A_21, %mul3A_25 : i32
      %add3A = arith.addi %mul3A_24, %mul3A_26 : i32
      "tpu.region"() ({
        %run_scoped3A = tpu.sem_alloc : memref<!tpu.dma_semaphore, #tpu.memory_space<semaphore_mem>>
        %dma_start3A = arith.constant 0 : i32
        %dma_start3A_28 = tpu.memref_slice %arg8[%add3A, %dma_start3A] : memref<10240x128xf32, #tpu.memory_space<vmem_shared>> -> memref<32x128xf32, #tpu.memory_space<vmem_shared>>
        %dma_start3A_29 = arith.constant 0 : i32
        %dma_start3A_30 = tpu.memref_slice %arg8[%add3A, %dma_start3A_29] : memref<10240x128xf32, #tpu.memory_space<vmem_shared>> -> memref<32x128xf32, #tpu.memory_space<vmem_shared>>
        tpu.enqueue_dma source(%arg18 : memref<32x128xf32, #tpu.memory_space<vmem>>) target(%dma_start3A_30 : memref<32x128xf32, #tpu.memory_space<vmem_shared>>) target_semaphore(%run_scoped3A : memref<!tpu.dma_semaphore, #tpu.memory_space<semaphore_mem>>)
        %dma_wait3A = arith.constant 0 : i32
        %dma_wait3A_31 = tpu.memref_slice %arg8[%add3A, %dma_wait3A] : memref<10240x128xf32, #tpu.memory_space<vmem_shared>> -> memref<32x128xf32, #tpu.memory_space<vmem_shared>>
        %dma_wait3A_32 = arith.constant 0 : i32
        %dma_wait3A_33 = tpu.memref_slice %arg8[%add3A, %dma_wait3A_32] : memref<10240x128xf32, #tpu.memory_space<vmem_shared>> -> memref<32x128xf32, #tpu.memory_space<vmem_shared>>
        tpu.wait_dma2 semaphore(%run_scoped3A : memref<!tpu.dma_semaphore, #tpu.memory_space<semaphore_mem>>) src(%arg18 : memref<32x128xf32, #tpu.memory_space<vmem>>) dst(%dma_wait3A_33 : memref<32x128xf32, #tpu.memory_space<vmem_shared>>)
        tpu.yield
      }) : () -> ()
      %scan3A_27 = arith.constant 0 : i32
      scf.yield %scan3A_27 : i32
    }
    %scan3A_13 = arith.constant 20 : i32
    %scan3A_14 = arith.constant 0 : i32
    %scan3A_15 = arith.constant 0 : i32
    %scan3A_16 = arith.constant 12 : i32
    %scan3A_17 = arith.addi %scan3A_15, %scan3A_16 : i32
    %scan3A_18 = arith.constant 1 : i32
    %scan3A_19 = scf.for %scan3A_21 = %scan3A_15 to %scan3A_17 step %scan3A_18 iter_args(%scan3A_22 = %scan3A_14) -> (i32)  : i32 {
      %mul3A_23 = arith.constant 2 : i32
      %mul3A_24 = arith.muli %mul3A_23, %scan3A_21 : i32
      %add3A = arith.addi %mul3A_24, %arg0 : i32
      %barrier3A = arith.constant 0 : index
      tpu.barrier barrier_id(%barrier3A)
      %dma_start3A = arith.constant 0 : i32
      %dma_start3A_25 = arith.constant 0 : i32
      %dma_start3A_26 = tpu.memref_slice %arg11[%dma_start3A, %dma_start3A_25] : memref<40x64xi32, #tpu.memory_space<vmem>> -> memref<1x64xi32, #tpu.memory_space<vmem>>
      %dma_start3A_27 = tpu.memref_squeeze %dma_start3A_26 : memref<1x64xi32, #tpu.memory_space<vmem>> -> memref<64xi32, #tpu.memory_space<vmem>>
      %dma_start3A_28 = arith.constant 0 : i32
      %dma_start3A_29 = arith.constant 0 : i32
      %dma_start3A_30 = tpu.memref_slice %arg2[%add3A, %dma_start3A_28, %dma_start3A_29] : memref<24x10240x128xf32, #tpu.memory_space<hbm>> -> memref<1x10240x128xf32, #tpu.memory_space<hbm>>
      %dma_start3A_31 = tpu.memref_squeeze %dma_start3A_30 : memref<1x10240x128xf32, #tpu.memory_space<hbm>> -> memref<10240x128xf32, #tpu.memory_space<hbm>>
      %dma_start3A_32 = arith.constant 0 : i32
      %dma_start3A_33 = arith.constant 0 : i32
      %dma_start3A_34 = tpu.memref_slice %dma_start3A_31[%dma_start3A_32, %dma_start3A_33] : memref<10240x128xf32, #tpu.memory_space<hbm>> -> memref<10240x128xf32, #tpu.memory_space<hbm>>
      tpu.enqueue_indirect_dma source(%dma_start3A_34 : memref<10240x128xf32, #tpu.memory_space<hbm>>) target(%arg9 : memref<64x128xf32, #tpu.memory_space<vmem>>) offsets(%dma_start3A_27 : memref<64xi32, #tpu.memory_space<vmem>>) semaphore(%arg19 : memref<!tpu.dma_semaphore, #tpu.memory_space<semaphore_mem>>)
      %scan3A_35 = arith.constant 0 : i32
      %scan3A_36 = arith.constant 0 : i32
      %scan3A_37 = arith.constant 20 : i32
      %scan3A_38 = arith.addi %scan3A_36, %scan3A_37 : i32
      %scan3A_39 = arith.constant 1 : i32
      %scan3A_40 = scf.for %scan3A_78 = %scan3A_36 to %scan3A_38 step %scan3A_39 iter_args(%scan3A_79 = %scan3A_35) -> (i32)  : i32 {
        %mul3A_80 = arith.constant 2 : i32
        %mul3A_81 = arith.muli %mul3A_80, %scan3A_78 : i32
        %mul3A_82 = arith.constant 2 : i32
        %mul3A_83 = arith.muli %mul3A_82, %scan3A_78 : i32
        %add3A_84 = arith.constant 1 : i32
        %add3A_85 = arith.addi %mul3A_83, %add3A_84 : i32
        %gt3A = arith.constant 0 : i32
        %gt3A_86 = arith.cmpi sgt, %scan3A_78, %gt3A : i32
        %convert_element_type3A = arith.extui %gt3A_86 : i1 to i32
        %cond3A = arith.constant 0 : i32
        %cond3A_87 = arith.cmpi ne, %convert_element_type3A, %cond3A : i32
        scf.if %cond3A_87 {
          %sub3A = arith.constant 2 : i32
          %sub3A_137 = arith.subi %add3A_85, %sub3A : i32
          %dma_wait3A_138 = arith.constant 0 : i32
          %dma_wait3A_139 = tpu.memref_slice %arg12[%sub3A_137, %dma_wait3A_138] : memref<40x64xi32, #tpu.memory_space<vmem>> -> memref<1x64xi32, #tpu.memory_space<vmem>>
          %dma_wait3A_140 = tpu.memref_squeeze %dma_wait3A_139 : memref<1x64xi32, #tpu.memory_space<vmem>> -> memref<64xi32, #tpu.memory_space<vmem>>
          %dma_wait3A_141 = arith.constant 0 : i32
          %dma_wait3A_142 = arith.constant 0 : i32
          %dma_wait3A_143 = tpu.memref_slice %arg8[%dma_wait3A_141, %dma_wait3A_142] : memref<10240x128xf32, #tpu.memory_space<vmem_shared>> -> memref<10240x128xf32, #tpu.memory_space<vmem_shared>>
          tpu.wait_indirect_dma semaphore(%arg22 : memref<!tpu.dma_semaphore, #tpu.memory_space<semaphore_mem>>) src(%arg10 : memref<64x128xf32, #tpu.memory_space<vmem>>) dst(%dma_wait3A_143 : memref<10240x128xf32, #tpu.memory_space<vmem_shared>>)
        } else {
        }
        %dma_start3A_88 = arith.constant 0 : i32
        %dma_start3A_89 = tpu.memref_slice %arg11[%add3A_85, %dma_start3A_88] : memref<40x64xi32, #tpu.memory_space<vmem>> -> memref<1x64xi32, #tpu.memory_space<vmem>>
        %dma_start3A_90 = tpu.memref_squeeze %dma_start3A_89 : memref<1x64xi32, #tpu.memory_space<vmem>> -> memref<64xi32, #tpu.memory_space<vmem>>
        %dma_start3A_91 = arith.constant 0 : i32
        %dma_start3A_92 = arith.constant 0 : i32
        %dma_start3A_93 = tpu.memref_slice %arg2[%add3A, %dma_start3A_91, %dma_start3A_92] : memref<24x10240x128xf32, #tpu.memory_space<hbm>> -> memref<1x10240x128xf32, #tpu.memory_space<hbm>>
        %dma_start3A_94 = tpu.memref_squeeze %dma_start3A_93 : memref<1x10240x128xf32, #tpu.memory_space<hbm>> -> memref<10240x128xf32, #tpu.memory_space<hbm>>
        %dma_start3A_95 = arith.constant 0 : i32
        %dma_start3A_96 = arith.constant 0 : i32
        %dma_start3A_97 = tpu.memref_slice %dma_start3A_94[%dma_start3A_95, %dma_start3A_96] : memref<10240x128xf32, #tpu.memory_space<hbm>> -> memref<10240x128xf32, #tpu.memory_space<hbm>>
        tpu.enqueue_indirect_dma source(%dma_start3A_97 : memref<10240x128xf32, #tpu.memory_space<hbm>>) target(%arg10 : memref<64x128xf32, #tpu.memory_space<vmem>>) offsets(%dma_start3A_90 : memref<64xi32, #tpu.memory_space<vmem>>) semaphore(%arg20 : memref<!tpu.dma_semaphore, #tpu.memory_space<semaphore_mem>>)
        %dma_wait3A_98 = arith.constant 0 : i32
        %dma_wait3A_99 = tpu.memref_slice %arg11[%mul3A_81, %dma_wait3A_98] : memref<40x64xi32, #tpu.memory_space<vmem>> -> memref<1x64xi32, #tpu.memory_space<vmem>>
        %dma_wait3A_100 = tpu.memref_squeeze %dma_wait3A_99 : memref<1x64xi32, #tpu.memory_space<vmem>> -> memref<64xi32, #tpu.memory_space<vmem>>
        %dma_wait3A_101 = arith.constant 0 : i32
        %dma_wait3A_102 = arith.constant 0 : i32
        %dma_wait3A_103 = tpu.memref_slice %arg2[%add3A, %dma_wait3A_101, %dma_wait3A_102] : memref<24x10240x128xf32, #tpu.memory_space<hbm>> -> memref<1x10240x128xf32, #tpu.memory_space<hbm>>
        %dma_wait3A_104 = tpu.memref_squeeze %dma_wait3A_103 : memref<1x10240x128xf32, #tpu.memory_space<hbm>> -> memref<10240x128xf32, #tpu.memory_space<hbm>>
        %dma_wait3A_105 = arith.constant 0 : i32
        %dma_wait3A_106 = arith.constant 0 : i32
        %dma_wait3A_107 = tpu.memref_slice %dma_wait3A_104[%dma_wait3A_105, %dma_wait3A_106] : memref<10240x128xf32, #tpu.memory_space<hbm>> -> memref<10240x128xf32, #tpu.memory_space<hbm>>
        tpu.wait_indirect_dma semaphore(%arg19 : memref<!tpu.dma_semaphore, #tpu.memory_space<semaphore_mem>>) src(%dma_wait3A_107 : memref<10240x128xf32, #tpu.memory_space<hbm>>) dst(%arg9 : memref<64x128xf32, #tpu.memory_space<vmem>>)
        %dma_start3A_108 = arith.constant 0 : i32
        %dma_start3A_109 = tpu.memref_slice %arg12[%mul3A_81, %dma_start3A_108] : memref<40x64xi32, #tpu.memory_space<vmem>> -> memref<1x64xi32, #tpu.memory_space<vmem>>
        %dma_start3A_110 = tpu.memref_squeeze %dma_start3A_109 : memref<1x64xi32, #tpu.memory_space<vmem>> -> memref<64xi32, #tpu.memory_space<vmem>>
        %dma_start3A_111 = arith.constant 0 : i32
        %dma_start3A_112 = arith.constant 0 : i32
        %dma_start3A_113 = tpu.memref_slice %arg8[%dma_start3A_111, %dma_start3A_112] : memref<10240x128xf32, #tpu.memory_space<vmem_shared>> -> memref<10240x128xf32, #tpu.memory_space<vmem_shared>>
        tpu.enqueue_indirect_dma source(%arg9 : memref<64x128xf32, #tpu.memory_space<vmem>>) target(%dma_start3A_113 : memref<10240x128xf32, #tpu.memory_space<vmem_shared>>) offsets(%dma_start3A_110 : memref<64xi32, #tpu.memory_space<vmem>>) semaphore(%arg21 : memref<!tpu.dma_semaphore, #tpu.memory_space<semaphore_mem>>) {add = true}
        %add3A_114 = arith.constant 1 : i32
        %add3A_115 = arith.addi %scan3A_78, %add3A_114 : i32
        %lt3A = arith.constant 20 : i32
        %lt3A_116 = arith.cmpi slt, %add3A_115, %lt3A : i32
        %convert_element_type3A_117 = arith.extui %lt3A_116 : i1 to i32
        %cond3A_118 = arith.constant 0 : i32
        %cond3A_119 = arith.cmpi ne, %convert_element_type3A_117, %cond3A_118 : i32
        scf.if %cond3A_119 {
          %dma_wait3A_137 = arith.constant 0 : i32
          %dma_wait3A_138 = tpu.memref_slice %arg12[%mul3A_81, %dma_wait3A_137] : memref<40x64xi32, #tpu.memory_space<vmem>> -> memref<1x64xi32, #tpu.memory_space<vmem>>
          %dma_wait3A_139 = tpu.memref_squeeze %dma_wait3A_138 : memref<1x64xi32, #tpu.memory_space<vmem>> -> memref<64xi32, #tpu.memory_space<vmem>>
          %dma_wait3A_140 = arith.constant 0 : i32
          %dma_wait3A_141 = arith.constant 0 : i32
          %dma_wait3A_142 = tpu.memref_slice %arg8[%dma_wait3A_140, %dma_wait3A_141] : memref<10240x128xf32, #tpu.memory_space<vmem_shared>> -> memref<10240x128xf32, #tpu.memory_space<vmem_shared>>
          tpu.wait_indirect_dma semaphore(%arg21 : memref<!tpu.dma_semaphore, #tpu.memory_space<semaphore_mem>>) src(%arg9 : memref<64x128xf32, #tpu.memory_space<vmem>>) dst(%dma_wait3A_142 : memref<10240x128xf32, #tpu.memory_space<vmem_shared>>)
          %add3A_143 = arith.constant 2 : i32
          %add3A_144 = arith.addi %mul3A_81, %add3A_143 : i32
          %dma_start3A_145 = arith.constant 0 : i32
          %dma_start3A_146 = tpu.memref_slice %arg11[%add3A_144, %dma_start3A_145] : memref<40x64xi32, #tpu.memory_space<vmem>> -> memref<1x64xi32, #tpu.memory_space<vmem>>
          %dma_start3A_147 = tpu.memref_squeeze %dma_start3A_146 : memref<1x64xi32, #tpu.memory_space<vmem>> -> memref<64xi32, #tpu.memory_space<vmem>>
          %dma_start3A_148 = arith.constant 0 : i32
          %dma_start3A_149 = arith.constant 0 : i32
          %dma_start3A_150 = tpu.memref_slice %arg2[%add3A, %dma_start3A_148, %dma_start3A_149] : memref<24x10240x128xf32, #tpu.memory_space<hbm>> -> memref<1x10240x128xf32, #tpu.memory_space<hbm>>
          %dma_start3A_151 = tpu.memref_squeeze %dma_start3A_150 : memref<1x10240x128xf32, #tpu.memory_space<hbm>> -> memref<10240x128xf32, #tpu.memory_space<hbm>>
          %dma_start3A_152 = arith.constant 0 : i32
          %dma_start3A_153 = arith.constant 0 : i32
          %dma_start3A_154 = tpu.memref_slice %dma_start3A_151[%dma_start3A_152, %dma_start3A_153] : memref<10240x128xf32, #tpu.memory_space<hbm>> -> memref<10240x128xf32, #tpu.memory_space<hbm>>
          tpu.enqueue_indirect_dma source(%dma_start3A_154 : memref<10240x128xf32, #tpu.memory_space<hbm>>) target(%arg9 : memref<64x128xf32, #tpu.memory_space<vmem>>) offsets(%dma_start3A_147 : memref<64xi32, #tpu.memory_space<vmem>>) semaphore(%arg19 : memref<!tpu.dma_semaphore, #tpu.memory_space<semaphore_mem>>)
        } else {
        }
        %dma_wait3A_120 = arith.constant 0 : i32
        %dma_wait3A_121 = tpu.memref_slice %arg11[%add3A_85, %dma_wait3A_120] : memref<40x64xi32, #tpu.memory_space<vmem>> -> memref<1x64xi32, #tpu.memory_space<vmem>>
        %dma_wait3A_122 = tpu.memref_squeeze %dma_wait3A_121 : memref<1x64xi32, #tpu.memory_space<vmem>> -> memref<64xi32, #tpu.memory_space<vmem>>
        %dma_wait3A_123 = arith.constant 0 : i32
        %dma_wait3A_124 = arith.constant 0 : i32
        %dma_wait3A_125 = tpu.memref_slice %arg2[%add3A, %dma_wait3A_123, %dma_wait3A_124] : memref<24x10240x128xf32, #tpu.memory_space<hbm>> -> memref<1x10240x128xf32, #tpu.memory_space<hbm>>
        %dma_wait3A_126 = tpu.memref_squeeze %dma_wait3A_125 : memref<1x10240x128xf32, #tpu.memory_space<hbm>> -> memref<10240x128xf32, #tpu.memory_space<hbm>>
        %dma_wait3A_127 = arith.constant 0 : i32
        %dma_wait3A_128 = arith.constant 0 : i32
        %dma_wait3A_129 = tpu.memref_slice %dma_wait3A_126[%dma_wait3A_127, %dma_wait3A_128] : memref<10240x128xf32, #tpu.memory_space<hbm>> -> memref<10240x128xf32, #tpu.memory_space<hbm>>
        tpu.wait_indirect_dma semaphore(%arg20 : memref<!tpu.dma_semaphore, #tpu.memory_space<semaphore_mem>>) src(%dma_wait3A_129 : memref<10240x128xf32, #tpu.memory_space<hbm>>) dst(%arg10 : memref<64x128xf32, #tpu.memory_space<vmem>>)
        %dma_start3A_130 = arith.constant 0 : i32
        %dma_start3A_131 = tpu.memref_slice %arg12[%add3A_85, %dma_start3A_130] : memref<40x64xi32, #tpu.memory_space<vmem>> -> memref<1x64xi32, #tpu.memory_space<vmem>>
        %dma_start3A_132 = tpu.memref_squeeze %dma_start3A_131 : memref<1x64xi32, #tpu.memory_space<vmem>> -> memref<64xi32, #tpu.memory_space<vmem>>
        %dma_start3A_133 = arith.constant 0 : i32
        %dma_start3A_134 = arith.constant 0 : i32
        %dma_start3A_135 = tpu.memref_slice %arg8[%dma_start3A_133, %dma_start3A_134] : memref<10240x128xf32, #tpu.memory_space<vmem_shared>> -> memref<10240x128xf32, #tpu.memory_space<vmem_shared>>
        tpu.enqueue_indirect_dma source(%arg10 : memref<64x128xf32, #tpu.memory_space<vmem>>) target(%dma_start3A_135 : memref<10240x128xf32, #tpu.memory_space<vmem_shared>>) offsets(%dma_start3A_132 : memref<64xi32, #tpu.memory_space<vmem>>) semaphore(%arg22 : memref<!tpu.dma_semaphore, #tpu.memory_space<semaphore_mem>>) {add = true}
        %scan3A_136 = arith.constant 0 : i32
        scf.yield %scan3A_136 : i32
      }
      %scan3A_41 = arith.constant 20 : i32
      %dma_wait3A = arith.constant 38 : i32
      %dma_wait3A_42 = arith.constant 0 : i32
      %dma_wait3A_43 = tpu.memref_slice %arg12[%dma_wait3A, %dma_wait3A_42] : memref<40x64xi32, #tpu.memory_space<vmem>> -> memref<1x64xi32, #tpu.memory_space<vmem>>
      %dma_wait3A_44 = tpu.memref_squeeze %dma_wait3A_43 : memref<1x64xi32, #tpu.memory_space<vmem>> -> memref<64xi32, #tpu.memory_space<vmem>>
      %dma_wait3A_45 = arith.constant 0 : i32
      %dma_wait3A_46 = arith.constant 0 : i32
      %dma_wait3A_47 = tpu.memref_slice %arg8[%dma_wait3A_45, %dma_wait3A_46] : memref<10240x128xf32, #tpu.memory_space<vmem_shared>> -> memref<10240x128xf32, #tpu.memory_space<vmem_shared>>
      tpu.wait_indirect_dma semaphore(%arg21 : memref<!tpu.dma_semaphore, #tpu.memory_space<semaphore_mem>>) src(%arg9 : memref<64x128xf32, #tpu.memory_space<vmem>>) dst(%dma_wait3A_47 : memref<10240x128xf32, #tpu.memory_space<vmem_shared>>)
      %dma_wait3A_48 = arith.constant 39 : i32
      %dma_wait3A_49 = arith.constant 0 : i32
      %dma_wait3A_50 = tpu.memref_slice %arg12[%dma_wait3A_48, %dma_wait3A_49] : memref<40x64xi32, #tpu.memory_space<vmem>> -> memref<1x64xi32, #tpu.memory_space<vmem>>
      %dma_wait3A_51 = tpu.memref_squeeze %dma_wait3A_50 : memref<1x64xi32, #tpu.memory_space<vmem>> -> memref<64xi32, #tpu.memory_space<vmem>>
      %dma_wait3A_52 = arith.constant 0 : i32
      %dma_wait3A_53 = arith.constant 0 : i32
      %dma_wait3A_54 = tpu.memref_slice %arg8[%dma_wait3A_52, %dma_wait3A_53] : memref<10240x128xf32, #tpu.memory_space<vmem_shared>> -> memref<10240x128xf32, #tpu.memory_space<vmem_shared>>
      tpu.wait_indirect_dma semaphore(%arg22 : memref<!tpu.dma_semaphore, #tpu.memory_space<semaphore_mem>>) src(%arg10 : memref<64x128xf32, #tpu.memory_space<vmem>>) dst(%dma_wait3A_54 : memref<10240x128xf32, #tpu.memory_space<vmem_shared>>)
      %barrier3A_55 = arith.constant 0 : index
      tpu.barrier barrier_id(%barrier3A_55)
      %mul3A_56 = arith.constant 640 : i32
      %mul3A_57 = arith.muli %arg1, %mul3A_56 : i32
      %add3A_58 = arith.constant 0 : i32
      %add3A_59 = arith.addi %mul3A_57, %add3A_58 : i32
      %dma_start3A_60 = arith.constant 0 : i32
      %dma_start3A_61 = tpu.memref_slice %arg8[%add3A_59, %dma_start3A_60] : memref<10240x128xf32, #tpu.memory_space<vmem_shared>> -> memref<32x128xf32, #tpu.memory_space<vmem_shared>>
      %dma_start3A_62 = arith.constant 0 : i32
      %dma_start3A_63 = tpu.memref_slice %arg8[%add3A_59, %dma_start3A_62] : memref<10240x128xf32, #tpu.memory_space<vmem_shared>> -> memref<32x128xf32, #tpu.memory_space<vmem_shared>>
      tpu.enqueue_dma source(%dma_start3A_63 : memref<32x128xf32, #tpu.memory_space<vmem_shared>>) target(%arg14 : memref<32x128xf32, #tpu.memory_space<vmem>>) target_semaphore(%arg21 : memref<!tpu.dma_semaphore, #tpu.memory_space<semaphore_mem>>)
      %dma_start3A_64 = arith.constant 0 : i32
      %dma_start3A_65 = tpu.memref_slice %arg3[%add3A, %add3A_59, %dma_start3A_64] : memref<24x10240x128xf32, #tpu.memory_space<hbm>> -> memref<1x32x128xf32, #tpu.memory_space<hbm>>
      %dma_start3A_66 = tpu.memref_squeeze %dma_start3A_65 : memref<1x32x128xf32, #tpu.memory_space<hbm>> -> memref<32x128xf32, #tpu.memory_space<hbm>>
      %dma_start3A_67 = arith.constant 0 : i32
      %dma_start3A_68 = tpu.memref_slice %arg3[%add3A, %add3A_59, %dma_start3A_67] : memref<24x10240x128xf32, #tpu.memory_space<hbm>> -> memref<1x32x128xf32, #tpu.memory_space<hbm>>
      %dma_start3A_69 = tpu.memref_squeeze %dma_start3A_68 : memref<1x32x128xf32, #tpu.memory_space<hbm>> -> memref<32x128xf32, #tpu.memory_space<hbm>>
      tpu.enqueue_dma source(%dma_start3A_69 : memref<32x128xf32, #tpu.memory_space<hbm>>) target(%arg15 : memref<32x128xf32, #tpu.memory_space<vmem>>) target_semaphore(%arg19 : memref<!tpu.dma_semaphore, #tpu.memory_space<semaphore_mem>>)
      %scan3A_70 = arith.constant 0 : i32
      %scan3A_71 = arith.constant 0 : i32
      %scan3A_72 = arith.constant 10 : i32
      %scan3A_73 = arith.addi %scan3A_71, %scan3A_72 : i32
      %scan3A_74 = arith.constant 1 : i32
      %scan3A_75 = scf.for %scan3A_78 = %scan3A_71 to %scan3A_73 step %scan3A_74 iter_args(%scan3A_79 = %scan3A_70) -> (i32)  : i32 {
        %mul3A_80 = arith.constant 2 : i32
        %mul3A_81 = arith.muli %mul3A_80, %scan3A_78 : i32
        %mul3A_82 = arith.constant 2 : i32
        %mul3A_83 = arith.muli %mul3A_82, %scan3A_78 : i32
        %add3A_84 = arith.constant 1 : i32
        %add3A_85 = arith.addi %mul3A_83, %add3A_84 : i32
        %mul3A_86 = arith.constant 640 : i32
        %mul3A_87 = arith.muli %arg1, %mul3A_86 : i32
        %mul3A_88 = arith.constant 32 : i32
        %mul3A_89 = arith.muli %add3A_85, %mul3A_88 : i32
        %add3A_90 = arith.addi %mul3A_87, %mul3A_89 : i32
        %dma_start3A_91 = arith.constant 0 : i32
        %dma_start3A_92 = tpu.memref_slice %arg8[%add3A_90, %dma_start3A_91] : memref<10240x128xf32, #tpu.memory_space<vmem_shared>> -> memref<32x128xf32, #tpu.memory_space<vmem_shared>>
        %dma_start3A_93 = arith.constant 0 : i32
        %dma_start3A_94 = tpu.memref_slice %arg8[%add3A_90, %dma_start3A_93] : memref<10240x128xf32, #tpu.memory_space<vmem_shared>> -> memref<32x128xf32, #tpu.memory_space<vmem_shared>>
        tpu.enqueue_dma source(%dma_start3A_94 : memref<32x128xf32, #tpu.memory_space<vmem_shared>>) target(%arg16 : memref<32x128xf32, #tpu.memory_space<vmem>>) target_semaphore(%arg22 : memref<!tpu.dma_semaphore, #tpu.memory_space<semaphore_mem>>)
        %dma_start3A_95 = arith.constant 0 : i32
        %dma_start3A_96 = tpu.memref_slice %arg3[%add3A, %add3A_90, %dma_start3A_95] : memref<24x10240x128xf32, #tpu.memory_space<hbm>> -> memref<1x32x128xf32, #tpu.memory_space<hbm>>
        %dma_start3A_97 = tpu.memref_squeeze %dma_start3A_96 : memref<1x32x128xf32, #tpu.memory_space<hbm>> -> memref<32x128xf32, #tpu.memory_space<hbm>>
        %dma_start3A_98 = arith.constant 0 : i32
        %dma_start3A_99 = tpu.memref_slice %arg3[%add3A, %add3A_90, %dma_start3A_98] : memref<24x10240x128xf32, #tpu.memory_space<hbm>> -> memref<1x32x128xf32, #tpu.memory_space<hbm>>
        %dma_start3A_100 = tpu.memref_squeeze %dma_start3A_99 : memref<1x32x128xf32, #tpu.memory_space<hbm>> -> memref<32x128xf32, #tpu.memory_space<hbm>>
        tpu.enqueue_dma source(%dma_start3A_100 : memref<32x128xf32, #tpu.memory_space<hbm>>) target(%arg17 : memref<32x128xf32, #tpu.memory_space<vmem>>) target_semaphore(%arg20 : memref<!tpu.dma_semaphore, #tpu.memory_space<semaphore_mem>>)
        %mul3A_101 = arith.constant 640 : i32
        %mul3A_102 = arith.muli %arg1, %mul3A_101 : i32
        %mul3A_103 = arith.constant 32 : i32
        %mul3A_104 = arith.muli %mul3A_81, %mul3A_103 : i32
        %add3A_105 = arith.addi %mul3A_102, %mul3A_104 : i32
        %dma_wait3A_106 = arith.constant 0 : i32
        %dma_wait3A_107 = tpu.memref_slice %arg8[%add3A_105, %dma_wait3A_106] : memref<10240x128xf32, #tpu.memory_space<vmem_shared>> -> memref<32x128xf32, #tpu.memory_space<vmem_shared>>
        %dma_wait3A_108 = arith.constant 0 : i32
        %dma_wait3A_109 = tpu.memref_slice %arg8[%add3A_105, %dma_wait3A_108] : memref<10240x128xf32, #tpu.memory_space<vmem_shared>> -> memref<32x128xf32, #tpu.memory_space<vmem_shared>>
        tpu.wait_dma2 semaphore(%arg21 : memref<!tpu.dma_semaphore, #tpu.memory_space<semaphore_mem>>) src(%dma_wait3A_109 : memref<32x128xf32, #tpu.memory_space<vmem_shared>>) dst(%arg14 : memref<32x128xf32, #tpu.memory_space<vmem>>)
        %dma_wait3A_110 = arith.constant 0 : i32
        %dma_wait3A_111 = tpu.memref_slice %arg3[%add3A, %add3A_105, %dma_wait3A_110] : memref<24x10240x128xf32, #tpu.memory_space<hbm>> -> memref<1x32x128xf32, #tpu.memory_space<hbm>>
        %dma_wait3A_112 = tpu.memref_squeeze %dma_wait3A_111 : memref<1x32x128xf32, #tpu.memory_space<hbm>> -> memref<32x128xf32, #tpu.memory_space<hbm>>
        %dma_wait3A_113 = arith.constant 0 : i32
        %dma_wait3A_114 = tpu.memref_slice %arg3[%add3A, %add3A_105, %dma_wait3A_113] : memref<24x10240x128xf32, #tpu.memory_space<hbm>> -> memref<1x32x128xf32, #tpu.memory_space<hbm>>
        %dma_wait3A_115 = tpu.memref_squeeze %dma_wait3A_114 : memref<1x32x128xf32, #tpu.memory_space<hbm>> -> memref<32x128xf32, #tpu.memory_space<hbm>>
        tpu.wait_dma2 semaphore(%arg19 : memref<!tpu.dma_semaphore, #tpu.memory_space<semaphore_mem>>) src(%dma_wait3A_115 : memref<32x128xf32, #tpu.memory_space<hbm>>) dst(%arg15 : memref<32x128xf32, #tpu.memory_space<vmem>>)
        %mul3A_116 = arith.constant 640 : i32
        %mul3A_117 = arith.muli %arg1, %mul3A_116 : i32
        %mul3A_118 = arith.constant 32 : i32
        %mul3A_119 = arith.muli %mul3A_81, %mul3A_118 : i32
        %add3A_120 = arith.addi %mul3A_117, %mul3A_119 : i32
        %scan3A_121 = arith.constant 0 : i32
        %scan3A_122 = arith.constant 0 : i32
        %scan3A_123 = arith.constant 32 : i32
        %scan3A_124 = arith.addi %scan3A_122, %scan3A_123 : i32
        %scan3A_125 = arith.constant 1 : i32
        %scan3A_126 = scf.for %scan3A_160 = %scan3A_122 to %scan3A_124 step %scan3A_125 iter_args(%scan3A_161 = %scan3A_121) -> (i32)  : i32 {
          %mul3A_162 = arith.constant 32 : i32
          %mul3A_163 = arith.muli %mul3A_81, %mul3A_162 : i32
          %add3A_164 = arith.addi %mul3A_163, %scan3A_160 : i32
          %broadcast_in_dim3A = vector.broadcast %add3A_164 : i32 to vector<16xi32>
          %gather3A = tpu.vector_load_idx %arg13[%broadcast_in_dim3A] : memref<640xf32, #tpu.memory_space<vmem>>[vector<16xi32>], vector<16xf32>,
          %get3A = arith.index_cast %scan3A_160 : i32 to index
          %get3A_165 = arith.constant 0 : index
          %get3A_166 = tpu.vector_load %arg14[%get3A, %get3A_165] {strides = array<i32>} : memref<32x128xf32, #tpu.memory_space<vmem>>, vector<16xf32>,
          %mul3A_167 = arith.mulf %get3A_166, %gather3A : vector<16xf32>
          %get3A_168 = arith.index_cast %scan3A_160 : i32 to index
          %get3A_169 = arith.constant 0 : index
          %get3A_170 = tpu.vector_load %arg15[%get3A_168, %get3A_169] {strides = array<i32>} : memref<32x128xf32, #tpu.memory_space<vmem>>, vector<16xf32>,
          %add3A_171 = arith.addf %mul3A_167, %get3A_170 : vector<16xf32>
          %swap3A = arith.index_cast %scan3A_160 : i32 to index
          %swap3A_172 = arith.constant 0 : index
          %swap3A_173 = tpu.vector_load %arg14[%swap3A, %swap3A_172] {strides = array<i32>} : memref<32x128xf32, #tpu.memory_space<vmem>>, vector<16xf32>,
          tpu.vector_store %arg14[%swap3A, %swap3A_172], %add3A_171 {strides = array<i32>} : memref<32x128xf32, #tpu.memory_space<vmem>>, vector<16xf32>,
          %get3A_174 = arith.index_cast %scan3A_160 : i32 to index
          %get3A_175 = arith.constant 16 : index
          %get3A_176 = tpu.vector_load %arg14[%get3A_174, %get3A_175] {strides = array<i32>} : memref<32x128xf32, #tpu.memory_space<vmem>>, vector<16xf32>,
          %mul3A_177 = arith.mulf %get3A_176, %gather3A : vector<16xf32>
          %get3A_178 = arith.index_cast %scan3A_160 : i32 to index
          %get3A_179 = arith.constant 16 : index
          %get3A_180 = tpu.vector_load %arg15[%get3A_178, %get3A_179] {strides = array<i32>} : memref<32x128xf32, #tpu.memory_space<vmem>>, vector<16xf32>,
          %add3A_181 = arith.addf %mul3A_177, %get3A_180 : vector<16xf32>
          %swap3A_182 = arith.index_cast %scan3A_160 : i32 to index
          %swap3A_183 = arith.constant 16 : index
          %swap3A_184 = tpu.vector_load %arg14[%swap3A_182, %swap3A_183] {strides = array<i32>} : memref<32x128xf32, #tpu.memory_space<vmem>>, vector<16xf32>,
          tpu.vector_store %arg14[%swap3A_182, %swap3A_183], %add3A_181 {strides = array<i32>} : memref<32x128xf32, #tpu.memory_space<vmem>>, vector<16xf32>,
          %get3A_185 = arith.index_cast %scan3A_160 : i32 to index
          %get3A_186 = arith.constant 32 : index
          %get3A_187 = tpu.vector_load %arg14[%get3A_185, %get3A_186] {strides = array<i32>} : memref<32x128xf32, #tpu.memory_space<vmem>>, vector<16xf32>,
          %mul3A_188 = arith.mulf %get3A_187, %gather3A : vector<16xf32>
          %get3A_189 = arith.index_cast %scan3A_160 : i32 to index
          %get3A_190 = arith.constant 32 : index
          %get3A_191 = tpu.vector_load %arg15[%get3A_189, %get3A_190] {strides = array<i32>} : memref<32x128xf32, #tpu.memory_space<vmem>>, vector<16xf32>,
          %add3A_192 = arith.addf %mul3A_188, %get3A_191 : vector<16xf32>
          %swap3A_193 = arith.index_cast %scan3A_160 : i32 to index
          %swap3A_194 = arith.constant 32 : index
          %swap3A_195 = tpu.vector_load %arg14[%swap3A_193, %swap3A_194] {strides = array<i32>} : memref<32x128xf32, #tpu.memory_space<vmem>>, vector<16xf32>,
          tpu.vector_store %arg14[%swap3A_193, %swap3A_194], %add3A_192 {strides = array<i32>} : memref<32x128xf32, #tpu.memory_space<vmem>>, vector<16xf32>,
          %get3A_196 = arith.index_cast %scan3A_160 : i32 to index
          %get3A_197 = arith.constant 48 : index
          %get3A_198 = tpu.vector_load %arg14[%get3A_196, %get3A_197] {strides = array<i32>} : memref<32x128xf32, #tpu.memory_space<vmem>>, vector<16xf32>,
          %mul3A_199 = arith.mulf %get3A_198, %gather3A : vector<16xf32>
          %get3A_200 = arith.index_cast %scan3A_160 : i32 to index
          %get3A_201 = arith.constant 48 : index
          %get3A_202 = tpu.vector_load %arg15[%get3A_200, %get3A_201] {strides = array<i32>} : memref<32x128xf32, #tpu.memory_space<vmem>>, vector<16xf32>,
          %add3A_203 = arith.addf %mul3A_199, %get3A_202 : vector<16xf32>
          %swap3A_204 = arith.index_cast %scan3A_160 : i32 to index
          %swap3A_205 = arith.constant 48 : index
          %swap3A_206 = tpu.vector_load %arg14[%swap3A_204, %swap3A_205] {strides = array<i32>} : memref<32x128xf32, #tpu.memory_space<vmem>>, vector<16xf32>,
          tpu.vector_store %arg14[%swap3A_204, %swap3A_205], %add3A_203 {strides = array<i32>} : memref<32x128xf32, #tpu.memory_space<vmem>>, vector<16xf32>,
          %get3A_207 = arith.index_cast %scan3A_160 : i32 to index
          %get3A_208 = arith.constant 64 : index
          %get3A_209 = tpu.vector_load %arg14[%get3A_207, %get3A_208] {strides = array<i32>} : memref<32x128xf32, #tpu.memory_space<vmem>>, vector<16xf32>,
          %mul3A_210 = arith.mulf %get3A_209, %gather3A : vector<16xf32>
          %get3A_211 = arith.index_cast %scan3A_160 : i32 to index
          %get3A_212 = arith.constant 64 : index
          %get3A_213 = tpu.vector_load %arg15[%get3A_211, %get3A_212] {strides = array<i32>} : memref<32x128xf32, #tpu.memory_space<vmem>>, vector<16xf32>,
          %add3A_214 = arith.addf %mul3A_210, %get3A_213 : vector<16xf32>
          %swap3A_215 = arith.index_cast %scan3A_160 : i32 to index
          %swap3A_216 = arith.constant 64 : index
          %swap3A_217 = tpu.vector_load %arg14[%swap3A_215, %swap3A_216] {strides = array<i32>} : memref<32x128xf32, #tpu.memory_space<vmem>>, vector<16xf32>,
          tpu.vector_store %arg14[%swap3A_215, %swap3A_216], %add3A_214 {strides = array<i32>} : memref<32x128xf32, #tpu.memory_space<vmem>>, vector<16xf32>,
          %get3A_218 = arith.index_cast %scan3A_160 : i32 to index
          %get3A_219 = arith.constant 80 : index
          %get3A_220 = tpu.vector_load %arg14[%get3A_218, %get3A_219] {strides = array<i32>} : memref<32x128xf32, #tpu.memory_space<vmem>>, vector<16xf32>,
          %mul3A_221 = arith.mulf %get3A_220, %gather3A : vector<16xf32>
          %get3A_222 = arith.index_cast %scan3A_160 : i32 to index
          %get3A_223 = arith.constant 80 : index
          %get3A_224 = tpu.vector_load %arg15[%get3A_222, %get3A_223] {strides = array<i32>} : memref<32x128xf32, #tpu.memory_space<vmem>>, vector<16xf32>,
          %add3A_225 = arith.addf %mul3A_221, %get3A_224 : vector<16xf32>
          %swap3A_226 = arith.index_cast %scan3A_160 : i32 to index
          %swap3A_227 = arith.constant 80 : index
          %swap3A_228 = tpu.vector_load %arg14[%swap3A_226, %swap3A_227] {strides = array<i32>} : memref<32x128xf32, #tpu.memory_space<vmem>>, vector<16xf32>,
          tpu.vector_store %arg14[%swap3A_226, %swap3A_227], %add3A_225 {strides = array<i32>} : memref<32x128xf32, #tpu.memory_space<vmem>>, vector<16xf32>,
          %get3A_229 = arith.index_cast %scan3A_160 : i32 to index
          %get3A_230 = arith.constant 96 : index
          %get3A_231 = tpu.vector_load %arg14[%get3A_229, %get3A_230] {strides = array<i32>} : memref<32x128xf32, #tpu.memory_space<vmem>>, vector<16xf32>,
          %mul3A_232 = arith.mulf %get3A_231, %gather3A : vector<16xf32>
          %get3A_233 = arith.index_cast %scan3A_160 : i32 to index
          %get3A_234 = arith.constant 96 : index
          %get3A_235 = tpu.vector_load %arg15[%get3A_233, %get3A_234] {strides = array<i32>} : memref<32x128xf32, #tpu.memory_space<vmem>>, vector<16xf32>,
          %add3A_236 = arith.addf %mul3A_232, %get3A_235 : vector<16xf32>
          %swap3A_237 = arith.index_cast %scan3A_160 : i32 to index
          %swap3A_238 = arith.constant 96 : index
          %swap3A_239 = tpu.vector_load %arg14[%swap3A_237, %swap3A_238] {strides = array<i32>} : memref<32x128xf32, #tpu.memory_space<vmem>>, vector<16xf32>,
          tpu.vector_store %arg14[%swap3A_237, %swap3A_238], %add3A_236 {strides = array<i32>} : memref<32x128xf32, #tpu.memory_space<vmem>>, vector<16xf32>,
          %get3A_240 = arith.index_cast %scan3A_160 : i32 to index
          %get3A_241 = arith.constant 112 : index
          %get3A_242 = tpu.vector_load %arg14[%get3A_240, %get3A_241] {strides = array<i32>} : memref<32x128xf32, #tpu.memory_space<vmem>>, vector<16xf32>,
          %mul3A_243 = arith.mulf %get3A_242, %gather3A : vector<16xf32>
          %get3A_244 = arith.index_cast %scan3A_160 : i32 to index
          %get3A_245 = arith.constant 112 : index
          %get3A_246 = tpu.vector_load %arg15[%get3A_244, %get3A_245] {strides = array<i32>} : memref<32x128xf32, #tpu.memory_space<vmem>>, vector<16xf32>,
          %add3A_247 = arith.addf %mul3A_243, %get3A_246 : vector<16xf32>
          %swap3A_248 = arith.index_cast %scan3A_160 : i32 to index
          %swap3A_249 = arith.constant 112 : index
          %swap3A_250 = tpu.vector_load %arg14[%swap3A_248, %swap3A_249] {strides = array<i32>} : memref<32x128xf32, #tpu.memory_space<vmem>>, vector<16xf32>,
          tpu.vector_store %arg14[%swap3A_248, %swap3A_249], %add3A_247 {strides = array<i32>} : memref<32x128xf32, #tpu.memory_space<vmem>>, vector<16xf32>,
          %scan3A_251 = arith.constant 0 : i32
          scf.yield %scan3A_251 : i32
        }
        %scan3A_127 = arith.constant 32 : i32
        "tpu.region"() ({
          %run_scoped3A = tpu.sem_alloc : memref<!tpu.dma_semaphore, #tpu.memory_space<semaphore_mem>>
          %dma_start3A_160 = arith.constant 0 : i32
          %dma_start3A_161 = tpu.memref_slice %arg7[%add3A, %add3A_120, %dma_start3A_160] : memref<24x10240x128xf32, #tpu.memory_space<hbm>> -> memref<1x32x128xf32, #tpu.memory_space<hbm>>
          %dma_start3A_162 = tpu.memref_squeeze %dma_start3A_161 : memref<1x32x128xf32, #tpu.memory_space<hbm>> -> memref<32x128xf32, #tpu.memory_space<hbm>>
          %dma_start3A_163 = arith.constant 0 : i32
          %dma_start3A_164 = tpu.memref_slice %arg7[%add3A, %add3A_120, %dma_start3A_163] : memref<24x10240x128xf32, #tpu.memory_space<hbm>> -> memref<1x32x128xf32, #tpu.memory_space<hbm>>
          %dma_start3A_165 = tpu.memref_squeeze %dma_start3A_164 : memref<1x32x128xf32, #tpu.memory_space<hbm>> -> memref<32x128xf32, #tpu.memory_space<hbm>>
          tpu.enqueue_dma source(%arg14 : memref<32x128xf32, #tpu.memory_space<vmem>>) target(%dma_start3A_165 : memref<32x128xf32, #tpu.memory_space<hbm>>) target_semaphore(%run_scoped3A : memref<!tpu.dma_semaphore, #tpu.memory_space<semaphore_mem>>)
          %dma_wait3A_166 = arith.constant 0 : i32
          %dma_wait3A_167 = tpu.memref_slice %arg7[%add3A, %add3A_120, %dma_wait3A_166] : memref<24x10240x128xf32, #tpu.memory_space<hbm>> -> memref<1x32x128xf32, #tpu.memory_space<hbm>>
          %dma_wait3A_168 = tpu.memref_squeeze %dma_wait3A_167 : memref<1x32x128xf32, #tpu.memory_space<hbm>> -> memref<32x128xf32, #tpu.memory_space<hbm>>
          %dma_wait3A_169 = arith.constant 0 : i32
          %dma_wait3A_170 = tpu.memref_slice %arg7[%add3A, %add3A_120, %dma_wait3A_169] : memref<24x10240x128xf32, #tpu.memory_space<hbm>> -> memref<1x32x128xf32, #tpu.memory_space<hbm>>
          %dma_wait3A_171 = tpu.memref_squeeze %dma_wait3A_170 : memref<1x32x128xf32, #tpu.memory_space<hbm>> -> memref<32x128xf32, #tpu.memory_space<hbm>>
          tpu.wait_dma2 semaphore(%run_scoped3A : memref<!tpu.dma_semaphore, #tpu.memory_space<semaphore_mem>>) src(%arg14 : memref<32x128xf32, #tpu.memory_space<vmem>>) dst(%dma_wait3A_171 : memref<32x128xf32, #tpu.memory_space<hbm>>)
          tpu.yield
        }) : () -> ()
        "tpu.region"() ({
          %run_scoped3A = tpu.sem_alloc : memref<!tpu.dma_semaphore, #tpu.memory_space<semaphore_mem>>
          %dma_start3A_160 = arith.constant 0 : i32
          %dma_start3A_161 = tpu.memref_slice %arg8[%add3A_120, %dma_start3A_160] : memref<10240x128xf32, #tpu.memory_space<vmem_shared>> -> memref<32x128xf32, #tpu.memory_space<vmem_shared>>
          %dma_start3A_162 = arith.constant 0 : i32
          %dma_start3A_163 = tpu.memref_slice %arg8[%add3A_120, %dma_start3A_162] : memref<10240x128xf32, #tpu.memory_space<vmem_shared>> -> memref<32x128xf32, #tpu.memory_space<vmem_shared>>
          tpu.enqueue_dma source(%arg18 : memref<32x128xf32, #tpu.memory_space<vmem>>) target(%dma_start3A_163 : memref<32x128xf32, #tpu.memory_space<vmem_shared>>) target_semaphore(%run_scoped3A : memref<!tpu.dma_semaphore, #tpu.memory_space<semaphore_mem>>)
          %dma_wait3A_164 = arith.constant 0 : i32
          %dma_wait3A_165 = tpu.memref_slice %arg8[%add3A_120, %dma_wait3A_164] : memref<10240x128xf32, #tpu.memory_space<vmem_shared>> -> memref<32x128xf32, #tpu.memory_space<vmem_shared>>
          %dma_wait3A_166 = arith.constant 0 : i32
          %dma_wait3A_167 = tpu.memref_slice %arg8[%add3A_120, %dma_wait3A_166] : memref<10240x128xf32, #tpu.memory_space<vmem_shared>> -> memref<32x128xf32, #tpu.memory_space<vmem_shared>>
          tpu.wait_dma2 semaphore(%run_scoped3A : memref<!tpu.dma_semaphore, #tpu.memory_space<semaphore_mem>>) src(%arg18 : memref<32x128xf32, #tpu.memory_space<vmem>>) dst(%dma_wait3A_167 : memref<32x128xf32, #tpu.memory_space<vmem_shared>>)
          tpu.yield
        }) : () -> ()
        %add3A_128 = arith.constant 1 : i32
        %add3A_129 = arith.addi %scan3A_78, %add3A_128 : i32
        %lt3A = arith.constant 10 : i32
        %lt3A_130 = arith.cmpi slt, %add3A_129, %lt3A : i32
        %convert_element_type3A = arith.extui %lt3A_130 : i1 to i32
        %cond3A = arith.constant 0 : i32
        %cond3A_131 = arith.cmpi ne, %convert_element_type3A, %cond3A : i32
        scf.if %cond3A_131 {
          %add3A_160 = arith.constant 2 : i32
          %add3A_161 = arith.addi %mul3A_81, %add3A_160 : i32
          %mul3A_162 = arith.constant 640 : i32
          %mul3A_163 = arith.muli %arg1, %mul3A_162 : i32
          %mul3A_164 = arith.constant 32 : i32
          %mul3A_165 = arith.muli %add3A_161, %mul3A_164 : i32
          %add3A_166 = arith.addi %mul3A_163, %mul3A_165 : i32
          %dma_start3A_167 = arith.constant 0 : i32
          %dma_start3A_168 = tpu.memref_slice %arg8[%add3A_166, %dma_start3A_167] : memref<10240x128xf32, #tpu.memory_space<vmem_shared>> -> memref<32x128xf32, #tpu.memory_space<vmem_shared>>
          %dma_start3A_169 = arith.constant 0 : i32
          %dma_start3A_170 = tpu.memref_slice %arg8[%add3A_166, %dma_start3A_169] : memref<10240x128xf32, #tpu.memory_space<vmem_shared>> -> memref<32x128xf32, #tpu.memory_space<vmem_shared>>
          tpu.enqueue_dma source(%dma_start3A_170 : memref<32x128xf32, #tpu.memory_space<vmem_shared>>) target(%arg14 : memref<32x128xf32, #tpu.memory_space<vmem>>) target_semaphore(%arg21 : memref<!tpu.dma_semaphore, #tpu.memory_space<semaphore_mem>>)
          %dma_start3A_171 = arith.constant 0 : i32
          %dma_start3A_172 = tpu.memref_slice %arg3[%add3A, %add3A_166, %dma_start3A_171] : memref<24x10240x128xf32, #tpu.memory_space<hbm>> -> memref<1x32x128xf32, #tpu.memory_space<hbm>>
          %dma_start3A_173 = tpu.memref_squeeze %dma_start3A_172 : memref<1x32x128xf32, #tpu.memory_space<hbm>> -> memref<32x128xf32, #tpu.memory_space<hbm>>
          %dma_start3A_174 = arith.constant 0 : i32
          %dma_start3A_175 = tpu.memref_slice %arg3[%add3A, %add3A_166, %dma_start3A_174] : memref<24x10240x128xf32, #tpu.memory_space<hbm>> -> memref<1x32x128xf32, #tpu.memory_space<hbm>>
          %dma_start3A_176 = tpu.memref_squeeze %dma_start3A_175 : memref<1x32x128xf32, #tpu.memory_space<hbm>> -> memref<32x128xf32, #tpu.memory_space<hbm>>
          tpu.enqueue_dma source(%dma_start3A_176 : memref<32x128xf32, #tpu.memory_space<hbm>>) target(%arg15 : memref<32x128xf32, #tpu.memory_space<vmem>>) target_semaphore(%arg19 : memref<!tpu.dma_semaphore, #tpu.memory_space<semaphore_mem>>)
        } else {
        }
        %mul3A_132 = arith.constant 640 : i32
        %mul3A_133 = arith.muli %arg1, %mul3A_132 : i32
        %mul3A_134 = arith.constant 32 : i32
        %mul3A_135 = arith.muli %add3A_85, %mul3A_134 : i32
        %add3A_136 = arith.addi %mul3A_133, %mul3A_135 : i32
        %dma_wait3A_137 = arith.constant 0 : i32
        %dma_wait3A_138 = tpu.memref_slice %arg8[%add3A_136, %dma_wait3A_137] : memref<10240x128xf32, #tpu.memory_space<vmem_shared>> -> memref<32x128xf32, #tpu.memory_space<vmem_shared>>
        %dma_wait3A_139 = arith.constant 0 : i32
        %dma_wait3A_140 = tpu.memref_slice %arg8[%add3A_136, %dma_wait3A_139] : memref<10240x128xf32, #tpu.memory_space<vmem_shared>> -> memref<32x128xf32, #tpu.memory_space<vmem_shared>>
        tpu.wait_dma2 semaphore(%arg22 : memref<!tpu.dma_semaphore, #tpu.memory_space<semaphore_mem>>) src(%dma_wait3A_140 : memref<32x128xf32, #tpu.memory_space<vmem_shared>>) dst(%arg16 : memref<32x128xf32, #tpu.memory_space<vmem>>)
        %dma_wait3A_141 = arith.constant 0 : i32
        %dma_wait3A_142 = tpu.memref_slice %arg3[%add3A, %add3A_136, %dma_wait3A_141] : memref<24x10240x128xf32, #tpu.memory_space<hbm>> -> memref<1x32x128xf32, #tpu.memory_space<hbm>>
        %dma_wait3A_143 = tpu.memref_squeeze %dma_wait3A_142 : memref<1x32x128xf32, #tpu.memory_space<hbm>> -> memref<32x128xf32, #tpu.memory_space<hbm>>
        %dma_wait3A_144 = arith.constant 0 : i32
        %dma_wait3A_145 = tpu.memref_slice %arg3[%add3A, %add3A_136, %dma_wait3A_144] : memref<24x10240x128xf32, #tpu.memory_space<hbm>> -> memref<1x32x128xf32, #tpu.memory_space<hbm>>
        %dma_wait3A_146 = tpu.memref_squeeze %dma_wait3A_145 : memref<1x32x128xf32, #tpu.memory_space<hbm>> -> memref<32x128xf32, #tpu.memory_space<hbm>>
        tpu.wait_dma2 semaphore(%arg20 : memref<!tpu.dma_semaphore, #tpu.memory_space<semaphore_mem>>) src(%dma_wait3A_146 : memref<32x128xf32, #tpu.memory_space<hbm>>) dst(%arg17 : memref<32x128xf32, #tpu.memory_space<vmem>>)
        %mul3A_147 = arith.constant 640 : i32
        %mul3A_148 = arith.muli %arg1, %mul3A_147 : i32
        %mul3A_149 = arith.constant 32 : i32
        %mul3A_150 = arith.muli %add3A_85, %mul3A_149 : i32
        %add3A_151 = arith.addi %mul3A_148, %mul3A_150 : i32
        %scan3A_152 = arith.constant 0 : i32
        %scan3A_153 = arith.constant 0 : i32
        %scan3A_154 = arith.constant 32 : i32
        %scan3A_155 = arith.addi %scan3A_153, %scan3A_154 : i32
        %scan3A_156 = arith.constant 1 : i32
        %scan3A_157 = scf.for %scan3A_160 = %scan3A_153 to %scan3A_155 step %scan3A_156 iter_args(%scan3A_161 = %scan3A_152) -> (i32)  : i32 {
          %mul3A_162 = arith.constant 32 : i32
          %mul3A_163 = arith.muli %add3A_85, %mul3A_162 : i32
          %add3A_164 = arith.addi %mul3A_163, %scan3A_160 : i32
          %broadcast_in_dim3A = vector.broadcast %add3A_164 : i32 to vector<16xi32>
          %gather3A = tpu.vector_load_idx %arg13[%broadcast_in_dim3A] : memref<640xf32, #tpu.memory_space<vmem>>[vector<16xi32>], vector<16xf32>,
          %get3A = arith.index_cast %scan3A_160 : i32 to index
          %get3A_165 = arith.constant 0 : index
          %get3A_166 = tpu.vector_load %arg16[%get3A, %get3A_165] {strides = array<i32>} : memref<32x128xf32, #tpu.memory_space<vmem>>, vector<16xf32>,
          %mul3A_167 = arith.mulf %get3A_166, %gather3A : vector<16xf32>
          %get3A_168 = arith.index_cast %scan3A_160 : i32 to index
          %get3A_169 = arith.constant 0 : index
          %get3A_170 = tpu.vector_load %arg17[%get3A_168, %get3A_169] {strides = array<i32>} : memref<32x128xf32, #tpu.memory_space<vmem>>, vector<16xf32>,
          %add3A_171 = arith.addf %mul3A_167, %get3A_170 : vector<16xf32>
          %swap3A = arith.index_cast %scan3A_160 : i32 to index
          %swap3A_172 = arith.constant 0 : index
          %swap3A_173 = tpu.vector_load %arg16[%swap3A, %swap3A_172] {strides = array<i32>} : memref<32x128xf32, #tpu.memory_space<vmem>>, vector<16xf32>,
          tpu.vector_store %arg16[%swap3A, %swap3A_172], %add3A_171 {strides = array<i32>} : memref<32x128xf32, #tpu.memory_space<vmem>>, vector<16xf32>,
          %get3A_174 = arith.index_cast %scan3A_160 : i32 to index
          %get3A_175 = arith.constant 16 : index
          %get3A_176 = tpu.vector_load %arg16[%get3A_174, %get3A_175] {strides = array<i32>} : memref<32x128xf32, #tpu.memory_space<vmem>>, vector<16xf32>,
          %mul3A_177 = arith.mulf %get3A_176, %gather3A : vector<16xf32>
          %get3A_178 = arith.index_cast %scan3A_160 : i32 to index
          %get3A_179 = arith.constant 16 : index
          %get3A_180 = tpu.vector_load %arg17[%get3A_178, %get3A_179] {strides = array<i32>} : memref<32x128xf32, #tpu.memory_space<vmem>>, vector<16xf32>,
          %add3A_181 = arith.addf %mul3A_177, %get3A_180 : vector<16xf32>
          %swap3A_182 = arith.index_cast %scan3A_160 : i32 to index
          %swap3A_183 = arith.constant 16 : index
          %swap3A_184 = tpu.vector_load %arg16[%swap3A_182, %swap3A_183] {strides = array<i32>} : memref<32x128xf32, #tpu.memory_space<vmem>>, vector<16xf32>,
          tpu.vector_store %arg16[%swap3A_182, %swap3A_183], %add3A_181 {strides = array<i32>} : memref<32x128xf32, #tpu.memory_space<vmem>>, vector<16xf32>,
          %get3A_185 = arith.index_cast %scan3A_160 : i32 to index
          %get3A_186 = arith.constant 32 : index
          %get3A_187 = tpu.vector_load %arg16[%get3A_185, %get3A_186] {strides = array<i32>} : memref<32x128xf32, #tpu.memory_space<vmem>>, vector<16xf32>,
          %mul3A_188 = arith.mulf %get3A_187, %gather3A : vector<16xf32>
          %get3A_189 = arith.index_cast %scan3A_160 : i32 to index
          %get3A_190 = arith.constant 32 : index
          %get3A_191 = tpu.vector_load %arg17[%get3A_189, %get3A_190] {strides = array<i32>} : memref<32x128xf32, #tpu.memory_space<vmem>>, vector<16xf32>,
          %add3A_192 = arith.addf %mul3A_188, %get3A_191 : vector<16xf32>
          %swap3A_193 = arith.index_cast %scan3A_160 : i32 to index
          %swap3A_194 = arith.constant 32 : index
          %swap3A_195 = tpu.vector_load %arg16[%swap3A_193, %swap3A_194] {strides = array<i32>} : memref<32x128xf32, #tpu.memory_space<vmem>>, vector<16xf32>,
          tpu.vector_store %arg16[%swap3A_193, %swap3A_194], %add3A_192 {strides = array<i32>} : memref<32x128xf32, #tpu.memory_space<vmem>>, vector<16xf32>,
          %get3A_196 = arith.index_cast %scan3A_160 : i32 to index
          %get3A_197 = arith.constant 48 : index
          %get3A_198 = tpu.vector_load %arg16[%get3A_196, %get3A_197] {strides = array<i32>} : memref<32x128xf32, #tpu.memory_space<vmem>>, vector<16xf32>,
          %mul3A_199 = arith.mulf %get3A_198, %gather3A : vector<16xf32>
          %get3A_200 = arith.index_cast %scan3A_160 : i32 to index
          %get3A_201 = arith.constant 48 : index
          %get3A_202 = tpu.vector_load %arg17[%get3A_200, %get3A_201] {strides = array<i32>} : memref<32x128xf32, #tpu.memory_space<vmem>>, vector<16xf32>,
          %add3A_203 = arith.addf %mul3A_199, %get3A_202 : vector<16xf32>
          %swap3A_204 = arith.index_cast %scan3A_160 : i32 to index
          %swap3A_205 = arith.constant 48 : index
          %swap3A_206 = tpu.vector_load %arg16[%swap3A_204, %swap3A_205] {strides = array<i32>} : memref<32x128xf32, #tpu.memory_space<vmem>>, vector<16xf32>,
          tpu.vector_store %arg16[%swap3A_204, %swap3A_205], %add3A_203 {strides = array<i32>} : memref<32x128xf32, #tpu.memory_space<vmem>>, vector<16xf32>,
          %get3A_207 = arith.index_cast %scan3A_160 : i32 to index
          %get3A_208 = arith.constant 64 : index
          %get3A_209 = tpu.vector_load %arg16[%get3A_207, %get3A_208] {strides = array<i32>} : memref<32x128xf32, #tpu.memory_space<vmem>>, vector<16xf32>,
          %mul3A_210 = arith.mulf %get3A_209, %gather3A : vector<16xf32>
          %get3A_211 = arith.index_cast %scan3A_160 : i32 to index
          %get3A_212 = arith.constant 64 : index
          %get3A_213 = tpu.vector_load %arg17[%get3A_211, %get3A_212] {strides = array<i32>} : memref<32x128xf32, #tpu.memory_space<vmem>>, vector<16xf32>,
          %add3A_214 = arith.addf %mul3A_210, %get3A_213 : vector<16xf32>
          %swap3A_215 = arith.index_cast %scan3A_160 : i32 to index
          %swap3A_216 = arith.constant 64 : index
          %swap3A_217 = tpu.vector_load %arg16[%swap3A_215, %swap3A_216] {strides = array<i32>} : memref<32x128xf32, #tpu.memory_space<vmem>>, vector<16xf32>,
          tpu.vector_store %arg16[%swap3A_215, %swap3A_216], %add3A_214 {strides = array<i32>} : memref<32x128xf32, #tpu.memory_space<vmem>>, vector<16xf32>,
          %get3A_218 = arith.index_cast %scan3A_160 : i32 to index
          %get3A_219 = arith.constant 80 : index
          %get3A_220 = tpu.vector_load %arg16[%get3A_218, %get3A_219] {strides = array<i32>} : memref<32x128xf32, #tpu.memory_space<vmem>>, vector<16xf32>,
          %mul3A_221 = arith.mulf %get3A_220, %gather3A : vector<16xf32>
          %get3A_222 = arith.index_cast %scan3A_160 : i32 to index
          %get3A_223 = arith.constant 80 : index
          %get3A_224 = tpu.vector_load %arg17[%get3A_222, %get3A_223] {strides = array<i32>} : memref<32x128xf32, #tpu.memory_space<vmem>>, vector<16xf32>,
          %add3A_225 = arith.addf %mul3A_221, %get3A_224 : vector<16xf32>
          %swap3A_226 = arith.index_cast %scan3A_160 : i32 to index
          %swap3A_227 = arith.constant 80 : index
          %swap3A_228 = tpu.vector_load %arg16[%swap3A_226, %swap3A_227] {strides = array<i32>} : memref<32x128xf32, #tpu.memory_space<vmem>>, vector<16xf32>,
          tpu.vector_store %arg16[%swap3A_226, %swap3A_227], %add3A_225 {strides = array<i32>} : memref<32x128xf32, #tpu.memory_space<vmem>>, vector<16xf32>,
          %get3A_229 = arith.index_cast %scan3A_160 : i32 to index
          %get3A_230 = arith.constant 96 : index
          %get3A_231 = tpu.vector_load %arg16[%get3A_229, %get3A_230] {strides = array<i32>} : memref<32x128xf32, #tpu.memory_space<vmem>>, vector<16xf32>,
          %mul3A_232 = arith.mulf %get3A_231, %gather3A : vector<16xf32>
          %get3A_233 = arith.index_cast %scan3A_160 : i32 to index
          %get3A_234 = arith.constant 96 : index
          %get3A_235 = tpu.vector_load %arg17[%get3A_233, %get3A_234] {strides = array<i32>} : memref<32x128xf32, #tpu.memory_space<vmem>>, vector<16xf32>,
          %add3A_236 = arith.addf %mul3A_232, %get3A_235 : vector<16xf32>
          %swap3A_237 = arith.index_cast %scan3A_160 : i32 to index
          %swap3A_238 = arith.constant 96 : index
          %swap3A_239 = tpu.vector_load %arg16[%swap3A_237, %swap3A_238] {strides = array<i32>} : memref<32x128xf32, #tpu.memory_space<vmem>>, vector<16xf32>,
          tpu.vector_store %arg16[%swap3A_237, %swap3A_238], %add3A_236 {strides = array<i32>} : memref<32x128xf32, #tpu.memory_space<vmem>>, vector<16xf32>,
          %get3A_240 = arith.index_cast %scan3A_160 : i32 to index
          %get3A_241 = arith.constant 112 : index
          %get3A_242 = tpu.vector_load %arg16[%get3A_240, %get3A_241] {strides = array<i32>} : memref<32x128xf32, #tpu.memory_space<vmem>>, vector<16xf32>,
          %mul3A_243 = arith.mulf %get3A_242, %gather3A : vector<16xf32>
          %get3A_244 = arith.index_cast %scan3A_160 : i32 to index
          %get3A_245 = arith.constant 112 : index
          %get3A_246 = tpu.vector_load %arg17[%get3A_244, %get3A_245] {strides = array<i32>} : memref<32x128xf32, #tpu.memory_space<vmem>>, vector<16xf32>,
          %add3A_247 = arith.addf %mul3A_243, %get3A_246 : vector<16xf32>
          %swap3A_248 = arith.index_cast %scan3A_160 : i32 to index
          %swap3A_249 = arith.constant 112 : index
          %swap3A_250 = tpu.vector_load %arg16[%swap3A_248, %swap3A_249] {strides = array<i32>} : memref<32x128xf32, #tpu.memory_space<vmem>>, vector<16xf32>,
          tpu.vector_store %arg16[%swap3A_248, %swap3A_249], %add3A_247 {strides = array<i32>} : memref<32x128xf32, #tpu.memory_space<vmem>>, vector<16xf32>,
          %scan3A_251 = arith.constant 0 : i32
          scf.yield %scan3A_251 : i32
        }
        %scan3A_158 = arith.constant 32 : i32
        "tpu.region"() ({
          %run_scoped3A = tpu.sem_alloc : memref<!tpu.dma_semaphore, #tpu.memory_space<semaphore_mem>>
          %dma_start3A_160 = arith.constant 0 : i32
          %dma_start3A_161 = tpu.memref_slice %arg7[%add3A, %add3A_151, %dma_start3A_160] : memref<24x10240x128xf32, #tpu.memory_space<hbm>> -> memref<1x32x128xf32, #tpu.memory_space<hbm>>
          %dma_start3A_162 = tpu.memref_squeeze %dma_start3A_161 : memref<1x32x128xf32, #tpu.memory_space<hbm>> -> memref<32x128xf32, #tpu.memory_space<hbm>>
          %dma_start3A_163 = arith.constant 0 : i32
          %dma_start3A_164 = tpu.memref_slice %arg7[%add3A, %add3A_151, %dma_start3A_163] : memref<24x10240x128xf32, #tpu.memory_space<hbm>> -> memref<1x32x128xf32, #tpu.memory_space<hbm>>
          %dma_start3A_165 = tpu.memref_squeeze %dma_start3A_164 : memref<1x32x128xf32, #tpu.memory_space<hbm>> -> memref<32x128xf32, #tpu.memory_space<hbm>>
          tpu.enqueue_dma source(%arg16 : memref<32x128xf32, #tpu.memory_space<vmem>>) target(%dma_start3A_165 : memref<32x128xf32, #tpu.memory_space<hbm>>) target_semaphore(%run_scoped3A : memref<!tpu.dma_semaphore, #tpu.memory_space<semaphore_mem>>)
          %dma_wait3A_166 = arith.constant 0 : i32
          %dma_wait3A_167 = tpu.memref_slice %arg7[%add3A, %add3A_151, %dma_wait3A_166] : memref<24x10240x128xf32, #tpu.memory_space<hbm>> -> memref<1x32x128xf32, #tpu.memory_space<hbm>>
          %dma_wait3A_168 = tpu.memref_squeeze %dma_wait3A_167 : memref<1x32x128xf32, #tpu.memory_space<hbm>> -> memref<32x128xf32, #tpu.memory_space<hbm>>
          %dma_wait3A_169 = arith.constant 0 : i32
          %dma_wait3A_170 = tpu.memref_slice %arg7[%add3A, %add3A_151, %dma_wait3A_169] : memref<24x10240x128xf32, #tpu.memory_space<hbm>> -> memref<1x32x128xf32, #tpu.memory_space<hbm>>
          %dma_wait3A_171 = tpu.memref_squeeze %dma_wait3A_170 : memref<1x32x128xf32, #tpu.memory_space<hbm>> -> memref<32x128xf32, #tpu.memory_space<hbm>>
          tpu.wait_dma2 semaphore(%run_scoped3A : memref<!tpu.dma_semaphore, #tpu.memory_space<semaphore_mem>>) src(%arg16 : memref<32x128xf32, #tpu.memory_space<vmem>>) dst(%dma_wait3A_171 : memref<32x128xf32, #tpu.memory_space<hbm>>)
          tpu.yield
        }) : () -> ()
        "tpu.region"() ({
          %run_scoped3A = tpu.sem_alloc : memref<!tpu.dma_semaphore, #tpu.memory_space<semaphore_mem>>
          %dma_start3A_160 = arith.constant 0 : i32
          %dma_start3A_161 = tpu.memref_slice %arg8[%add3A_151, %dma_start3A_160] : memref<10240x128xf32, #tpu.memory_space<vmem_shared>> -> memref<32x128xf32, #tpu.memory_space<vmem_shared>>
          %dma_start3A_162 = arith.constant 0 : i32
          %dma_start3A_163 = tpu.memref_slice %arg8[%add3A_151, %dma_start3A_162] : memref<10240x128xf32, #tpu.memory_space<vmem_shared>> -> memref<32x128xf32, #tpu.memory_space<vmem_shared>>
          tpu.enqueue_dma source(%arg18 : memref<32x128xf32, #tpu.memory_space<vmem>>) target(%dma_start3A_163 : memref<32x128xf32, #tpu.memory_space<vmem_shared>>) target_semaphore(%run_scoped3A : memref<!tpu.dma_semaphore, #tpu.memory_space<semaphore_mem>>)
          %dma_wait3A_164 = arith.constant 0 : i32
          %dma_wait3A_165 = tpu.memref_slice %arg8[%add3A_151, %dma_wait3A_164] : memref<10240x128xf32, #tpu.memory_space<vmem_shared>> -> memref<32x128xf32, #tpu.memory_space<vmem_shared>>
          %dma_wait3A_166 = arith.constant 0 : i32
          %dma_wait3A_167 = tpu.memref_slice %arg8[%add3A_151, %dma_wait3A_166] : memref<10240x128xf32, #tpu.memory_space<vmem_shared>> -> memref<32x128xf32, #tpu.memory_space<vmem_shared>>
          tpu.wait_dma2 semaphore(%run_scoped3A : memref<!tpu.dma_semaphore, #tpu.memory_space<semaphore_mem>>) src(%arg18 : memref<32x128xf32, #tpu.memory_space<vmem>>) dst(%dma_wait3A_167 : memref<32x128xf32, #tpu.memory_space<vmem_shared>>)
          tpu.yield
        }) : () -> ()
        %scan3A_159 = arith.constant 0 : i32
        scf.yield %scan3A_159 : i32
      }
      %scan3A_76 = arith.constant 10 : i32
      %scan3A_77 = arith.constant 0 : i32
      scf.yield %scan3A_77 : i32
    }
    %scan3A_20 = arith.constant 12 : i32
    return
  }
}

#map = affine_map<(d0, d1) -> (0, 0, 0)>
#map1 = affine_map<(d0, d1) -> (0)>
module attributes {stable_mosaic.version = 14 : i64} {
  func.func @_k1_body(%arg0: i32, %arg1: i32, %arg2: memref<16x40x64xi32, #tpu.memory_space<hbm>>, %arg3: memref<10240xf32, #tpu.memory_space<hbm>>, %arg4: memref<10240xf32, #tpu.memory_space<vmem_shared>>, %arg5: memref<40x64xi32, #tpu.memory_space<vmem>>, %arg6: memref<64xf32, #tpu.memory_space<vmem>>, %arg7: memref<640xf32, #tpu.memory_space<vmem>>, %arg8: memref<640xf32, #tpu.memory_space<vmem>>) attributes {dimension_semantics = [#tpu.dimension_semantics<core_parallel>, #tpu.dimension_semantics<subcore_parallel>], iteration_bounds = array<i64: 2, 16>, scalar_prefetch = 0 : i64, scratch_operands = 5 : i64, tpu.core_type = #tpu.core_type<sc_vector_subcore>, window_params = [{transform_indices = #map}, {transform_indices = #map1}]} {
    "tpu.region"() ({
      %run_scoped3A = tpu.sem_alloc : memref<!tpu.dma_semaphore, #tpu.memory_space<semaphore_mem>>
      %dma_start3A = arith.constant 0 : i32
      %dma_start3A_24 = arith.constant 0 : i32
      %dma_start3A_25 = tpu.memref_slice %arg2[%arg1, %dma_start3A, %dma_start3A_24] : memref<16x40x64xi32, #tpu.memory_space<hbm>> -> memref<1x40x64xi32, #tpu.memory_space<hbm>>
      %dma_start3A_26 = tpu.memref_squeeze %dma_start3A_25 : memref<1x40x64xi32, #tpu.memory_space<hbm>> -> memref<40x64xi32, #tpu.memory_space<hbm>>
      %dma_start3A_27 = arith.constant 0 : i32
      %dma_start3A_28 = arith.constant 0 : i32
      %dma_start3A_29 = tpu.memref_slice %arg2[%arg1, %dma_start3A_27, %dma_start3A_28] : memref<16x40x64xi32, #tpu.memory_space<hbm>> -> memref<1x40x64xi32, #tpu.memory_space<hbm>>
      %dma_start3A_30 = tpu.memref_squeeze %dma_start3A_29 : memref<1x40x64xi32, #tpu.memory_space<hbm>> -> memref<40x64xi32, #tpu.memory_space<hbm>>
      tpu.enqueue_dma source(%dma_start3A_30 : memref<40x64xi32, #tpu.memory_space<hbm>>) target(%arg5 : memref<40x64xi32, #tpu.memory_space<vmem>>) target_semaphore(%run_scoped3A : memref<!tpu.dma_semaphore, #tpu.memory_space<semaphore_mem>>)
      %dma_wait3A = arith.constant 0 : i32
      %dma_wait3A_31 = arith.constant 0 : i32
      %dma_wait3A_32 = tpu.memref_slice %arg2[%arg1, %dma_wait3A, %dma_wait3A_31] : memref<16x40x64xi32, #tpu.memory_space<hbm>> -> memref<1x40x64xi32, #tpu.memory_space<hbm>>
      %dma_wait3A_33 = tpu.memref_squeeze %dma_wait3A_32 : memref<1x40x64xi32, #tpu.memory_space<hbm>> -> memref<40x64xi32, #tpu.memory_space<hbm>>
      %dma_wait3A_34 = arith.constant 0 : i32
      %dma_wait3A_35 = arith.constant 0 : i32
      %dma_wait3A_36 = tpu.memref_slice %arg2[%arg1, %dma_wait3A_34, %dma_wait3A_35] : memref<16x40x64xi32, #tpu.memory_space<hbm>> -> memref<1x40x64xi32, #tpu.memory_space<hbm>>
      %dma_wait3A_37 = tpu.memref_squeeze %dma_wait3A_36 : memref<1x40x64xi32, #tpu.memory_space<hbm>> -> memref<40x64xi32, #tpu.memory_space<hbm>>
      tpu.wait_dma2 semaphore(%run_scoped3A : memref<!tpu.dma_semaphore, #tpu.memory_space<semaphore_mem>>) src(%dma_wait3A_37 : memref<40x64xi32, #tpu.memory_space<hbm>>) dst(%arg5 : memref<40x64xi32, #tpu.memory_space<vmem>>)
      tpu.yield
    }) : () -> ()
    %scan3A = arith.constant 0 : i32
    %scan3A_0 = arith.constant 0 : i32
    %scan3A_1 = arith.constant 4 : i32
    %scan3A_2 = arith.addi %scan3A_0, %scan3A_1 : i32
    %scan3A_3 = arith.constant 1 : i32
    %scan3A_4 = scf.for %scan3A_24 = %scan3A_0 to %scan3A_2 step %scan3A_3 iter_args(%scan3A_25 = %scan3A) -> (i32)  : i32 {
      %broadcast_in_dim3A = arith.constant 1.000000e+00 : f32
      %broadcast_in_dim3A_26 = vector.broadcast %broadcast_in_dim3A : f32 to vector<16xf32>
      %mul3A_27 = arith.constant 16 : i32
      %mul3A_28 = arith.muli %scan3A_24, %mul3A_27 : i32
      %swap3A = arith.index_cast %mul3A_28 : i32 to index
      %swap3A_29 = tpu.vector_load %arg6[%swap3A] {strides = array<i32>} : memref<64xf32, #tpu.memory_space<vmem>>, vector<16xf32>,
      tpu.vector_store %arg6[%swap3A], %broadcast_in_dim3A_26 {strides = array<i32>} : memref<64xf32, #tpu.memory_space<vmem>>, vector<16xf32>,
      %scan3A_30 = arith.constant 0 : i32
      scf.yield %scan3A_30 : i32
    }
    %scan3A_5 = arith.constant 4 : i32
    %scan3A_6 = arith.constant 0 : i32
    %scan3A_7 = arith.constant 0 : i32
    %scan3A_8 = arith.constant 40 : i32
    %scan3A_9 = arith.addi %scan3A_7, %scan3A_8 : i32
    %scan3A_10 = arith.constant 1 : i32
    %scan3A_11 = scf.for %scan3A_24 = %scan3A_7 to %scan3A_9 step %scan3A_10 iter_args(%scan3A_25 = %scan3A_6) -> (i32)  : i32 {
      %broadcast_in_dim3A = arith.constant 0.000000e+00 : f32
      %broadcast_in_dim3A_26 = vector.broadcast %broadcast_in_dim3A : f32 to vector<16xf32>
      %mul3A_27 = arith.constant 16 : i32
      %mul3A_28 = arith.muli %scan3A_24, %mul3A_27 : i32
      %swap3A = arith.index_cast %mul3A_28 : i32 to index
      %swap3A_29 = tpu.vector_load %arg7[%swap3A] {strides = array<i32>} : memref<640xf32, #tpu.memory_space<vmem>>, vector<16xf32>,
      tpu.vector_store %arg7[%swap3A], %broadcast_in_dim3A_26 {strides = array<i32>} : memref<640xf32, #tpu.memory_space<vmem>>, vector<16xf32>,
      %scan3A_30 = arith.constant 0 : i32
      scf.yield %scan3A_30 : i32
    }
    %scan3A_12 = arith.constant 40 : i32
    %mul3A = arith.constant 640 : i32
    %mul3A_13 = arith.muli %arg1, %mul3A : i32
    "tpu.region"() ({
      %run_scoped3A = tpu.sem_alloc : memref<!tpu.dma_semaphore, #tpu.memory_space<semaphore_mem>>
      %dma_start3A = tpu.memref_slice %arg4[%mul3A_13] : memref<10240xf32, #tpu.memory_space<vmem_shared>> -> memref<640xf32, #tpu.memory_space<vmem_shared>>
      %dma_start3A_24 = tpu.memref_slice %arg4[%mul3A_13] : memref<10240xf32, #tpu.memory_space<vmem_shared>> -> memref<640xf32, #tpu.memory_space<vmem_shared>>
      tpu.enqueue_dma source(%arg7 : memref<640xf32, #tpu.memory_space<vmem>>) target(%dma_start3A_24 : memref<640xf32, #tpu.memory_space<vmem_shared>>) target_semaphore(%run_scoped3A : memref<!tpu.dma_semaphore, #tpu.memory_space<semaphore_mem>>)
      %dma_wait3A = tpu.memref_slice %arg4[%mul3A_13] : memref<10240xf32, #tpu.memory_space<vmem_shared>> -> memref<640xf32, #tpu.memory_space<vmem_shared>>
      %dma_wait3A_25 = tpu.memref_slice %arg4[%mul3A_13] : memref<10240xf32, #tpu.memory_space<vmem_shared>> -> memref<640xf32, #tpu.memory_space<vmem_shared>>
      tpu.wait_dma2 semaphore(%run_scoped3A : memref<!tpu.dma_semaphore, #tpu.memory_space<semaphore_mem>>) src(%arg7 : memref<640xf32, #tpu.memory_space<vmem>>) dst(%dma_wait3A_25 : memref<640xf32, #tpu.memory_space<vmem_shared>>)
      tpu.yield
    }) : () -> ()
    %barrier3A = arith.constant 0 : index
    tpu.barrier barrier_id(%barrier3A)
    %scan3A_14 = arith.constant 0 : i32
    %scan3A_15 = arith.constant 0 : i32
    %scan3A_16 = arith.constant 40 : i32
    %scan3A_17 = arith.addi %scan3A_15, %scan3A_16 : i32
    %scan3A_18 = arith.constant 1 : i32
    %scan3A_19 = scf.for %scan3A_24 = %scan3A_15 to %scan3A_17 step %scan3A_18 iter_args(%scan3A_25 = %scan3A_14) -> (i32)  : i32 {
      "tpu.region"() ({
        %run_scoped3A = tpu.sem_alloc : memref<!tpu.dma_semaphore, #tpu.memory_space<semaphore_mem>>
        %dma_start3A = arith.constant 0 : i32
        %dma_start3A_27 = tpu.memref_slice %arg5[%scan3A_24, %dma_start3A] : memref<40x64xi32, #tpu.memory_space<vmem>> -> memref<1x64xi32, #tpu.memory_space<vmem>>
        %dma_start3A_28 = tpu.memref_squeeze %dma_start3A_27 : memref<1x64xi32, #tpu.memory_space<vmem>> -> memref<64xi32, #tpu.memory_space<vmem>>
        %dma_start3A_29 = arith.constant 0 : i32
        %dma_start3A_30 = tpu.memref_slice %arg4[%dma_start3A_29] : memref<10240xf32, #tpu.memory_space<vmem_shared>> -> memref<10240xf32, #tpu.memory_space<vmem_shared>>
        tpu.enqueue_indirect_dma source(%arg6 : memref<64xf32, #tpu.memory_space<vmem>>) target(%dma_start3A_30 : memref<10240xf32, #tpu.memory_space<vmem_shared>>) offsets(%dma_start3A_28 : memref<64xi32, #tpu.memory_space<vmem>>) semaphore(%run_scoped3A : memref<!tpu.dma_semaphore, #tpu.memory_space<semaphore_mem>>) {add = true}
        %dma_wait3A = arith.constant 0 : i32
        %dma_wait3A_31 = tpu.memref_slice %arg5[%scan3A_24, %dma_wait3A] : memref<40x64xi32, #tpu.memory_space<vmem>> -> memref<1x64xi32, #tpu.memory_space<vmem>>
        %dma_wait3A_32 = tpu.memref_squeeze %dma_wait3A_31 : memref<1x64xi32, #tpu.memory_space<vmem>> -> memref<64xi32, #tpu.memory_space<vmem>>
        %dma_wait3A_33 = arith.constant 0 : i32
        %dma_wait3A_34 = tpu.memref_slice %arg4[%dma_wait3A_33] : memref<10240xf32, #tpu.memory_space<vmem_shared>> -> memref<10240xf32, #tpu.memory_space<vmem_shared>>
        tpu.wait_indirect_dma semaphore(%run_scoped3A : memref<!tpu.dma_semaphore, #tpu.memory_space<semaphore_mem>>) src(%arg6 : memref<64xf32, #tpu.memory_space<vmem>>) dst(%dma_wait3A_34 : memref<10240xf32, #tpu.memory_space<vmem_shared>>)
        tpu.yield
      }) : () -> ()
      %scan3A_26 = arith.constant 0 : i32
      scf.yield %scan3A_26 : i32
    }
    %scan3A_20 = arith.constant 40 : i32
    %barrier3A_21 = arith.constant 0 : index
    tpu.barrier barrier_id(%barrier3A_21)
    %eq3A = arith.constant 0 : i32
    %eq3A_22 = arith.cmpi eq, %arg0, %eq3A : i32
    %convert_element_type3A = arith.extui %eq3A_22 : i1 to i32
    %cond3A = arith.constant 0 : i32
    %cond3A_23 = arith.cmpi ne, %convert_element_type3A, %cond3A : i32
    scf.if %cond3A_23 {
      %mul3A_24 = arith.constant 640 : i32
      %mul3A_25 = arith.muli %arg1, %mul3A_24 : i32
      "tpu.region"() ({
        %run_scoped3A = tpu.sem_alloc : memref<!tpu.dma_semaphore, #tpu.memory_space<semaphore_mem>>
        %dma_start3A = tpu.memref_slice %arg4[%mul3A_25] : memref<10240xf32, #tpu.memory_space<vmem_shared>> -> memref<640xf32, #tpu.memory_space<vmem_shared>>
        %dma_start3A_35 = tpu.memref_slice %arg4[%mul3A_25] : memref<10240xf32, #tpu.memory_space<vmem_shared>> -> memref<640xf32, #tpu.memory_space<vmem_shared>>
        tpu.enqueue_dma source(%dma_start3A_35 : memref<640xf32, #tpu.memory_space<vmem_shared>>) target(%arg8 : memref<640xf32, #tpu.memory_space<vmem>>) target_semaphore(%run_scoped3A : memref<!tpu.dma_semaphore, #tpu.memory_space<semaphore_mem>>)
        %dma_wait3A = tpu.memref_slice %arg4[%mul3A_25] : memref<10240xf32, #tpu.memory_space<vmem_shared>> -> memref<640xf32, #tpu.memory_space<vmem_shared>>
        %dma_wait3A_36 = tpu.memref_slice %arg4[%mul3A_25] : memref<10240xf32, #tpu.memory_space<vmem_shared>> -> memref<640xf32, #tpu.memory_space<vmem_shared>>
        tpu.wait_dma2 semaphore(%run_scoped3A : memref<!tpu.dma_semaphore, #tpu.memory_space<semaphore_mem>>) src(%dma_wait3A_36 : memref<640xf32, #tpu.memory_space<vmem_shared>>) dst(%arg8 : memref<640xf32, #tpu.memory_space<vmem>>)
        tpu.yield
      }) : () -> ()
      %scan3A_26 = arith.constant 0 : i32
      %scan3A_27 = arith.constant 0 : i32
      %scan3A_28 = arith.constant 40 : i32
      %scan3A_29 = arith.addi %scan3A_27, %scan3A_28 : i32
      %scan3A_30 = arith.constant 1 : i32
      %scan3A_31 = scf.for %scan3A_35 = %scan3A_27 to %scan3A_29 step %scan3A_30 iter_args(%scan3A_36 = %scan3A_26) -> (i32)  : i32 {
        %mul3A_37 = arith.constant 16 : i32
        %mul3A_38 = arith.muli %scan3A_35, %mul3A_37 : i32
        %get3A = arith.index_cast %mul3A_38 : i32 to index
        %get3A_39 = tpu.vector_load %arg8[%get3A] {strides = array<i32>} : memref<640xf32, #tpu.memory_space<vmem>>, vector<16xf32>,
        %add3A = arith.constant 1.000000e+00 : f32
        %add3A_40 = vector.broadcast %add3A : f32 to vector<16xf32>
        %add3A_41 = arith.addf %get3A_39, %add3A_40 : vector<16xf32>
        %mul3A_42 = arith.constant 16 : i32
        %mul3A_43 = arith.muli %scan3A_35, %mul3A_42 : i32
        %swap3A = arith.index_cast %mul3A_43 : i32 to index
        %swap3A_44 = tpu.vector_load %arg8[%swap3A] {strides = array<i32>} : memref<640xf32, #tpu.memory_space<vmem>>, vector<16xf32>,
        tpu.vector_store %arg8[%swap3A], %add3A_41 {strides = array<i32>} : memref<640xf32, #tpu.memory_space<vmem>>, vector<16xf32>,
        %scan3A_45 = arith.constant 0 : i32
        scf.yield %scan3A_45 : i32
      }
      %scan3A_32 = arith.constant 40 : i32
      %mul3A_33 = arith.constant 640 : i32
      %mul3A_34 = arith.muli %arg1, %mul3A_33 : i32
      "tpu.region"() ({
        %run_scoped3A = tpu.sem_alloc : memref<!tpu.dma_semaphore, #tpu.memory_space<semaphore_mem>>
        %dma_start3A = tpu.memref_slice %arg3[%mul3A_34] : memref<10240xf32, #tpu.memory_space<hbm>> -> memref<640xf32, #tpu.memory_space<hbm>>
        %dma_start3A_35 = tpu.memref_slice %arg3[%mul3A_34] : memref<10240xf32, #tpu.memory_space<hbm>> -> memref<640xf32, #tpu.memory_space<hbm>>
        tpu.enqueue_dma source(%arg8 : memref<640xf32, #tpu.memory_space<vmem>>) target(%dma_start3A_35 : memref<640xf32, #tpu.memory_space<hbm>>) target_semaphore(%run_scoped3A : memref<!tpu.dma_semaphore, #tpu.memory_space<semaphore_mem>>)
        %dma_wait3A = tpu.memref_slice %arg3[%mul3A_34] : memref<10240xf32, #tpu.memory_space<hbm>> -> memref<640xf32, #tpu.memory_space<hbm>>
        %dma_wait3A_36 = tpu.memref_slice %arg3[%mul3A_34] : memref<10240xf32, #tpu.memory_space<hbm>> -> memref<640xf32, #tpu.memory_space<hbm>>
        tpu.wait_dma2 semaphore(%run_scoped3A : memref<!tpu.dma_semaphore, #tpu.memory_space<semaphore_mem>>) src(%arg8 : memref<640xf32, #tpu.memory_space<vmem>>) dst(%dma_wait3A_36 : memref<640xf32, #tpu.memory_space<hbm>>)
        tpu.yield
      }) : () -> ()
    } else {
    }
    return
  }
}

module attributes {stable_mosaic.version = 14 : i64} {
  func.func @_degpost_body(%arg0: memref<80x128xf32, #tpu.memory_space<vmem>>, %arg1: memref<80x128xf32, #tpu.memory_space<vmem>>, %arg2: memref<80x128xf32, #tpu.memory_space<vmem>>) attributes {dimension_semantics = [], scalar_prefetch = 0 : i64, scratch_operands = 0 : i64, tpu.core_type = #tpu.core_type<tc>} {
    %get3A = arith.constant 0 : index
    %get3A_0 = arith.constant 0 : index
    %get3A_1 = vector.load %arg0[%get3A, %get3A_0] : memref<80x128xf32, #tpu.memory_space<vmem>>, vector<80x128xf32>
    %iota3A = tpu.iota {dimensions = array<i32: 0>} : vector<80x128xi32>
    %mul3A = arith.constant 128 : i32
    %mul3A_2 = vector.broadcast %mul3A : i32 to vector<80x128xi32>
    %mul3A_3 = arith.muli %iota3A, %mul3A_2 : vector<80x128xi32>
    %iota3A_4 = tpu.iota {dimensions = array<i32: 1>} : vector<80x128xi32>
    %add3A = arith.addi %mul3A_3, %iota3A_4 : vector<80x128xi32>
    %lt3A = arith.constant 10000 : i32
    %lt3A_5 = vector.broadcast %lt3A : i32 to vector<80x128xi32>
    %lt3A_6 = arith.cmpi slt, %add3A, %lt3A_5 : vector<80x128xi32>
    %jit3A = arith.constant 1.000000e+00 : f32
    %jit3A_7 = arith.constant 0.000000e+00 : f32
    %broadcast_in_dim3A = vector.broadcast %jit3A : f32 to vector<80x128xf32>
    %broadcast_in_dim3A_8 = vector.broadcast %jit3A_7 : f32 to vector<80x128xf32>
    %select_n3A = arith.select %lt3A_6, %broadcast_in_dim3A, %broadcast_in_dim3A_8 : vector<80x128xi1>, vector<80x128xf32>
    %div3A = arith.divf %select_n3A, %get3A_1 : vector<80x128xf32>
    %swap3A = arith.constant 0 : index
    %swap3A_9 = arith.constant 0 : index
    %swap3A_10 = vector.load %arg1[%swap3A, %swap3A_9] : memref<80x128xf32, #tpu.memory_space<vmem>>, vector<80x128xf32>
    tpu.vector_store %arg1[%swap3A, %swap3A_9], %div3A {strides = array<i32>} : memref<80x128xf32, #tpu.memory_space<vmem>>, vector<80x128xf32>,
    %rsqrt3A = math.rsqrt %get3A_1 : vector<80x128xf32>
    %mul3A_11 = arith.mulf %rsqrt3A, %select_n3A : vector<80x128xf32>
    %swap3A_12 = arith.constant 0 : index
    %swap3A_13 = arith.constant 0 : index
    %swap3A_14 = vector.load %arg2[%swap3A_12, %swap3A_13] : memref<80x128xf32, #tpu.memory_space<vmem>>, vector<80x128xf32>
    tpu.vector_store %arg2[%swap3A_12, %swap3A_13], %mul3A_11 {strides = array<i32>} : memref<80x128xf32, #tpu.memory_space<vmem>>, vector<80x128xf32>,
    return
  }
}

module attributes {stable_mosaic.version = 14 : i64} {
  func.func @_mm_body(%arg0: i32, %arg1: i32, %arg2: memref<512x512xf32, #tpu.memory_space<vmem>>, %arg3: memref<128x512xf32, #tpu.memory_space<vmem>>, %arg4: memref<1x1x128xf32, #tpu.memory_space<vmem>>, %arg5: memref<1x1x128xf32, #tpu.memory_space<vmem>>, %arg6: memref<512x128xf32, #tpu.memory_space<vmem>>, %arg7: memref<512x128xf32, #tpu.memory_space<vmem>>, %arg8: memref<1x1x128xf32, #tpu.memory_space<vmem>>, %arg9: memref<1x512x128xf32, #tpu.memory_space<vmem>>, %arg10: memref<1x512x128xf32, #tpu.memory_space<vmem>>) attributes {dimension_semantics = [#tpu.dimension_semantics<arbitrary>, #tpu.dimension_semantics<arbitrary>], iteration_bounds = array<i64: 20, 24>, scalar_prefetch = 0 : i64, scratch_operands = 0 : i64, tpu.core_type = #tpu.core_type<tc>, window_params = [{transform_indices = @transform_0, window_bounds = array<i64: 512, 512>}, {transform_indices = @transform_1, window_bounds = array<i64: 128, 512>}, {transform_indices = @transform_2, window_bounds = array<i64: 1, 1, 128>}, {transform_indices = @transform_3, window_bounds = array<i64: 1, 1, 128>}, {transform_indices = @transform_4, window_bounds = array<i64: 512, 128>}, {transform_indices = @transform_5, window_bounds = array<i64: 512, 128>}, {transform_indices = @transform_6, window_bounds = array<i64: 1, 1, 128>}, {transform_indices = @transform_7, window_bounds = array<i64: 1, 512, 128>}, {transform_indices = @transform_8, window_bounds = array<i64: 1, 512, 128>}]} {
    %get3A = arith.constant 0 : index
    %get3A_0 = arith.constant 0 : index
    %get3A_1 = vector.load %arg2[%get3A, %get3A_0] : memref<512x512xf32, #tpu.memory_space<vmem>>, vector<512x512xf32>
    %get3A_2 = arith.constant 0 : index
    %get3A_3 = arith.constant 0 : index
    %get3A_4 = vector.load %arg3[%get3A_2, %get3A_3] : memref<128x512xf32, #tpu.memory_space<vmem>>, vector<128x512xf32>
    %dot_general3A = arith.constant dense<0.000000e+00> : vector<512x128xf32>
    %dot_general3A_5 = tpu.matmul %get3A_1, %get3A_4, %dot_general3A {dimension_numbers = #tpu.dot_dimension_numbers<[1], [1], [0], [0], [0, 0, 1, 0], [], []>, transpose_lhs_hint = false} : vector<512x512xf32>, vector<128x512xf32>, vector<512x128xf32> -> vector<512x128xf32>
    %get3A_6 = arith.constant 0 : index
    %get3A_7 = arith.constant 0 : index
    %get3A_8 = arith.constant 0 : index
    %get3A_9 = vector.load %arg5[%get3A_6, %get3A_7, %get3A_8] : memref<1x1x128xf32, #tpu.memory_space<vmem>>, vector<1x1x128xf32>
    %get3A_10 = vector.shape_cast %get3A_9 : vector<1x1x128xf32> to vector<128xf32>
    %broadcast_in_dim3A = vector.shape_cast %get3A_10 : vector<128xf32> to vector<1x128xf32>
    %add3A = vector.broadcast %broadcast_in_dim3A : vector<1x128xf32> to vector<512x128xf32>
    %add3A_11 = arith.addf %dot_general3A_5, %add3A : vector<512x128xf32>
    %get3A_12 = arith.constant 0 : index
    %get3A_13 = arith.constant 0 : index
    %get3A_14 = arith.constant 0 : index
    %get3A_15 = vector.load %arg4[%get3A_12, %get3A_13, %get3A_14] : memref<1x1x128xf32, #tpu.memory_space<vmem>>, vector<1x1x128xf32>
    %get3A_16 = vector.shape_cast %get3A_15 : vector<1x1x128xf32> to vector<128xf32>
    %broadcast_in_dim3A_17 = vector.shape_cast %get3A_16 : vector<128xf32> to vector<1x128xf32>
    %mul3A = vector.broadcast %broadcast_in_dim3A_17 : vector<1x128xf32> to vector<512x128xf32>
    %mul3A_18 = arith.mulf %add3A_11, %mul3A : vector<512x128xf32>
    %get3A_19 = arith.constant 0 : index
    %get3A_20 = arith.constant 0 : index
    %get3A_21 = vector.load %arg6[%get3A_19, %get3A_20] : memref<512x128xf32, #tpu.memory_space<vmem>>, vector<512x128xf32>
    %mul3A_22 = arith.mulf %mul3A_18, %get3A_21 : vector<512x128xf32>
    %max3A = arith.constant 0.000000e+00 : f32
    %max3A_23 = vector.broadcast %max3A : f32 to vector<512x128xf32>
    %max3A_24 = arith.maximumf %mul3A_22, %max3A_23 : vector<512x128xf32>
    %swap3A = arith.constant 0 : index
    %swap3A_25 = arith.constant 0 : index
    %swap3A_26 = arith.constant 0 : index
    %swap3A_27 = vector.load %arg9[%swap3A, %swap3A_25, %swap3A_26] : memref<1x512x128xf32, #tpu.memory_space<vmem>>, vector<1x512x128xf32>
    %swap3A_28 = vector.shape_cast %swap3A_27 : vector<1x512x128xf32> to vector<512x128xf32>
    %swap3A_29 = vector.shape_cast %max3A_24 : vector<512x128xf32> to vector<1x512x128xf32>
    tpu.vector_store %arg9[%swap3A, %swap3A_25, %swap3A_26], %swap3A_29 {strides = array<i32>} : memref<1x512x128xf32, #tpu.memory_space<vmem>>, vector<1x512x128xf32>,
    %get3A_30 = arith.constant 0 : index
    %get3A_31 = arith.constant 0 : index
    %get3A_32 = arith.constant 0 : index
    %get3A_33 = vector.load %arg8[%get3A_30, %get3A_31, %get3A_32] : memref<1x1x128xf32, #tpu.memory_space<vmem>>, vector<1x1x128xf32>
    %get3A_34 = vector.shape_cast %get3A_33 : vector<1x1x128xf32> to vector<128xf32>
    %broadcast_in_dim3A_35 = vector.shape_cast %get3A_34 : vector<128xf32> to vector<1x128xf32>
    %add3A_36 = vector.broadcast %broadcast_in_dim3A_35 : vector<1x128xf32> to vector<512x128xf32>
    %add3A_37 = arith.addf %mul3A_18, %add3A_36 : vector<512x128xf32>
    %max3A_38 = arith.constant 0.000000e+00 : f32
    %max3A_39 = vector.broadcast %max3A_38 : f32 to vector<512x128xf32>
    %max3A_40 = arith.maximumf %add3A_37, %max3A_39 : vector<512x128xf32>
    %get3A_41 = arith.constant 0 : index
    %get3A_42 = arith.constant 0 : index
    %get3A_43 = vector.load %arg7[%get3A_41, %get3A_42] : memref<512x128xf32, #tpu.memory_space<vmem>>, vector<512x128xf32>
    %mul3A_44 = arith.mulf %max3A_40, %get3A_43 : vector<512x128xf32>
    %swap3A_45 = arith.constant 0 : index
    %swap3A_46 = arith.constant 0 : index
    %swap3A_47 = arith.constant 0 : index
    %swap3A_48 = vector.load %arg10[%swap3A_45, %swap3A_46, %swap3A_47] : memref<1x512x128xf32, #tpu.memory_space<vmem>>, vector<1x512x128xf32>
    %swap3A_49 = vector.shape_cast %swap3A_48 : vector<1x512x128xf32> to vector<512x128xf32>
    %swap3A_50 = vector.shape_cast %mul3A_44 : vector<512x128xf32> to vector<1x512x128xf32>
    tpu.vector_store %arg10[%swap3A_45, %swap3A_46, %swap3A_47], %swap3A_50 {strides = array<i32>} : memref<1x512x128xf32, #tpu.memory_space<vmem>>, vector<1x512x128xf32>,
    return
  }
  func.func @transform_0(%arg0: i32, %arg1: i32) -> (i32, i32) {
    %c0_i32 = arith.constant 0 : i32
    %c0_i32_0 = arith.constant 0 : i32
    return %arg0, %c0_i32 : i32, i32
  }
  func.func @transform_1(%arg0: i32, %arg1: i32) -> (i32, i32) {
    %c0_i32 = arith.constant 0 : i32
    %c0_i32_0 = arith.constant 0 : i32
    return %arg1, %c0_i32 : i32, i32
  }
  func.func @transform_2(%arg0: i32, %arg1: i32) -> (i32, i32, i32) {
    %c0_i32 = arith.constant 0 : i32
    %c0_i32_0 = arith.constant 0 : i32
    %c0_i32_1 = arith.constant 0 : i32
    return %arg1, %c0_i32, %c0_i32_0 : i32, i32, i32
  }
  func.func @transform_3(%arg0: i32, %arg1: i32) -> (i32, i32, i32) {
    %c0_i32 = arith.constant 0 : i32
    %c0_i32_0 = arith.constant 0 : i32
    %c0_i32_1 = arith.constant 0 : i32
    return %arg1, %c0_i32, %c0_i32_0 : i32, i32, i32
  }
  func.func @transform_4(%arg0: i32, %arg1: i32) -> (i32, i32) {
    %c0_i32 = arith.constant 0 : i32
    %c0_i32_0 = arith.constant 0 : i32
    return %arg0, %c0_i32 : i32, i32
  }
  func.func @transform_5(%arg0: i32, %arg1: i32) -> (i32, i32) {
    %c0_i32 = arith.constant 0 : i32
    %c0_i32_0 = arith.constant 0 : i32
    return %arg0, %c0_i32 : i32, i32
  }
  func.func @transform_6(%arg0: i32, %arg1: i32) -> (i32, i32, i32) {
    %c0_i32 = arith.constant 0 : i32
    %c0_i32_0 = arith.constant 0 : i32
    %c0_i32_1 = arith.constant 0 : i32
    return %arg1, %c0_i32, %c0_i32_0 : i32, i32, i32
  }
  func.func @transform_7(%arg0: i32, %arg1: i32) -> (i32, i32, i32) {
    %c0_i32 = arith.constant 0 : i32
    %c0_i32_0 = arith.constant 0 : i32
    return %arg1, %arg0, %c0_i32 : i32, i32, i32
  }
  func.func @transform_8(%arg0: i32, %arg1: i32) -> (i32, i32, i32) {
    %c0_i32 = arith.constant 0 : i32
    %c0_i32_0 = arith.constant 0 : i32
    return %arg1, %arg0, %c0_i32 : i32, i32, i32
  }
}

module attributes {stable_mosaic.version = 14 : i64} {
  func.func @_stats_body(%arg0: i32, %arg1: memref<1x10240x128xf32, #tpu.memory_space<vmem>>, %arg2: memref<1x1x128xf32, #tpu.memory_space<vmem>>, %arg3: memref<1x1x128xf32, #tpu.memory_space<vmem>>, %arg4: memref<1x1x128xf32, #tpu.memory_space<vmem>>, %arg5: memref<1x1x128xf32, #tpu.memory_space<vmem>>) attributes {dimension_semantics = [#tpu.dimension_semantics<arbitrary>], iteration_bounds = array<i64: 24>, scalar_prefetch = 0 : i64, scratch_operands = 0 : i64, tpu.core_type = #tpu.core_type<tc>, window_params = [{transform_indices = @transform_0, window_bounds = array<i64: 1, 10240, 128>}, {transform_indices = @transform_1, window_bounds = array<i64: 1, 1, 128>}, {transform_indices = @transform_2, window_bounds = array<i64: 1, 1, 128>}, {transform_indices = @transform_3, window_bounds = array<i64: 1, 1, 128>}, {transform_indices = @transform_4, window_bounds = array<i64: 1, 1, 128>}]} {
    %get3A = arith.constant 0 : index
    %get3A_0 = arith.constant 0 : index
    %get3A_1 = arith.constant 0 : index
    %get3A_2 = vector.load %arg1[%get3A, %get3A_0, %get3A_1] : memref<1x10240x128xf32, #tpu.memory_space<vmem>>, vector<1x10240x128xf32>
    %get3A_3 = vector.shape_cast %get3A_2 : vector<1x10240x128xf32> to vector<10240x128xf32>
    %reduce_sum3A = arith.constant dense<0.000000e+00> : vector<128xf32>
    %reduce_sum3A_4 = vector.multi_reduction <add>, %get3A_3, %reduce_sum3A [0] : vector<10240x128xf32> to vector<128xf32>
    %mul3A = arith.mulf %get3A_3, %get3A_3 : vector<10240x128xf32>
    %reduce_sum3A_5 = arith.constant dense<0.000000e+00> : vector<128xf32>
    %reduce_sum3A_6 = vector.multi_reduction <add>, %mul3A, %reduce_sum3A_5 [0] : vector<10240x128xf32> to vector<128xf32>
    %div3A = arith.constant 1.000000e+04 : f32
    %div3A_7 = vector.broadcast %div3A : f32 to vector<128xf32>
    %div3A_8 = arith.divf %reduce_sum3A_4, %div3A_7 : vector<128xf32>
    %div3A_9 = arith.constant 1.000000e+04 : f32
    %div3A_10 = vector.broadcast %div3A_9 : f32 to vector<128xf32>
    %div3A_11 = arith.divf %reduce_sum3A_6, %div3A_10 : vector<128xf32>
    %mul3A_12 = arith.mulf %div3A_8, %div3A_8 : vector<128xf32>
    %sub3A = arith.subf %div3A_11, %mul3A_12 : vector<128xf32>
    %get3A_13 = arith.constant 0 : index
    %get3A_14 = arith.constant 0 : index
    %get3A_15 = arith.constant 0 : index
    %get3A_16 = vector.load %arg2[%get3A_13, %get3A_14, %get3A_15] : memref<1x1x128xf32, #tpu.memory_space<vmem>>, vector<1x1x128xf32>
    %get3A_17 = vector.shape_cast %get3A_16 : vector<1x1x128xf32> to vector<128xf32>
    %add3A = arith.constant 9.99999974E-6 : f32
    %add3A_18 = vector.broadcast %add3A : f32 to vector<128xf32>
    %add3A_19 = arith.addf %sub3A, %add3A_18 : vector<128xf32>
    %rsqrt3A = math.rsqrt %add3A_19 : vector<128xf32>
    %mul3A_20 = arith.mulf %get3A_17, %rsqrt3A : vector<128xf32>
    %get3A_21 = arith.constant 0 : index
    %get3A_22 = arith.constant 0 : index
    %get3A_23 = arith.constant 0 : index
    %get3A_24 = vector.load %arg3[%get3A_21, %get3A_22, %get3A_23] : memref<1x1x128xf32, #tpu.memory_space<vmem>>, vector<1x1x128xf32>
    %get3A_25 = vector.shape_cast %get3A_24 : vector<1x1x128xf32> to vector<128xf32>
    %mul3A_26 = arith.mulf %div3A_8, %mul3A_20 : vector<128xf32>
    %sub3A_27 = arith.subf %get3A_25, %mul3A_26 : vector<128xf32>
    %swap3A = arith.constant 0 : index
    %swap3A_28 = arith.constant 0 : index
    %swap3A_29 = arith.constant 0 : index
    %swap3A_30 = vector.load %arg4[%swap3A, %swap3A_28, %swap3A_29] : memref<1x1x128xf32, #tpu.memory_space<vmem>>, vector<1x1x128xf32>
    %swap3A_31 = vector.shape_cast %swap3A_30 : vector<1x1x128xf32> to vector<128xf32>
    %swap3A_32 = vector.shape_cast %mul3A_20 : vector<128xf32> to vector<1x1x128xf32>
    tpu.vector_store %arg4[%swap3A, %swap3A_28, %swap3A_29], %swap3A_32 {strides = array<i32>} : memref<1x1x128xf32, #tpu.memory_space<vmem>>, vector<1x1x128xf32>,
    %swap3A_33 = arith.constant 0 : index
    %swap3A_34 = arith.constant 0 : index
    %swap3A_35 = arith.constant 0 : index
    %swap3A_36 = vector.load %arg5[%swap3A_33, %swap3A_34, %swap3A_35] : memref<1x1x128xf32, #tpu.memory_space<vmem>>, vector<1x1x128xf32>
    %swap3A_37 = vector.shape_cast %swap3A_36 : vector<1x1x128xf32> to vector<128xf32>
    %swap3A_38 = vector.shape_cast %sub3A_27 : vector<128xf32> to vector<1x1x128xf32>
    tpu.vector_store %arg5[%swap3A_33, %swap3A_34, %swap3A_35], %swap3A_38 {strides = array<i32>} : memref<1x1x128xf32, #tpu.memory_space<vmem>>, vector<1x1x128xf32>,
    return
  }
  func.func @transform_0(%arg0: i32) -> (i32, i32, i32) {
    %c0_i32 = arith.constant 0 : i32
    %c0_i32_0 = arith.constant 0 : i32
    %c0_i32_1 = arith.constant 0 : i32
    return %arg0, %c0_i32, %c0_i32_0 : i32, i32, i32
  }
  func.func @transform_1(%arg0: i32) -> (i32, i32, i32) {
    %c0_i32 = arith.constant 0 : i32
    %c0_i32_0 = arith.constant 0 : i32
    %c0_i32_1 = arith.constant 0 : i32
    return %arg0, %c0_i32, %c0_i32_0 : i32, i32, i32
  }
  func.func @transform_2(%arg0: i32) -> (i32, i32, i32) {
    %c0_i32 = arith.constant 0 : i32
    %c0_i32_0 = arith.constant 0 : i32
    %c0_i32_1 = arith.constant 0 : i32
    return %arg0, %c0_i32, %c0_i32_0 : i32, i32, i32
  }
  func.func @transform_3(%arg0: i32) -> (i32, i32, i32) {
    %c0_i32 = arith.constant 0 : i32
    %c0_i32_0 = arith.constant 0 : i32
    %c0_i32_1 = arith.constant 0 : i32
    return %arg0, %c0_i32, %c0_i32_0 : i32, i32, i32
  }
  func.func @transform_4(%arg0: i32) -> (i32, i32, i32) {
    %c0_i32 = arith.constant 0 : i32
    %c0_i32_0 = arith.constant 0 : i32
    %c0_i32_1 = arith.constant 0 : i32
    return %arg0, %c0_i32, %c0_i32_0 : i32, i32, i32
  }
}

module attributes {stable_mosaic.version = 14 : i64} {
  func.func @_t1_body(%arg0: i32, %arg1: i32, %arg2: memref<1x1024x128xf32, #tpu.memory_space<vmem>>, %arg3: memref<1x1x128xf32, #tpu.memory_space<vmem>>, %arg4: memref<1x1x128xf32, #tpu.memory_space<vmem>>, %arg5: memref<1024x128xf32, #tpu.memory_space<vmem>>, %arg6: memref<1024x128xf32, #tpu.memory_space<vmem>>, %arg7: memref<1x1x128xf32, #tpu.memory_space<vmem>>, %arg8: memref<1x1024x128xf32, #tpu.memory_space<vmem>>, %arg9: memref<1x1024x128xf32, #tpu.memory_space<vmem>>) attributes {dimension_semantics = [#tpu.dimension_semantics<arbitrary>, #tpu.dimension_semantics<arbitrary>], iteration_bounds = array<i64: 24, 10>, scalar_prefetch = 0 : i64, scratch_operands = 0 : i64, tpu.core_type = #tpu.core_type<tc>, window_params = [{transform_indices = @transform_0, window_bounds = array<i64: 1, 1024, 128>}, {transform_indices = @transform_1, window_bounds = array<i64: 1, 1, 128>}, {transform_indices = @transform_2, window_bounds = array<i64: 1, 1, 128>}, {transform_indices = @transform_3, window_bounds = array<i64: 1024, 128>}, {transform_indices = @transform_4, window_bounds = array<i64: 1024, 128>}, {transform_indices = @transform_5, window_bounds = array<i64: 1, 1, 128>}, {transform_indices = @transform_6, window_bounds = array<i64: 1, 1024, 128>}, {transform_indices = @transform_7, window_bounds = array<i64: 1, 1024, 128>}]} {
    %get3A = arith.constant 0 : index
    %get3A_0 = arith.constant 0 : index
    %get3A_1 = arith.constant 0 : index
    %get3A_2 = vector.load %arg2[%get3A, %get3A_0, %get3A_1] : memref<1x1024x128xf32, #tpu.memory_space<vmem>>, vector<1x1024x128xf32>
    %get3A_3 = vector.shape_cast %get3A_2 : vector<1x1024x128xf32> to vector<1024x128xf32>
    %get3A_4 = arith.constant 0 : index
    %get3A_5 = arith.constant 0 : index
    %get3A_6 = arith.constant 0 : index
    %get3A_7 = vector.load %arg3[%get3A_4, %get3A_5, %get3A_6] : memref<1x1x128xf32, #tpu.memory_space<vmem>>, vector<1x1x128xf32>
    %get3A_8 = vector.shape_cast %get3A_7 : vector<1x1x128xf32> to vector<128xf32>
    %broadcast_in_dim3A = vector.shape_cast %get3A_8 : vector<128xf32> to vector<1x128xf32>
    %mul3A = vector.broadcast %broadcast_in_dim3A : vector<1x128xf32> to vector<1024x128xf32>
    %mul3A_9 = arith.mulf %get3A_3, %mul3A : vector<1024x128xf32>
    %get3A_10 = arith.constant 0 : index
    %get3A_11 = arith.constant 0 : index
    %get3A_12 = arith.constant 0 : index
    %get3A_13 = vector.load %arg4[%get3A_10, %get3A_11, %get3A_12] : memref<1x1x128xf32, #tpu.memory_space<vmem>>, vector<1x1x128xf32>
    %get3A_14 = vector.shape_cast %get3A_13 : vector<1x1x128xf32> to vector<128xf32>
    %broadcast_in_dim3A_15 = vector.shape_cast %get3A_14 : vector<128xf32> to vector<1x128xf32>
    %add3A = vector.broadcast %broadcast_in_dim3A_15 : vector<1x128xf32> to vector<1024x128xf32>
    %add3A_16 = arith.addf %mul3A_9, %add3A : vector<1024x128xf32>
    %max3A = arith.constant 0.000000e+00 : f32
    %max3A_17 = vector.broadcast %max3A : f32 to vector<1024x128xf32>
    %max3A_18 = arith.maximumf %add3A_16, %max3A_17 : vector<1024x128xf32>
    %get3A_19 = arith.constant 0 : index
    %get3A_20 = arith.constant 0 : index
    %get3A_21 = vector.load %arg5[%get3A_19, %get3A_20] : memref<1024x128xf32, #tpu.memory_space<vmem>>, vector<1024x128xf32>
    %mul3A_22 = arith.mulf %max3A_18, %get3A_21 : vector<1024x128xf32>
    %swap3A = arith.constant 0 : index
    %swap3A_23 = arith.constant 0 : index
    %swap3A_24 = arith.constant 0 : index
    %swap3A_25 = vector.load %arg8[%swap3A, %swap3A_23, %swap3A_24] : memref<1x1024x128xf32, #tpu.memory_space<vmem>>, vector<1x1024x128xf32>
    %swap3A_26 = vector.shape_cast %swap3A_25 : vector<1x1024x128xf32> to vector<1024x128xf32>
    %swap3A_27 = vector.shape_cast %mul3A_22 : vector<1024x128xf32> to vector<1x1024x128xf32>
    tpu.vector_store %arg8[%swap3A, %swap3A_23, %swap3A_24], %swap3A_27 {strides = array<i32>} : memref<1x1024x128xf32, #tpu.memory_space<vmem>>, vector<1x1024x128xf32>,
    %get3A_28 = arith.constant 0 : index
    %get3A_29 = arith.constant 0 : index
    %get3A_30 = arith.constant 0 : index
    %get3A_31 = vector.load %arg7[%get3A_28, %get3A_29, %get3A_30] : memref<1x1x128xf32, #tpu.memory_space<vmem>>, vector<1x1x128xf32>
    %get3A_32 = vector.shape_cast %get3A_31 : vector<1x1x128xf32> to vector<128xf32>
    %broadcast_in_dim3A_33 = vector.shape_cast %get3A_32 : vector<128xf32> to vector<1x128xf32>
    %add3A_34 = vector.broadcast %broadcast_in_dim3A_33 : vector<1x128xf32> to vector<1024x128xf32>
    %add3A_35 = arith.addf %max3A_18, %add3A_34 : vector<1024x128xf32>
    %max3A_36 = arith.constant 0.000000e+00 : f32
    %max3A_37 = vector.broadcast %max3A_36 : f32 to vector<1024x128xf32>
    %max3A_38 = arith.maximumf %add3A_35, %max3A_37 : vector<1024x128xf32>
    %get3A_39 = arith.constant 0 : index
    %get3A_40 = arith.constant 0 : index
    %get3A_41 = vector.load %arg6[%get3A_39, %get3A_40] : memref<1024x128xf32, #tpu.memory_space<vmem>>, vector<1024x128xf32>
    %mul3A_42 = arith.mulf %max3A_38, %get3A_41 : vector<1024x128xf32>
    %swap3A_43 = arith.constant 0 : index
    %swap3A_44 = arith.constant 0 : index
    %swap3A_45 = arith.constant 0 : index
    %swap3A_46 = vector.load %arg9[%swap3A_43, %swap3A_44, %swap3A_45] : memref<1x1024x128xf32, #tpu.memory_space<vmem>>, vector<1x1024x128xf32>
    %swap3A_47 = vector.shape_cast %swap3A_46 : vector<1x1024x128xf32> to vector<1024x128xf32>
    %swap3A_48 = vector.shape_cast %mul3A_42 : vector<1024x128xf32> to vector<1x1024x128xf32>
    tpu.vector_store %arg9[%swap3A_43, %swap3A_44, %swap3A_45], %swap3A_48 {strides = array<i32>} : memref<1x1024x128xf32, #tpu.memory_space<vmem>>, vector<1x1024x128xf32>,
    return
  }
  func.func @transform_0(%arg0: i32, %arg1: i32) -> (i32, i32, i32) {
    %c0_i32 = arith.constant 0 : i32
    %c0_i32_0 = arith.constant 0 : i32
    return %arg0, %arg1, %c0_i32 : i32, i32, i32
  }
  func.func @transform_1(%arg0: i32, %arg1: i32) -> (i32, i32, i32) {
    %c0_i32 = arith.constant 0 : i32
    %c0_i32_0 = arith.constant 0 : i32
    %c0_i32_1 = arith.constant 0 : i32
    return %arg0, %c0_i32, %c0_i32_0 : i32, i32, i32
  }
  func.func @transform_2(%arg0: i32, %arg1: i32) -> (i32, i32, i32) {
    %c0_i32 = arith.constant 0 : i32
    %c0_i32_0 = arith.constant 0 : i32
    %c0_i32_1 = arith.constant 0 : i32
    return %arg0, %c0_i32, %c0_i32_0 : i32, i32, i32
  }
  func.func @transform_3(%arg0: i32, %arg1: i32) -> (i32, i32) {
    %c0_i32 = arith.constant 0 : i32
    %c0_i32_0 = arith.constant 0 : i32
    return %arg1, %c0_i32 : i32, i32
  }
  func.func @transform_4(%arg0: i32, %arg1: i32) -> (i32, i32) {
    %c0_i32 = arith.constant 0 : i32
    %c0_i32_0 = arith.constant 0 : i32
    return %arg1, %c0_i32 : i32, i32
  }
  func.func @transform_5(%arg0: i32, %arg1: i32) -> (i32, i32, i32) {
    %c0_i32 = arith.constant 0 : i32
    %c0_i32_0 = arith.constant 0 : i32
    %c0_i32_1 = arith.constant 0 : i32
    return %arg0, %c0_i32, %c0_i32_0 : i32, i32, i32
  }
  func.func @transform_6(%arg0: i32, %arg1: i32) -> (i32, i32, i32) {
    %c0_i32 = arith.constant 0 : i32
    %c0_i32_0 = arith.constant 0 : i32
    return %arg0, %arg1, %c0_i32 : i32, i32, i32
  }
  func.func @transform_7(%arg0: i32, %arg1: i32) -> (i32, i32, i32) {
    %c0_i32 = arith.constant 0 : i32
    %c0_i32_0 = arith.constant 0 : i32
    return %arg0, %arg1, %c0_i32 : i32, i32, i32
  }
}

module attributes {stable_mosaic.version = 14 : i64} {
  func.func @_topk_body(%arg0: memref<24x128xf32, #tpu.memory_space<vmem>>, %arg1: memref<8x128xi32, #tpu.memory_space<vmem>>) attributes {dimension_semantics = [], scalar_prefetch = 0 : i64, scratch_operands = 0 : i64, tpu.core_type = #tpu.core_type<tc>} {
    %get3A = arith.constant 0 : index
    %get3A_0 = arith.constant 0 : index
    %get3A_1 = vector.load %arg0[%get3A, %get3A_0] : memref<24x128xf32, #tpu.memory_space<vmem>>, vector<24x128xf32>
    %iota3A = tpu.iota {dimensions = array<i32: 0>} : vector<24x128xi32>
    %mul3A = arith.constant 128 : i32
    %mul3A_2 = vector.broadcast %mul3A : i32 to vector<24x128xi32>
    %mul3A_3 = arith.muli %iota3A, %mul3A_2 : vector<24x128xi32>
    %iota3A_4 = tpu.iota {dimensions = array<i32: 1>} : vector<24x128xi32>
    %add3A = arith.addi %mul3A_3, %iota3A_4 : vector<24x128xi32>
    %iota3A_5 = tpu.iota {dimensions = array<i32: 0>} : vector<8x128xi32>
    %mul3A_6 = arith.constant 128 : i32
    %mul3A_7 = vector.broadcast %mul3A_6 : i32 to vector<8x128xi32>
    %mul3A_8 = arith.muli %iota3A_5, %mul3A_7 : vector<8x128xi32>
    %iota3A_9 = tpu.iota {dimensions = array<i32: 1>} : vector<8x128xi32>
    %add3A_10 = arith.addi %mul3A_8, %iota3A_9 : vector<8x128xi32>
    %broadcast_in_dim3A = arith.constant 0 : i32
    %broadcast_in_dim3A_11 = vector.broadcast %broadcast_in_dim3A : i32 to vector<8x128xi32>
    %reduce_max3A = vector.shape_cast %get3A_1 : vector<24x128xf32> to vector<1x24x128xf32>
    %reduce_max3A_12 = arith.constant dense<0xFF800000> : vector<1xf32>
    %reduce_max3A_13 = vector.multi_reduction <maximumf>, %reduce_max3A, %reduce_max3A_12 [1, 2] : vector<1x24x128xf32> to vector<1xf32>
    %reduce_max3A_14 = vector.shape_cast %reduce_max3A_13 : vector<1xf32> to vector<1x1x1xf32>
    %reduce_max3A_15 = vector.extract %reduce_max3A_14[0, 0, 0] : f32 from vector<1x1x1xf32>
    %eq3A = vector.broadcast %reduce_max3A_15 : f32 to vector<24x128xf32>
    %eq3A_16 = arith.cmpf oeq, %get3A_1, %eq3A : vector<24x128xf32>
    %jit3A = arith.constant 1073741824 : i32
    %broadcast_in_dim3A_17 = vector.broadcast %jit3A : i32 to vector<24x128xi32>
    %select_n3A = arith.select %eq3A_16, %add3A, %broadcast_in_dim3A_17 : vector<24x128xi1>, vector<24x128xi32>
    %reduce_min3A = vector.shape_cast %select_n3A : vector<24x128xi32> to vector<1x24x128xi32>
    %reduce_min3A_18 = arith.constant dense<2147483647> : vector<1xi32>
    %reduce_min3A_19 = vector.multi_reduction <minsi>, %reduce_min3A, %reduce_min3A_18 [1, 2] : vector<1x24x128xi32> to vector<1xi32>
    %reduce_min3A_20 = vector.shape_cast %reduce_min3A_19 : vector<1xi32> to vector<1x1x1xi32>
    %reduce_min3A_21 = vector.extract %reduce_min3A_20[0, 0, 0] : i32 from vector<1x1x1xi32>
    %eq3A_22 = arith.constant 0 : i32
    %eq3A_23 = vector.broadcast %eq3A_22 : i32 to vector<8x128xi32>
    %eq3A_24 = arith.cmpi eq, %add3A_10, %eq3A_23 : vector<8x128xi32>
    %broadcast_in_dim3A_25 = vector.broadcast %reduce_min3A_21 : i32 to vector<8x128xi32>
    %select_n3A_26 = arith.select %eq3A_24, %broadcast_in_dim3A_25, %broadcast_in_dim3A_11 : vector<8x128xi1>, vector<8x128xi32>
    %eq3A_27 = vector.broadcast %reduce_min3A_21 : i32 to vector<24x128xi32>
    %eq3A_28 = arith.cmpi eq, %add3A, %eq3A_27 : vector<24x128xi32>
    %jit3A_29 = arith.constant 0xFF800000 : f32
    %broadcast_in_dim3A_30 = vector.broadcast %jit3A_29 : f32 to vector<24x128xf32>
    %select_n3A_31 = arith.select %eq3A_28, %broadcast_in_dim3A_30, %get3A_1 : vector<24x128xi1>, vector<24x128xf32>
    %reduce_max3A_32 = vector.shape_cast %select_n3A_31 : vector<24x128xf32> to vector<1x24x128xf32>
    %reduce_max3A_33 = arith.constant dense<0xFF800000> : vector<1xf32>
    %reduce_max3A_34 = vector.multi_reduction <maximumf>, %reduce_max3A_32, %reduce_max3A_33 [1, 2] : vector<1x24x128xf32> to vector<1xf32>
    %reduce_max3A_35 = vector.shape_cast %reduce_max3A_34 : vector<1xf32> to vector<1x1x1xf32>
    %reduce_max3A_36 = vector.extract %reduce_max3A_35[0, 0, 0] : f32 from vector<1x1x1xf32>
    %eq3A_37 = vector.broadcast %reduce_max3A_36 : f32 to vector<24x128xf32>
    %eq3A_38 = arith.cmpf oeq, %select_n3A_31, %eq3A_37 : vector<24x128xf32>
    %jit3A_39 = arith.constant 1073741824 : i32
    %broadcast_in_dim3A_40 = vector.broadcast %jit3A_39 : i32 to vector<24x128xi32>
    %select_n3A_41 = arith.select %eq3A_38, %add3A, %broadcast_in_dim3A_40 : vector<24x128xi1>, vector<24x128xi32>
    %reduce_min3A_42 = vector.shape_cast %select_n3A_41 : vector<24x128xi32> to vector<1x24x128xi32>
    %reduce_min3A_43 = arith.constant dense<2147483647> : vector<1xi32>
    %reduce_min3A_44 = vector.multi_reduction <minsi>, %reduce_min3A_42, %reduce_min3A_43 [1, 2] : vector<1x24x128xi32> to vector<1xi32>
    %reduce_min3A_45 = vector.shape_cast %reduce_min3A_44 : vector<1xi32> to vector<1x1x1xi32>
    %reduce_min3A_46 = vector.extract %reduce_min3A_45[0, 0, 0] : i32 from vector<1x1x1xi32>
    %eq3A_47 = arith.constant 1 : i32
    %eq3A_48 = vector.broadcast %eq3A_47 : i32 to vector<8x128xi32>
    %eq3A_49 = arith.cmpi eq, %add3A_10, %eq3A_48 : vector<8x128xi32>
    %broadcast_in_dim3A_50 = vector.broadcast %reduce_min3A_46 : i32 to vector<8x128xi32>
    %select_n3A_51 = arith.select %eq3A_49, %broadcast_in_dim3A_50, %select_n3A_26 : vector<8x128xi1>, vector<8x128xi32>
    %eq3A_52 = vector.broadcast %reduce_min3A_46 : i32 to vector<24x128xi32>
    %eq3A_53 = arith.cmpi eq, %add3A, %eq3A_52 : vector<24x128xi32>
    %jit3A_54 = arith.constant 0xFF800000 : f32
    %broadcast_in_dim3A_55 = vector.broadcast %jit3A_54 : f32 to vector<24x128xf32>
    %select_n3A_56 = arith.select %eq3A_53, %broadcast_in_dim3A_55, %select_n3A_31 : vector<24x128xi1>, vector<24x128xf32>
    %reduce_max3A_57 = vector.shape_cast %select_n3A_56 : vector<24x128xf32> to vector<1x24x128xf32>
    %reduce_max3A_58 = arith.constant dense<0xFF800000> : vector<1xf32>
    %reduce_max3A_59 = vector.multi_reduction <maximumf>, %reduce_max3A_57, %reduce_max3A_58 [1, 2] : vector<1x24x128xf32> to vector<1xf32>
    %reduce_max3A_60 = vector.shape_cast %reduce_max3A_59 : vector<1xf32> to vector<1x1x1xf32>
    %reduce_max3A_61 = vector.extract %reduce_max3A_60[0, 0, 0] : f32 from vector<1x1x1xf32>
    %eq3A_62 = vector.broadcast %reduce_max3A_61 : f32 to vector<24x128xf32>
    %eq3A_63 = arith.cmpf oeq, %select_n3A_56, %eq3A_62 : vector<24x128xf32>
    %jit3A_64 = arith.constant 1073741824 : i32
    %broadcast_in_dim3A_65 = vector.broadcast %jit3A_64 : i32 to vector<24x128xi32>
    %select_n3A_66 = arith.select %eq3A_63, %add3A, %broadcast_in_dim3A_65 : vector<24x128xi1>, vector<24x128xi32>
    %reduce_min3A_67 = vector.shape_cast %select_n3A_66 : vector<24x128xi32> to vector<1x24x128xi32>
    %reduce_min3A_68 = arith.constant dense<2147483647> : vector<1xi32>
    %reduce_min3A_69 = vector.multi_reduction <minsi>, %reduce_min3A_67, %reduce_min3A_68 [1, 2] : vector<1x24x128xi32> to vector<1xi32>
    %reduce_min3A_70 = vector.shape_cast %reduce_min3A_69 : vector<1xi32> to vector<1x1x1xi32>
    %reduce_min3A_71 = vector.extract %reduce_min3A_70[0, 0, 0] : i32 from vector<1x1x1xi32>
    %eq3A_72 = arith.constant 2 : i32
    %eq3A_73 = vector.broadcast %eq3A_72 : i32 to vector<8x128xi32>
    %eq3A_74 = arith.cmpi eq, %add3A_10, %eq3A_73 : vector<8x128xi32>
    %broadcast_in_dim3A_75 = vector.broadcast %reduce_min3A_71 : i32 to vector<8x128xi32>
    %select_n3A_76 = arith.select %eq3A_74, %broadcast_in_dim3A_75, %select_n3A_51 : vector<8x128xi1>, vector<8x128xi32>
    %eq3A_77 = vector.broadcast %reduce_min3A_71 : i32 to vector<24x128xi32>
    %eq3A_78 = arith.cmpi eq, %add3A, %eq3A_77 : vector<24x128xi32>
    %jit3A_79 = arith.constant 0xFF800000 : f32
    %broadcast_in_dim3A_80 = vector.broadcast %jit3A_79 : f32 to vector<24x128xf32>
    %select_n3A_81 = arith.select %eq3A_78, %broadcast_in_dim3A_80, %select_n3A_56 : vector<24x128xi1>, vector<24x128xf32>
    %reduce_max3A_82 = vector.shape_cast %select_n3A_81 : vector<24x128xf32> to vector<1x24x128xf32>
    %reduce_max3A_83 = arith.constant dense<0xFF800000> : vector<1xf32>
    %reduce_max3A_84 = vector.multi_reduction <maximumf>, %reduce_max3A_82, %reduce_max3A_83 [1, 2] : vector<1x24x128xf32> to vector<1xf32>
    %reduce_max3A_85 = vector.shape_cast %reduce_max3A_84 : vector<1xf32> to vector<1x1x1xf32>
    %reduce_max3A_86 = vector.extract %reduce_max3A_85[0, 0, 0] : f32 from vector<1x1x1xf32>
    %eq3A_87 = vector.broadcast %reduce_max3A_86 : f32 to vector<24x128xf32>
    %eq3A_88 = arith.cmpf oeq, %select_n3A_81, %eq3A_87 : vector<24x128xf32>
    %jit3A_89 = arith.constant 1073741824 : i32
    %broadcast_in_dim3A_90 = vector.broadcast %jit3A_89 : i32 to vector<24x128xi32>
    %select_n3A_91 = arith.select %eq3A_88, %add3A, %broadcast_in_dim3A_90 : vector<24x128xi1>, vector<24x128xi32>
    %reduce_min3A_92 = vector.shape_cast %select_n3A_91 : vector<24x128xi32> to vector<1x24x128xi32>
    %reduce_min3A_93 = arith.constant dense<2147483647> : vector<1xi32>
    %reduce_min3A_94 = vector.multi_reduction <minsi>, %reduce_min3A_92, %reduce_min3A_93 [1, 2] : vector<1x24x128xi32> to vector<1xi32>
    %reduce_min3A_95 = vector.shape_cast %reduce_min3A_94 : vector<1xi32> to vector<1x1x1xi32>
    %reduce_min3A_96 = vector.extract %reduce_min3A_95[0, 0, 0] : i32 from vector<1x1x1xi32>
    %eq3A_97 = arith.constant 3 : i32
    %eq3A_98 = vector.broadcast %eq3A_97 : i32 to vector<8x128xi32>
    %eq3A_99 = arith.cmpi eq, %add3A_10, %eq3A_98 : vector<8x128xi32>
    %broadcast_in_dim3A_100 = vector.broadcast %reduce_min3A_96 : i32 to vector<8x128xi32>
    %select_n3A_101 = arith.select %eq3A_99, %broadcast_in_dim3A_100, %select_n3A_76 : vector<8x128xi1>, vector<8x128xi32>
    %eq3A_102 = vector.broadcast %reduce_min3A_96 : i32 to vector<24x128xi32>
    %eq3A_103 = arith.cmpi eq, %add3A, %eq3A_102 : vector<24x128xi32>
    %jit3A_104 = arith.constant 0xFF800000 : f32
    %broadcast_in_dim3A_105 = vector.broadcast %jit3A_104 : f32 to vector<24x128xf32>
    %select_n3A_106 = arith.select %eq3A_103, %broadcast_in_dim3A_105, %select_n3A_81 : vector<24x128xi1>, vector<24x128xf32>
    %reduce_max3A_107 = vector.shape_cast %select_n3A_106 : vector<24x128xf32> to vector<1x24x128xf32>
    %reduce_max3A_108 = arith.constant dense<0xFF800000> : vector<1xf32>
    %reduce_max3A_109 = vector.multi_reduction <maximumf>, %reduce_max3A_107, %reduce_max3A_108 [1, 2] : vector<1x24x128xf32> to vector<1xf32>
    %reduce_max3A_110 = vector.shape_cast %reduce_max3A_109 : vector<1xf32> to vector<1x1x1xf32>
    %reduce_max3A_111 = vector.extract %reduce_max3A_110[0, 0, 0] : f32 from vector<1x1x1xf32>
    %eq3A_112 = vector.broadcast %reduce_max3A_111 : f32 to vector<24x128xf32>
    %eq3A_113 = arith.cmpf oeq, %select_n3A_106, %eq3A_112 : vector<24x128xf32>
    %jit3A_114 = arith.constant 1073741824 : i32
    %broadcast_in_dim3A_115 = vector.broadcast %jit3A_114 : i32 to vector<24x128xi32>
    %select_n3A_116 = arith.select %eq3A_113, %add3A, %broadcast_in_dim3A_115 : vector<24x128xi1>, vector<24x128xi32>
    %reduce_min3A_117 = vector.shape_cast %select_n3A_116 : vector<24x128xi32> to vector<1x24x128xi32>
    %reduce_min3A_118 = arith.constant dense<2147483647> : vector<1xi32>
    %reduce_min3A_119 = vector.multi_reduction <minsi>, %reduce_min3A_117, %reduce_min3A_118 [1, 2] : vector<1x24x128xi32> to vector<1xi32>
    %reduce_min3A_120 = vector.shape_cast %reduce_min3A_119 : vector<1xi32> to vector<1x1x1xi32>
    %reduce_min3A_121 = vector.extract %reduce_min3A_120[0, 0, 0] : i32 from vector<1x1x1xi32>
    %eq3A_122 = arith.constant 4 : i32
    %eq3A_123 = vector.broadcast %eq3A_122 : i32 to vector<8x128xi32>
    %eq3A_124 = arith.cmpi eq, %add3A_10, %eq3A_123 : vector<8x128xi32>
    %broadcast_in_dim3A_125 = vector.broadcast %reduce_min3A_121 : i32 to vector<8x128xi32>
    %select_n3A_126 = arith.select %eq3A_124, %broadcast_in_dim3A_125, %select_n3A_101 : vector<8x128xi1>, vector<8x128xi32>
    %eq3A_127 = vector.broadcast %reduce_min3A_121 : i32 to vector<24x128xi32>
    %eq3A_128 = arith.cmpi eq, %add3A, %eq3A_127 : vector<24x128xi32>
    %jit3A_129 = arith.constant 0xFF800000 : f32
    %broadcast_in_dim3A_130 = vector.broadcast %jit3A_129 : f32 to vector<24x128xf32>
    %select_n3A_131 = arith.select %eq3A_128, %broadcast_in_dim3A_130, %select_n3A_106 : vector<24x128xi1>, vector<24x128xf32>
    %reduce_max3A_132 = vector.shape_cast %select_n3A_131 : vector<24x128xf32> to vector<1x24x128xf32>
    %reduce_max3A_133 = arith.constant dense<0xFF800000> : vector<1xf32>
    %reduce_max3A_134 = vector.multi_reduction <maximumf>, %reduce_max3A_132, %reduce_max3A_133 [1, 2] : vector<1x24x128xf32> to vector<1xf32>
    %reduce_max3A_135 = vector.shape_cast %reduce_max3A_134 : vector<1xf32> to vector<1x1x1xf32>
    %reduce_max3A_136 = vector.extract %reduce_max3A_135[0, 0, 0] : f32 from vector<1x1x1xf32>
    %eq3A_137 = vector.broadcast %reduce_max3A_136 : f32 to vector<24x128xf32>
    %eq3A_138 = arith.cmpf oeq, %select_n3A_131, %eq3A_137 : vector<24x128xf32>
    %jit3A_139 = arith.constant 1073741824 : i32
    %broadcast_in_dim3A_140 = vector.broadcast %jit3A_139 : i32 to vector<24x128xi32>
    %select_n3A_141 = arith.select %eq3A_138, %add3A, %broadcast_in_dim3A_140 : vector<24x128xi1>, vector<24x128xi32>
    %reduce_min3A_142 = vector.shape_cast %select_n3A_141 : vector<24x128xi32> to vector<1x24x128xi32>
    %reduce_min3A_143 = arith.constant dense<2147483647> : vector<1xi32>
    %reduce_min3A_144 = vector.multi_reduction <minsi>, %reduce_min3A_142, %reduce_min3A_143 [1, 2] : vector<1x24x128xi32> to vector<1xi32>
    %reduce_min3A_145 = vector.shape_cast %reduce_min3A_144 : vector<1xi32> to vector<1x1x1xi32>
    %reduce_min3A_146 = vector.extract %reduce_min3A_145[0, 0, 0] : i32 from vector<1x1x1xi32>
    %eq3A_147 = arith.constant 5 : i32
    %eq3A_148 = vector.broadcast %eq3A_147 : i32 to vector<8x128xi32>
    %eq3A_149 = arith.cmpi eq, %add3A_10, %eq3A_148 : vector<8x128xi32>
    %broadcast_in_dim3A_150 = vector.broadcast %reduce_min3A_146 : i32 to vector<8x128xi32>
    %select_n3A_151 = arith.select %eq3A_149, %broadcast_in_dim3A_150, %select_n3A_126 : vector<8x128xi1>, vector<8x128xi32>
    %eq3A_152 = vector.broadcast %reduce_min3A_146 : i32 to vector<24x128xi32>
    %eq3A_153 = arith.cmpi eq, %add3A, %eq3A_152 : vector<24x128xi32>
    %jit3A_154 = arith.constant 0xFF800000 : f32
    %broadcast_in_dim3A_155 = vector.broadcast %jit3A_154 : f32 to vector<24x128xf32>
    %select_n3A_156 = arith.select %eq3A_153, %broadcast_in_dim3A_155, %select_n3A_131 : vector<24x128xi1>, vector<24x128xf32>
    %reduce_max3A_157 = vector.shape_cast %select_n3A_156 : vector<24x128xf32> to vector<1x24x128xf32>
    %reduce_max3A_158 = arith.constant dense<0xFF800000> : vector<1xf32>
    %reduce_max3A_159 = vector.multi_reduction <maximumf>, %reduce_max3A_157, %reduce_max3A_158 [1, 2] : vector<1x24x128xf32> to vector<1xf32>
    %reduce_max3A_160 = vector.shape_cast %reduce_max3A_159 : vector<1xf32> to vector<1x1x1xf32>
    %reduce_max3A_161 = vector.extract %reduce_max3A_160[0, 0, 0] : f32 from vector<1x1x1xf32>
    %eq3A_162 = vector.broadcast %reduce_max3A_161 : f32 to vector<24x128xf32>
    %eq3A_163 = arith.cmpf oeq, %select_n3A_156, %eq3A_162 : vector<24x128xf32>
    %jit3A_164 = arith.constant 1073741824 : i32
    %broadcast_in_dim3A_165 = vector.broadcast %jit3A_164 : i32 to vector<24x128xi32>
    %select_n3A_166 = arith.select %eq3A_163, %add3A, %broadcast_in_dim3A_165 : vector<24x128xi1>, vector<24x128xi32>
    %reduce_min3A_167 = vector.shape_cast %select_n3A_166 : vector<24x128xi32> to vector<1x24x128xi32>
    %reduce_min3A_168 = arith.constant dense<2147483647> : vector<1xi32>
    %reduce_min3A_169 = vector.multi_reduction <minsi>, %reduce_min3A_167, %reduce_min3A_168 [1, 2] : vector<1x24x128xi32> to vector<1xi32>
    %reduce_min3A_170 = vector.shape_cast %reduce_min3A_169 : vector<1xi32> to vector<1x1x1xi32>
    %reduce_min3A_171 = vector.extract %reduce_min3A_170[0, 0, 0] : i32 from vector<1x1x1xi32>
    %eq3A_172 = arith.constant 6 : i32
    %eq3A_173 = vector.broadcast %eq3A_172 : i32 to vector<8x128xi32>
    %eq3A_174 = arith.cmpi eq, %add3A_10, %eq3A_173 : vector<8x128xi32>
    %broadcast_in_dim3A_175 = vector.broadcast %reduce_min3A_171 : i32 to vector<8x128xi32>
    %select_n3A_176 = arith.select %eq3A_174, %broadcast_in_dim3A_175, %select_n3A_151 : vector<8x128xi1>, vector<8x128xi32>
    %eq3A_177 = vector.broadcast %reduce_min3A_171 : i32 to vector<24x128xi32>
    %eq3A_178 = arith.cmpi eq, %add3A, %eq3A_177 : vector<24x128xi32>
    %jit3A_179 = arith.constant 0xFF800000 : f32
    %broadcast_in_dim3A_180 = vector.broadcast %jit3A_179 : f32 to vector<24x128xf32>
    %select_n3A_181 = arith.select %eq3A_178, %broadcast_in_dim3A_180, %select_n3A_156 : vector<24x128xi1>, vector<24x128xf32>
    %reduce_max3A_182 = vector.shape_cast %select_n3A_181 : vector<24x128xf32> to vector<1x24x128xf32>
    %reduce_max3A_183 = arith.constant dense<0xFF800000> : vector<1xf32>
    %reduce_max3A_184 = vector.multi_reduction <maximumf>, %reduce_max3A_182, %reduce_max3A_183 [1, 2] : vector<1x24x128xf32> to vector<1xf32>
    %reduce_max3A_185 = vector.shape_cast %reduce_max3A_184 : vector<1xf32> to vector<1x1x1xf32>
    %reduce_max3A_186 = vector.extract %reduce_max3A_185[0, 0, 0] : f32 from vector<1x1x1xf32>
    %eq3A_187 = vector.broadcast %reduce_max3A_186 : f32 to vector<24x128xf32>
    %eq3A_188 = arith.cmpf oeq, %select_n3A_181, %eq3A_187 : vector<24x128xf32>
    %jit3A_189 = arith.constant 1073741824 : i32
    %broadcast_in_dim3A_190 = vector.broadcast %jit3A_189 : i32 to vector<24x128xi32>
    %select_n3A_191 = arith.select %eq3A_188, %add3A, %broadcast_in_dim3A_190 : vector<24x128xi1>, vector<24x128xi32>
    %reduce_min3A_192 = vector.shape_cast %select_n3A_191 : vector<24x128xi32> to vector<1x24x128xi32>
    %reduce_min3A_193 = arith.constant dense<2147483647> : vector<1xi32>
    %reduce_min3A_194 = vector.multi_reduction <minsi>, %reduce_min3A_192, %reduce_min3A_193 [1, 2] : vector<1x24x128xi32> to vector<1xi32>
    %reduce_min3A_195 = vector.shape_cast %reduce_min3A_194 : vector<1xi32> to vector<1x1x1xi32>
    %reduce_min3A_196 = vector.extract %reduce_min3A_195[0, 0, 0] : i32 from vector<1x1x1xi32>
    %eq3A_197 = arith.constant 7 : i32
    %eq3A_198 = vector.broadcast %eq3A_197 : i32 to vector<8x128xi32>
    %eq3A_199 = arith.cmpi eq, %add3A_10, %eq3A_198 : vector<8x128xi32>
    %broadcast_in_dim3A_200 = vector.broadcast %reduce_min3A_196 : i32 to vector<8x128xi32>
    %select_n3A_201 = arith.select %eq3A_199, %broadcast_in_dim3A_200, %select_n3A_176 : vector<8x128xi1>, vector<8x128xi32>
    %eq3A_202 = vector.broadcast %reduce_min3A_196 : i32 to vector<24x128xi32>
    %eq3A_203 = arith.cmpi eq, %add3A, %eq3A_202 : vector<24x128xi32>
    %jit3A_204 = arith.constant 0xFF800000 : f32
    %broadcast_in_dim3A_205 = vector.broadcast %jit3A_204 : f32 to vector<24x128xf32>
    %select_n3A_206 = arith.select %eq3A_203, %broadcast_in_dim3A_205, %select_n3A_181 : vector<24x128xi1>, vector<24x128xf32>
    %reduce_max3A_207 = vector.shape_cast %select_n3A_206 : vector<24x128xf32> to vector<1x24x128xf32>
    %reduce_max3A_208 = arith.constant dense<0xFF800000> : vector<1xf32>
    %reduce_max3A_209 = vector.multi_reduction <maximumf>, %reduce_max3A_207, %reduce_max3A_208 [1, 2] : vector<1x24x128xf32> to vector<1xf32>
    %reduce_max3A_210 = vector.shape_cast %reduce_max3A_209 : vector<1xf32> to vector<1x1x1xf32>
    %reduce_max3A_211 = vector.extract %reduce_max3A_210[0, 0, 0] : f32 from vector<1x1x1xf32>
    %eq3A_212 = vector.broadcast %reduce_max3A_211 : f32 to vector<24x128xf32>
    %eq3A_213 = arith.cmpf oeq, %select_n3A_206, %eq3A_212 : vector<24x128xf32>
    %jit3A_214 = arith.constant 1073741824 : i32
    %broadcast_in_dim3A_215 = vector.broadcast %jit3A_214 : i32 to vector<24x128xi32>
    %select_n3A_216 = arith.select %eq3A_213, %add3A, %broadcast_in_dim3A_215 : vector<24x128xi1>, vector<24x128xi32>
    %reduce_min3A_217 = vector.shape_cast %select_n3A_216 : vector<24x128xi32> to vector<1x24x128xi32>
    %reduce_min3A_218 = arith.constant dense<2147483647> : vector<1xi32>
    %reduce_min3A_219 = vector.multi_reduction <minsi>, %reduce_min3A_217, %reduce_min3A_218 [1, 2] : vector<1x24x128xi32> to vector<1xi32>
    %reduce_min3A_220 = vector.shape_cast %reduce_min3A_219 : vector<1xi32> to vector<1x1x1xi32>
    %reduce_min3A_221 = vector.extract %reduce_min3A_220[0, 0, 0] : i32 from vector<1x1x1xi32>
    %eq3A_222 = arith.constant 8 : i32
    %eq3A_223 = vector.broadcast %eq3A_222 : i32 to vector<8x128xi32>
    %eq3A_224 = arith.cmpi eq, %add3A_10, %eq3A_223 : vector<8x128xi32>
    %broadcast_in_dim3A_225 = vector.broadcast %reduce_min3A_221 : i32 to vector<8x128xi32>
    %select_n3A_226 = arith.select %eq3A_224, %broadcast_in_dim3A_225, %select_n3A_201 : vector<8x128xi1>, vector<8x128xi32>
    %eq3A_227 = vector.broadcast %reduce_min3A_221 : i32 to vector<24x128xi32>
    %eq3A_228 = arith.cmpi eq, %add3A, %eq3A_227 : vector<24x128xi32>
    %jit3A_229 = arith.constant 0xFF800000 : f32
    %broadcast_in_dim3A_230 = vector.broadcast %jit3A_229 : f32 to vector<24x128xf32>
    %select_n3A_231 = arith.select %eq3A_228, %broadcast_in_dim3A_230, %select_n3A_206 : vector<24x128xi1>, vector<24x128xf32>
    %reduce_max3A_232 = vector.shape_cast %select_n3A_231 : vector<24x128xf32> to vector<1x24x128xf32>
    %reduce_max3A_233 = arith.constant dense<0xFF800000> : vector<1xf32>
    %reduce_max3A_234 = vector.multi_reduction <maximumf>, %reduce_max3A_232, %reduce_max3A_233 [1, 2] : vector<1x24x128xf32> to vector<1xf32>
    %reduce_max3A_235 = vector.shape_cast %reduce_max3A_234 : vector<1xf32> to vector<1x1x1xf32>
    %reduce_max3A_236 = vector.extract %reduce_max3A_235[0, 0, 0] : f32 from vector<1x1x1xf32>
    %eq3A_237 = vector.broadcast %reduce_max3A_236 : f32 to vector<24x128xf32>
    %eq3A_238 = arith.cmpf oeq, %select_n3A_231, %eq3A_237 : vector<24x128xf32>
    %jit3A_239 = arith.constant 1073741824 : i32
    %broadcast_in_dim3A_240 = vector.broadcast %jit3A_239 : i32 to vector<24x128xi32>
    %select_n3A_241 = arith.select %eq3A_238, %add3A, %broadcast_in_dim3A_240 : vector<24x128xi1>, vector<24x128xi32>
    %reduce_min3A_242 = vector.shape_cast %select_n3A_241 : vector<24x128xi32> to vector<1x24x128xi32>
    %reduce_min3A_243 = arith.constant dense<2147483647> : vector<1xi32>
    %reduce_min3A_244 = vector.multi_reduction <minsi>, %reduce_min3A_242, %reduce_min3A_243 [1, 2] : vector<1x24x128xi32> to vector<1xi32>
    %reduce_min3A_245 = vector.shape_cast %reduce_min3A_244 : vector<1xi32> to vector<1x1x1xi32>
    %reduce_min3A_246 = vector.extract %reduce_min3A_245[0, 0, 0] : i32 from vector<1x1x1xi32>
    %eq3A_247 = arith.constant 9 : i32
    %eq3A_248 = vector.broadcast %eq3A_247 : i32 to vector<8x128xi32>
    %eq3A_249 = arith.cmpi eq, %add3A_10, %eq3A_248 : vector<8x128xi32>
    %broadcast_in_dim3A_250 = vector.broadcast %reduce_min3A_246 : i32 to vector<8x128xi32>
    %select_n3A_251 = arith.select %eq3A_249, %broadcast_in_dim3A_250, %select_n3A_226 : vector<8x128xi1>, vector<8x128xi32>
    %eq3A_252 = vector.broadcast %reduce_min3A_246 : i32 to vector<24x128xi32>
    %eq3A_253 = arith.cmpi eq, %add3A, %eq3A_252 : vector<24x128xi32>
    %jit3A_254 = arith.constant 0xFF800000 : f32
    %broadcast_in_dim3A_255 = vector.broadcast %jit3A_254 : f32 to vector<24x128xf32>
    %select_n3A_256 = arith.select %eq3A_253, %broadcast_in_dim3A_255, %select_n3A_231 : vector<24x128xi1>, vector<24x128xf32>
    %reduce_max3A_257 = vector.shape_cast %select_n3A_256 : vector<24x128xf32> to vector<1x24x128xf32>
    %reduce_max3A_258 = arith.constant dense<0xFF800000> : vector<1xf32>
    %reduce_max3A_259 = vector.multi_reduction <maximumf>, %reduce_max3A_257, %reduce_max3A_258 [1, 2] : vector<1x24x128xf32> to vector<1xf32>
    %reduce_max3A_260 = vector.shape_cast %reduce_max3A_259 : vector<1xf32> to vector<1x1x1xf32>
    %reduce_max3A_261 = vector.extract %reduce_max3A_260[0, 0, 0] : f32 from vector<1x1x1xf32>
    %eq3A_262 = vector.broadcast %reduce_max3A_261 : f32 to vector<24x128xf32>
    %eq3A_263 = arith.cmpf oeq, %select_n3A_256, %eq3A_262 : vector<24x128xf32>
    %jit3A_264 = arith.constant 1073741824 : i32
    %broadcast_in_dim3A_265 = vector.broadcast %jit3A_264 : i32 to vector<24x128xi32>
    %select_n3A_266 = arith.select %eq3A_263, %add3A, %broadcast_in_dim3A_265 : vector<24x128xi1>, vector<24x128xi32>
    %reduce_min3A_267 = vector.shape_cast %select_n3A_266 : vector<24x128xi32> to vector<1x24x128xi32>
    %reduce_min3A_268 = arith.constant dense<2147483647> : vector<1xi32>
    %reduce_min3A_269 = vector.multi_reduction <minsi>, %reduce_min3A_267, %reduce_min3A_268 [1, 2] : vector<1x24x128xi32> to vector<1xi32>
    %reduce_min3A_270 = vector.shape_cast %reduce_min3A_269 : vector<1xi32> to vector<1x1x1xi32>
    %reduce_min3A_271 = vector.extract %reduce_min3A_270[0, 0, 0] : i32 from vector<1x1x1xi32>
    %eq3A_272 = arith.constant 10 : i32
    %eq3A_273 = vector.broadcast %eq3A_272 : i32 to vector<8x128xi32>
    %eq3A_274 = arith.cmpi eq, %add3A_10, %eq3A_273 : vector<8x128xi32>
    %broadcast_in_dim3A_275 = vector.broadcast %reduce_min3A_271 : i32 to vector<8x128xi32>
    %select_n3A_276 = arith.select %eq3A_274, %broadcast_in_dim3A_275, %select_n3A_251 : vector<8x128xi1>, vector<8x128xi32>
    %eq3A_277 = vector.broadcast %reduce_min3A_271 : i32 to vector<24x128xi32>
    %eq3A_278 = arith.cmpi eq, %add3A, %eq3A_277 : vector<24x128xi32>
    %jit3A_279 = arith.constant 0xFF800000 : f32
    %broadcast_in_dim3A_280 = vector.broadcast %jit3A_279 : f32 to vector<24x128xf32>
    %select_n3A_281 = arith.select %eq3A_278, %broadcast_in_dim3A_280, %select_n3A_256 : vector<24x128xi1>, vector<24x128xf32>
    %reduce_max3A_282 = vector.shape_cast %select_n3A_281 : vector<24x128xf32> to vector<1x24x128xf32>
    %reduce_max3A_283 = arith.constant dense<0xFF800000> : vector<1xf32>
    %reduce_max3A_284 = vector.multi_reduction <maximumf>, %reduce_max3A_282, %reduce_max3A_283 [1, 2] : vector<1x24x128xf32> to vector<1xf32>
    %reduce_max3A_285 = vector.shape_cast %reduce_max3A_284 : vector<1xf32> to vector<1x1x1xf32>
    %reduce_max3A_286 = vector.extract %reduce_max3A_285[0, 0, 0] : f32 from vector<1x1x1xf32>
    %eq3A_287 = vector.broadcast %reduce_max3A_286 : f32 to vector<24x128xf32>
    %eq3A_288 = arith.cmpf oeq, %select_n3A_281, %eq3A_287 : vector<24x128xf32>
    %jit3A_289 = arith.constant 1073741824 : i32
    %broadcast_in_dim3A_290 = vector.broadcast %jit3A_289 : i32 to vector<24x128xi32>
    %select_n3A_291 = arith.select %eq3A_288, %add3A, %broadcast_in_dim3A_290 : vector<24x128xi1>, vector<24x128xi32>
    %reduce_min3A_292 = vector.shape_cast %select_n3A_291 : vector<24x128xi32> to vector<1x24x128xi32>
    %reduce_min3A_293 = arith.constant dense<2147483647> : vector<1xi32>
    %reduce_min3A_294 = vector.multi_reduction <minsi>, %reduce_min3A_292, %reduce_min3A_293 [1, 2] : vector<1x24x128xi32> to vector<1xi32>
    %reduce_min3A_295 = vector.shape_cast %reduce_min3A_294 : vector<1xi32> to vector<1x1x1xi32>
    %reduce_min3A_296 = vector.extract %reduce_min3A_295[0, 0, 0] : i32 from vector<1x1x1xi32>
    %eq3A_297 = arith.constant 11 : i32
    %eq3A_298 = vector.broadcast %eq3A_297 : i32 to vector<8x128xi32>
    %eq3A_299 = arith.cmpi eq, %add3A_10, %eq3A_298 : vector<8x128xi32>
    %broadcast_in_dim3A_300 = vector.broadcast %reduce_min3A_296 : i32 to vector<8x128xi32>
    %select_n3A_301 = arith.select %eq3A_299, %broadcast_in_dim3A_300, %select_n3A_276 : vector<8x128xi1>, vector<8x128xi32>
    %eq3A_302 = vector.broadcast %reduce_min3A_296 : i32 to vector<24x128xi32>
    %eq3A_303 = arith.cmpi eq, %add3A, %eq3A_302 : vector<24x128xi32>
    %jit3A_304 = arith.constant 0xFF800000 : f32
    %broadcast_in_dim3A_305 = vector.broadcast %jit3A_304 : f32 to vector<24x128xf32>
    %select_n3A_306 = arith.select %eq3A_303, %broadcast_in_dim3A_305, %select_n3A_281 : vector<24x128xi1>, vector<24x128xf32>
    %reduce_max3A_307 = vector.shape_cast %select_n3A_306 : vector<24x128xf32> to vector<1x24x128xf32>
    %reduce_max3A_308 = arith.constant dense<0xFF800000> : vector<1xf32>
    %reduce_max3A_309 = vector.multi_reduction <maximumf>, %reduce_max3A_307, %reduce_max3A_308 [1, 2] : vector<1x24x128xf32> to vector<1xf32>
    %reduce_max3A_310 = vector.shape_cast %reduce_max3A_309 : vector<1xf32> to vector<1x1x1xf32>
    %reduce_max3A_311 = vector.extract %reduce_max3A_310[0, 0, 0] : f32 from vector<1x1x1xf32>
    %eq3A_312 = vector.broadcast %reduce_max3A_311 : f32 to vector<24x128xf32>
    %eq3A_313 = arith.cmpf oeq, %select_n3A_306, %eq3A_312 : vector<24x128xf32>
    %jit3A_314 = arith.constant 1073741824 : i32
    %broadcast_in_dim3A_315 = vector.broadcast %jit3A_314 : i32 to vector<24x128xi32>
    %select_n3A_316 = arith.select %eq3A_313, %add3A, %broadcast_in_dim3A_315 : vector<24x128xi1>, vector<24x128xi32>
    %reduce_min3A_317 = vector.shape_cast %select_n3A_316 : vector<24x128xi32> to vector<1x24x128xi32>
    %reduce_min3A_318 = arith.constant dense<2147483647> : vector<1xi32>
    %reduce_min3A_319 = vector.multi_reduction <minsi>, %reduce_min3A_317, %reduce_min3A_318 [1, 2] : vector<1x24x128xi32> to vector<1xi32>
    %reduce_min3A_320 = vector.shape_cast %reduce_min3A_319 : vector<1xi32> to vector<1x1x1xi32>
    %reduce_min3A_321 = vector.extract %reduce_min3A_320[0, 0, 0] : i32 from vector<1x1x1xi32>
    %eq3A_322 = arith.constant 12 : i32
    %eq3A_323 = vector.broadcast %eq3A_322 : i32 to vector<8x128xi32>
    %eq3A_324 = arith.cmpi eq, %add3A_10, %eq3A_323 : vector<8x128xi32>
    %broadcast_in_dim3A_325 = vector.broadcast %reduce_min3A_321 : i32 to vector<8x128xi32>
    %select_n3A_326 = arith.select %eq3A_324, %broadcast_in_dim3A_325, %select_n3A_301 : vector<8x128xi1>, vector<8x128xi32>
    %eq3A_327 = vector.broadcast %reduce_min3A_321 : i32 to vector<24x128xi32>
    %eq3A_328 = arith.cmpi eq, %add3A, %eq3A_327 : vector<24x128xi32>
    %jit3A_329 = arith.constant 0xFF800000 : f32
    %broadcast_in_dim3A_330 = vector.broadcast %jit3A_329 : f32 to vector<24x128xf32>
    %select_n3A_331 = arith.select %eq3A_328, %broadcast_in_dim3A_330, %select_n3A_306 : vector<24x128xi1>, vector<24x128xf32>
    %reduce_max3A_332 = vector.shape_cast %select_n3A_331 : vector<24x128xf32> to vector<1x24x128xf32>
    %reduce_max3A_333 = arith.constant dense<0xFF800000> : vector<1xf32>
    %reduce_max3A_334 = vector.multi_reduction <maximumf>, %reduce_max3A_332, %reduce_max3A_333 [1, 2] : vector<1x24x128xf32> to vector<1xf32>
    %reduce_max3A_335 = vector.shape_cast %reduce_max3A_334 : vector<1xf32> to vector<1x1x1xf32>
    %reduce_max3A_336 = vector.extract %reduce_max3A_335[0, 0, 0] : f32 from vector<1x1x1xf32>
    %eq3A_337 = vector.broadcast %reduce_max3A_336 : f32 to vector<24x128xf32>
    %eq3A_338 = arith.cmpf oeq, %select_n3A_331, %eq3A_337 : vector<24x128xf32>
    %jit3A_339 = arith.constant 1073741824 : i32
    %broadcast_in_dim3A_340 = vector.broadcast %jit3A_339 : i32 to vector<24x128xi32>
    %select_n3A_341 = arith.select %eq3A_338, %add3A, %broadcast_in_dim3A_340 : vector<24x128xi1>, vector<24x128xi32>
    %reduce_min3A_342 = vector.shape_cast %select_n3A_341 : vector<24x128xi32> to vector<1x24x128xi32>
    %reduce_min3A_343 = arith.constant dense<2147483647> : vector<1xi32>
    %reduce_min3A_344 = vector.multi_reduction <minsi>, %reduce_min3A_342, %reduce_min3A_343 [1, 2] : vector<1x24x128xi32> to vector<1xi32>
    %reduce_min3A_345 = vector.shape_cast %reduce_min3A_344 : vector<1xi32> to vector<1x1x1xi32>
    %reduce_min3A_346 = vector.extract %reduce_min3A_345[0, 0, 0] : i32 from vector<1x1x1xi32>
    %eq3A_347 = arith.constant 13 : i32
    %eq3A_348 = vector.broadcast %eq3A_347 : i32 to vector<8x128xi32>
    %eq3A_349 = arith.cmpi eq, %add3A_10, %eq3A_348 : vector<8x128xi32>
    %broadcast_in_dim3A_350 = vector.broadcast %reduce_min3A_346 : i32 to vector<8x128xi32>
    %select_n3A_351 = arith.select %eq3A_349, %broadcast_in_dim3A_350, %select_n3A_326 : vector<8x128xi1>, vector<8x128xi32>
    %eq3A_352 = vector.broadcast %reduce_min3A_346 : i32 to vector<24x128xi32>
    %eq3A_353 = arith.cmpi eq, %add3A, %eq3A_352 : vector<24x128xi32>
    %jit3A_354 = arith.constant 0xFF800000 : f32
    %broadcast_in_dim3A_355 = vector.broadcast %jit3A_354 : f32 to vector<24x128xf32>
    %select_n3A_356 = arith.select %eq3A_353, %broadcast_in_dim3A_355, %select_n3A_331 : vector<24x128xi1>, vector<24x128xf32>
    %reduce_max3A_357 = vector.shape_cast %select_n3A_356 : vector<24x128xf32> to vector<1x24x128xf32>
    %reduce_max3A_358 = arith.constant dense<0xFF800000> : vector<1xf32>
    %reduce_max3A_359 = vector.multi_reduction <maximumf>, %reduce_max3A_357, %reduce_max3A_358 [1, 2] : vector<1x24x128xf32> to vector<1xf32>
    %reduce_max3A_360 = vector.shape_cast %reduce_max3A_359 : vector<1xf32> to vector<1x1x1xf32>
    %reduce_max3A_361 = vector.extract %reduce_max3A_360[0, 0, 0] : f32 from vector<1x1x1xf32>
    %eq3A_362 = vector.broadcast %reduce_max3A_361 : f32 to vector<24x128xf32>
    %eq3A_363 = arith.cmpf oeq, %select_n3A_356, %eq3A_362 : vector<24x128xf32>
    %jit3A_364 = arith.constant 1073741824 : i32
    %broadcast_in_dim3A_365 = vector.broadcast %jit3A_364 : i32 to vector<24x128xi32>
    %select_n3A_366 = arith.select %eq3A_363, %add3A, %broadcast_in_dim3A_365 : vector<24x128xi1>, vector<24x128xi32>
    %reduce_min3A_367 = vector.shape_cast %select_n3A_366 : vector<24x128xi32> to vector<1x24x128xi32>
    %reduce_min3A_368 = arith.constant dense<2147483647> : vector<1xi32>
    %reduce_min3A_369 = vector.multi_reduction <minsi>, %reduce_min3A_367, %reduce_min3A_368 [1, 2] : vector<1x24x128xi32> to vector<1xi32>
    %reduce_min3A_370 = vector.shape_cast %reduce_min3A_369 : vector<1xi32> to vector<1x1x1xi32>
    %reduce_min3A_371 = vector.extract %reduce_min3A_370[0, 0, 0] : i32 from vector<1x1x1xi32>
    %eq3A_372 = arith.constant 14 : i32
    %eq3A_373 = vector.broadcast %eq3A_372 : i32 to vector<8x128xi32>
    %eq3A_374 = arith.cmpi eq, %add3A_10, %eq3A_373 : vector<8x128xi32>
    %broadcast_in_dim3A_375 = vector.broadcast %reduce_min3A_371 : i32 to vector<8x128xi32>
    %select_n3A_376 = arith.select %eq3A_374, %broadcast_in_dim3A_375, %select_n3A_351 : vector<8x128xi1>, vector<8x128xi32>
    %eq3A_377 = vector.broadcast %reduce_min3A_371 : i32 to vector<24x128xi32>
    %eq3A_378 = arith.cmpi eq, %add3A, %eq3A_377 : vector<24x128xi32>
    %jit3A_379 = arith.constant 0xFF800000 : f32
    %broadcast_in_dim3A_380 = vector.broadcast %jit3A_379 : f32 to vector<24x128xf32>
    %select_n3A_381 = arith.select %eq3A_378, %broadcast_in_dim3A_380, %select_n3A_356 : vector<24x128xi1>, vector<24x128xf32>
    %reduce_max3A_382 = vector.shape_cast %select_n3A_381 : vector<24x128xf32> to vector<1x24x128xf32>
    %reduce_max3A_383 = arith.constant dense<0xFF800000> : vector<1xf32>
    %reduce_max3A_384 = vector.multi_reduction <maximumf>, %reduce_max3A_382, %reduce_max3A_383 [1, 2] : vector<1x24x128xf32> to vector<1xf32>
    %reduce_max3A_385 = vector.shape_cast %reduce_max3A_384 : vector<1xf32> to vector<1x1x1xf32>
    %reduce_max3A_386 = vector.extract %reduce_max3A_385[0, 0, 0] : f32 from vector<1x1x1xf32>
    %eq3A_387 = vector.broadcast %reduce_max3A_386 : f32 to vector<24x128xf32>
    %eq3A_388 = arith.cmpf oeq, %select_n3A_381, %eq3A_387 : vector<24x128xf32>
    %jit3A_389 = arith.constant 1073741824 : i32
    %broadcast_in_dim3A_390 = vector.broadcast %jit3A_389 : i32 to vector<24x128xi32>
    %select_n3A_391 = arith.select %eq3A_388, %add3A, %broadcast_in_dim3A_390 : vector<24x128xi1>, vector<24x128xi32>
    %reduce_min3A_392 = vector.shape_cast %select_n3A_391 : vector<24x128xi32> to vector<1x24x128xi32>
    %reduce_min3A_393 = arith.constant dense<2147483647> : vector<1xi32>
    %reduce_min3A_394 = vector.multi_reduction <minsi>, %reduce_min3A_392, %reduce_min3A_393 [1, 2] : vector<1x24x128xi32> to vector<1xi32>
    %reduce_min3A_395 = vector.shape_cast %reduce_min3A_394 : vector<1xi32> to vector<1x1x1xi32>
    %reduce_min3A_396 = vector.extract %reduce_min3A_395[0, 0, 0] : i32 from vector<1x1x1xi32>
    %eq3A_397 = arith.constant 15 : i32
    %eq3A_398 = vector.broadcast %eq3A_397 : i32 to vector<8x128xi32>
    %eq3A_399 = arith.cmpi eq, %add3A_10, %eq3A_398 : vector<8x128xi32>
    %broadcast_in_dim3A_400 = vector.broadcast %reduce_min3A_396 : i32 to vector<8x128xi32>
    %select_n3A_401 = arith.select %eq3A_399, %broadcast_in_dim3A_400, %select_n3A_376 : vector<8x128xi1>, vector<8x128xi32>
    %eq3A_402 = vector.broadcast %reduce_min3A_396 : i32 to vector<24x128xi32>
    %eq3A_403 = arith.cmpi eq, %add3A, %eq3A_402 : vector<24x128xi32>
    %jit3A_404 = arith.constant 0xFF800000 : f32
    %broadcast_in_dim3A_405 = vector.broadcast %jit3A_404 : f32 to vector<24x128xf32>
    %select_n3A_406 = arith.select %eq3A_403, %broadcast_in_dim3A_405, %select_n3A_381 : vector<24x128xi1>, vector<24x128xf32>
    %reduce_max3A_407 = vector.shape_cast %select_n3A_406 : vector<24x128xf32> to vector<1x24x128xf32>
    %reduce_max3A_408 = arith.constant dense<0xFF800000> : vector<1xf32>
    %reduce_max3A_409 = vector.multi_reduction <maximumf>, %reduce_max3A_407, %reduce_max3A_408 [1, 2] : vector<1x24x128xf32> to vector<1xf32>
    %reduce_max3A_410 = vector.shape_cast %reduce_max3A_409 : vector<1xf32> to vector<1x1x1xf32>
    %reduce_max3A_411 = vector.extract %reduce_max3A_410[0, 0, 0] : f32 from vector<1x1x1xf32>
    %eq3A_412 = vector.broadcast %reduce_max3A_411 : f32 to vector<24x128xf32>
    %eq3A_413 = arith.cmpf oeq, %select_n3A_406, %eq3A_412 : vector<24x128xf32>
    %jit3A_414 = arith.constant 1073741824 : i32
    %broadcast_in_dim3A_415 = vector.broadcast %jit3A_414 : i32 to vector<24x128xi32>
    %select_n3A_416 = arith.select %eq3A_413, %add3A, %broadcast_in_dim3A_415 : vector<24x128xi1>, vector<24x128xi32>
    %reduce_min3A_417 = vector.shape_cast %select_n3A_416 : vector<24x128xi32> to vector<1x24x128xi32>
    %reduce_min3A_418 = arith.constant dense<2147483647> : vector<1xi32>
    %reduce_min3A_419 = vector.multi_reduction <minsi>, %reduce_min3A_417, %reduce_min3A_418 [1, 2] : vector<1x24x128xi32> to vector<1xi32>
    %reduce_min3A_420 = vector.shape_cast %reduce_min3A_419 : vector<1xi32> to vector<1x1x1xi32>
    %reduce_min3A_421 = vector.extract %reduce_min3A_420[0, 0, 0] : i32 from vector<1x1x1xi32>
    %eq3A_422 = arith.constant 16 : i32
    %eq3A_423 = vector.broadcast %eq3A_422 : i32 to vector<8x128xi32>
    %eq3A_424 = arith.cmpi eq, %add3A_10, %eq3A_423 : vector<8x128xi32>
    %broadcast_in_dim3A_425 = vector.broadcast %reduce_min3A_421 : i32 to vector<8x128xi32>
    %select_n3A_426 = arith.select %eq3A_424, %broadcast_in_dim3A_425, %select_n3A_401 : vector<8x128xi1>, vector<8x128xi32>
    %eq3A_427 = vector.broadcast %reduce_min3A_421 : i32 to vector<24x128xi32>
    %eq3A_428 = arith.cmpi eq, %add3A, %eq3A_427 : vector<24x128xi32>
    %jit3A_429 = arith.constant 0xFF800000 : f32
    %broadcast_in_dim3A_430 = vector.broadcast %jit3A_429 : f32 to vector<24x128xf32>
    %select_n3A_431 = arith.select %eq3A_428, %broadcast_in_dim3A_430, %select_n3A_406 : vector<24x128xi1>, vector<24x128xf32>
    %reduce_max3A_432 = vector.shape_cast %select_n3A_431 : vector<24x128xf32> to vector<1x24x128xf32>
    %reduce_max3A_433 = arith.constant dense<0xFF800000> : vector<1xf32>
    %reduce_max3A_434 = vector.multi_reduction <maximumf>, %reduce_max3A_432, %reduce_max3A_433 [1, 2] : vector<1x24x128xf32> to vector<1xf32>
    %reduce_max3A_435 = vector.shape_cast %reduce_max3A_434 : vector<1xf32> to vector<1x1x1xf32>
    %reduce_max3A_436 = vector.extract %reduce_max3A_435[0, 0, 0] : f32 from vector<1x1x1xf32>
    %eq3A_437 = vector.broadcast %reduce_max3A_436 : f32 to vector<24x128xf32>
    %eq3A_438 = arith.cmpf oeq, %select_n3A_431, %eq3A_437 : vector<24x128xf32>
    %jit3A_439 = arith.constant 1073741824 : i32
    %broadcast_in_dim3A_440 = vector.broadcast %jit3A_439 : i32 to vector<24x128xi32>
    %select_n3A_441 = arith.select %eq3A_438, %add3A, %broadcast_in_dim3A_440 : vector<24x128xi1>, vector<24x128xi32>
    %reduce_min3A_442 = vector.shape_cast %select_n3A_441 : vector<24x128xi32> to vector<1x24x128xi32>
    %reduce_min3A_443 = arith.constant dense<2147483647> : vector<1xi32>
    %reduce_min3A_444 = vector.multi_reduction <minsi>, %reduce_min3A_442, %reduce_min3A_443 [1, 2] : vector<1x24x128xi32> to vector<1xi32>
    %reduce_min3A_445 = vector.shape_cast %reduce_min3A_444 : vector<1xi32> to vector<1x1x1xi32>
    %reduce_min3A_446 = vector.extract %reduce_min3A_445[0, 0, 0] : i32 from vector<1x1x1xi32>
    %eq3A_447 = arith.constant 17 : i32
    %eq3A_448 = vector.broadcast %eq3A_447 : i32 to vector<8x128xi32>
    %eq3A_449 = arith.cmpi eq, %add3A_10, %eq3A_448 : vector<8x128xi32>
    %broadcast_in_dim3A_450 = vector.broadcast %reduce_min3A_446 : i32 to vector<8x128xi32>
    %select_n3A_451 = arith.select %eq3A_449, %broadcast_in_dim3A_450, %select_n3A_426 : vector<8x128xi1>, vector<8x128xi32>
    %eq3A_452 = vector.broadcast %reduce_min3A_446 : i32 to vector<24x128xi32>
    %eq3A_453 = arith.cmpi eq, %add3A, %eq3A_452 : vector<24x128xi32>
    %jit3A_454 = arith.constant 0xFF800000 : f32
    %broadcast_in_dim3A_455 = vector.broadcast %jit3A_454 : f32 to vector<24x128xf32>
    %select_n3A_456 = arith.select %eq3A_453, %broadcast_in_dim3A_455, %select_n3A_431 : vector<24x128xi1>, vector<24x128xf32>
    %reduce_max3A_457 = vector.shape_cast %select_n3A_456 : vector<24x128xf32> to vector<1x24x128xf32>
    %reduce_max3A_458 = arith.constant dense<0xFF800000> : vector<1xf32>
    %reduce_max3A_459 = vector.multi_reduction <maximumf>, %reduce_max3A_457, %reduce_max3A_458 [1, 2] : vector<1x24x128xf32> to vector<1xf32>
    %reduce_max3A_460 = vector.shape_cast %reduce_max3A_459 : vector<1xf32> to vector<1x1x1xf32>
    %reduce_max3A_461 = vector.extract %reduce_max3A_460[0, 0, 0] : f32 from vector<1x1x1xf32>
    %eq3A_462 = vector.broadcast %reduce_max3A_461 : f32 to vector<24x128xf32>
    %eq3A_463 = arith.cmpf oeq, %select_n3A_456, %eq3A_462 : vector<24x128xf32>
    %jit3A_464 = arith.constant 1073741824 : i32
    %broadcast_in_dim3A_465 = vector.broadcast %jit3A_464 : i32 to vector<24x128xi32>
    %select_n3A_466 = arith.select %eq3A_463, %add3A, %broadcast_in_dim3A_465 : vector<24x128xi1>, vector<24x128xi32>
    %reduce_min3A_467 = vector.shape_cast %select_n3A_466 : vector<24x128xi32> to vector<1x24x128xi32>
    %reduce_min3A_468 = arith.constant dense<2147483647> : vector<1xi32>
    %reduce_min3A_469 = vector.multi_reduction <minsi>, %reduce_min3A_467, %reduce_min3A_468 [1, 2] : vector<1x24x128xi32> to vector<1xi32>
    %reduce_min3A_470 = vector.shape_cast %reduce_min3A_469 : vector<1xi32> to vector<1x1x1xi32>
    %reduce_min3A_471 = vector.extract %reduce_min3A_470[0, 0, 0] : i32 from vector<1x1x1xi32>
    %eq3A_472 = arith.constant 18 : i32
    %eq3A_473 = vector.broadcast %eq3A_472 : i32 to vector<8x128xi32>
    %eq3A_474 = arith.cmpi eq, %add3A_10, %eq3A_473 : vector<8x128xi32>
    %broadcast_in_dim3A_475 = vector.broadcast %reduce_min3A_471 : i32 to vector<8x128xi32>
    %select_n3A_476 = arith.select %eq3A_474, %broadcast_in_dim3A_475, %select_n3A_451 : vector<8x128xi1>, vector<8x128xi32>
    %eq3A_477 = vector.broadcast %reduce_min3A_471 : i32 to vector<24x128xi32>
    %eq3A_478 = arith.cmpi eq, %add3A, %eq3A_477 : vector<24x128xi32>
    %jit3A_479 = arith.constant 0xFF800000 : f32
    %broadcast_in_dim3A_480 = vector.broadcast %jit3A_479 : f32 to vector<24x128xf32>
    %select_n3A_481 = arith.select %eq3A_478, %broadcast_in_dim3A_480, %select_n3A_456 : vector<24x128xi1>, vector<24x128xf32>
    %reduce_max3A_482 = vector.shape_cast %select_n3A_481 : vector<24x128xf32> to vector<1x24x128xf32>
    %reduce_max3A_483 = arith.constant dense<0xFF800000> : vector<1xf32>
    %reduce_max3A_484 = vector.multi_reduction <maximumf>, %reduce_max3A_482, %reduce_max3A_483 [1, 2] : vector<1x24x128xf32> to vector<1xf32>
    %reduce_max3A_485 = vector.shape_cast %reduce_max3A_484 : vector<1xf32> to vector<1x1x1xf32>
    %reduce_max3A_486 = vector.extract %reduce_max3A_485[0, 0, 0] : f32 from vector<1x1x1xf32>
    %eq3A_487 = vector.broadcast %reduce_max3A_486 : f32 to vector<24x128xf32>
    %eq3A_488 = arith.cmpf oeq, %select_n3A_481, %eq3A_487 : vector<24x128xf32>
    %jit3A_489 = arith.constant 1073741824 : i32
    %broadcast_in_dim3A_490 = vector.broadcast %jit3A_489 : i32 to vector<24x128xi32>
    %select_n3A_491 = arith.select %eq3A_488, %add3A, %broadcast_in_dim3A_490 : vector<24x128xi1>, vector<24x128xi32>
    %reduce_min3A_492 = vector.shape_cast %select_n3A_491 : vector<24x128xi32> to vector<1x24x128xi32>
    %reduce_min3A_493 = arith.constant dense<2147483647> : vector<1xi32>
    %reduce_min3A_494 = vector.multi_reduction <minsi>, %reduce_min3A_492, %reduce_min3A_493 [1, 2] : vector<1x24x128xi32> to vector<1xi32>
    %reduce_min3A_495 = vector.shape_cast %reduce_min3A_494 : vector<1xi32> to vector<1x1x1xi32>
    %reduce_min3A_496 = vector.extract %reduce_min3A_495[0, 0, 0] : i32 from vector<1x1x1xi32>
    %eq3A_497 = arith.constant 19 : i32
    %eq3A_498 = vector.broadcast %eq3A_497 : i32 to vector<8x128xi32>
    %eq3A_499 = arith.cmpi eq, %add3A_10, %eq3A_498 : vector<8x128xi32>
    %broadcast_in_dim3A_500 = vector.broadcast %reduce_min3A_496 : i32 to vector<8x128xi32>
    %select_n3A_501 = arith.select %eq3A_499, %broadcast_in_dim3A_500, %select_n3A_476 : vector<8x128xi1>, vector<8x128xi32>
    %eq3A_502 = vector.broadcast %reduce_min3A_496 : i32 to vector<24x128xi32>
    %eq3A_503 = arith.cmpi eq, %add3A, %eq3A_502 : vector<24x128xi32>
    %jit3A_504 = arith.constant 0xFF800000 : f32
    %broadcast_in_dim3A_505 = vector.broadcast %jit3A_504 : f32 to vector<24x128xf32>
    %select_n3A_506 = arith.select %eq3A_503, %broadcast_in_dim3A_505, %select_n3A_481 : vector<24x128xi1>, vector<24x128xf32>
    %reduce_max3A_507 = vector.shape_cast %select_n3A_506 : vector<24x128xf32> to vector<1x24x128xf32>
    %reduce_max3A_508 = arith.constant dense<0xFF800000> : vector<1xf32>
    %reduce_max3A_509 = vector.multi_reduction <maximumf>, %reduce_max3A_507, %reduce_max3A_508 [1, 2] : vector<1x24x128xf32> to vector<1xf32>
    %reduce_max3A_510 = vector.shape_cast %reduce_max3A_509 : vector<1xf32> to vector<1x1x1xf32>
    %reduce_max3A_511 = vector.extract %reduce_max3A_510[0, 0, 0] : f32 from vector<1x1x1xf32>
    %eq3A_512 = vector.broadcast %reduce_max3A_511 : f32 to vector<24x128xf32>
    %eq3A_513 = arith.cmpf oeq, %select_n3A_506, %eq3A_512 : vector<24x128xf32>
    %jit3A_514 = arith.constant 1073741824 : i32
    %broadcast_in_dim3A_515 = vector.broadcast %jit3A_514 : i32 to vector<24x128xi32>
    %select_n3A_516 = arith.select %eq3A_513, %add3A, %broadcast_in_dim3A_515 : vector<24x128xi1>, vector<24x128xi32>
    %reduce_min3A_517 = vector.shape_cast %select_n3A_516 : vector<24x128xi32> to vector<1x24x128xi32>
    %reduce_min3A_518 = arith.constant dense<2147483647> : vector<1xi32>
    %reduce_min3A_519 = vector.multi_reduction <minsi>, %reduce_min3A_517, %reduce_min3A_518 [1, 2] : vector<1x24x128xi32> to vector<1xi32>
    %reduce_min3A_520 = vector.shape_cast %reduce_min3A_519 : vector<1xi32> to vector<1x1x1xi32>
    %reduce_min3A_521 = vector.extract %reduce_min3A_520[0, 0, 0] : i32 from vector<1x1x1xi32>
    %eq3A_522 = arith.constant 20 : i32
    %eq3A_523 = vector.broadcast %eq3A_522 : i32 to vector<8x128xi32>
    %eq3A_524 = arith.cmpi eq, %add3A_10, %eq3A_523 : vector<8x128xi32>
    %broadcast_in_dim3A_525 = vector.broadcast %reduce_min3A_521 : i32 to vector<8x128xi32>
    %select_n3A_526 = arith.select %eq3A_524, %broadcast_in_dim3A_525, %select_n3A_501 : vector<8x128xi1>, vector<8x128xi32>
    %eq3A_527 = vector.broadcast %reduce_min3A_521 : i32 to vector<24x128xi32>
    %eq3A_528 = arith.cmpi eq, %add3A, %eq3A_527 : vector<24x128xi32>
    %jit3A_529 = arith.constant 0xFF800000 : f32
    %broadcast_in_dim3A_530 = vector.broadcast %jit3A_529 : f32 to vector<24x128xf32>
    %select_n3A_531 = arith.select %eq3A_528, %broadcast_in_dim3A_530, %select_n3A_506 : vector<24x128xi1>, vector<24x128xf32>
    %reduce_max3A_532 = vector.shape_cast %select_n3A_531 : vector<24x128xf32> to vector<1x24x128xf32>
    %reduce_max3A_533 = arith.constant dense<0xFF800000> : vector<1xf32>
    %reduce_max3A_534 = vector.multi_reduction <maximumf>, %reduce_max3A_532, %reduce_max3A_533 [1, 2] : vector<1x24x128xf32> to vector<1xf32>
    %reduce_max3A_535 = vector.shape_cast %reduce_max3A_534 : vector<1xf32> to vector<1x1x1xf32>
    %reduce_max3A_536 = vector.extract %reduce_max3A_535[0, 0, 0] : f32 from vector<1x1x1xf32>
    %eq3A_537 = vector.broadcast %reduce_max3A_536 : f32 to vector<24x128xf32>
    %eq3A_538 = arith.cmpf oeq, %select_n3A_531, %eq3A_537 : vector<24x128xf32>
    %jit3A_539 = arith.constant 1073741824 : i32
    %broadcast_in_dim3A_540 = vector.broadcast %jit3A_539 : i32 to vector<24x128xi32>
    %select_n3A_541 = arith.select %eq3A_538, %add3A, %broadcast_in_dim3A_540 : vector<24x128xi1>, vector<24x128xi32>
    %reduce_min3A_542 = vector.shape_cast %select_n3A_541 : vector<24x128xi32> to vector<1x24x128xi32>
    %reduce_min3A_543 = arith.constant dense<2147483647> : vector<1xi32>
    %reduce_min3A_544 = vector.multi_reduction <minsi>, %reduce_min3A_542, %reduce_min3A_543 [1, 2] : vector<1x24x128xi32> to vector<1xi32>
    %reduce_min3A_545 = vector.shape_cast %reduce_min3A_544 : vector<1xi32> to vector<1x1x1xi32>
    %reduce_min3A_546 = vector.extract %reduce_min3A_545[0, 0, 0] : i32 from vector<1x1x1xi32>
    %eq3A_547 = arith.constant 21 : i32
    %eq3A_548 = vector.broadcast %eq3A_547 : i32 to vector<8x128xi32>
    %eq3A_549 = arith.cmpi eq, %add3A_10, %eq3A_548 : vector<8x128xi32>
    %broadcast_in_dim3A_550 = vector.broadcast %reduce_min3A_546 : i32 to vector<8x128xi32>
    %select_n3A_551 = arith.select %eq3A_549, %broadcast_in_dim3A_550, %select_n3A_526 : vector<8x128xi1>, vector<8x128xi32>
    %eq3A_552 = vector.broadcast %reduce_min3A_546 : i32 to vector<24x128xi32>
    %eq3A_553 = arith.cmpi eq, %add3A, %eq3A_552 : vector<24x128xi32>
    %jit3A_554 = arith.constant 0xFF800000 : f32
    %broadcast_in_dim3A_555 = vector.broadcast %jit3A_554 : f32 to vector<24x128xf32>
    %select_n3A_556 = arith.select %eq3A_553, %broadcast_in_dim3A_555, %select_n3A_531 : vector<24x128xi1>, vector<24x128xf32>
    %reduce_max3A_557 = vector.shape_cast %select_n3A_556 : vector<24x128xf32> to vector<1x24x128xf32>
    %reduce_max3A_558 = arith.constant dense<0xFF800000> : vector<1xf32>
    %reduce_max3A_559 = vector.multi_reduction <maximumf>, %reduce_max3A_557, %reduce_max3A_558 [1, 2] : vector<1x24x128xf32> to vector<1xf32>
    %reduce_max3A_560 = vector.shape_cast %reduce_max3A_559 : vector<1xf32> to vector<1x1x1xf32>
    %reduce_max3A_561 = vector.extract %reduce_max3A_560[0, 0, 0] : f32 from vector<1x1x1xf32>
    %eq3A_562 = vector.broadcast %reduce_max3A_561 : f32 to vector<24x128xf32>
    %eq3A_563 = arith.cmpf oeq, %select_n3A_556, %eq3A_562 : vector<24x128xf32>
    %jit3A_564 = arith.constant 1073741824 : i32
    %broadcast_in_dim3A_565 = vector.broadcast %jit3A_564 : i32 to vector<24x128xi32>
    %select_n3A_566 = arith.select %eq3A_563, %add3A, %broadcast_in_dim3A_565 : vector<24x128xi1>, vector<24x128xi32>
    %reduce_min3A_567 = vector.shape_cast %select_n3A_566 : vector<24x128xi32> to vector<1x24x128xi32>
    %reduce_min3A_568 = arith.constant dense<2147483647> : vector<1xi32>
    %reduce_min3A_569 = vector.multi_reduction <minsi>, %reduce_min3A_567, %reduce_min3A_568 [1, 2] : vector<1x24x128xi32> to vector<1xi32>
    %reduce_min3A_570 = vector.shape_cast %reduce_min3A_569 : vector<1xi32> to vector<1x1x1xi32>
    %reduce_min3A_571 = vector.extract %reduce_min3A_570[0, 0, 0] : i32 from vector<1x1x1xi32>
    %eq3A_572 = arith.constant 22 : i32
    %eq3A_573 = vector.broadcast %eq3A_572 : i32 to vector<8x128xi32>
    %eq3A_574 = arith.cmpi eq, %add3A_10, %eq3A_573 : vector<8x128xi32>
    %broadcast_in_dim3A_575 = vector.broadcast %reduce_min3A_571 : i32 to vector<8x128xi32>
    %select_n3A_576 = arith.select %eq3A_574, %broadcast_in_dim3A_575, %select_n3A_551 : vector<8x128xi1>, vector<8x128xi32>
    %eq3A_577 = vector.broadcast %reduce_min3A_571 : i32 to vector<24x128xi32>
    %eq3A_578 = arith.cmpi eq, %add3A, %eq3A_577 : vector<24x128xi32>
    %jit3A_579 = arith.constant 0xFF800000 : f32
    %broadcast_in_dim3A_580 = vector.broadcast %jit3A_579 : f32 to vector<24x128xf32>
    %select_n3A_581 = arith.select %eq3A_578, %broadcast_in_dim3A_580, %select_n3A_556 : vector<24x128xi1>, vector<24x128xf32>
    %reduce_max3A_582 = vector.shape_cast %select_n3A_581 : vector<24x128xf32> to vector<1x24x128xf32>
    %reduce_max3A_583 = arith.constant dense<0xFF800000> : vector<1xf32>
    %reduce_max3A_584 = vector.multi_reduction <maximumf>, %reduce_max3A_582, %reduce_max3A_583 [1, 2] : vector<1x24x128xf32> to vector<1xf32>
    %reduce_max3A_585 = vector.shape_cast %reduce_max3A_584 : vector<1xf32> to vector<1x1x1xf32>
    %reduce_max3A_586 = vector.extract %reduce_max3A_585[0, 0, 0] : f32 from vector<1x1x1xf32>
    %eq3A_587 = vector.broadcast %reduce_max3A_586 : f32 to vector<24x128xf32>
    %eq3A_588 = arith.cmpf oeq, %select_n3A_581, %eq3A_587 : vector<24x128xf32>
    %jit3A_589 = arith.constant 1073741824 : i32
    %broadcast_in_dim3A_590 = vector.broadcast %jit3A_589 : i32 to vector<24x128xi32>
    %select_n3A_591 = arith.select %eq3A_588, %add3A, %broadcast_in_dim3A_590 : vector<24x128xi1>, vector<24x128xi32>
    %reduce_min3A_592 = vector.shape_cast %select_n3A_591 : vector<24x128xi32> to vector<1x24x128xi32>
    %reduce_min3A_593 = arith.constant dense<2147483647> : vector<1xi32>
    %reduce_min3A_594 = vector.multi_reduction <minsi>, %reduce_min3A_592, %reduce_min3A_593 [1, 2] : vector<1x24x128xi32> to vector<1xi32>
    %reduce_min3A_595 = vector.shape_cast %reduce_min3A_594 : vector<1xi32> to vector<1x1x1xi32>
    %reduce_min3A_596 = vector.extract %reduce_min3A_595[0, 0, 0] : i32 from vector<1x1x1xi32>
    %eq3A_597 = arith.constant 23 : i32
    %eq3A_598 = vector.broadcast %eq3A_597 : i32 to vector<8x128xi32>
    %eq3A_599 = arith.cmpi eq, %add3A_10, %eq3A_598 : vector<8x128xi32>
    %broadcast_in_dim3A_600 = vector.broadcast %reduce_min3A_596 : i32 to vector<8x128xi32>
    %select_n3A_601 = arith.select %eq3A_599, %broadcast_in_dim3A_600, %select_n3A_576 : vector<8x128xi1>, vector<8x128xi32>
    %eq3A_602 = vector.broadcast %reduce_min3A_596 : i32 to vector<24x128xi32>
    %eq3A_603 = arith.cmpi eq, %add3A, %eq3A_602 : vector<24x128xi32>
    %jit3A_604 = arith.constant 0xFF800000 : f32
    %broadcast_in_dim3A_605 = vector.broadcast %jit3A_604 : f32 to vector<24x128xf32>
    %select_n3A_606 = arith.select %eq3A_603, %broadcast_in_dim3A_605, %select_n3A_581 : vector<24x128xi1>, vector<24x128xf32>
    %reduce_max3A_607 = vector.shape_cast %select_n3A_606 : vector<24x128xf32> to vector<1x24x128xf32>
    %reduce_max3A_608 = arith.constant dense<0xFF800000> : vector<1xf32>
    %reduce_max3A_609 = vector.multi_reduction <maximumf>, %reduce_max3A_607, %reduce_max3A_608 [1, 2] : vector<1x24x128xf32> to vector<1xf32>
    %reduce_max3A_610 = vector.shape_cast %reduce_max3A_609 : vector<1xf32> to vector<1x1x1xf32>
    %reduce_max3A_611 = vector.extract %reduce_max3A_610[0, 0, 0] : f32 from vector<1x1x1xf32>
    %eq3A_612 = vector.broadcast %reduce_max3A_611 : f32 to vector<24x128xf32>
    %eq3A_613 = arith.cmpf oeq, %select_n3A_606, %eq3A_612 : vector<24x128xf32>
    %jit3A_614 = arith.constant 1073741824 : i32
    %broadcast_in_dim3A_615 = vector.broadcast %jit3A_614 : i32 to vector<24x128xi32>
    %select_n3A_616 = arith.select %eq3A_613, %add3A, %broadcast_in_dim3A_615 : vector<24x128xi1>, vector<24x128xi32>
    %reduce_min3A_617 = vector.shape_cast %select_n3A_616 : vector<24x128xi32> to vector<1x24x128xi32>
    %reduce_min3A_618 = arith.constant dense<2147483647> : vector<1xi32>
    %reduce_min3A_619 = vector.multi_reduction <minsi>, %reduce_min3A_617, %reduce_min3A_618 [1, 2] : vector<1x24x128xi32> to vector<1xi32>
    %reduce_min3A_620 = vector.shape_cast %reduce_min3A_619 : vector<1xi32> to vector<1x1x1xi32>
    %reduce_min3A_621 = vector.extract %reduce_min3A_620[0, 0, 0] : i32 from vector<1x1x1xi32>
    %eq3A_622 = arith.constant 24 : i32
    %eq3A_623 = vector.broadcast %eq3A_622 : i32 to vector<8x128xi32>
    %eq3A_624 = arith.cmpi eq, %add3A_10, %eq3A_623 : vector<8x128xi32>
    %broadcast_in_dim3A_625 = vector.broadcast %reduce_min3A_621 : i32 to vector<8x128xi32>
    %select_n3A_626 = arith.select %eq3A_624, %broadcast_in_dim3A_625, %select_n3A_601 : vector<8x128xi1>, vector<8x128xi32>
    %eq3A_627 = vector.broadcast %reduce_min3A_621 : i32 to vector<24x128xi32>
    %eq3A_628 = arith.cmpi eq, %add3A, %eq3A_627 : vector<24x128xi32>
    %jit3A_629 = arith.constant 0xFF800000 : f32
    %broadcast_in_dim3A_630 = vector.broadcast %jit3A_629 : f32 to vector<24x128xf32>
    %select_n3A_631 = arith.select %eq3A_628, %broadcast_in_dim3A_630, %select_n3A_606 : vector<24x128xi1>, vector<24x128xf32>
    %reduce_max3A_632 = vector.shape_cast %select_n3A_631 : vector<24x128xf32> to vector<1x24x128xf32>
    %reduce_max3A_633 = arith.constant dense<0xFF800000> : vector<1xf32>
    %reduce_max3A_634 = vector.multi_reduction <maximumf>, %reduce_max3A_632, %reduce_max3A_633 [1, 2] : vector<1x24x128xf32> to vector<1xf32>
    %reduce_max3A_635 = vector.shape_cast %reduce_max3A_634 : vector<1xf32> to vector<1x1x1xf32>
    %reduce_max3A_636 = vector.extract %reduce_max3A_635[0, 0, 0] : f32 from vector<1x1x1xf32>
    %eq3A_637 = vector.broadcast %reduce_max3A_636 : f32 to vector<24x128xf32>
    %eq3A_638 = arith.cmpf oeq, %select_n3A_631, %eq3A_637 : vector<24x128xf32>
    %jit3A_639 = arith.constant 1073741824 : i32
    %broadcast_in_dim3A_640 = vector.broadcast %jit3A_639 : i32 to vector<24x128xi32>
    %select_n3A_641 = arith.select %eq3A_638, %add3A, %broadcast_in_dim3A_640 : vector<24x128xi1>, vector<24x128xi32>
    %reduce_min3A_642 = vector.shape_cast %select_n3A_641 : vector<24x128xi32> to vector<1x24x128xi32>
    %reduce_min3A_643 = arith.constant dense<2147483647> : vector<1xi32>
    %reduce_min3A_644 = vector.multi_reduction <minsi>, %reduce_min3A_642, %reduce_min3A_643 [1, 2] : vector<1x24x128xi32> to vector<1xi32>
    %reduce_min3A_645 = vector.shape_cast %reduce_min3A_644 : vector<1xi32> to vector<1x1x1xi32>
    %reduce_min3A_646 = vector.extract %reduce_min3A_645[0, 0, 0] : i32 from vector<1x1x1xi32>
    %eq3A_647 = arith.constant 25 : i32
    %eq3A_648 = vector.broadcast %eq3A_647 : i32 to vector<8x128xi32>
    %eq3A_649 = arith.cmpi eq, %add3A_10, %eq3A_648 : vector<8x128xi32>
    %broadcast_in_dim3A_650 = vector.broadcast %reduce_min3A_646 : i32 to vector<8x128xi32>
    %select_n3A_651 = arith.select %eq3A_649, %broadcast_in_dim3A_650, %select_n3A_626 : vector<8x128xi1>, vector<8x128xi32>
    %eq3A_652 = vector.broadcast %reduce_min3A_646 : i32 to vector<24x128xi32>
    %eq3A_653 = arith.cmpi eq, %add3A, %eq3A_652 : vector<24x128xi32>
    %jit3A_654 = arith.constant 0xFF800000 : f32
    %broadcast_in_dim3A_655 = vector.broadcast %jit3A_654 : f32 to vector<24x128xf32>
    %select_n3A_656 = arith.select %eq3A_653, %broadcast_in_dim3A_655, %select_n3A_631 : vector<24x128xi1>, vector<24x128xf32>
    %reduce_max3A_657 = vector.shape_cast %select_n3A_656 : vector<24x128xf32> to vector<1x24x128xf32>
    %reduce_max3A_658 = arith.constant dense<0xFF800000> : vector<1xf32>
    %reduce_max3A_659 = vector.multi_reduction <maximumf>, %reduce_max3A_657, %reduce_max3A_658 [1, 2] : vector<1x24x128xf32> to vector<1xf32>
    %reduce_max3A_660 = vector.shape_cast %reduce_max3A_659 : vector<1xf32> to vector<1x1x1xf32>
    %reduce_max3A_661 = vector.extract %reduce_max3A_660[0, 0, 0] : f32 from vector<1x1x1xf32>
    %eq3A_662 = vector.broadcast %reduce_max3A_661 : f32 to vector<24x128xf32>
    %eq3A_663 = arith.cmpf oeq, %select_n3A_656, %eq3A_662 : vector<24x128xf32>
    %jit3A_664 = arith.constant 1073741824 : i32
    %broadcast_in_dim3A_665 = vector.broadcast %jit3A_664 : i32 to vector<24x128xi32>
    %select_n3A_666 = arith.select %eq3A_663, %add3A, %broadcast_in_dim3A_665 : vector<24x128xi1>, vector<24x128xi32>
    %reduce_min3A_667 = vector.shape_cast %select_n3A_666 : vector<24x128xi32> to vector<1x24x128xi32>
    %reduce_min3A_668 = arith.constant dense<2147483647> : vector<1xi32>
    %reduce_min3A_669 = vector.multi_reduction <minsi>, %reduce_min3A_667, %reduce_min3A_668 [1, 2] : vector<1x24x128xi32> to vector<1xi32>
    %reduce_min3A_670 = vector.shape_cast %reduce_min3A_669 : vector<1xi32> to vector<1x1x1xi32>
    %reduce_min3A_671 = vector.extract %reduce_min3A_670[0, 0, 0] : i32 from vector<1x1x1xi32>
    %eq3A_672 = arith.constant 26 : i32
    %eq3A_673 = vector.broadcast %eq3A_672 : i32 to vector<8x128xi32>
    %eq3A_674 = arith.cmpi eq, %add3A_10, %eq3A_673 : vector<8x128xi32>
    %broadcast_in_dim3A_675 = vector.broadcast %reduce_min3A_671 : i32 to vector<8x128xi32>
    %select_n3A_676 = arith.select %eq3A_674, %broadcast_in_dim3A_675, %select_n3A_651 : vector<8x128xi1>, vector<8x128xi32>
    %eq3A_677 = vector.broadcast %reduce_min3A_671 : i32 to vector<24x128xi32>
    %eq3A_678 = arith.cmpi eq, %add3A, %eq3A_677 : vector<24x128xi32>
    %jit3A_679 = arith.constant 0xFF800000 : f32
    %broadcast_in_dim3A_680 = vector.broadcast %jit3A_679 : f32 to vector<24x128xf32>
    %select_n3A_681 = arith.select %eq3A_678, %broadcast_in_dim3A_680, %select_n3A_656 : vector<24x128xi1>, vector<24x128xf32>
    %reduce_max3A_682 = vector.shape_cast %select_n3A_681 : vector<24x128xf32> to vector<1x24x128xf32>
    %reduce_max3A_683 = arith.constant dense<0xFF800000> : vector<1xf32>
    %reduce_max3A_684 = vector.multi_reduction <maximumf>, %reduce_max3A_682, %reduce_max3A_683 [1, 2] : vector<1x24x128xf32> to vector<1xf32>
    %reduce_max3A_685 = vector.shape_cast %reduce_max3A_684 : vector<1xf32> to vector<1x1x1xf32>
    %reduce_max3A_686 = vector.extract %reduce_max3A_685[0, 0, 0] : f32 from vector<1x1x1xf32>
    %eq3A_687 = vector.broadcast %reduce_max3A_686 : f32 to vector<24x128xf32>
    %eq3A_688 = arith.cmpf oeq, %select_n3A_681, %eq3A_687 : vector<24x128xf32>
    %jit3A_689 = arith.constant 1073741824 : i32
    %broadcast_in_dim3A_690 = vector.broadcast %jit3A_689 : i32 to vector<24x128xi32>
    %select_n3A_691 = arith.select %eq3A_688, %add3A, %broadcast_in_dim3A_690 : vector<24x128xi1>, vector<24x128xi32>
    %reduce_min3A_692 = vector.shape_cast %select_n3A_691 : vector<24x128xi32> to vector<1x24x128xi32>
    %reduce_min3A_693 = arith.constant dense<2147483647> : vector<1xi32>
    %reduce_min3A_694 = vector.multi_reduction <minsi>, %reduce_min3A_692, %reduce_min3A_693 [1, 2] : vector<1x24x128xi32> to vector<1xi32>
    %reduce_min3A_695 = vector.shape_cast %reduce_min3A_694 : vector<1xi32> to vector<1x1x1xi32>
    %reduce_min3A_696 = vector.extract %reduce_min3A_695[0, 0, 0] : i32 from vector<1x1x1xi32>
    %eq3A_697 = arith.constant 27 : i32
    %eq3A_698 = vector.broadcast %eq3A_697 : i32 to vector<8x128xi32>
    %eq3A_699 = arith.cmpi eq, %add3A_10, %eq3A_698 : vector<8x128xi32>
    %broadcast_in_dim3A_700 = vector.broadcast %reduce_min3A_696 : i32 to vector<8x128xi32>
    %select_n3A_701 = arith.select %eq3A_699, %broadcast_in_dim3A_700, %select_n3A_676 : vector<8x128xi1>, vector<8x128xi32>
    %eq3A_702 = vector.broadcast %reduce_min3A_696 : i32 to vector<24x128xi32>
    %eq3A_703 = arith.cmpi eq, %add3A, %eq3A_702 : vector<24x128xi32>
    %jit3A_704 = arith.constant 0xFF800000 : f32
    %broadcast_in_dim3A_705 = vector.broadcast %jit3A_704 : f32 to vector<24x128xf32>
    %select_n3A_706 = arith.select %eq3A_703, %broadcast_in_dim3A_705, %select_n3A_681 : vector<24x128xi1>, vector<24x128xf32>
    %reduce_max3A_707 = vector.shape_cast %select_n3A_706 : vector<24x128xf32> to vector<1x24x128xf32>
    %reduce_max3A_708 = arith.constant dense<0xFF800000> : vector<1xf32>
    %reduce_max3A_709 = vector.multi_reduction <maximumf>, %reduce_max3A_707, %reduce_max3A_708 [1, 2] : vector<1x24x128xf32> to vector<1xf32>
    %reduce_max3A_710 = vector.shape_cast %reduce_max3A_709 : vector<1xf32> to vector<1x1x1xf32>
    %reduce_max3A_711 = vector.extract %reduce_max3A_710[0, 0, 0] : f32 from vector<1x1x1xf32>
    %eq3A_712 = vector.broadcast %reduce_max3A_711 : f32 to vector<24x128xf32>
    %eq3A_713 = arith.cmpf oeq, %select_n3A_706, %eq3A_712 : vector<24x128xf32>
    %jit3A_714 = arith.constant 1073741824 : i32
    %broadcast_in_dim3A_715 = vector.broadcast %jit3A_714 : i32 to vector<24x128xi32>
    %select_n3A_716 = arith.select %eq3A_713, %add3A, %broadcast_in_dim3A_715 : vector<24x128xi1>, vector<24x128xi32>
    %reduce_min3A_717 = vector.shape_cast %select_n3A_716 : vector<24x128xi32> to vector<1x24x128xi32>
    %reduce_min3A_718 = arith.constant dense<2147483647> : vector<1xi32>
    %reduce_min3A_719 = vector.multi_reduction <minsi>, %reduce_min3A_717, %reduce_min3A_718 [1, 2] : vector<1x24x128xi32> to vector<1xi32>
    %reduce_min3A_720 = vector.shape_cast %reduce_min3A_719 : vector<1xi32> to vector<1x1x1xi32>
    %reduce_min3A_721 = vector.extract %reduce_min3A_720[0, 0, 0] : i32 from vector<1x1x1xi32>
    %eq3A_722 = arith.constant 28 : i32
    %eq3A_723 = vector.broadcast %eq3A_722 : i32 to vector<8x128xi32>
    %eq3A_724 = arith.cmpi eq, %add3A_10, %eq3A_723 : vector<8x128xi32>
    %broadcast_in_dim3A_725 = vector.broadcast %reduce_min3A_721 : i32 to vector<8x128xi32>
    %select_n3A_726 = arith.select %eq3A_724, %broadcast_in_dim3A_725, %select_n3A_701 : vector<8x128xi1>, vector<8x128xi32>
    %eq3A_727 = vector.broadcast %reduce_min3A_721 : i32 to vector<24x128xi32>
    %eq3A_728 = arith.cmpi eq, %add3A, %eq3A_727 : vector<24x128xi32>
    %jit3A_729 = arith.constant 0xFF800000 : f32
    %broadcast_in_dim3A_730 = vector.broadcast %jit3A_729 : f32 to vector<24x128xf32>
    %select_n3A_731 = arith.select %eq3A_728, %broadcast_in_dim3A_730, %select_n3A_706 : vector<24x128xi1>, vector<24x128xf32>
    %reduce_max3A_732 = vector.shape_cast %select_n3A_731 : vector<24x128xf32> to vector<1x24x128xf32>
    %reduce_max3A_733 = arith.constant dense<0xFF800000> : vector<1xf32>
    %reduce_max3A_734 = vector.multi_reduction <maximumf>, %reduce_max3A_732, %reduce_max3A_733 [1, 2] : vector<1x24x128xf32> to vector<1xf32>
    %reduce_max3A_735 = vector.shape_cast %reduce_max3A_734 : vector<1xf32> to vector<1x1x1xf32>
    %reduce_max3A_736 = vector.extract %reduce_max3A_735[0, 0, 0] : f32 from vector<1x1x1xf32>
    %eq3A_737 = vector.broadcast %reduce_max3A_736 : f32 to vector<24x128xf32>
    %eq3A_738 = arith.cmpf oeq, %select_n3A_731, %eq3A_737 : vector<24x128xf32>
    %jit3A_739 = arith.constant 1073741824 : i32
    %broadcast_in_dim3A_740 = vector.broadcast %jit3A_739 : i32 to vector<24x128xi32>
    %select_n3A_741 = arith.select %eq3A_738, %add3A, %broadcast_in_dim3A_740 : vector<24x128xi1>, vector<24x128xi32>
    %reduce_min3A_742 = vector.shape_cast %select_n3A_741 : vector<24x128xi32> to vector<1x24x128xi32>
    %reduce_min3A_743 = arith.constant dense<2147483647> : vector<1xi32>
    %reduce_min3A_744 = vector.multi_reduction <minsi>, %reduce_min3A_742, %reduce_min3A_743 [1, 2] : vector<1x24x128xi32> to vector<1xi32>
    %reduce_min3A_745 = vector.shape_cast %reduce_min3A_744 : vector<1xi32> to vector<1x1x1xi32>
    %reduce_min3A_746 = vector.extract %reduce_min3A_745[0, 0, 0] : i32 from vector<1x1x1xi32>
    %eq3A_747 = arith.constant 29 : i32
    %eq3A_748 = vector.broadcast %eq3A_747 : i32 to vector<8x128xi32>
    %eq3A_749 = arith.cmpi eq, %add3A_10, %eq3A_748 : vector<8x128xi32>
    %broadcast_in_dim3A_750 = vector.broadcast %reduce_min3A_746 : i32 to vector<8x128xi32>
    %select_n3A_751 = arith.select %eq3A_749, %broadcast_in_dim3A_750, %select_n3A_726 : vector<8x128xi1>, vector<8x128xi32>
    %eq3A_752 = vector.broadcast %reduce_min3A_746 : i32 to vector<24x128xi32>
    %eq3A_753 = arith.cmpi eq, %add3A, %eq3A_752 : vector<24x128xi32>
    %jit3A_754 = arith.constant 0xFF800000 : f32
    %broadcast_in_dim3A_755 = vector.broadcast %jit3A_754 : f32 to vector<24x128xf32>
    %select_n3A_756 = arith.select %eq3A_753, %broadcast_in_dim3A_755, %select_n3A_731 : vector<24x128xi1>, vector<24x128xf32>
    %reduce_max3A_757 = vector.shape_cast %select_n3A_756 : vector<24x128xf32> to vector<1x24x128xf32>
    %reduce_max3A_758 = arith.constant dense<0xFF800000> : vector<1xf32>
    %reduce_max3A_759 = vector.multi_reduction <maximumf>, %reduce_max3A_757, %reduce_max3A_758 [1, 2] : vector<1x24x128xf32> to vector<1xf32>
    %reduce_max3A_760 = vector.shape_cast %reduce_max3A_759 : vector<1xf32> to vector<1x1x1xf32>
    %reduce_max3A_761 = vector.extract %reduce_max3A_760[0, 0, 0] : f32 from vector<1x1x1xf32>
    %eq3A_762 = vector.broadcast %reduce_max3A_761 : f32 to vector<24x128xf32>
    %eq3A_763 = arith.cmpf oeq, %select_n3A_756, %eq3A_762 : vector<24x128xf32>
    %jit3A_764 = arith.constant 1073741824 : i32
    %broadcast_in_dim3A_765 = vector.broadcast %jit3A_764 : i32 to vector<24x128xi32>
    %select_n3A_766 = arith.select %eq3A_763, %add3A, %broadcast_in_dim3A_765 : vector<24x128xi1>, vector<24x128xi32>
    %reduce_min3A_767 = vector.shape_cast %select_n3A_766 : vector<24x128xi32> to vector<1x24x128xi32>
    %reduce_min3A_768 = arith.constant dense<2147483647> : vector<1xi32>
    %reduce_min3A_769 = vector.multi_reduction <minsi>, %reduce_min3A_767, %reduce_min3A_768 [1, 2] : vector<1x24x128xi32> to vector<1xi32>
    %reduce_min3A_770 = vector.shape_cast %reduce_min3A_769 : vector<1xi32> to vector<1x1x1xi32>
    %reduce_min3A_771 = vector.extract %reduce_min3A_770[0, 0, 0] : i32 from vector<1x1x1xi32>
    %eq3A_772 = arith.constant 30 : i32
    %eq3A_773 = vector.broadcast %eq3A_772 : i32 to vector<8x128xi32>
    %eq3A_774 = arith.cmpi eq, %add3A_10, %eq3A_773 : vector<8x128xi32>
    %broadcast_in_dim3A_775 = vector.broadcast %reduce_min3A_771 : i32 to vector<8x128xi32>
    %select_n3A_776 = arith.select %eq3A_774, %broadcast_in_dim3A_775, %select_n3A_751 : vector<8x128xi1>, vector<8x128xi32>
    %eq3A_777 = vector.broadcast %reduce_min3A_771 : i32 to vector<24x128xi32>
    %eq3A_778 = arith.cmpi eq, %add3A, %eq3A_777 : vector<24x128xi32>
    %jit3A_779 = arith.constant 0xFF800000 : f32
    %broadcast_in_dim3A_780 = vector.broadcast %jit3A_779 : f32 to vector<24x128xf32>
    %select_n3A_781 = arith.select %eq3A_778, %broadcast_in_dim3A_780, %select_n3A_756 : vector<24x128xi1>, vector<24x128xf32>
    %reduce_max3A_782 = vector.shape_cast %select_n3A_781 : vector<24x128xf32> to vector<1x24x128xf32>
    %reduce_max3A_783 = arith.constant dense<0xFF800000> : vector<1xf32>
    %reduce_max3A_784 = vector.multi_reduction <maximumf>, %reduce_max3A_782, %reduce_max3A_783 [1, 2] : vector<1x24x128xf32> to vector<1xf32>
    %reduce_max3A_785 = vector.shape_cast %reduce_max3A_784 : vector<1xf32> to vector<1x1x1xf32>
    %reduce_max3A_786 = vector.extract %reduce_max3A_785[0, 0, 0] : f32 from vector<1x1x1xf32>
    %eq3A_787 = vector.broadcast %reduce_max3A_786 : f32 to vector<24x128xf32>
    %eq3A_788 = arith.cmpf oeq, %select_n3A_781, %eq3A_787 : vector<24x128xf32>
    %jit3A_789 = arith.constant 1073741824 : i32
    %broadcast_in_dim3A_790 = vector.broadcast %jit3A_789 : i32 to vector<24x128xi32>
    %select_n3A_791 = arith.select %eq3A_788, %add3A, %broadcast_in_dim3A_790 : vector<24x128xi1>, vector<24x128xi32>
    %reduce_min3A_792 = vector.shape_cast %select_n3A_791 : vector<24x128xi32> to vector<1x24x128xi32>
    %reduce_min3A_793 = arith.constant dense<2147483647> : vector<1xi32>
    %reduce_min3A_794 = vector.multi_reduction <minsi>, %reduce_min3A_792, %reduce_min3A_793 [1, 2] : vector<1x24x128xi32> to vector<1xi32>
    %reduce_min3A_795 = vector.shape_cast %reduce_min3A_794 : vector<1xi32> to vector<1x1x1xi32>
    %reduce_min3A_796 = vector.extract %reduce_min3A_795[0, 0, 0] : i32 from vector<1x1x1xi32>
    %eq3A_797 = arith.constant 31 : i32
    %eq3A_798 = vector.broadcast %eq3A_797 : i32 to vector<8x128xi32>
    %eq3A_799 = arith.cmpi eq, %add3A_10, %eq3A_798 : vector<8x128xi32>
    %broadcast_in_dim3A_800 = vector.broadcast %reduce_min3A_796 : i32 to vector<8x128xi32>
    %select_n3A_801 = arith.select %eq3A_799, %broadcast_in_dim3A_800, %select_n3A_776 : vector<8x128xi1>, vector<8x128xi32>
    %eq3A_802 = vector.broadcast %reduce_min3A_796 : i32 to vector<24x128xi32>
    %eq3A_803 = arith.cmpi eq, %add3A, %eq3A_802 : vector<24x128xi32>
    %jit3A_804 = arith.constant 0xFF800000 : f32
    %broadcast_in_dim3A_805 = vector.broadcast %jit3A_804 : f32 to vector<24x128xf32>
    %select_n3A_806 = arith.select %eq3A_803, %broadcast_in_dim3A_805, %select_n3A_781 : vector<24x128xi1>, vector<24x128xf32>
    %reduce_max3A_807 = vector.shape_cast %select_n3A_806 : vector<24x128xf32> to vector<1x24x128xf32>
    %reduce_max3A_808 = arith.constant dense<0xFF800000> : vector<1xf32>
    %reduce_max3A_809 = vector.multi_reduction <maximumf>, %reduce_max3A_807, %reduce_max3A_808 [1, 2] : vector<1x24x128xf32> to vector<1xf32>
    %reduce_max3A_810 = vector.shape_cast %reduce_max3A_809 : vector<1xf32> to vector<1x1x1xf32>
    %reduce_max3A_811 = vector.extract %reduce_max3A_810[0, 0, 0] : f32 from vector<1x1x1xf32>
    %eq3A_812 = vector.broadcast %reduce_max3A_811 : f32 to vector<24x128xf32>
    %eq3A_813 = arith.cmpf oeq, %select_n3A_806, %eq3A_812 : vector<24x128xf32>
    %jit3A_814 = arith.constant 1073741824 : i32
    %broadcast_in_dim3A_815 = vector.broadcast %jit3A_814 : i32 to vector<24x128xi32>
    %select_n3A_816 = arith.select %eq3A_813, %add3A, %broadcast_in_dim3A_815 : vector<24x128xi1>, vector<24x128xi32>
    %reduce_min3A_817 = vector.shape_cast %select_n3A_816 : vector<24x128xi32> to vector<1x24x128xi32>
    %reduce_min3A_818 = arith.constant dense<2147483647> : vector<1xi32>
    %reduce_min3A_819 = vector.multi_reduction <minsi>, %reduce_min3A_817, %reduce_min3A_818 [1, 2] : vector<1x24x128xi32> to vector<1xi32>
    %reduce_min3A_820 = vector.shape_cast %reduce_min3A_819 : vector<1xi32> to vector<1x1x1xi32>
    %reduce_min3A_821 = vector.extract %reduce_min3A_820[0, 0, 0] : i32 from vector<1x1x1xi32>
    %eq3A_822 = arith.constant 32 : i32
    %eq3A_823 = vector.broadcast %eq3A_822 : i32 to vector<8x128xi32>
    %eq3A_824 = arith.cmpi eq, %add3A_10, %eq3A_823 : vector<8x128xi32>
    %broadcast_in_dim3A_825 = vector.broadcast %reduce_min3A_821 : i32 to vector<8x128xi32>
    %select_n3A_826 = arith.select %eq3A_824, %broadcast_in_dim3A_825, %select_n3A_801 : vector<8x128xi1>, vector<8x128xi32>
    %eq3A_827 = vector.broadcast %reduce_min3A_821 : i32 to vector<24x128xi32>
    %eq3A_828 = arith.cmpi eq, %add3A, %eq3A_827 : vector<24x128xi32>
    %jit3A_829 = arith.constant 0xFF800000 : f32
    %broadcast_in_dim3A_830 = vector.broadcast %jit3A_829 : f32 to vector<24x128xf32>
    %select_n3A_831 = arith.select %eq3A_828, %broadcast_in_dim3A_830, %select_n3A_806 : vector<24x128xi1>, vector<24x128xf32>
    %reduce_max3A_832 = vector.shape_cast %select_n3A_831 : vector<24x128xf32> to vector<1x24x128xf32>
    %reduce_max3A_833 = arith.constant dense<0xFF800000> : vector<1xf32>
    %reduce_max3A_834 = vector.multi_reduction <maximumf>, %reduce_max3A_832, %reduce_max3A_833 [1, 2] : vector<1x24x128xf32> to vector<1xf32>
    %reduce_max3A_835 = vector.shape_cast %reduce_max3A_834 : vector<1xf32> to vector<1x1x1xf32>
    %reduce_max3A_836 = vector.extract %reduce_max3A_835[0, 0, 0] : f32 from vector<1x1x1xf32>
    %eq3A_837 = vector.broadcast %reduce_max3A_836 : f32 to vector<24x128xf32>
    %eq3A_838 = arith.cmpf oeq, %select_n3A_831, %eq3A_837 : vector<24x128xf32>
    %jit3A_839 = arith.constant 1073741824 : i32
    %broadcast_in_dim3A_840 = vector.broadcast %jit3A_839 : i32 to vector<24x128xi32>
    %select_n3A_841 = arith.select %eq3A_838, %add3A, %broadcast_in_dim3A_840 : vector<24x128xi1>, vector<24x128xi32>
    %reduce_min3A_842 = vector.shape_cast %select_n3A_841 : vector<24x128xi32> to vector<1x24x128xi32>
    %reduce_min3A_843 = arith.constant dense<2147483647> : vector<1xi32>
    %reduce_min3A_844 = vector.multi_reduction <minsi>, %reduce_min3A_842, %reduce_min3A_843 [1, 2] : vector<1x24x128xi32> to vector<1xi32>
    %reduce_min3A_845 = vector.shape_cast %reduce_min3A_844 : vector<1xi32> to vector<1x1x1xi32>
    %reduce_min3A_846 = vector.extract %reduce_min3A_845[0, 0, 0] : i32 from vector<1x1x1xi32>
    %eq3A_847 = arith.constant 33 : i32
    %eq3A_848 = vector.broadcast %eq3A_847 : i32 to vector<8x128xi32>
    %eq3A_849 = arith.cmpi eq, %add3A_10, %eq3A_848 : vector<8x128xi32>
    %broadcast_in_dim3A_850 = vector.broadcast %reduce_min3A_846 : i32 to vector<8x128xi32>
    %select_n3A_851 = arith.select %eq3A_849, %broadcast_in_dim3A_850, %select_n3A_826 : vector<8x128xi1>, vector<8x128xi32>
    %eq3A_852 = vector.broadcast %reduce_min3A_846 : i32 to vector<24x128xi32>
    %eq3A_853 = arith.cmpi eq, %add3A, %eq3A_852 : vector<24x128xi32>
    %jit3A_854 = arith.constant 0xFF800000 : f32
    %broadcast_in_dim3A_855 = vector.broadcast %jit3A_854 : f32 to vector<24x128xf32>
    %select_n3A_856 = arith.select %eq3A_853, %broadcast_in_dim3A_855, %select_n3A_831 : vector<24x128xi1>, vector<24x128xf32>
    %reduce_max3A_857 = vector.shape_cast %select_n3A_856 : vector<24x128xf32> to vector<1x24x128xf32>
    %reduce_max3A_858 = arith.constant dense<0xFF800000> : vector<1xf32>
    %reduce_max3A_859 = vector.multi_reduction <maximumf>, %reduce_max3A_857, %reduce_max3A_858 [1, 2] : vector<1x24x128xf32> to vector<1xf32>
    %reduce_max3A_860 = vector.shape_cast %reduce_max3A_859 : vector<1xf32> to vector<1x1x1xf32>
    %reduce_max3A_861 = vector.extract %reduce_max3A_860[0, 0, 0] : f32 from vector<1x1x1xf32>
    %eq3A_862 = vector.broadcast %reduce_max3A_861 : f32 to vector<24x128xf32>
    %eq3A_863 = arith.cmpf oeq, %select_n3A_856, %eq3A_862 : vector<24x128xf32>
    %jit3A_864 = arith.constant 1073741824 : i32
    %broadcast_in_dim3A_865 = vector.broadcast %jit3A_864 : i32 to vector<24x128xi32>
    %select_n3A_866 = arith.select %eq3A_863, %add3A, %broadcast_in_dim3A_865 : vector<24x128xi1>, vector<24x128xi32>
    %reduce_min3A_867 = vector.shape_cast %select_n3A_866 : vector<24x128xi32> to vector<1x24x128xi32>
    %reduce_min3A_868 = arith.constant dense<2147483647> : vector<1xi32>
    %reduce_min3A_869 = vector.multi_reduction <minsi>, %reduce_min3A_867, %reduce_min3A_868 [1, 2] : vector<1x24x128xi32> to vector<1xi32>
    %reduce_min3A_870 = vector.shape_cast %reduce_min3A_869 : vector<1xi32> to vector<1x1x1xi32>
    %reduce_min3A_871 = vector.extract %reduce_min3A_870[0, 0, 0] : i32 from vector<1x1x1xi32>
    %eq3A_872 = arith.constant 34 : i32
    %eq3A_873 = vector.broadcast %eq3A_872 : i32 to vector<8x128xi32>
    %eq3A_874 = arith.cmpi eq, %add3A_10, %eq3A_873 : vector<8x128xi32>
    %broadcast_in_dim3A_875 = vector.broadcast %reduce_min3A_871 : i32 to vector<8x128xi32>
    %select_n3A_876 = arith.select %eq3A_874, %broadcast_in_dim3A_875, %select_n3A_851 : vector<8x128xi1>, vector<8x128xi32>
    %eq3A_877 = vector.broadcast %reduce_min3A_871 : i32 to vector<24x128xi32>
    %eq3A_878 = arith.cmpi eq, %add3A, %eq3A_877 : vector<24x128xi32>
    %jit3A_879 = arith.constant 0xFF800000 : f32
    %broadcast_in_dim3A_880 = vector.broadcast %jit3A_879 : f32 to vector<24x128xf32>
    %select_n3A_881 = arith.select %eq3A_878, %broadcast_in_dim3A_880, %select_n3A_856 : vector<24x128xi1>, vector<24x128xf32>
    %reduce_max3A_882 = vector.shape_cast %select_n3A_881 : vector<24x128xf32> to vector<1x24x128xf32>
    %reduce_max3A_883 = arith.constant dense<0xFF800000> : vector<1xf32>
    %reduce_max3A_884 = vector.multi_reduction <maximumf>, %reduce_max3A_882, %reduce_max3A_883 [1, 2] : vector<1x24x128xf32> to vector<1xf32>
    %reduce_max3A_885 = vector.shape_cast %reduce_max3A_884 : vector<1xf32> to vector<1x1x1xf32>
    %reduce_max3A_886 = vector.extract %reduce_max3A_885[0, 0, 0] : f32 from vector<1x1x1xf32>
    %eq3A_887 = vector.broadcast %reduce_max3A_886 : f32 to vector<24x128xf32>
    %eq3A_888 = arith.cmpf oeq, %select_n3A_881, %eq3A_887 : vector<24x128xf32>
    %jit3A_889 = arith.constant 1073741824 : i32
    %broadcast_in_dim3A_890 = vector.broadcast %jit3A_889 : i32 to vector<24x128xi32>
    %select_n3A_891 = arith.select %eq3A_888, %add3A, %broadcast_in_dim3A_890 : vector<24x128xi1>, vector<24x128xi32>
    %reduce_min3A_892 = vector.shape_cast %select_n3A_891 : vector<24x128xi32> to vector<1x24x128xi32>
    %reduce_min3A_893 = arith.constant dense<2147483647> : vector<1xi32>
    %reduce_min3A_894 = vector.multi_reduction <minsi>, %reduce_min3A_892, %reduce_min3A_893 [1, 2] : vector<1x24x128xi32> to vector<1xi32>
    %reduce_min3A_895 = vector.shape_cast %reduce_min3A_894 : vector<1xi32> to vector<1x1x1xi32>
    %reduce_min3A_896 = vector.extract %reduce_min3A_895[0, 0, 0] : i32 from vector<1x1x1xi32>
    %eq3A_897 = arith.constant 35 : i32
    %eq3A_898 = vector.broadcast %eq3A_897 : i32 to vector<8x128xi32>
    %eq3A_899 = arith.cmpi eq, %add3A_10, %eq3A_898 : vector<8x128xi32>
    %broadcast_in_dim3A_900 = vector.broadcast %reduce_min3A_896 : i32 to vector<8x128xi32>
    %select_n3A_901 = arith.select %eq3A_899, %broadcast_in_dim3A_900, %select_n3A_876 : vector<8x128xi1>, vector<8x128xi32>
    %eq3A_902 = vector.broadcast %reduce_min3A_896 : i32 to vector<24x128xi32>
    %eq3A_903 = arith.cmpi eq, %add3A, %eq3A_902 : vector<24x128xi32>
    %jit3A_904 = arith.constant 0xFF800000 : f32
    %broadcast_in_dim3A_905 = vector.broadcast %jit3A_904 : f32 to vector<24x128xf32>
    %select_n3A_906 = arith.select %eq3A_903, %broadcast_in_dim3A_905, %select_n3A_881 : vector<24x128xi1>, vector<24x128xf32>
    %reduce_max3A_907 = vector.shape_cast %select_n3A_906 : vector<24x128xf32> to vector<1x24x128xf32>
    %reduce_max3A_908 = arith.constant dense<0xFF800000> : vector<1xf32>
    %reduce_max3A_909 = vector.multi_reduction <maximumf>, %reduce_max3A_907, %reduce_max3A_908 [1, 2] : vector<1x24x128xf32> to vector<1xf32>
    %reduce_max3A_910 = vector.shape_cast %reduce_max3A_909 : vector<1xf32> to vector<1x1x1xf32>
    %reduce_max3A_911 = vector.extract %reduce_max3A_910[0, 0, 0] : f32 from vector<1x1x1xf32>
    %eq3A_912 = vector.broadcast %reduce_max3A_911 : f32 to vector<24x128xf32>
    %eq3A_913 = arith.cmpf oeq, %select_n3A_906, %eq3A_912 : vector<24x128xf32>
    %jit3A_914 = arith.constant 1073741824 : i32
    %broadcast_in_dim3A_915 = vector.broadcast %jit3A_914 : i32 to vector<24x128xi32>
    %select_n3A_916 = arith.select %eq3A_913, %add3A, %broadcast_in_dim3A_915 : vector<24x128xi1>, vector<24x128xi32>
    %reduce_min3A_917 = vector.shape_cast %select_n3A_916 : vector<24x128xi32> to vector<1x24x128xi32>
    %reduce_min3A_918 = arith.constant dense<2147483647> : vector<1xi32>
    %reduce_min3A_919 = vector.multi_reduction <minsi>, %reduce_min3A_917, %reduce_min3A_918 [1, 2] : vector<1x24x128xi32> to vector<1xi32>
    %reduce_min3A_920 = vector.shape_cast %reduce_min3A_919 : vector<1xi32> to vector<1x1x1xi32>
    %reduce_min3A_921 = vector.extract %reduce_min3A_920[0, 0, 0] : i32 from vector<1x1x1xi32>
    %eq3A_922 = arith.constant 36 : i32
    %eq3A_923 = vector.broadcast %eq3A_922 : i32 to vector<8x128xi32>
    %eq3A_924 = arith.cmpi eq, %add3A_10, %eq3A_923 : vector<8x128xi32>
    %broadcast_in_dim3A_925 = vector.broadcast %reduce_min3A_921 : i32 to vector<8x128xi32>
    %select_n3A_926 = arith.select %eq3A_924, %broadcast_in_dim3A_925, %select_n3A_901 : vector<8x128xi1>, vector<8x128xi32>
    %eq3A_927 = vector.broadcast %reduce_min3A_921 : i32 to vector<24x128xi32>
    %eq3A_928 = arith.cmpi eq, %add3A, %eq3A_927 : vector<24x128xi32>
    %jit3A_929 = arith.constant 0xFF800000 : f32
    %broadcast_in_dim3A_930 = vector.broadcast %jit3A_929 : f32 to vector<24x128xf32>
    %select_n3A_931 = arith.select %eq3A_928, %broadcast_in_dim3A_930, %select_n3A_906 : vector<24x128xi1>, vector<24x128xf32>
    %reduce_max3A_932 = vector.shape_cast %select_n3A_931 : vector<24x128xf32> to vector<1x24x128xf32>
    %reduce_max3A_933 = arith.constant dense<0xFF800000> : vector<1xf32>
    %reduce_max3A_934 = vector.multi_reduction <maximumf>, %reduce_max3A_932, %reduce_max3A_933 [1, 2] : vector<1x24x128xf32> to vector<1xf32>
    %reduce_max3A_935 = vector.shape_cast %reduce_max3A_934 : vector<1xf32> to vector<1x1x1xf32>
    %reduce_max3A_936 = vector.extract %reduce_max3A_935[0, 0, 0] : f32 from vector<1x1x1xf32>
    %eq3A_937 = vector.broadcast %reduce_max3A_936 : f32 to vector<24x128xf32>
    %eq3A_938 = arith.cmpf oeq, %select_n3A_931, %eq3A_937 : vector<24x128xf32>
    %jit3A_939 = arith.constant 1073741824 : i32
    %broadcast_in_dim3A_940 = vector.broadcast %jit3A_939 : i32 to vector<24x128xi32>
    %select_n3A_941 = arith.select %eq3A_938, %add3A, %broadcast_in_dim3A_940 : vector<24x128xi1>, vector<24x128xi32>
    %reduce_min3A_942 = vector.shape_cast %select_n3A_941 : vector<24x128xi32> to vector<1x24x128xi32>
    %reduce_min3A_943 = arith.constant dense<2147483647> : vector<1xi32>
    %reduce_min3A_944 = vector.multi_reduction <minsi>, %reduce_min3A_942, %reduce_min3A_943 [1, 2] : vector<1x24x128xi32> to vector<1xi32>
    %reduce_min3A_945 = vector.shape_cast %reduce_min3A_944 : vector<1xi32> to vector<1x1x1xi32>
    %reduce_min3A_946 = vector.extract %reduce_min3A_945[0, 0, 0] : i32 from vector<1x1x1xi32>
    %eq3A_947 = arith.constant 37 : i32
    %eq3A_948 = vector.broadcast %eq3A_947 : i32 to vector<8x128xi32>
    %eq3A_949 = arith.cmpi eq, %add3A_10, %eq3A_948 : vector<8x128xi32>
    %broadcast_in_dim3A_950 = vector.broadcast %reduce_min3A_946 : i32 to vector<8x128xi32>
    %select_n3A_951 = arith.select %eq3A_949, %broadcast_in_dim3A_950, %select_n3A_926 : vector<8x128xi1>, vector<8x128xi32>
    %eq3A_952 = vector.broadcast %reduce_min3A_946 : i32 to vector<24x128xi32>
    %eq3A_953 = arith.cmpi eq, %add3A, %eq3A_952 : vector<24x128xi32>
    %jit3A_954 = arith.constant 0xFF800000 : f32
    %broadcast_in_dim3A_955 = vector.broadcast %jit3A_954 : f32 to vector<24x128xf32>
    %select_n3A_956 = arith.select %eq3A_953, %broadcast_in_dim3A_955, %select_n3A_931 : vector<24x128xi1>, vector<24x128xf32>
    %reduce_max3A_957 = vector.shape_cast %select_n3A_956 : vector<24x128xf32> to vector<1x24x128xf32>
    %reduce_max3A_958 = arith.constant dense<0xFF800000> : vector<1xf32>
    %reduce_max3A_959 = vector.multi_reduction <maximumf>, %reduce_max3A_957, %reduce_max3A_958 [1, 2] : vector<1x24x128xf32> to vector<1xf32>
    %reduce_max3A_960 = vector.shape_cast %reduce_max3A_959 : vector<1xf32> to vector<1x1x1xf32>
    %reduce_max3A_961 = vector.extract %reduce_max3A_960[0, 0, 0] : f32 from vector<1x1x1xf32>
    %eq3A_962 = vector.broadcast %reduce_max3A_961 : f32 to vector<24x128xf32>
    %eq3A_963 = arith.cmpf oeq, %select_n3A_956, %eq3A_962 : vector<24x128xf32>
    %jit3A_964 = arith.constant 1073741824 : i32
    %broadcast_in_dim3A_965 = vector.broadcast %jit3A_964 : i32 to vector<24x128xi32>
    %select_n3A_966 = arith.select %eq3A_963, %add3A, %broadcast_in_dim3A_965 : vector<24x128xi1>, vector<24x128xi32>
    %reduce_min3A_967 = vector.shape_cast %select_n3A_966 : vector<24x128xi32> to vector<1x24x128xi32>
    %reduce_min3A_968 = arith.constant dense<2147483647> : vector<1xi32>
    %reduce_min3A_969 = vector.multi_reduction <minsi>, %reduce_min3A_967, %reduce_min3A_968 [1, 2] : vector<1x24x128xi32> to vector<1xi32>
    %reduce_min3A_970 = vector.shape_cast %reduce_min3A_969 : vector<1xi32> to vector<1x1x1xi32>
    %reduce_min3A_971 = vector.extract %reduce_min3A_970[0, 0, 0] : i32 from vector<1x1x1xi32>
    %eq3A_972 = arith.constant 38 : i32
    %eq3A_973 = vector.broadcast %eq3A_972 : i32 to vector<8x128xi32>
    %eq3A_974 = arith.cmpi eq, %add3A_10, %eq3A_973 : vector<8x128xi32>
    %broadcast_in_dim3A_975 = vector.broadcast %reduce_min3A_971 : i32 to vector<8x128xi32>
    %select_n3A_976 = arith.select %eq3A_974, %broadcast_in_dim3A_975, %select_n3A_951 : vector<8x128xi1>, vector<8x128xi32>
    %eq3A_977 = vector.broadcast %reduce_min3A_971 : i32 to vector<24x128xi32>
    %eq3A_978 = arith.cmpi eq, %add3A, %eq3A_977 : vector<24x128xi32>
    %jit3A_979 = arith.constant 0xFF800000 : f32
    %broadcast_in_dim3A_980 = vector.broadcast %jit3A_979 : f32 to vector<24x128xf32>
    %select_n3A_981 = arith.select %eq3A_978, %broadcast_in_dim3A_980, %select_n3A_956 : vector<24x128xi1>, vector<24x128xf32>
    %reduce_max3A_982 = vector.shape_cast %select_n3A_981 : vector<24x128xf32> to vector<1x24x128xf32>
    %reduce_max3A_983 = arith.constant dense<0xFF800000> : vector<1xf32>
    %reduce_max3A_984 = vector.multi_reduction <maximumf>, %reduce_max3A_982, %reduce_max3A_983 [1, 2] : vector<1x24x128xf32> to vector<1xf32>
    %reduce_max3A_985 = vector.shape_cast %reduce_max3A_984 : vector<1xf32> to vector<1x1x1xf32>
    %reduce_max3A_986 = vector.extract %reduce_max3A_985[0, 0, 0] : f32 from vector<1x1x1xf32>
    %eq3A_987 = vector.broadcast %reduce_max3A_986 : f32 to vector<24x128xf32>
    %eq3A_988 = arith.cmpf oeq, %select_n3A_981, %eq3A_987 : vector<24x128xf32>
    %jit3A_989 = arith.constant 1073741824 : i32
    %broadcast_in_dim3A_990 = vector.broadcast %jit3A_989 : i32 to vector<24x128xi32>
    %select_n3A_991 = arith.select %eq3A_988, %add3A, %broadcast_in_dim3A_990 : vector<24x128xi1>, vector<24x128xi32>
    %reduce_min3A_992 = vector.shape_cast %select_n3A_991 : vector<24x128xi32> to vector<1x24x128xi32>
    %reduce_min3A_993 = arith.constant dense<2147483647> : vector<1xi32>
    %reduce_min3A_994 = vector.multi_reduction <minsi>, %reduce_min3A_992, %reduce_min3A_993 [1, 2] : vector<1x24x128xi32> to vector<1xi32>
    %reduce_min3A_995 = vector.shape_cast %reduce_min3A_994 : vector<1xi32> to vector<1x1x1xi32>
    %reduce_min3A_996 = vector.extract %reduce_min3A_995[0, 0, 0] : i32 from vector<1x1x1xi32>
    %eq3A_997 = arith.constant 39 : i32
    %eq3A_998 = vector.broadcast %eq3A_997 : i32 to vector<8x128xi32>
    %eq3A_999 = arith.cmpi eq, %add3A_10, %eq3A_998 : vector<8x128xi32>
    %broadcast_in_dim3A_1000 = vector.broadcast %reduce_min3A_996 : i32 to vector<8x128xi32>
    %select_n3A_1001 = arith.select %eq3A_999, %broadcast_in_dim3A_1000, %select_n3A_976 : vector<8x128xi1>, vector<8x128xi32>
    %eq3A_1002 = vector.broadcast %reduce_min3A_996 : i32 to vector<24x128xi32>
    %eq3A_1003 = arith.cmpi eq, %add3A, %eq3A_1002 : vector<24x128xi32>
    %jit3A_1004 = arith.constant 0xFF800000 : f32
    %broadcast_in_dim3A_1005 = vector.broadcast %jit3A_1004 : f32 to vector<24x128xf32>
    %select_n3A_1006 = arith.select %eq3A_1003, %broadcast_in_dim3A_1005, %select_n3A_981 : vector<24x128xi1>, vector<24x128xf32>
    %reduce_max3A_1007 = vector.shape_cast %select_n3A_1006 : vector<24x128xf32> to vector<1x24x128xf32>
    %reduce_max3A_1008 = arith.constant dense<0xFF800000> : vector<1xf32>
    %reduce_max3A_1009 = vector.multi_reduction <maximumf>, %reduce_max3A_1007, %reduce_max3A_1008 [1, 2] : vector<1x24x128xf32> to vector<1xf32>
    %reduce_max3A_1010 = vector.shape_cast %reduce_max3A_1009 : vector<1xf32> to vector<1x1x1xf32>
    %reduce_max3A_1011 = vector.extract %reduce_max3A_1010[0, 0, 0] : f32 from vector<1x1x1xf32>
    %eq3A_1012 = vector.broadcast %reduce_max3A_1011 : f32 to vector<24x128xf32>
    %eq3A_1013 = arith.cmpf oeq, %select_n3A_1006, %eq3A_1012 : vector<24x128xf32>
    %jit3A_1014 = arith.constant 1073741824 : i32
    %broadcast_in_dim3A_1015 = vector.broadcast %jit3A_1014 : i32 to vector<24x128xi32>
    %select_n3A_1016 = arith.select %eq3A_1013, %add3A, %broadcast_in_dim3A_1015 : vector<24x128xi1>, vector<24x128xi32>
    %reduce_min3A_1017 = vector.shape_cast %select_n3A_1016 : vector<24x128xi32> to vector<1x24x128xi32>
    %reduce_min3A_1018 = arith.constant dense<2147483647> : vector<1xi32>
    %reduce_min3A_1019 = vector.multi_reduction <minsi>, %reduce_min3A_1017, %reduce_min3A_1018 [1, 2] : vector<1x24x128xi32> to vector<1xi32>
    %reduce_min3A_1020 = vector.shape_cast %reduce_min3A_1019 : vector<1xi32> to vector<1x1x1xi32>
    %reduce_min3A_1021 = vector.extract %reduce_min3A_1020[0, 0, 0] : i32 from vector<1x1x1xi32>
    %eq3A_1022 = arith.constant 40 : i32
    %eq3A_1023 = vector.broadcast %eq3A_1022 : i32 to vector<8x128xi32>
    %eq3A_1024 = arith.cmpi eq, %add3A_10, %eq3A_1023 : vector<8x128xi32>
    %broadcast_in_dim3A_1025 = vector.broadcast %reduce_min3A_1021 : i32 to vector<8x128xi32>
    %select_n3A_1026 = arith.select %eq3A_1024, %broadcast_in_dim3A_1025, %select_n3A_1001 : vector<8x128xi1>, vector<8x128xi32>
    %eq3A_1027 = vector.broadcast %reduce_min3A_1021 : i32 to vector<24x128xi32>
    %eq3A_1028 = arith.cmpi eq, %add3A, %eq3A_1027 : vector<24x128xi32>
    %jit3A_1029 = arith.constant 0xFF800000 : f32
    %broadcast_in_dim3A_1030 = vector.broadcast %jit3A_1029 : f32 to vector<24x128xf32>
    %select_n3A_1031 = arith.select %eq3A_1028, %broadcast_in_dim3A_1030, %select_n3A_1006 : vector<24x128xi1>, vector<24x128xf32>
    %reduce_max3A_1032 = vector.shape_cast %select_n3A_1031 : vector<24x128xf32> to vector<1x24x128xf32>
    %reduce_max3A_1033 = arith.constant dense<0xFF800000> : vector<1xf32>
    %reduce_max3A_1034 = vector.multi_reduction <maximumf>, %reduce_max3A_1032, %reduce_max3A_1033 [1, 2] : vector<1x24x128xf32> to vector<1xf32>
    %reduce_max3A_1035 = vector.shape_cast %reduce_max3A_1034 : vector<1xf32> to vector<1x1x1xf32>
    %reduce_max3A_1036 = vector.extract %reduce_max3A_1035[0, 0, 0] : f32 from vector<1x1x1xf32>
    %eq3A_1037 = vector.broadcast %reduce_max3A_1036 : f32 to vector<24x128xf32>
    %eq3A_1038 = arith.cmpf oeq, %select_n3A_1031, %eq3A_1037 : vector<24x128xf32>
    %jit3A_1039 = arith.constant 1073741824 : i32
    %broadcast_in_dim3A_1040 = vector.broadcast %jit3A_1039 : i32 to vector<24x128xi32>
    %select_n3A_1041 = arith.select %eq3A_1038, %add3A, %broadcast_in_dim3A_1040 : vector<24x128xi1>, vector<24x128xi32>
    %reduce_min3A_1042 = vector.shape_cast %select_n3A_1041 : vector<24x128xi32> to vector<1x24x128xi32>
    %reduce_min3A_1043 = arith.constant dense<2147483647> : vector<1xi32>
    %reduce_min3A_1044 = vector.multi_reduction <minsi>, %reduce_min3A_1042, %reduce_min3A_1043 [1, 2] : vector<1x24x128xi32> to vector<1xi32>
    %reduce_min3A_1045 = vector.shape_cast %reduce_min3A_1044 : vector<1xi32> to vector<1x1x1xi32>
    %reduce_min3A_1046 = vector.extract %reduce_min3A_1045[0, 0, 0] : i32 from vector<1x1x1xi32>
    %eq3A_1047 = arith.constant 41 : i32
    %eq3A_1048 = vector.broadcast %eq3A_1047 : i32 to vector<8x128xi32>
    %eq3A_1049 = arith.cmpi eq, %add3A_10, %eq3A_1048 : vector<8x128xi32>
    %broadcast_in_dim3A_1050 = vector.broadcast %reduce_min3A_1046 : i32 to vector<8x128xi32>
    %select_n3A_1051 = arith.select %eq3A_1049, %broadcast_in_dim3A_1050, %select_n3A_1026 : vector<8x128xi1>, vector<8x128xi32>
    %eq3A_1052 = vector.broadcast %reduce_min3A_1046 : i32 to vector<24x128xi32>
    %eq3A_1053 = arith.cmpi eq, %add3A, %eq3A_1052 : vector<24x128xi32>
    %jit3A_1054 = arith.constant 0xFF800000 : f32
    %broadcast_in_dim3A_1055 = vector.broadcast %jit3A_1054 : f32 to vector<24x128xf32>
    %select_n3A_1056 = arith.select %eq3A_1053, %broadcast_in_dim3A_1055, %select_n3A_1031 : vector<24x128xi1>, vector<24x128xf32>
    %reduce_max3A_1057 = vector.shape_cast %select_n3A_1056 : vector<24x128xf32> to vector<1x24x128xf32>
    %reduce_max3A_1058 = arith.constant dense<0xFF800000> : vector<1xf32>
    %reduce_max3A_1059 = vector.multi_reduction <maximumf>, %reduce_max3A_1057, %reduce_max3A_1058 [1, 2] : vector<1x24x128xf32> to vector<1xf32>
    %reduce_max3A_1060 = vector.shape_cast %reduce_max3A_1059 : vector<1xf32> to vector<1x1x1xf32>
    %reduce_max3A_1061 = vector.extract %reduce_max3A_1060[0, 0, 0] : f32 from vector<1x1x1xf32>
    %eq3A_1062 = vector.broadcast %reduce_max3A_1061 : f32 to vector<24x128xf32>
    %eq3A_1063 = arith.cmpf oeq, %select_n3A_1056, %eq3A_1062 : vector<24x128xf32>
    %jit3A_1064 = arith.constant 1073741824 : i32
    %broadcast_in_dim3A_1065 = vector.broadcast %jit3A_1064 : i32 to vector<24x128xi32>
    %select_n3A_1066 = arith.select %eq3A_1063, %add3A, %broadcast_in_dim3A_1065 : vector<24x128xi1>, vector<24x128xi32>
    %reduce_min3A_1067 = vector.shape_cast %select_n3A_1066 : vector<24x128xi32> to vector<1x24x128xi32>
    %reduce_min3A_1068 = arith.constant dense<2147483647> : vector<1xi32>
    %reduce_min3A_1069 = vector.multi_reduction <minsi>, %reduce_min3A_1067, %reduce_min3A_1068 [1, 2] : vector<1x24x128xi32> to vector<1xi32>
    %reduce_min3A_1070 = vector.shape_cast %reduce_min3A_1069 : vector<1xi32> to vector<1x1x1xi32>
    %reduce_min3A_1071 = vector.extract %reduce_min3A_1070[0, 0, 0] : i32 from vector<1x1x1xi32>
    %eq3A_1072 = arith.constant 42 : i32
    %eq3A_1073 = vector.broadcast %eq3A_1072 : i32 to vector<8x128xi32>
    %eq3A_1074 = arith.cmpi eq, %add3A_10, %eq3A_1073 : vector<8x128xi32>
    %broadcast_in_dim3A_1075 = vector.broadcast %reduce_min3A_1071 : i32 to vector<8x128xi32>
    %select_n3A_1076 = arith.select %eq3A_1074, %broadcast_in_dim3A_1075, %select_n3A_1051 : vector<8x128xi1>, vector<8x128xi32>
    %eq3A_1077 = vector.broadcast %reduce_min3A_1071 : i32 to vector<24x128xi32>
    %eq3A_1078 = arith.cmpi eq, %add3A, %eq3A_1077 : vector<24x128xi32>
    %jit3A_1079 = arith.constant 0xFF800000 : f32
    %broadcast_in_dim3A_1080 = vector.broadcast %jit3A_1079 : f32 to vector<24x128xf32>
    %select_n3A_1081 = arith.select %eq3A_1078, %broadcast_in_dim3A_1080, %select_n3A_1056 : vector<24x128xi1>, vector<24x128xf32>
    %reduce_max3A_1082 = vector.shape_cast %select_n3A_1081 : vector<24x128xf32> to vector<1x24x128xf32>
    %reduce_max3A_1083 = arith.constant dense<0xFF800000> : vector<1xf32>
    %reduce_max3A_1084 = vector.multi_reduction <maximumf>, %reduce_max3A_1082, %reduce_max3A_1083 [1, 2] : vector<1x24x128xf32> to vector<1xf32>
    %reduce_max3A_1085 = vector.shape_cast %reduce_max3A_1084 : vector<1xf32> to vector<1x1x1xf32>
    %reduce_max3A_1086 = vector.extract %reduce_max3A_1085[0, 0, 0] : f32 from vector<1x1x1xf32>
    %eq3A_1087 = vector.broadcast %reduce_max3A_1086 : f32 to vector<24x128xf32>
    %eq3A_1088 = arith.cmpf oeq, %select_n3A_1081, %eq3A_1087 : vector<24x128xf32>
    %jit3A_1089 = arith.constant 1073741824 : i32
    %broadcast_in_dim3A_1090 = vector.broadcast %jit3A_1089 : i32 to vector<24x128xi32>
    %select_n3A_1091 = arith.select %eq3A_1088, %add3A, %broadcast_in_dim3A_1090 : vector<24x128xi1>, vector<24x128xi32>
    %reduce_min3A_1092 = vector.shape_cast %select_n3A_1091 : vector<24x128xi32> to vector<1x24x128xi32>
    %reduce_min3A_1093 = arith.constant dense<2147483647> : vector<1xi32>
    %reduce_min3A_1094 = vector.multi_reduction <minsi>, %reduce_min3A_1092, %reduce_min3A_1093 [1, 2] : vector<1x24x128xi32> to vector<1xi32>
    %reduce_min3A_1095 = vector.shape_cast %reduce_min3A_1094 : vector<1xi32> to vector<1x1x1xi32>
    %reduce_min3A_1096 = vector.extract %reduce_min3A_1095[0, 0, 0] : i32 from vector<1x1x1xi32>
    %eq3A_1097 = arith.constant 43 : i32
    %eq3A_1098 = vector.broadcast %eq3A_1097 : i32 to vector<8x128xi32>
    %eq3A_1099 = arith.cmpi eq, %add3A_10, %eq3A_1098 : vector<8x128xi32>
    %broadcast_in_dim3A_1100 = vector.broadcast %reduce_min3A_1096 : i32 to vector<8x128xi32>
    %select_n3A_1101 = arith.select %eq3A_1099, %broadcast_in_dim3A_1100, %select_n3A_1076 : vector<8x128xi1>, vector<8x128xi32>
    %eq3A_1102 = vector.broadcast %reduce_min3A_1096 : i32 to vector<24x128xi32>
    %eq3A_1103 = arith.cmpi eq, %add3A, %eq3A_1102 : vector<24x128xi32>
    %jit3A_1104 = arith.constant 0xFF800000 : f32
    %broadcast_in_dim3A_1105 = vector.broadcast %jit3A_1104 : f32 to vector<24x128xf32>
    %select_n3A_1106 = arith.select %eq3A_1103, %broadcast_in_dim3A_1105, %select_n3A_1081 : vector<24x128xi1>, vector<24x128xf32>
    %reduce_max3A_1107 = vector.shape_cast %select_n3A_1106 : vector<24x128xf32> to vector<1x24x128xf32>
    %reduce_max3A_1108 = arith.constant dense<0xFF800000> : vector<1xf32>
    %reduce_max3A_1109 = vector.multi_reduction <maximumf>, %reduce_max3A_1107, %reduce_max3A_1108 [1, 2] : vector<1x24x128xf32> to vector<1xf32>
    %reduce_max3A_1110 = vector.shape_cast %reduce_max3A_1109 : vector<1xf32> to vector<1x1x1xf32>
    %reduce_max3A_1111 = vector.extract %reduce_max3A_1110[0, 0, 0] : f32 from vector<1x1x1xf32>
    %eq3A_1112 = vector.broadcast %reduce_max3A_1111 : f32 to vector<24x128xf32>
    %eq3A_1113 = arith.cmpf oeq, %select_n3A_1106, %eq3A_1112 : vector<24x128xf32>
    %jit3A_1114 = arith.constant 1073741824 : i32
    %broadcast_in_dim3A_1115 = vector.broadcast %jit3A_1114 : i32 to vector<24x128xi32>
    %select_n3A_1116 = arith.select %eq3A_1113, %add3A, %broadcast_in_dim3A_1115 : vector<24x128xi1>, vector<24x128xi32>
    %reduce_min3A_1117 = vector.shape_cast %select_n3A_1116 : vector<24x128xi32> to vector<1x24x128xi32>
    %reduce_min3A_1118 = arith.constant dense<2147483647> : vector<1xi32>
    %reduce_min3A_1119 = vector.multi_reduction <minsi>, %reduce_min3A_1117, %reduce_min3A_1118 [1, 2] : vector<1x24x128xi32> to vector<1xi32>
    %reduce_min3A_1120 = vector.shape_cast %reduce_min3A_1119 : vector<1xi32> to vector<1x1x1xi32>
    %reduce_min3A_1121 = vector.extract %reduce_min3A_1120[0, 0, 0] : i32 from vector<1x1x1xi32>
    %eq3A_1122 = arith.constant 44 : i32
    %eq3A_1123 = vector.broadcast %eq3A_1122 : i32 to vector<8x128xi32>
    %eq3A_1124 = arith.cmpi eq, %add3A_10, %eq3A_1123 : vector<8x128xi32>
    %broadcast_in_dim3A_1125 = vector.broadcast %reduce_min3A_1121 : i32 to vector<8x128xi32>
    %select_n3A_1126 = arith.select %eq3A_1124, %broadcast_in_dim3A_1125, %select_n3A_1101 : vector<8x128xi1>, vector<8x128xi32>
    %eq3A_1127 = vector.broadcast %reduce_min3A_1121 : i32 to vector<24x128xi32>
    %eq3A_1128 = arith.cmpi eq, %add3A, %eq3A_1127 : vector<24x128xi32>
    %jit3A_1129 = arith.constant 0xFF800000 : f32
    %broadcast_in_dim3A_1130 = vector.broadcast %jit3A_1129 : f32 to vector<24x128xf32>
    %select_n3A_1131 = arith.select %eq3A_1128, %broadcast_in_dim3A_1130, %select_n3A_1106 : vector<24x128xi1>, vector<24x128xf32>
    %reduce_max3A_1132 = vector.shape_cast %select_n3A_1131 : vector<24x128xf32> to vector<1x24x128xf32>
    %reduce_max3A_1133 = arith.constant dense<0xFF800000> : vector<1xf32>
    %reduce_max3A_1134 = vector.multi_reduction <maximumf>, %reduce_max3A_1132, %reduce_max3A_1133 [1, 2] : vector<1x24x128xf32> to vector<1xf32>
    %reduce_max3A_1135 = vector.shape_cast %reduce_max3A_1134 : vector<1xf32> to vector<1x1x1xf32>
    %reduce_max3A_1136 = vector.extract %reduce_max3A_1135[0, 0, 0] : f32 from vector<1x1x1xf32>
    %eq3A_1137 = vector.broadcast %reduce_max3A_1136 : f32 to vector<24x128xf32>
    %eq3A_1138 = arith.cmpf oeq, %select_n3A_1131, %eq3A_1137 : vector<24x128xf32>
    %jit3A_1139 = arith.constant 1073741824 : i32
    %broadcast_in_dim3A_1140 = vector.broadcast %jit3A_1139 : i32 to vector<24x128xi32>
    %select_n3A_1141 = arith.select %eq3A_1138, %add3A, %broadcast_in_dim3A_1140 : vector<24x128xi1>, vector<24x128xi32>
    %reduce_min3A_1142 = vector.shape_cast %select_n3A_1141 : vector<24x128xi32> to vector<1x24x128xi32>
    %reduce_min3A_1143 = arith.constant dense<2147483647> : vector<1xi32>
    %reduce_min3A_1144 = vector.multi_reduction <minsi>, %reduce_min3A_1142, %reduce_min3A_1143 [1, 2] : vector<1x24x128xi32> to vector<1xi32>
    %reduce_min3A_1145 = vector.shape_cast %reduce_min3A_1144 : vector<1xi32> to vector<1x1x1xi32>
    %reduce_min3A_1146 = vector.extract %reduce_min3A_1145[0, 0, 0] : i32 from vector<1x1x1xi32>
    %eq3A_1147 = arith.constant 45 : i32
    %eq3A_1148 = vector.broadcast %eq3A_1147 : i32 to vector<8x128xi32>
    %eq3A_1149 = arith.cmpi eq, %add3A_10, %eq3A_1148 : vector<8x128xi32>
    %broadcast_in_dim3A_1150 = vector.broadcast %reduce_min3A_1146 : i32 to vector<8x128xi32>
    %select_n3A_1151 = arith.select %eq3A_1149, %broadcast_in_dim3A_1150, %select_n3A_1126 : vector<8x128xi1>, vector<8x128xi32>
    %eq3A_1152 = vector.broadcast %reduce_min3A_1146 : i32 to vector<24x128xi32>
    %eq3A_1153 = arith.cmpi eq, %add3A, %eq3A_1152 : vector<24x128xi32>
    %jit3A_1154 = arith.constant 0xFF800000 : f32
    %broadcast_in_dim3A_1155 = vector.broadcast %jit3A_1154 : f32 to vector<24x128xf32>
    %select_n3A_1156 = arith.select %eq3A_1153, %broadcast_in_dim3A_1155, %select_n3A_1131 : vector<24x128xi1>, vector<24x128xf32>
    %reduce_max3A_1157 = vector.shape_cast %select_n3A_1156 : vector<24x128xf32> to vector<1x24x128xf32>
    %reduce_max3A_1158 = arith.constant dense<0xFF800000> : vector<1xf32>
    %reduce_max3A_1159 = vector.multi_reduction <maximumf>, %reduce_max3A_1157, %reduce_max3A_1158 [1, 2] : vector<1x24x128xf32> to vector<1xf32>
    %reduce_max3A_1160 = vector.shape_cast %reduce_max3A_1159 : vector<1xf32> to vector<1x1x1xf32>
    %reduce_max3A_1161 = vector.extract %reduce_max3A_1160[0, 0, 0] : f32 from vector<1x1x1xf32>
    %eq3A_1162 = vector.broadcast %reduce_max3A_1161 : f32 to vector<24x128xf32>
    %eq3A_1163 = arith.cmpf oeq, %select_n3A_1156, %eq3A_1162 : vector<24x128xf32>
    %jit3A_1164 = arith.constant 1073741824 : i32
    %broadcast_in_dim3A_1165 = vector.broadcast %jit3A_1164 : i32 to vector<24x128xi32>
    %select_n3A_1166 = arith.select %eq3A_1163, %add3A, %broadcast_in_dim3A_1165 : vector<24x128xi1>, vector<24x128xi32>
    %reduce_min3A_1167 = vector.shape_cast %select_n3A_1166 : vector<24x128xi32> to vector<1x24x128xi32>
    %reduce_min3A_1168 = arith.constant dense<2147483647> : vector<1xi32>
    %reduce_min3A_1169 = vector.multi_reduction <minsi>, %reduce_min3A_1167, %reduce_min3A_1168 [1, 2] : vector<1x24x128xi32> to vector<1xi32>
    %reduce_min3A_1170 = vector.shape_cast %reduce_min3A_1169 : vector<1xi32> to vector<1x1x1xi32>
    %reduce_min3A_1171 = vector.extract %reduce_min3A_1170[0, 0, 0] : i32 from vector<1x1x1xi32>
    %eq3A_1172 = arith.constant 46 : i32
    %eq3A_1173 = vector.broadcast %eq3A_1172 : i32 to vector<8x128xi32>
    %eq3A_1174 = arith.cmpi eq, %add3A_10, %eq3A_1173 : vector<8x128xi32>
    %broadcast_in_dim3A_1175 = vector.broadcast %reduce_min3A_1171 : i32 to vector<8x128xi32>
    %select_n3A_1176 = arith.select %eq3A_1174, %broadcast_in_dim3A_1175, %select_n3A_1151 : vector<8x128xi1>, vector<8x128xi32>
    %eq3A_1177 = vector.broadcast %reduce_min3A_1171 : i32 to vector<24x128xi32>
    %eq3A_1178 = arith.cmpi eq, %add3A, %eq3A_1177 : vector<24x128xi32>
    %jit3A_1179 = arith.constant 0xFF800000 : f32
    %broadcast_in_dim3A_1180 = vector.broadcast %jit3A_1179 : f32 to vector<24x128xf32>
    %select_n3A_1181 = arith.select %eq3A_1178, %broadcast_in_dim3A_1180, %select_n3A_1156 : vector<24x128xi1>, vector<24x128xf32>
    %reduce_max3A_1182 = vector.shape_cast %select_n3A_1181 : vector<24x128xf32> to vector<1x24x128xf32>
    %reduce_max3A_1183 = arith.constant dense<0xFF800000> : vector<1xf32>
    %reduce_max3A_1184 = vector.multi_reduction <maximumf>, %reduce_max3A_1182, %reduce_max3A_1183 [1, 2] : vector<1x24x128xf32> to vector<1xf32>
    %reduce_max3A_1185 = vector.shape_cast %reduce_max3A_1184 : vector<1xf32> to vector<1x1x1xf32>
    %reduce_max3A_1186 = vector.extract %reduce_max3A_1185[0, 0, 0] : f32 from vector<1x1x1xf32>
    %eq3A_1187 = vector.broadcast %reduce_max3A_1186 : f32 to vector<24x128xf32>
    %eq3A_1188 = arith.cmpf oeq, %select_n3A_1181, %eq3A_1187 : vector<24x128xf32>
    %jit3A_1189 = arith.constant 1073741824 : i32
    %broadcast_in_dim3A_1190 = vector.broadcast %jit3A_1189 : i32 to vector<24x128xi32>
    %select_n3A_1191 = arith.select %eq3A_1188, %add3A, %broadcast_in_dim3A_1190 : vector<24x128xi1>, vector<24x128xi32>
    %reduce_min3A_1192 = vector.shape_cast %select_n3A_1191 : vector<24x128xi32> to vector<1x24x128xi32>
    %reduce_min3A_1193 = arith.constant dense<2147483647> : vector<1xi32>
    %reduce_min3A_1194 = vector.multi_reduction <minsi>, %reduce_min3A_1192, %reduce_min3A_1193 [1, 2] : vector<1x24x128xi32> to vector<1xi32>
    %reduce_min3A_1195 = vector.shape_cast %reduce_min3A_1194 : vector<1xi32> to vector<1x1x1xi32>
    %reduce_min3A_1196 = vector.extract %reduce_min3A_1195[0, 0, 0] : i32 from vector<1x1x1xi32>
    %eq3A_1197 = arith.constant 47 : i32
    %eq3A_1198 = vector.broadcast %eq3A_1197 : i32 to vector<8x128xi32>
    %eq3A_1199 = arith.cmpi eq, %add3A_10, %eq3A_1198 : vector<8x128xi32>
    %broadcast_in_dim3A_1200 = vector.broadcast %reduce_min3A_1196 : i32 to vector<8x128xi32>
    %select_n3A_1201 = arith.select %eq3A_1199, %broadcast_in_dim3A_1200, %select_n3A_1176 : vector<8x128xi1>, vector<8x128xi32>
    %eq3A_1202 = vector.broadcast %reduce_min3A_1196 : i32 to vector<24x128xi32>
    %eq3A_1203 = arith.cmpi eq, %add3A, %eq3A_1202 : vector<24x128xi32>
    %jit3A_1204 = arith.constant 0xFF800000 : f32
    %broadcast_in_dim3A_1205 = vector.broadcast %jit3A_1204 : f32 to vector<24x128xf32>
    %select_n3A_1206 = arith.select %eq3A_1203, %broadcast_in_dim3A_1205, %select_n3A_1181 : vector<24x128xi1>, vector<24x128xf32>
    %reduce_max3A_1207 = vector.shape_cast %select_n3A_1206 : vector<24x128xf32> to vector<1x24x128xf32>
    %reduce_max3A_1208 = arith.constant dense<0xFF800000> : vector<1xf32>
    %reduce_max3A_1209 = vector.multi_reduction <maximumf>, %reduce_max3A_1207, %reduce_max3A_1208 [1, 2] : vector<1x24x128xf32> to vector<1xf32>
    %reduce_max3A_1210 = vector.shape_cast %reduce_max3A_1209 : vector<1xf32> to vector<1x1x1xf32>
    %reduce_max3A_1211 = vector.extract %reduce_max3A_1210[0, 0, 0] : f32 from vector<1x1x1xf32>
    %eq3A_1212 = vector.broadcast %reduce_max3A_1211 : f32 to vector<24x128xf32>
    %eq3A_1213 = arith.cmpf oeq, %select_n3A_1206, %eq3A_1212 : vector<24x128xf32>
    %jit3A_1214 = arith.constant 1073741824 : i32
    %broadcast_in_dim3A_1215 = vector.broadcast %jit3A_1214 : i32 to vector<24x128xi32>
    %select_n3A_1216 = arith.select %eq3A_1213, %add3A, %broadcast_in_dim3A_1215 : vector<24x128xi1>, vector<24x128xi32>
    %reduce_min3A_1217 = vector.shape_cast %select_n3A_1216 : vector<24x128xi32> to vector<1x24x128xi32>
    %reduce_min3A_1218 = arith.constant dense<2147483647> : vector<1xi32>
    %reduce_min3A_1219 = vector.multi_reduction <minsi>, %reduce_min3A_1217, %reduce_min3A_1218 [1, 2] : vector<1x24x128xi32> to vector<1xi32>
    %reduce_min3A_1220 = vector.shape_cast %reduce_min3A_1219 : vector<1xi32> to vector<1x1x1xi32>
    %reduce_min3A_1221 = vector.extract %reduce_min3A_1220[0, 0, 0] : i32 from vector<1x1x1xi32>
    %eq3A_1222 = arith.constant 48 : i32
    %eq3A_1223 = vector.broadcast %eq3A_1222 : i32 to vector<8x128xi32>
    %eq3A_1224 = arith.cmpi eq, %add3A_10, %eq3A_1223 : vector<8x128xi32>
    %broadcast_in_dim3A_1225 = vector.broadcast %reduce_min3A_1221 : i32 to vector<8x128xi32>
    %select_n3A_1226 = arith.select %eq3A_1224, %broadcast_in_dim3A_1225, %select_n3A_1201 : vector<8x128xi1>, vector<8x128xi32>
    %eq3A_1227 = vector.broadcast %reduce_min3A_1221 : i32 to vector<24x128xi32>
    %eq3A_1228 = arith.cmpi eq, %add3A, %eq3A_1227 : vector<24x128xi32>
    %jit3A_1229 = arith.constant 0xFF800000 : f32
    %broadcast_in_dim3A_1230 = vector.broadcast %jit3A_1229 : f32 to vector<24x128xf32>
    %select_n3A_1231 = arith.select %eq3A_1228, %broadcast_in_dim3A_1230, %select_n3A_1206 : vector<24x128xi1>, vector<24x128xf32>
    %reduce_max3A_1232 = vector.shape_cast %select_n3A_1231 : vector<24x128xf32> to vector<1x24x128xf32>
    %reduce_max3A_1233 = arith.constant dense<0xFF800000> : vector<1xf32>
    %reduce_max3A_1234 = vector.multi_reduction <maximumf>, %reduce_max3A_1232, %reduce_max3A_1233 [1, 2] : vector<1x24x128xf32> to vector<1xf32>
    %reduce_max3A_1235 = vector.shape_cast %reduce_max3A_1234 : vector<1xf32> to vector<1x1x1xf32>
    %reduce_max3A_1236 = vector.extract %reduce_max3A_1235[0, 0, 0] : f32 from vector<1x1x1xf32>
    %eq3A_1237 = vector.broadcast %reduce_max3A_1236 : f32 to vector<24x128xf32>
    %eq3A_1238 = arith.cmpf oeq, %select_n3A_1231, %eq3A_1237 : vector<24x128xf32>
    %jit3A_1239 = arith.constant 1073741824 : i32
    %broadcast_in_dim3A_1240 = vector.broadcast %jit3A_1239 : i32 to vector<24x128xi32>
    %select_n3A_1241 = arith.select %eq3A_1238, %add3A, %broadcast_in_dim3A_1240 : vector<24x128xi1>, vector<24x128xi32>
    %reduce_min3A_1242 = vector.shape_cast %select_n3A_1241 : vector<24x128xi32> to vector<1x24x128xi32>
    %reduce_min3A_1243 = arith.constant dense<2147483647> : vector<1xi32>
    %reduce_min3A_1244 = vector.multi_reduction <minsi>, %reduce_min3A_1242, %reduce_min3A_1243 [1, 2] : vector<1x24x128xi32> to vector<1xi32>
    %reduce_min3A_1245 = vector.shape_cast %reduce_min3A_1244 : vector<1xi32> to vector<1x1x1xi32>
    %reduce_min3A_1246 = vector.extract %reduce_min3A_1245[0, 0, 0] : i32 from vector<1x1x1xi32>
    %eq3A_1247 = arith.constant 49 : i32
    %eq3A_1248 = vector.broadcast %eq3A_1247 : i32 to vector<8x128xi32>
    %eq3A_1249 = arith.cmpi eq, %add3A_10, %eq3A_1248 : vector<8x128xi32>
    %broadcast_in_dim3A_1250 = vector.broadcast %reduce_min3A_1246 : i32 to vector<8x128xi32>
    %select_n3A_1251 = arith.select %eq3A_1249, %broadcast_in_dim3A_1250, %select_n3A_1226 : vector<8x128xi1>, vector<8x128xi32>
    %swap3A = arith.constant 0 : index
    %swap3A_1252 = arith.constant 0 : index
    %swap3A_1253 = vector.load %arg1[%swap3A, %swap3A_1252] : memref<8x128xi32, #tpu.memory_space<vmem>>, vector<8x128xi32>
    tpu.vector_store %arg1[%swap3A, %swap3A_1252], %select_n3A_1251 {strides = array<i32>} : memref<8x128xi32, #tpu.memory_space<vmem>>, vector<8x128xi32>,
    return
  }
}

module attributes {stable_mosaic.version = 14 : i64} {
  func.func @_head_body(%arg0: i32, %arg1: memref<1x10240x128xf32, #tpu.memory_space<vmem>>, %arg2: memref<1x1x128xf32, #tpu.memory_space<vmem>>, %arg3: memref<1x1x128xf32, #tpu.memory_space<vmem>>, %arg4: memref<8x10240xi32, #tpu.memory_space<vmem>>, %arg5: memref<1x128x128xf32, #tpu.memory_space<vmem>>, %arg6: memref<1x1x128xf32, #tpu.memory_space<vmem>>, %arg7: memref<16x128xf32, #tpu.memory_space<vmem>>) attributes {dimension_semantics = [#tpu.dimension_semantics<arbitrary>], iteration_bounds = array<i64: 24>, scalar_prefetch = 0 : i64, scratch_operands = 0 : i64, tpu.core_type = #tpu.core_type<tc>, window_params = [{transform_indices = @transform_0, window_bounds = array<i64: 1, 10240, 128>}, {transform_indices = @transform_1, window_bounds = array<i64: 1, 1, 128>}, {transform_indices = @transform_2, window_bounds = array<i64: 1, 1, 128>}, {pipeline_mode = #tpu.pipeline_mode<synchronous>, transform_indices = @transform_3, window_bounds = array<i64: 8, 10240>}, {transform_indices = @transform_4, window_bounds = array<i64: 1, 128, 128>}, {pipeline_mode = #tpu.pipeline_mode<synchronous>, transform_indices = @transform_5, window_bounds = array<i64: 1, 1, 128>}, {pipeline_mode = #tpu.pipeline_mode<synchronous>, transform_indices = @transform_6, window_bounds = array<i64: 16, 128>}]} {
    %get3A = arith.constant 0 : index
    %get3A_0 = arith.constant 0 : index
    %get3A_1 = arith.constant 0 : index
    %get3A_2 = vector.load %arg1[%get3A, %get3A_0, %get3A_1] : memref<1x10240x128xf32, #tpu.memory_space<vmem>>, vector<1x10240x128xf32>
    %get3A_3 = vector.shape_cast %get3A_2 : vector<1x10240x128xf32> to vector<10240x128xf32>
    %reduce_sum3A = arith.constant dense<0.000000e+00> : vector<128xf32>
    %reduce_sum3A_4 = vector.multi_reduction <add>, %get3A_3, %reduce_sum3A [0] : vector<10240x128xf32> to vector<128xf32>
    %mul3A = arith.mulf %get3A_3, %get3A_3 : vector<10240x128xf32>
    %reduce_sum3A_5 = arith.constant dense<0.000000e+00> : vector<128xf32>
    %reduce_sum3A_6 = vector.multi_reduction <add>, %mul3A, %reduce_sum3A_5 [0] : vector<10240x128xf32> to vector<128xf32>
    %div3A = arith.constant 1.000000e+04 : f32
    %div3A_7 = vector.broadcast %div3A : f32 to vector<128xf32>
    %div3A_8 = arith.divf %reduce_sum3A_4, %div3A_7 : vector<128xf32>
    %div3A_9 = arith.constant 1.000000e+04 : f32
    %div3A_10 = vector.broadcast %div3A_9 : f32 to vector<128xf32>
    %div3A_11 = arith.divf %reduce_sum3A_6, %div3A_10 : vector<128xf32>
    %mul3A_12 = arith.mulf %div3A_8, %div3A_8 : vector<128xf32>
    %sub3A = arith.subf %div3A_11, %mul3A_12 : vector<128xf32>
    %get3A_13 = arith.constant 0 : index
    %get3A_14 = arith.constant 0 : index
    %get3A_15 = arith.constant 0 : index
    %get3A_16 = vector.load %arg2[%get3A_13, %get3A_14, %get3A_15] : memref<1x1x128xf32, #tpu.memory_space<vmem>>, vector<1x1x128xf32>
    %get3A_17 = vector.shape_cast %get3A_16 : vector<1x1x128xf32> to vector<128xf32>
    %add3A = arith.constant 9.99999974E-6 : f32
    %add3A_18 = vector.broadcast %add3A : f32 to vector<128xf32>
    %add3A_19 = arith.addf %sub3A, %add3A_18 : vector<128xf32>
    %rsqrt3A = math.rsqrt %add3A_19 : vector<128xf32>
    %mul3A_20 = arith.mulf %get3A_17, %rsqrt3A : vector<128xf32>
    %get3A_21 = arith.constant 0 : index
    %get3A_22 = arith.constant 0 : index
    %get3A_23 = arith.constant 0 : index
    %get3A_24 = vector.load %arg3[%get3A_21, %get3A_22, %get3A_23] : memref<1x1x128xf32, #tpu.memory_space<vmem>>, vector<1x1x128xf32>
    %get3A_25 = vector.shape_cast %get3A_24 : vector<1x1x128xf32> to vector<128xf32>
    %mul3A_26 = arith.mulf %div3A_8, %mul3A_20 : vector<128xf32>
    %sub3A_27 = arith.subf %get3A_25, %mul3A_26 : vector<128xf32>
    %iota3A = tpu.iota {dimensions = array<i32: 0>} : vector<16x10240xi32>
    %get3A_28 = arith.constant 0 : index
    %get3A_29 = arith.constant 0 : index
    %get3A_30 = vector.load %arg4[%get3A_28, %get3A_29] : memref<8x10240xi32, #tpu.memory_space<vmem>>, vector<1x10240xi32>
    %get3A_31 = vector.shape_cast %get3A_30 : vector<1x10240xi32> to vector<10240xi32>
    %broadcast_in_dim3A = vector.shape_cast %get3A_31 : vector<10240xi32> to vector<1x10240xi32>
    %eq3A = vector.broadcast %broadcast_in_dim3A : vector<1x10240xi32> to vector<16x10240xi32>
    %eq3A_32 = arith.cmpi eq, %eq3A, %iota3A : vector<16x10240xi32>
    %convert_element_type3A = arith.extui %eq3A_32 : vector<16x10240xi1> to vector<16x10240xi32>
    %convert_element_type3A_33 = arith.sitofp %convert_element_type3A : vector<16x10240xi32> to vector<16x10240xf32>
    %dot_general3A = arith.constant dense<0.000000e+00> : vector<16x128xf32>
    %dot_general3A_34 = tpu.matmul %convert_element_type3A_33, %get3A_3, %dot_general3A {dimension_numbers = #tpu.dot_dimension_numbers<[1], [0], [0], [1], [0, 0, 1, 1], [], []>, transpose_lhs_hint = false} : vector<16x10240xf32>, vector<10240x128xf32>, vector<16x128xf32> -> vector<16x128xf32>
    %reduce_sum3A_35 = arith.constant dense<0.000000e+00> : vector<16xf32>
    %reduce_sum3A_36 = vector.multi_reduction <add>, %convert_element_type3A_33, %reduce_sum3A_35 [1] : vector<16x10240xf32> to vector<16xf32>
    %broadcast_in_dim3A_37 = vector.shape_cast %reduce_sum3A_36 : vector<16xf32> to vector<16x1xf32>
    %broadcast_in_dim3A_38 = vector.shape_cast %mul3A_20 : vector<128xf32> to vector<1x128xf32>
    %mul3A_39 = vector.broadcast %broadcast_in_dim3A_38 : vector<1x128xf32> to vector<16x128xf32>
    %mul3A_40 = arith.mulf %dot_general3A_34, %mul3A_39 : vector<16x128xf32>
    %broadcast_in_dim3A_41 = vector.shape_cast %sub3A_27 : vector<128xf32> to vector<1x128xf32>
    %mul3A_42 = vector.broadcast %broadcast_in_dim3A_37 : vector<16x1xf32> to vector<16x128xf32>
    %mul3A_43 = vector.broadcast %broadcast_in_dim3A_41 : vector<1x128xf32> to vector<16x128xf32>
    %mul3A_44 = arith.mulf %mul3A_42, %mul3A_43 : vector<16x128xf32>
    %add3A_45 = arith.addf %mul3A_40, %mul3A_44 : vector<16x128xf32>
    %get3A_46 = arith.constant 0 : index
    %get3A_47 = arith.constant 0 : index
    %get3A_48 = arith.constant 0 : index
    %get3A_49 = vector.load %arg5[%get3A_46, %get3A_47, %get3A_48] : memref<1x128x128xf32, #tpu.memory_space<vmem>>, vector<1x128x128xf32>
    %get3A_50 = vector.shape_cast %get3A_49 : vector<1x128x128xf32> to vector<128x128xf32>
    %dot_general3A_51 = arith.constant dense<0.000000e+00> : vector<16x128xf32>
    %dot_general3A_52 = tpu.matmul %add3A_45, %get3A_50, %dot_general3A_51 {dimension_numbers = #tpu.dot_dimension_numbers<[1], [1], [0], [0], [0, 0, 1, 0], [], []>, transpose_lhs_hint = false} : vector<16x128xf32>, vector<128x128xf32>, vector<16x128xf32> -> vector<16x128xf32>
    %eq3A_53 = arith.constant 0 : i32
    %eq3A_54 = arith.cmpi eq, %arg0, %eq3A_53 : i32
    %convert_element_type3A_55 = arith.extui %eq3A_54 : i1 to i32
    %cond3A = arith.constant 0 : i32
    %cond3A_56 = arith.cmpi ne, %convert_element_type3A_55, %cond3A : i32
    scf.if %cond3A_56 {
      %get3A_63 = arith.constant 0 : index
      %get3A_64 = arith.constant 0 : index
      %get3A_65 = arith.constant 0 : index
      %get3A_66 = vector.load %arg6[%get3A_63, %get3A_64, %get3A_65] : memref<1x1x128xf32, #tpu.memory_space<vmem>>, vector<1x1x128xf32>
      %get3A_67 = vector.shape_cast %get3A_66 : vector<1x1x128xf32> to vector<128xf32>
      %broadcast_in_dim3A_68 = vector.shape_cast %get3A_67 : vector<128xf32> to vector<1x128xf32>
      %broadcast_in_dim3A_69 = vector.shape_cast %broadcast_in_dim3A_68 : vector<1x128xf32> to vector<1x128xf32>
      %broadcast_in_dim3A_70 = vector.broadcast %broadcast_in_dim3A_69 : vector<1x128xf32> to vector<16x128xf32>
      %swap3A_71 = arith.constant 0 : index
      %swap3A_72 = arith.constant 0 : index
      %swap3A_73 = vector.load %arg7[%swap3A_71, %swap3A_72] : memref<16x128xf32, #tpu.memory_space<vmem>>, vector<16x128xf32>
      tpu.vector_store %arg7[%swap3A_71, %swap3A_72], %broadcast_in_dim3A_70 {strides = array<i32>} : memref<16x128xf32, #tpu.memory_space<vmem>>, vector<16x128xf32>,
    } else {
    }
    %get3A_57 = arith.constant 0 : index
    %get3A_58 = arith.constant 0 : index
    %get3A_59 = vector.load %arg7[%get3A_57, %get3A_58] : memref<16x128xf32, #tpu.memory_space<vmem>>, vector<16x128xf32>
    %add3A_60 = arith.addf %get3A_59, %dot_general3A_52 : vector<16x128xf32>
    %swap3A = arith.constant 0 : index
    %swap3A_61 = arith.constant 0 : index
    %swap3A_62 = vector.load %arg7[%swap3A, %swap3A_61] : memref<16x128xf32, #tpu.memory_space<vmem>>, vector<16x128xf32>
    tpu.vector_store %arg7[%swap3A, %swap3A_61], %add3A_60 {strides = array<i32>} : memref<16x128xf32, #tpu.memory_space<vmem>>, vector<16x128xf32>,
    return
  }
  func.func @transform_0(%arg0: i32) -> (i32, i32, i32) {
    %c0_i32 = arith.constant 0 : i32
    %c0_i32_0 = arith.constant 0 : i32
    %c0_i32_1 = arith.constant 0 : i32
    return %arg0, %c0_i32, %c0_i32_0 : i32, i32, i32
  }
  func.func @transform_1(%arg0: i32) -> (i32, i32, i32) {
    %c0_i32 = arith.constant 0 : i32
    %c0_i32_0 = arith.constant 0 : i32
    %c0_i32_1 = arith.constant 0 : i32
    return %arg0, %c0_i32, %c0_i32_0 : i32, i32, i32
  }
  func.func @transform_2(%arg0: i32) -> (i32, i32, i32) {
    %c0_i32 = arith.constant 0 : i32
    %c0_i32_0 = arith.constant 0 : i32
    %c0_i32_1 = arith.constant 0 : i32
    return %arg0, %c0_i32, %c0_i32_0 : i32, i32, i32
  }
  func.func @transform_3(%arg0: i32) -> (i32, i32) {
    %c0_i32 = arith.constant 0 : i32
    %c0_i32_0 = arith.constant 0 : i32
    %c0_i32_1 = arith.constant 0 : i32
    return %c0_i32, %c0_i32_0 : i32, i32
  }
  func.func @transform_4(%arg0: i32) -> (i32, i32, i32) {
    %c0_i32 = arith.constant 0 : i32
    %c0_i32_0 = arith.constant 0 : i32
    %c0_i32_1 = arith.constant 0 : i32
    return %arg0, %c0_i32, %c0_i32_0 : i32, i32, i32
  }
  func.func @transform_5(%arg0: i32) -> (i32, i32, i32) {
    %c0_i32 = arith.constant 0 : i32
    %c0_i32_0 = arith.constant 0 : i32
    %c0_i32_1 = arith.constant 0 : i32
    %c0_i32_2 = arith.constant 0 : i32
    return %c0_i32, %c0_i32_0, %c0_i32_1 : i32, i32, i32
  }
  func.func @transform_6(%arg0: i32) -> (i32, i32) {
    %c0_i32 = arith.constant 0 : i32
    %c0_i32_0 = arith.constant 0 : i32
    %c0_i32_1 = arith.constant 0 : i32
    return %c0_i32, %c0_i32_0 : i32, i32
  }
}

</mosaic_0001>

<sc_bundles>
// kernel: kernel.11.cloned.1.call-start
scs
__scs_entry_jumppad:
0x0: {  	(pc) =	sbr.rel $0x88, $3  }
0x1: {  	(tag) =	ssettag $0x0;
	lr =	simm.s32 $0x1  }
0x2: {  	[smem:$0x3F93] =	sst lr;
	_ =	strace $0xD0000000  }
0x3: {  	_ = 	snop  }
0x4: {  	_ = 	snop  }
0x5: {  	_ = 	snop  }
0x6: {  	_ = 	snop  }
0x7: {  	_ = 	snop  }
__scs_overlays_trampoline_lowered:
0x8: {  	[smem:$0x3FA2] =	sst s0  }
0x9: {  	[smem:$0x3FA3] =	sst s1  }
0xa: {  	[smem:$0x3FA4] =	sst s2  }
0xb: {  	[smem:$0x3FA5] =	sst s3  }
0xc: {  	[smem:$0x3FA6] =	sst s4  }
0xd: {  	[smem:$0x3FA7] =	sst s5  }
0xe: {  	[smem:$0x3FA8] =	sst s6  }
0xf: {  	[smem:$0x3FA9] =	sst s7  }
0x10: {  	[smem:$0x3FAA] =	sst s8  }
0x11: {  	[smem:$0x3FAB] =	sst s9;
	s0 =	simm.s32 @!p0 $0x0  }
0x12: {  	s1 =	sld [smem:$0x3F91];
	s0 =	simm.s32 @p0 $0x1  }
0x13: {  	[smem:$0x3FAC] =	sst s0;
	s0 =	simm.s32 @!p1 $0x0  }
0x14: {  	s2 =	sld [smem:$0x3F90];
	s0 =	simm.s32 @p1 $0x1  }
0x15: {  	[smem:$0x3FAD] =	sst s0;
	s0 =	simm.s32 @!p2 $0x0  }
0x16: {  	s3 =	sld [smem:$0x3FDB];
	s0 =	simm.s32 @p2 $0x1  }
0x17: {  	s4 =	simm.s32 $0x1BF5;
	[smem:$0x3FAF] =	sst s0  }
0x18: {  	s0 =	sld [smem:$0x3F92];
	_ =	swait.ge [sflag:s4], $0x0  }
0x19: {  	s7 =	sld [smem:$0x3F93]  }
0x1a: {  	s8 =	sadd.s32 $0xFFFFE003, lr  }
0x1b: {  	s9 =	sadd.s32 $0xFFFFFEF7, lr;
	s5 =	simm.s32 $0xFFFFFFFF;
	p2 =	slt.u32 s8, $0xFFFFF086  }
0x1c: {  	p1 =	slt.u32 s9, $0xF7A;
	s5 =	simm.s32 @!p2 $0x0  }
0x1d: {  	s5 =	simm.s32 @p1 $0x1;
	p0 =	seq.s32 s7, s2  }
0x1e: {  	s7 =	smul.u32 @!p0 $0xF7A, s2;
	p2 =	seq.s32 @!p0 s5, $0x0  }
0x1f: {  	s9 =	smul.u32 $0xF7A, s1;
	s8 =	simm.s32 @!p0 $0x1BF5;
	p2 =	por !p2, p0  }
0x20: {  	[sflag:s8] =	ssyncset.s32 @!p0 $0xFFFFF086;
	s6 =	sadd.s32 @!p0 s3, s7;
	s7 =	simm.s32 @!p0 $0x108  }
0x21: {  	s3 =	sadd.s32 s3, s9;
	s6 =	sadd.s32 @!p0 $0x88, s6;
	s7 =	simm.s32 @p2 $0x1082  }
0x22: {  	[simem:s7], [sflag:s8] =	dma.local @!p0 [hbm:s6], $0xF7A  }
0x23: {  	s9 =	sor.u32 $0xD0000000, s2;
	s6 =	simm.s32 $0x108;
	_ =	swait.ge @!p0 [sflag:s8], $0x0  }
0x24: {  	s3 =	sadd.s32 $0x88, s3;
	s6 =	simm.s32 @!p1 $0x1082;
	[sflag:s4] =	ssyncset.s32 $0xFFFFF086  }
0x25: {  	[simem:s6], [sflag:s4] =	dma.local [hbm:s3], $0xF7A  }
0x26: {  	[smem:$0x3F93] =	sst s1;
	(tag) =	ssettag s2;
	_ =	strace s9  }
0x27: {  	s1 =	sld [smem:$0x3FA3]  }
0x28: {  	s2 =	sld [smem:$0x3FA4]  }
0x29: {  	s4 =	sld [smem:$0x3FA6]  }
0x2a: {  	p0 =	seq.s32 s5, $0x0;
	s5 =	sld [smem:$0x3FA7]  }
0x2b: {  	s6 =	sld [smem:$0x3FA8]  }
0x2c: {  	s7 =	sld [smem:$0x3FA9]  }
0x2d: {  	s3 =	simm.s32 $0x108;
	s8 =	sld [smem:$0x3FAA]  }
0x2e: {  	s3 =	simm.s32 @!p0 $0x1082;
	s9 =	sld [smem:$0x3FAB]  }
0x2f: {  	lr =	sadd.s32 s0, s3;
	s0 =	sld [smem:$0x3FA2]  }
0x30: {  	s3 =	sld [smem:$0x3FA5]  }
0x31: {  	[smem:$0x3FAE] =	sst s10  }
0x32: {  	s10 =	sld [smem:$0x3FAC];
	_ =	sdelay $0x3  }
0x33: {  	p0 =	seq.s32 s10, $0x1;
	s10 =	sld [smem:$0x3FAE];
	_ =	sdelay $0x3  }
0x34: {  	[smem:$0x3FAE] =	sst s10  }
0x35: {  	s10 =	sld [smem:$0x3FAD];
	_ =	sdelay $0x3  }
0x36: {  	p1 =	seq.s32 s10, $0x1;
	s10 =	sld [smem:$0x3FAE];
	_ =	sdelay $0x3  }
0x37: {  	[smem:$0x3FAE] =	sst s10  }
0x38: {  	s10 =	sld [smem:$0x3FAF]  }
0x39: {  	_ = 	snop;
	(pc) =	sbr.ind lr, $3  }
0x3a: {  	_ = 	snop  }
0x3b: {  	_ = 	snop  }
0x3c: {  	p2 =	seq.s32 s10, $0x1;
	s10 =	sld [smem:$0x3FAE]  }
0x3d: {  	_ =	shalt  }
0x3e: {  	_ =	shalt  }
0x3f: {  	_ =	shalt  }
0x40: {  	_ =	shalt  }
0x41: {  	_ =	shalt  }
0x42: {  	_ =	shalt  }
0x43: {  	_ =	shalt  }
0x44: {  	_ =	shalt  }
0x45: {  	_ =	shalt  }
0x46: {  	_ =	shalt  }
0x47: {  	_ =	shalt  }
0x48: {  	_ =	shalt  }
0x49: {  	_ =	shalt  }
0x4a: {  	_ =	shalt  }
0x4b: {  	_ =	shalt  }
0x4c: {  	_ =	shalt  }
0x4d: {  	_ =	shalt  }
0x4e: {  	_ =	shalt  }
0x4f: {  	_ =	shalt  }
0x50: {  	_ =	shalt  }
0x51: {  	_ =	shalt  }
0x52: {  	_ =	shalt  }
0x53: {  	_ =	shalt  }
0x54: {  	_ =	shalt  }
0x55: {  	_ =	shalt  }
0x56: {  	_ =	shalt  }
0x57: {  	_ =	shalt  }
0x58: {  	_ =	shalt  }
0x59: {  	_ =	shalt  }
0x5a: {  	_ =	shalt  }
0x5b: {  	_ =	shalt  }
0x5c: {  	_ =	shalt  }
0x5d: {  	_ =	shalt  }
0x5e: {  	_ =	shalt  }
0x5f: {  	_ =	shalt  }
0x60: {  	_ =	shalt  }
0x61: {  	_ =	shalt  }
0x62: {  	_ =	shalt  }
0x63: {  	_ =	shalt  }
0x64: {  	_ =	shalt  }
0x65: {  	_ =	shalt  }
0x66: {  	_ =	shalt  }
0x67: {  	_ =	shalt  }
0x68: {  	_ =	shalt  }
0x69: {  	_ =	shalt  }
0x6a: {  	_ =	shalt  }
0x6b: {  	_ =	shalt  }
0x6c: {  	_ =	shalt  }
0x6d: {  	_ =	shalt  }
0x6e: {  	_ =	shalt  }
0x6f: {  	_ =	shalt  }
0x70: {  	_ =	shalt  }
0x71: {  	_ =	shalt  }
0x72: {  	_ =	shalt  }
0x73: {  	_ =	shalt  }
0x74: {  	_ =	shalt  }
0x75: {  	_ =	shalt  }
0x76: {  	_ =	shalt  }
0x77: {  	_ =	shalt  }
0x78: {  	_ =	shalt  }
0x79: {  	_ =	shalt  }
0x7a: {  	_ =	shalt  }
0x7b: {  	_ =	shalt  }
0x7c: {  	_ =	shalt  }
0x7d: {  	_ =	shalt  }
0x7e: {  	_ =	shalt  }
0x7f: {  	_ =	shalt  }
0x80: {  	_ =	shalt  }
0x81: {  	_ =	shalt  }
0x82: {  	_ =	shalt  }
0x83: {  	_ =	shalt  }
0x84: {  	_ =	shalt  }
0x85: {  	_ =	shalt  }
0x86: {  	_ =	shalt  }
0x87: {  	_ =	shalt  }
.Lfunc_end0:
.L_simem_size_0:
called_computation_lowered:
.L_overlay_start_0:
0x88: {  	s2 =	sld [smem:$0x3FD9]  }
0x89: {  	s3 =	sld [smem:$0x3FFE];
	_ =	sdelay $0x1  }
0x8a: {  	s1 =	srdreg.scid  }
0x8b: {  	s0 =	sand.u32 $0x1, s1  }
0x8c: {  	s16 =	sshll.u32 s0, $0xA;
	s2 =	sadd.s32 s3, s2  }
0x8d: {  	s2 =	sadd.s32 s2, s16  }
0x8e: {  	[smem:$0x3FBA] =	sst s2  }
0x8f: {  	_ = 	snop  }
0x90: {  	(tm) =	ssettm $0x1  }
0x91: {  	s17 =	sld [smem:$0x3FFB];
	_ =	sdelay $0x3  }
0x92: {  	_ =	strace s17  }
0x93: {  	s2 =	sld [smem:$0x3FFC];
	_ =	sdelay $0x3  }
0x94: {  	_ =	strace s2  }
0x95: {  	s2 =	sld [smem:$0x3FFD];
	_ =	sdelay $0x3  }
0x96: {  	_ =	strace s2  }
0x97: {  	_ =	strace $0x8FFFFFFF  }
0x98: {  	s18 =	sld [smem:$0x3FDB];
	_ =	sdelay $0x1  }
0x99: {  	s19 =	simm.s32 $_scs_section_size  }
0x9a: {  	s4 =	simm.s32 $_size__tile_overlayer_lowered;
	s5 =	simm.s32 $_tile_overlayer_lowered  }
0x9b: {  	s22 =	simm.s32 $0x1BFF;
	s21 =	sshll.u32 s5, $0x1;
	s2 =	sadd.s32 s19, s18  }
0x9c: {  	s6 =	simm.s32 $0x0;
	s20 =	sshll.u32 s4, $0x1;
	s4 =	sadd.s32 s21, s2  }
0x9d: {  	[timem:s6], [sflag:s22] =	dma.local [hbm:s4], s20  }
0x9e: {  	_ =	swait.ge [sflag:s22], s20  }
0x9f: {  	s3 =	ssub.s32 $0x0, s20;
	[sflag:s22] =	ssyncset.done $0x0  }
0xa0: {  	[sflag:s22] =	ssyncadd.s32 s3;
	_ =	sdelay $0x1  }
0xa1: {  	s23 =	simm.s32 $0x1B8B  }
0xa2: {  	_ =	swait.ge [sflag:s23], $0x1  }
0xa3: {  	[sflag:s23] =	ssyncset.done $0x0  }
0xa4: {  	s25 =	simm.s32 $0x1B8E;
	s24 =	sld [smem:$0x3FFE];
	[sflag:s23] =	ssyncadd.s32 $0xFFFFFFFF  }
0xa5: {  	s26 =	simm.s32 $execute0_lowered;
	[smem:$0x3FD2] =	sst s25  }
0xa6: {  	s4 =	sshll.u32 s26, $0x1;
	_ =	strace $0x80000046;
	[dreg:$0x1] =	wrdreg $0xFFFFFFFF  }
0xa7: {  	s28 =	simm.s32 $_size_execute0_lowered;
	s2 =	sadd.s32 s2, s4;
	[dreg:$0x0] =	wrdreg $0x0  }
0xa8: {  	s4 =	sshll.u32 s28, $0x1;
	[dreg:$0x2] =	wrdreg s2  }
0xa9: {  	[dreg:$0x3] =	wrdreg s4  }
0xaa: {  	[dreg:$0x4] =	wrdreg $0xC0  }
0xab: {  	_ =	task [dreg:s6], $0x5FFFF  }
0xac: {  	[dreg:$0x1] =	wrdreg $0xFFFFFFFF  }
0xad: {  	[dreg:$0x0] =	wrdreg $0x60  }
0xae: {  	[dreg:$0x2] =	wrdreg s24  }
0xaf: {  	[dreg:$0x3] =	wrdreg $0x0  }
0xb0: {  	[dreg:$0x4] =	wrdreg $0x9  }
0xb1: {  	_ =	task.clear_ibuf [dreg:s6], $0x5FFFF;
	_ =	strace $0x90000046  }
0xb2: {  	s29 =	simm.s32 $0x9;
	_ =	strace $0x80000048  }
0xb3: {  	_ =	swait.ge [sflag:s29], $0x1  }
0xb4: {  	[sflag:s29] =	ssyncadd.s32 $0xFFFFFFFF  }
0xb5: {  	_ =	strace $0x90000048  }
0xb6: {  	_ =	sfence  }
0xb7: {  	s30 =	sld [smem:$0x0];
	_ =	sdelay $0x2  }
0xb8: {  	s31 =	sshll.u32 s1, $0xD;
	s1 =	sshrl.u32 s1, $0x2  }
0xb9: {  	s3 =	sand.u32 $0x4000, s31;
	s1 =	sadd.s32 s1, s30  }
0xba: {  	s0 =	sor.u32 s3, s0;
	s1 =	sshll.u32 s1, $0x11  }
0xbb: {  	s0 =	sor.u32 s1, s0  }
0xbc: {  	s0 =	sadd.s32 $0x8F2B, s0  }
0xbd: {  	[sflag:s0] =	ssyncadd.remote.s32 $0x1  }
0xbe: {  	_ =	sfence.sel $0xFFFF  }
0xbf: {  	[dreg:$0x0] =	wrdreg $0xFFFFFFFF;
	(pc) =	sbr.abs _section_cstart, $3  }
0xc0: {  	[dreg:$0x1] =	wrdreg $0xFFFFFFFF  }
0xc1: {  	_ =	task.clear_ibuf [dreg:s6], $0x2FFFF;
	_ =	strace $0x9FFFFFFF  }
0xc2: {  	(tm) =	ssettm $0x7FFFFFFF  }
0xc3: {  	_ =	shalt  }
tec
execute0_lowered:
.L_overlay_start_1:
0x0: {  	(tag) =	ssettag $0x1  }
0x1: {  	s4 =	rddreg [dreg:$0x0]  }
0x2: {  	s2 =	rddreg [dreg:$0x1]  }
0x3: {  	s0 =	rddreg [dreg:$0x2]  }
0x4: {  	s1 =	stileid.u32;
	s5 =	srdreg.scid  }
0x5: {  	s3 =	simm.s32 $0x0;
	s10 =	simm.s32 $0x1700;
	s11 =	simm.s32 $0x40  }
0x6: {  	s12 =	simm.s32 $0x1680;
	s14 =	simm.s32 $0x0;
	s13 =	sand.u32 $0x1, s5  }
0x7: {  	s6 =	smul.u32 $0x280, s1;
	[smem:$0x7FF] =	sst s3;
	s5 =	ssub.s32 $0x2, s13  }
.Ltmp0:
0x8: {  	_ =	strace $0x80000047;
	p0 =	sne.s32 s13, $0x0;
	(pc) =	sbr.rel .LBB2_1-.Ltmp0, $4  }
0x9: {  	s13 =	simm.s32 $0x1980;
	s7 =	sshrl.u32 s6, $0x3;
	s8 =	sshrl.u32 s5, $0x1  }
0xa: {  	s9 =	sadd.s32 s6, s4;
	s7 =	sadd.s32 s7, s4;
	s8 =	ssub.s32 s5, s8  }
0xb: {  	s4 =	sadd.s32 $0x3A00, s9;
	s5 =	sadd.s32 s6, s2;
	s9 =	simm.s32 $0x1  }
0xc: {  	v0 =	vimm.f32 $1.000000000e+00;
	v1 =	vimm.f32 $0.0e+00;
	s6 =	sadd.s32 $0x6200, s7;
	s7 =	smax.u32 s8, $0x1;
	s8 =	simm.s32 $0x280  }
.LBB2_6:
0xd: {  	v2 =	vld [tilespmem:s15+$0x1980];
	_ =	sdelay $0x4  }
0xe: {  	v2 =	vadd.f32 $1.000000000e+00, v2;
	_ =	sdelay $0x1  }
0xf: {  	[tilespmem:s15+$0x1980] =	vst v2  }
0x10: {  	[hbm4b:s6+s3] =	stream.linear.scatter [tilespmem:s13], [sflag:$0x1], $0x280, $0x38;
	[tilespmem:$0x1C00] =	vst v63  }
0x11: {  	_ =	swait.ge [sflag:s9], $0x280  }
0x12: {  	[sflag:s9] =	ssyncset.done $0x0  }
0x13: {  	[sflag:s9] =	ssyncadd.s32 $0xFFFFFD80  }
.LBB2_7:
0x14: {  	s14 =	sadd.s32 $0x1, s14  }
0x15: {  	p1 =	sne.s32 s14, s7  }
.Ltmp1:
0x16: {  	_ = 	snop;
	(pc) =	sbr.rel @!p1 .LBB2_8-.Ltmp1, $1  }
0x17: {  	_ =	sdelay $0x3  }
.LBB2_1:
0x18: {  	[tilespmem:s8], [sflag:$0x1] =	stream.linear.gather [hbm4b:s4+s3], $0x1400, $0x38;
	[tilespmem:$0x1C00] =	vst v63  }
0x19: {  	_ =	swait.ge [sflag:s9], $0x1400  }
0x1a: {  	[sflag:s9] =	ssyncset.done $0x0  }
0x1b: {  	[sflag:s9] =	ssyncadd.s32 $0xFFFFEC00  }
0x1c: {  	[tilespmem:$0x1680] =	vst v0  }
0x1d: {  	[tilespmem:$0x1690] =	vst v0  }
0x1e: {  	[tilespmem:$0x16A0] =	vst v0  }
0x1f: {  	[tilespmem:$0x16B0] =	vst v0  }
0x20: {  	[tilespmem:$0x1700] =	vst v1  }
0x21: {  	[tilespmem:$0x1710] =	vst v1  }
0x22: {  	[tilespmem:$0x1720] =	vst v1  }
0x23: {  	[tilespmem:$0x1730] =	vst v1  }
0x24: {  	[tilespmem:$0x1740] =	vst v1  }
0x25: {  	[tilespmem:$0x1750] =	vst v1  }
0x26: {  	[tilespmem:$0x1760] =	vst v1  }
0x27: {  	[tilespmem:$0x1770] =	vst v1  }
0x28: {  	[tilespmem:$0x1780] =	vst v1  }
0x29: {  	[tilespmem:$0x1790] =	vst v1  }
0x2a: {  	[tilespmem:$0x17A0] =	vst v1  }
0x2b: {  	[tilespmem:$0x17B0] =	vst v1  }
0x2c: {  	[tilespmem:$0x17C0] =	vst v1  }
0x2d: {  	[tilespmem:$0x17D0] =	vst v1  }
0x2e: {  	[tilespmem:$0x17E0] =	vst v1  }
0x2f: {  	[tilespmem:$0x17F0] =	vst v1  }
0x30: {  	[tilespmem:$0x1800] =	vst v1  }
0x31: {  	[tilespmem:$0x1810] =	vst v1  }
0x32: {  	[tilespmem:$0x1820] =	vst v1  }
0x33: {  	[tilespmem:$0x1830] =	vst v1  }
0x34: {  	[tilespmem:$0x1840] =	vst v1  }
0x35: {  	[tilespmem:$0x1850] =	vst v1  }
0x36: {  	[tilespmem:$0x1860] =	vst v1  }
0x37: {  	[tilespmem:$0x1870] =	vst v1  }
0x38: {  	[tilespmem:$0x1880] =	vst v1  }
0x39: {  	[tilespmem:$0x1890] =	vst v1  }
0x3a: {  	[tilespmem:$0x18A0] =	vst v1  }
0x3b: {  	[tilespmem:$0x18B0] =	vst v1  }
0x3c: {  	[tilespmem:$0x18C0] =	vst v1  }
0x3d: {  	[tilespmem:$0x18D0] =	vst v1  }
0x3e: {  	[tilespmem:$0x18E0] =	vst v1  }
0x3f: {  	[tilespmem:$0x18F0] =	vst v1  }
0x40: {  	[tilespmem:$0x1900] =	vst v1  }
0x41: {  	[tilespmem:$0x1910] =	vst v1  }
0x42: {  	[tilespmem:$0x1920] =	vst v1  }
0x43: {  	[tilespmem:$0x1930] =	vst v1  }
0x44: {  	[tilespmem:$0x1940] =	vst v1  }
0x45: {  	[tilespmem:$0x1950] =	vst v1  }
0x46: {  	[tilespmem:$0x1960] =	vst v1  }
0x47: {  	[tilespmem:$0x1970] =	vst v1  }
0x48: {  	[spmem:s5] =	stream.linear.scatter [tilespmem:s10], [sflag:$0x1], $0x280, $0x38;
	[tilespmem:$0x1C00] =	vst v63  }
0x49: {  	_ =	swait.ge [sflag:s9], $0x280  }
0x4a: {  	[sflag:s9] =	ssyncset.done $0x0  }
0x4b: {  	[sflag:s9] =	ssyncadd.s32 $0xFFFFFD80  }
0x4c: {  	s15 =	simm.s32 $0x280;
	[bflag:$0x0] =	sbarrier.arrive $0xFFFF  }
0x4d: {  	[spmem:s2] =	stream.indirect.scatter.add.f32 [tilespmem:s12], [sflag:$0x1], $0x1, s15, s11, $0xb8;
	[tilespmem:$0x1C00] =	vst v63  }
0x4e: {  	s15 =	simm.s32 $0x200;
	_ =	swait.ge [sflag:s9], $0x40  }
.LBB2_2:
0x4f: {  	s16 =	sshra.s32 s15, $0x2;
	[sflag:s9] =	ssyncset.done $0x0;
	p1 =	sne.s32 s15, $0x4E00  }
.Ltmp2:
0x50: {  	s16 =	sadd.s32 $0x280, s16;
	[sflag:s9] =	ssyncadd.s32 $0xFFFFFFC0;
	(pc) =	sbr.rel @p1 .LBB2_2-.Ltmp2, $3  }
0x51: {  	[spmem:s2] =	stream.indirect.scatter.add.f32 [tilespmem:s12], [sflag:$0x1], $0x1, s16, s11, $0xb8;
	[tilespmem:$0x1C00] =	vst v63  }
0x52: {  	s15 =	sadd.s32 $0x200, s15;
	_ =	sdelay $0x1  }
0x53: {  	_ =	swait.ge [sflag:s9], $0x40  }
.Ltmp3:
0x54: {  	(pc) =	sbr.rel @p0 .LBB2_7-.Ltmp3, $3  }
0x55: {  	[sflag:s9] =	ssyncset.done $0x0  }
0x56: {  	[sflag:s9] =	ssyncadd.s32 $0xFFFFFFC0  }
0x57: {  	[bflag:$0x0] =	sbarrier.arrive $0xFFFF;
	_ =	sdelay $0x1  }
0x58: {  	[tilespmem:s13], [sflag:$0x1] =	stream.linear.gather [spmem:s5], $0x280, $0x38;
	[tilespmem:$0x1C00] =	vst v63  }
0x59: {  	_ =	swait.ge [sflag:s9], $0x280  }
0x5a: {  	[sflag:s9] =	ssyncset.done $0x0  }
0x5b: {  	s15 =	simm.s32 $0x0;
	s16 =	simm.s32 $0x40;
	[sflag:s9] =	ssyncadd.s32 $0xFFFFFD80  }
.LBB2_5:
0x5c: {  	p1 =	sne.s32 s16, $0x9C0;
	v2 =	vld [tilespmem:s15+$0x1980];
	_ =	sdelay $0x2  }
.Ltmp4:
0x5d: {  	(pc) =	sbr.rel @p1 .LBB2_5-.Ltmp4, $3  }
0x5e: {  	_ = 	snop  }
0x5f: {  	v2 =	vadd.f32 $1.000000000e+00, v2;
	_ =	sdelay $0x1  }
0x60: {  	[tilespmem:s15+$0x1980] =	vst v2;
	s15 =	sshra.s32 s16, $0x2;
	s16 =	sadd.s32 $0x40, s16  }
.Ltmp5:
0x61: {  	_ = 	snop;
	(pc) =	sbr.rel .LBB2_6-.Ltmp5, $1  }
0x62: {  	_ =	sdelay $0x3  }
.LBB2_8:
0x63: {  	_ =	sfence.sel $0x180000  }
0x64: {  	[bflag:$0x0] =	sbarrier.arrive $0xFFFF  }
0x65: {  	p0 =	sne.s32 s1, $0x0;
	_ =	strace $0x90000047  }
0x66: {  	s0 =	sadd.s32 @!p0 $0x100000, s0;
	[bflag:$0x2] =	sbarrier.arrive $0xFFFF  }
0x67: {  	[sflag:s0] =	ssyncadd.tile.s32 @!p0 $0x1;
	_ =	shalt  }
.Lfunc_end2:
_tile_overlayer_lowered:
.L_overlay_start_2:
0x68: {  	(tag) =	ssettag $0x2  }
0x69: {  	s0 =	rddreg [dreg:$0x0];
	s2 =	stileid.u32  }
0x6a: {  	s1 =	rddreg [dreg:$0x1];
	p0 =	sne.s32 s2, $0x0  }
0x6b: {  	s3 =	rddreg [dreg:$0x2];
	[bflag:$0x3] =	sbarrier.arrive $0xFFFF;
	s2 =	simm.s32 @!p0 $0x1C01  }
0x6c: {  	[timem:s3], [sflag:s2] =	dma.local @!p0 [hbm:s0], s1  }
0x6d: {  	s0 =	simm.s32 @!p0 $0x1  }
0x6e: {  	_ =	swait.ge @!p0 [sflag:s0], s1  }
0x6f: {  	s1 =	ssub.s32 @!p0 $0x0, s1;
	[sflag:s0] =	ssyncset.done @!p0 $0x0  }
0x70: {  	[sflag:s0] =	ssyncadd.s32 @!p0 s1  }
0x71: {  	[bflag:$0x3] =	sbarrier.arrive $0xFFFF  }
0x72: {  	_ =	shalt  }

// kernel: kernel.14.cloned.1.call-start
scs
__scs_entry_jumppad:
0x0: {  	(pc) =	sbr.rel $0x88, $3  }
0x1: {  	(tag) =	ssettag $0x0;
	lr =	simm.s32 $0x1  }
0x2: {  	[smem:$0x3F93] =	sst lr;
	_ =	strace $0xD0000000  }
0x3: {  	_ = 	snop  }
0x4: {  	_ = 	snop  }
0x5: {  	_ = 	snop  }
0x6: {  	_ = 	snop  }
0x7: {  	_ = 	snop  }
__scs_overlays_trampoline_lowered:
0x8: {  	[smem:$0x3FA2] =	sst s0  }
0x9: {  	[smem:$0x3FA3] =	sst s1  }
0xa: {  	[smem:$0x3FA4] =	sst s2  }
0xb: {  	[smem:$0x3FA5] =	sst s3  }
0xc: {  	[smem:$0x3FA6] =	sst s4  }
0xd: {  	[smem:$0x3FA7] =	sst s5  }
0xe: {  	[smem:$0x3FA8] =	sst s6  }
0xf: {  	[smem:$0x3FA9] =	sst s7  }
0x10: {  	[smem:$0x3FAA] =	sst s8  }
0x11: {  	[smem:$0x3FAB] =	sst s9;
	s0 =	simm.s32 @!p0 $0x0  }
0x12: {  	s1 =	sld [smem:$0x3F91];
	s0 =	simm.s32 @p0 $0x1  }
0x13: {  	[smem:$0x3FAC] =	sst s0;
	s0 =	simm.s32 @!p1 $0x0  }
0x14: {  	s2 =	sld [smem:$0x3F90];
	s0 =	simm.s32 @p1 $0x1  }
0x15: {  	[smem:$0x3FAD] =	sst s0;
	s0 =	simm.s32 @!p2 $0x0  }
0x16: {  	s3 =	sld [smem:$0x3FDB];
	s0 =	simm.s32 @p2 $0x1  }
0x17: {  	s4 =	simm.s32 $0x1BF5;
	[smem:$0x3FAF] =	sst s0  }
0x18: {  	s0 =	sld [smem:$0x3F92];
	_ =	swait.ge [sflag:s4], $0x0  }
0x19: {  	s7 =	sld [smem:$0x3F93]  }
0x1a: {  	s8 =	sadd.s32 $0xFFFFE003, lr  }
0x1b: {  	s9 =	sadd.s32 $0xFFFFFEF7, lr;
	s5 =	simm.s32 $0xFFFFFFFF;
	p2 =	slt.u32 s8, $0xFFFFF086  }
0x1c: {  	p1 =	slt.u32 s9, $0xF7A;
	s5 =	simm.s32 @!p2 $0x0  }
0x1d: {  	s5 =	simm.s32 @p1 $0x1;
	p0 =	seq.s32 s7, s2  }
0x1e: {  	s7 =	smul.u32 @!p0 $0xF7A, s2;
	p2 =	seq.s32 @!p0 s5, $0x0  }
0x1f: {  	s9 =	smul.u32 $0xF7A, s1;
	s8 =	simm.s32 @!p0 $0x1BF5;
	p2 =	por !p2, p0  }
0x20: {  	[sflag:s8] =	ssyncset.s32 @!p0 $0xFFFFF086;
	s6 =	sadd.s32 @!p0 s3, s7;
	s7 =	simm.s32 @!p0 $0x108  }
0x21: {  	s3 =	sadd.s32 s3, s9;
	s6 =	sadd.s32 @!p0 $0x88, s6;
	s7 =	simm.s32 @p2 $0x1082  }
0x22: {  	[simem:s7], [sflag:s8] =	dma.local @!p0 [hbm:s6], $0xF7A  }
0x23: {  	s9 =	sor.u32 $0xD0000000, s2;
	s6 =	simm.s32 $0x108;
	_ =	swait.ge @!p0 [sflag:s8], $0x0  }
0x24: {  	s3 =	sadd.s32 $0x88, s3;
	s6 =	simm.s32 @!p1 $0x1082;
	[sflag:s4] =	ssyncset.s32 $0xFFFFF086  }
0x25: {  	[simem:s6], [sflag:s4] =	dma.local [hbm:s3], $0xF7A  }
0x26: {  	[smem:$0x3F93] =	sst s1;
	(tag) =	ssettag s2;
	_ =	strace s9  }
0x27: {  	s1 =	sld [smem:$0x3FA3]  }
0x28: {  	s2 =	sld [smem:$0x3FA4]  }
0x29: {  	s4 =	sld [smem:$0x3FA6]  }
0x2a: {  	p0 =	seq.s32 s5, $0x0;
	s5 =	sld [smem:$0x3FA7]  }
0x2b: {  	s6 =	sld [smem:$0x3FA8]  }
0x2c: {  	s7 =	sld [smem:$0x3FA9]  }
0x2d: {  	s3 =	simm.s32 $0x108;
	s8 =	sld [smem:$0x3FAA]  }
0x2e: {  	s3 =	simm.s32 @!p0 $0x1082;
	s9 =	sld [smem:$0x3FAB]  }
0x2f: {  	lr =	sadd.s32 s0, s3;
	s0 =	sld [smem:$0x3FA2]  }
0x30: {  	s3 =	sld [smem:$0x3FA5]  }
0x31: {  	[smem:$0x3FAE] =	sst s10  }
0x32: {  	s10 =	sld [smem:$0x3FAC];
	_ =	sdelay $0x3  }
0x33: {  	p0 =	seq.s32 s10, $0x1;
	s10 =	sld [smem:$0x3FAE];
	_ =	sdelay $0x3  }
0x34: {  	[smem:$0x3FAE] =	sst s10  }
0x35: {  	s10 =	sld [smem:$0x3FAD];
	_ =	sdelay $0x3  }
0x36: {  	p1 =	seq.s32 s10, $0x1;
	s10 =	sld [smem:$0x3FAE];
	_ =	sdelay $0x3  }
0x37: {  	[smem:$0x3FAE] =	sst s10  }
0x38: {  	s10 =	sld [smem:$0x3FAF]  }
0x39: {  	_ = 	snop;
	(pc) =	sbr.ind lr, $3  }
0x3a: {  	_ = 	snop  }
0x3b: {  	_ = 	snop  }
0x3c: {  	p2 =	seq.s32 s10, $0x1;
	s10 =	sld [smem:$0x3FAE]  }
0x3d: {  	_ =	shalt  }
0x3e: {  	_ =	shalt  }
0x3f: {  	_ =	shalt  }
0x40: {  	_ =	shalt  }
0x41: {  	_ =	shalt  }
0x42: {  	_ =	shalt  }
0x43: {  	_ =	shalt  }
0x44: {  	_ =	shalt  }
0x45: {  	_ =	shalt  }
0x46: {  	_ =	shalt  }
0x47: {  	_ =	shalt  }
0x48: {  	_ =	shalt  }
0x49: {  	_ =	shalt  }
0x4a: {  	_ =	shalt  }
0x4b: {  	_ =	shalt  }
0x4c: {  	_ =	shalt  }
0x4d: {  	_ =	shalt  }
0x4e: {  	_ =	shalt  }
0x4f: {  	_ =	shalt  }
0x50: {  	_ =	shalt  }
0x51: {  	_ =	shalt  }
0x52: {  	_ =	shalt  }
0x53: {  	_ =	shalt  }
0x54: {  	_ =	shalt  }
0x55: {  	_ =	shalt  }
0x56: {  	_ =	shalt  }
0x57: {  	_ =	shalt  }
0x58: {  	_ =	shalt  }
0x59: {  	_ =	shalt  }
0x5a: {  	_ =	shalt  }
0x5b: {  	_ =	shalt  }
0x5c: {  	_ =	shalt  }
0x5d: {  	_ =	shalt  }
0x5e: {  	_ =	shalt  }
0x5f: {  	_ =	shalt  }
0x60: {  	_ =	shalt  }
0x61: {  	_ =	shalt  }
0x62: {  	_ =	shalt  }
0x63: {  	_ =	shalt  }
0x64: {  	_ =	shalt  }
0x65: {  	_ =	shalt  }
0x66: {  	_ =	shalt  }
0x67: {  	_ =	shalt  }
0x68: {  	_ =	shalt  }
0x69: {  	_ =	shalt  }
0x6a: {  	_ =	shalt  }
0x6b: {  	_ =	shalt  }
0x6c: {  	_ =	shalt  }
0x6d: {  	_ =	shalt  }
0x6e: {  	_ =	shalt  }
0x6f: {  	_ =	shalt  }
0x70: {  	_ =	shalt  }
0x71: {  	_ =	shalt  }
0x72: {  	_ =	shalt  }
0x73: {  	_ =	shalt  }
0x74: {  	_ =	shalt  }
0x75: {  	_ =	shalt  }
0x76: {  	_ =	shalt  }
0x77: {  	_ =	shalt  }
0x78: {  	_ =	shalt  }
0x79: {  	_ =	shalt  }
0x7a: {  	_ =	shalt  }
0x7b: {  	_ =	shalt  }
0x7c: {  	_ =	shalt  }
0x7d: {  	_ =	shalt  }
0x7e: {  	_ =	shalt  }
0x7f: {  	_ =	shalt  }
0x80: {  	_ =	shalt  }
0x81: {  	_ =	shalt  }
0x82: {  	_ =	shalt  }
0x83: {  	_ =	shalt  }
0x84: {  	_ =	shalt  }
0x85: {  	_ =	shalt  }
0x86: {  	_ =	shalt  }
0x87: {  	_ =	shalt  }
.Lfunc_end0:
.L_simem_size_0:
called_computation.1_lowered:
.L_overlay_start_0:
0x88: {  	s2 =	sld [smem:$0x3FD9]  }
0x89: {  	s3 =	sld [smem:$0x3FFE];
	_ =	sdelay $0x1  }
0x8a: {  	s1 =	srdreg.scid  }
0x8b: {  	s0 =	sand.u32 $0x1, s1  }
0x8c: {  	s16 =	sshll.u32 s0, $0xA;
	s2 =	sadd.s32 s3, s2  }
0x8d: {  	s2 =	sadd.s32 s2, s16  }
0x8e: {  	[smem:$0x3FBA] =	sst s2  }
0x8f: {  	_ = 	snop  }
0x90: {  	(tm) =	ssettm $0x1  }
0x91: {  	s17 =	sld [smem:$0x3FFB];
	_ =	sdelay $0x3  }
0x92: {  	_ =	strace s17  }
0x93: {  	s2 =	sld [smem:$0x3FFC];
	_ =	sdelay $0x3  }
0x94: {  	_ =	strace s2  }
0x95: {  	s2 =	sld [smem:$0x3FFD];
	_ =	sdelay $0x3  }
0x96: {  	_ =	strace s2  }
0x97: {  	_ =	strace $0x8FFFFFFF  }
0x98: {  	s18 =	sld [smem:$0x3FDB];
	_ =	sdelay $0x1  }
0x99: {  	s19 =	simm.s32 $_scs_section_size  }
0x9a: {  	s4 =	simm.s32 $_size__tile_overlayer_lowered;
	s5 =	simm.s32 $_tile_overlayer_lowered  }
0x9b: {  	s22 =	simm.s32 $0x1BFF;
	s21 =	sshll.u32 s5, $0x1;
	s2 =	sadd.s32 s19, s18  }
0x9c: {  	s6 =	simm.s32 $0x0;
	s20 =	sshll.u32 s4, $0x1;
	s4 =	sadd.s32 s21, s2  }
0x9d: {  	[timem:s6], [sflag:s22] =	dma.local [hbm:s4], s20  }
0x9e: {  	_ =	swait.ge [sflag:s22], s20  }
0x9f: {  	s3 =	ssub.s32 $0x0, s20;
	[sflag:s22] =	ssyncset.done $0x0  }
0xa0: {  	[sflag:s22] =	ssyncadd.s32 s3;
	_ =	sdelay $0x1  }
0xa1: {  	s23 =	simm.s32 $0x1B8B  }
0xa2: {  	_ =	swait.ge [sflag:s23], $0x1  }
0xa3: {  	[sflag:s23] =	ssyncset.done $0x0  }
0xa4: {  	s25 =	simm.s32 $0x1B8E;
	s24 =	sld [smem:$0x3FFE];
	[sflag:s23] =	ssyncadd.s32 $0xFFFFFFFF  }
0xa5: {  	s26 =	simm.s32 $execute0_lowered;
	[smem:$0x3FD2] =	sst s25  }
0xa6: {  	s4 =	sshll.u32 s26, $0x1;
	_ =	strace $0x80000049;
	[dreg:$0x1] =	wrdreg $0xFFFFFFFF  }
0xa7: {  	s28 =	simm.s32 $_size_execute0_lowered;
	s2 =	sadd.s32 s2, s4;
	[dreg:$0x0] =	wrdreg $0x0  }
0xa8: {  	s4 =	sshll.u32 s28, $0x1;
	[dreg:$0x2] =	wrdreg s2  }
0xa9: {  	[dreg:$0x3] =	wrdreg s4  }
0xaa: {  	[dreg:$0x4] =	wrdreg $0xC0  }
0xab: {  	_ =	task [dreg:s6], $0x5FFFF  }
0xac: {  	[dreg:$0x1] =	wrdreg $0xFFFFFFFF  }
0xad: {  	[dreg:$0x0] =	wrdreg $0x60  }
0xae: {  	[dreg:$0x2] =	wrdreg s24  }
0xaf: {  	[dreg:$0x3] =	wrdreg $0x0  }
0xb0: {  	[dreg:$0x4] =	wrdreg $0x9  }
0xb1: {  	_ =	task.clear_ibuf [dreg:s6], $0x5FFFF;
	_ =	strace $0x90000049  }
0xb2: {  	s29 =	simm.s32 $0x9;
	_ =	strace $0x8000004B  }
0xb3: {  	_ =	swait.ge [sflag:s29], $0x1  }
0xb4: {  	[sflag:s29] =	ssyncadd.s32 $0xFFFFFFFF  }
0xb5: {  	_ =	strace $0x9000004B  }
0xb6: {  	_ =	sfence  }
0xb7: {  	s30 =	sld [smem:$0x0];
	_ =	sdelay $0x2  }
0xb8: {  	s31 =	sshll.u32 s1, $0xD;
	s1 =	sshrl.u32 s1, $0x2  }
0xb9: {  	s3 =	sand.u32 $0x4000, s31;
	s1 =	sadd.s32 s1, s30  }
0xba: {  	s0 =	sor.u32 s3, s0;
	s1 =	sshll.u32 s1, $0x11  }
0xbb: {  	s0 =	sor.u32 s1, s0  }
0xbc: {  	s0 =	sadd.s32 $0x8F2B, s0  }
0xbd: {  	[sflag:s0] =	ssyncadd.remote.s32 $0x1  }
0xbe: {  	_ =	sfence.sel $0xFFFF  }
0xbf: {  	[dreg:$0x0] =	wrdreg $0xFFFFFFFF;
	(pc) =	sbr.abs _section_cstart, $3  }
0xc0: {  	[dreg:$0x1] =	wrdreg $0xFFFFFFFF  }
0xc1: {  	_ =	task.clear_ibuf [dreg:s6], $0x2FFFF;
	_ =	strace $0x9FFFFFFF  }
0xc2: {  	(tm) =	ssettm $0x7FFFFFFF  }
0xc3: {  	_ =	shalt  }
tec
execute0_lowered:
.L_overlay_start_1:
0x0: {  	(tag) =	ssettag $0x1  }
0x1: {  	s0 =	rddreg [dreg:$0x0]  }
0x2: {  	s2 =	rddreg [dreg:$0x1];
	s3 =	simm.s32 $0x0;
	s10 =	stileid.u32  }
0x3: {  	s23 =	srdreg.scid;
	[smem:$0x7FF] =	sst s3  }
0x4: {  	s4 =	smul.u32 $0x280, s10;
	s1 =	sadd.s32 $0xF9200, s0;
	s6 =	sadd.s32 $0x4B9200, s0  }
0x5: {  	s7 =	sand.u32 $0x1, s23;
	_ =	strace $0x8000004A;
	[dreg:$0x3] =	wrdreg s1  }
0x6: {  	s9 =	smul.u32 $0x50000, s10;
	s8 =	sadd.s32 $0x879200, s0;
	[dreg:$0x4] =	wrdreg s7  }
0x7: {  	s7 =	ssub.s32 $0x2, s7;
	s5 =	sadd.s32 s4, s0;
	s24 =	sshrl.u32 s4, $0x3  }
0x8: {  	s25 =	sshrl.u32 s7, $0x1;
	s28 =	sshrl.u32 s9, $0x2;
	s26 =	sadd.s32 $0xA6800, s5  }
0x9: {  	s1 =	sadd.s32 s24, s0;
	s5 =	sadd.s32 $0x3A00, s5;
	[dreg:$0x5] =	wrdreg s26  }
0xa: {  	s0 =	ssub.s32 s7, s25;
	s31 =	sadd.s32 s28, s2;
	[dreg:$0x6] =	wrdreg s5  }
0xb: {  	s7 =	smul.u32 $0x14000, s10;
	s1 =	sadd.s32 $0x6200, s1;
	[dreg:$0x8] =	wrdreg s31  }
0xc: {  	[dreg:$0x7] =	wrdreg s1  }
0xd: {  	s0 =	smax.u32 s0, $0x1;
	[dreg:$0x9] =	wrdreg s7  }
0xe: {  	s9 =	sadd.s32 $0x1000, s31;
	[dreg:$0xa] =	wrdreg s0  }
0xf: {  	s10 =	sadd.s32 $0x2000, s31;
	[dreg:$0xb] =	wrdreg s9  }
0x10: {  	s11 =	sadd.s32 $0x3000, s31;
	[dreg:$0xc] =	wrdreg s10  }
0x11: {  	s12 =	sadd.s32 $0x4000, s31;
	[dreg:$0xd] =	wrdreg s11  }
0x12: {  	s13 =	sadd.s32 $0x5000, s31;
	[dreg:$0xe] =	wrdreg s12  }
0x13: {  	s15 =	sadd.s32 $0x6000, s31;
	[dreg:$0xf] =	wrdreg s13  }
0x14: {  	s16 =	sadd.s32 $0x7000, s31;
	[dreg:$0x10] =	wrdreg s15  }
0x15: {  	s17 =	sadd.s32 $0x8000, s31;
	[dreg:$0x11] =	wrdreg s16  }
0x16: {  	s18 =	sadd.s32 $0x9000, s31;
	[dreg:$0x12] =	wrdreg s17  }
0x17: {  	s19 =	sadd.s32 $0xA000, s31;
	[dreg:$0x13] =	wrdreg s18  }
0x18: {  	s20 =	sadd.s32 $0xB000, s31;
	[dreg:$0x14] =	wrdreg s19  }
0x19: {  	s21 =	sadd.s32 $0xC000, s31;
	[dreg:$0x15] =	wrdreg s20  }
0x1a: {  	s22 =	sadd.s32 $0xD000, s31;
	[dreg:$0x16] =	wrdreg s21  }
0x1b: {  	s23 =	sadd.s32 $0xE000, s31;
	[dreg:$0x17] =	wrdreg s22  }
0x1c: {  	s24 =	sadd.s32 $0xF000, s31;
	[dreg:$0x18] =	wrdreg s23  }
0x1d: {  	s25 =	sadd.s32 $0x10000, s31;
	[dreg:$0x19] =	wrdreg s24  }
0x1e: {  	s26 =	sadd.s32 $0x11000, s31;
	[dreg:$0x1a] =	wrdreg s25  }
0x1f: {  	s29 =	simm.s32 $0x4;
	s28 =	sadd.s32 $0x12000, s31;
	[dreg:$0x1b] =	wrdreg s26  }
0x20: {  	s30 =	simm.s32 $0x0;
	s31 =	sadd.s32 $0x13000, s31;
	[dreg:$0x1c] =	wrdreg s28  }
0x21: {  	s14 =	sor.u32 $0x40, s4;
	s5 =	simm.s32 $0x0;
	[dreg:$0x1d] =	wrdreg s31  }
0x22: {  	s15 =	simm.s32 $0x5;
	s17 =	simm.s32 $0x1A800;
	s18 =	simm.s32 $0x1EA80  }
0x23: {  	s19 =	simm.s32 $0x40;
	s20 =	simm.s32 $0x14000;
	s22 =	simm.s32 $0x16000  }
0x24: {  	s23 =	simm.s32 $0x1;
	s24 =	simm.s32 $0x3;
	s26 =	simm.s32 $0x2  }
0x25: {  	v0 =	vimm.f32 $0.0e+00;
	s1 =	simm.s32 $0x1AA80;
	s10 =	simm.s32 $0x1CA80;
	s21 =	simm.s32 $0x1DA80  }
.LBB2_1:
0x26: {  	[dreg:$0x1e] =	wrdreg s5  }
0x27: {  	s0 =	rddreg [dreg:$0x5];
	s16 =	simm.s32 $0x18000  }
0x28: {  	[tilespmem:s16], [sflag:$0x5] =	stream.linear.gather [hbm4b:s0+s3], $0x1400, $0x38;
	[tilespmem:$0x1FA80] =	vst v63  }
0x29: {  	_ =	swait.ge [sflag:s15], $0x1400  }
0x2a: {  	[sflag:s15] =	ssyncset.done $0x0  }
0x2b: {  	s28 =	simm.s32 $0x19400;
	s25 =	rddreg [dreg:$0x6];
	[sflag:s15] =	ssyncadd.s32 $0xFFFFEC00  }
0x2c: {  	[tilespmem:s28], [sflag:$0x5] =	stream.linear.gather [hbm4b:s25+s3], $0x1400, $0x38;
	[tilespmem:$0x1FA80] =	vst v63  }
0x2d: {  	_ =	swait.ge [sflag:s15], $0x1400  }
0x2e: {  	[sflag:s15] =	ssyncset.done $0x0  }
0x2f: {  	s31 =	rddreg [dreg:$0x7];
	[sflag:s15] =	ssyncadd.s32 $0xFFFFEC00  }
0x30: {  	[tilespmem:s17], [sflag:$0x5] =	stream.linear.gather [hbm4b:s31+s3], $0x280, $0x38;
	[tilespmem:$0x1FA80] =	vst v63  }
0x31: {  	_ =	swait.ge [sflag:s15], $0x280  }
0x32: {  	[sflag:s15] =	ssyncset.done $0x0  }
0x33: {  	s5 =	simm.s32 $0x200;
	s0 =	simm.s32 $0x0;
	[sflag:s15] =	ssyncadd.s32 $0xFFFFFD80  }
.LBB2_2:
0x34: {  	p0 =	sne.s32 s5, $0x3E00;
	[tilespmem:s0+$0x1EAF0] =	vst v0  }
0x35: {  	[tilespmem:s0+$0x1EA80] =	vst v0  }
0x36: {  	[tilespmem:s0+$0x1EA90] =	vst v0  }
.Ltmp0:
0x37: {  	[tilespmem:s0+$0x1EAA0] =	vst v0;
	(pc) =	sbr.rel @p0 .LBB2_2-.Ltmp0, $4  }
0x38: {  	[tilespmem:s0+$0x1EAB0] =	vst v0  }
0x39: {  	[tilespmem:s0+$0x1EAC0] =	vst v0  }
0x3a: {  	[tilespmem:s0+$0x1EAD0] =	vst v0  }
0x3b: {  	[tilespmem:s0+$0x1EAE0] =	vst v0;
	s0 =	sshra.s32 s5, $0x2;
	s5 =	sadd.s32 $0x200, s5  }
0x3c: {  	[tilespmem:s0+$0x1EAF0] =	vst v0  }
0x3d: {  	[tilespmem:s0+$0x1EA80] =	vst v0  }
0x3e: {  	[tilespmem:s0+$0x1EA90] =	vst v0  }
0x3f: {  	[tilespmem:s0+$0x1EAA0] =	vst v0  }
0x40: {  	[tilespmem:s0+$0x1EAB0] =	vst v0  }
0x41: {  	[tilespmem:s0+$0x1EAC0] =	vst v0  }
0x42: {  	[tilespmem:s0+$0x1EAD0] =	vst v0  }
0x43: {  	[tilespmem:s0+$0x1EAE0] =	vst v0;
	s5 =	rddreg [dreg:$0x8]  }
0x44: {  	[spmem:s5] =	stream.linear.scatter [tilespmem:s18], [sflag:$0x5], $0x1000, $0x38;
	[tilespmem:$0x1FA80] =	vst v63  }
0x45: {  	_ =	swait.ge [sflag:s15], $0x1000  }
0x46: {  	[sflag:s15] =	ssyncset.done $0x0  }
0x47: {  	s7 =	rddreg [dreg:$0xb];
	[sflag:s15] =	ssyncadd.s32 $0xFFFFF000  }
0x48: {  	[spmem:s7] =	stream.linear.scatter [tilespmem:s18], [sflag:$0x5], $0x1000, $0x38;
	[tilespmem:$0x1FA80] =	vst v63  }
0x49: {  	_ =	swait.ge [sflag:s15], $0x1000  }
0x4a: {  	[sflag:s15] =	ssyncset.done $0x0  }
0x4b: {  	s9 =	rddreg [dreg:$0xc];
	[sflag:s15] =	ssyncadd.s32 $0xFFFFF000  }
0x4c: {  	[spmem:s9] =	stream.linear.scatter [tilespmem:s18], [sflag:$0x5], $0x1000, $0x38;
	[tilespmem:$0x1FA80] =	vst v63  }
0x4d: {  	_ =	swait.ge [sflag:s15], $0x1000  }
0x4e: {  	[sflag:s15] =	ssyncset.done $0x0  }
0x4f: {  	s11 =	rddreg [dreg:$0xd];
	[sflag:s15] =	ssyncadd.s32 $0xFFFFF000  }
0x50: {  	[spmem:s11] =	stream.linear.scatter [tilespmem:s18], [sflag:$0x5], $0x1000, $0x38;
	[tilespmem:$0x1FA80] =	vst v63  }
0x51: {  	_ =	swait.ge [sflag:s15], $0x1000  }
0x52: {  	[sflag:s15] =	ssyncset.done $0x0  }
0x53: {  	s12 =	rddreg [dreg:$0xe];
	[sflag:s15] =	ssyncadd.s32 $0xFFFFF000  }
0x54: {  	[spmem:s12] =	stream.linear.scatter [tilespmem:s18], [sflag:$0x5], $0x1000, $0x38;
	[tilespmem:$0x1FA80] =	vst v63  }
0x55: {  	_ =	swait.ge [sflag:s15], $0x1000  }
0x56: {  	[sflag:s15] =	ssyncset.done $0x0  }
0x57: {  	s13 =	rddreg [dreg:$0xf];
	[sflag:s15] =	ssyncadd.s32 $0xFFFFF000  }
0x58: {  	[spmem:s13] =	stream.linear.scatter [tilespmem:s18], [sflag:$0x5], $0x1000, $0x38;
	[tilespmem:$0x1FA80] =	vst v63  }
0x59: {  	_ =	swait.ge [sflag:s15], $0x1000  }
0x5a: {  	[sflag:s15] =	ssyncset.done $0x0  }
0x5b: {  	s16 =	rddreg [dreg:$0x10];
	[sflag:s15] =	ssyncadd.s32 $0xFFFFF000  }
0x5c: {  	[spmem:s16] =	stream.linear.scatter [tilespmem:s18], [sflag:$0x5], $0x1000, $0x38;
	[tilespmem:$0x1FA80] =	vst v63  }
0x5d: {  	_ =	swait.ge [sflag:s15], $0x1000  }
0x5e: {  	[sflag:s15] =	ssyncset.done $0x0  }
0x5f: {  	s25 =	rddreg [dreg:$0x11];
	[sflag:s15] =	ssyncadd.s32 $0xFFFFF000  }
0x60: {  	[spmem:s25] =	stream.linear.scatter [tilespmem:s18], [sflag:$0x5], $0x1000, $0x38;
	[tilespmem:$0x1FA80] =	vst v63  }
0x61: {  	_ =	swait.ge [sflag:s15], $0x1000  }
0x62: {  	[sflag:s15] =	ssyncset.done $0x0  }
0x63: {  	s28 =	rddreg [dreg:$0x12];
	[sflag:s15] =	ssyncadd.s32 $0xFFFFF000  }
0x64: {  	[spmem:s28] =	stream.linear.scatter [tilespmem:s18], [sflag:$0x5], $0x1000, $0x38;
	[tilespmem:$0x1FA80] =	vst v63  }
0x65: {  	_ =	swait.ge [sflag:s15], $0x1000  }
0x66: {  	[sflag:s15] =	ssyncset.done $0x0  }
0x67: {  	s31 =	rddreg [dreg:$0x13];
	[sflag:s15] =	ssyncadd.s32 $0xFFFFF000  }
0x68: {  	[spmem:s31] =	stream.linear.scatter [tilespmem:s18], [sflag:$0x5], $0x1000, $0x38;
	[tilespmem:$0x1FA80] =	vst v63  }
0x69: {  	_ =	swait.ge [sflag:s15], $0x1000  }
0x6a: {  	[sflag:s15] =	ssyncset.done $0x0  }
0x6b: {  	s5 =	rddreg [dreg:$0x14];
	[sflag:s15] =	ssyncadd.s32 $0xFFFFF000  }
0x6c: {  	[spmem:s5] =	stream.linear.scatter [tilespmem:s18], [sflag:$0x5], $0x1000, $0x38;
	[tilespmem:$0x1FA80] =	vst v63  }
0x6d: {  	_ =	swait.ge [sflag:s15], $0x1000  }
0x6e: {  	[sflag:s15] =	ssyncset.done $0x0  }
0x6f: {  	s7 =	rddreg [dreg:$0x15];
	[sflag:s15] =	ssyncadd.s32 $0xFFFFF000  }
0x70: {  	[spmem:s7] =	stream.linear.scatter [tilespmem:s18], [sflag:$0x5], $0x1000, $0x38;
	[tilespmem:$0x1FA80] =	vst v63  }
0x71: {  	_ =	swait.ge [sflag:s15], $0x1000  }
0x72: {  	[sflag:s15] =	ssyncset.done $0x0  }
0x73: {  	s9 =	rddreg [dreg:$0x16];
	[sflag:s15] =	ssyncadd.s32 $0xFFFFF000  }
0x74: {  	[spmem:s9] =	stream.linear.scatter [tilespmem:s18], [sflag:$0x5], $0x1000, $0x38;
	[tilespmem:$0x1FA80] =	vst v63  }
0x75: {  	_ =	swait.ge [sflag:s15], $0x1000  }
0x76: {  	[sflag:s15] =	ssyncset.done $0x0  }
0x77: {  	s11 =	rddreg [dreg:$0x17];
	[sflag:s15] =	ssyncadd.s32 $0xFFFFF000  }
0x78: {  	[spmem:s11] =	stream.linear.scatter [tilespmem:s18], [sflag:$0x5], $0x1000, $0x38;
	[tilespmem:$0x1FA80] =	vst v63  }
0x79: {  	_ =	swait.ge [sflag:s15], $0x1000  }
0x7a: {  	[sflag:s15] =	ssyncset.done $0x0  }
0x7b: {  	s12 =	rddreg [dreg:$0x18];
	[sflag:s15] =	ssyncadd.s32 $0xFFFFF000  }
0x7c: {  	[spmem:s12] =	stream.linear.scatter [tilespmem:s18], [sflag:$0x5], $0x1000, $0x38;
	[tilespmem:$0x1FA80] =	vst v63  }
0x7d: {  	_ =	swait.ge [sflag:s15], $0x1000  }
0x7e: {  	[sflag:s15] =	ssyncset.done $0x0  }
0x7f: {  	s13 =	rddreg [dreg:$0x19];
	[sflag:s15] =	ssyncadd.s32 $0xFFFFF000  }
0x80: {  	[spmem:s13] =	stream.linear.scatter [tilespmem:s18], [sflag:$0x5], $0x1000, $0x38;
	[tilespmem:$0x1FA80] =	vst v63  }
0x81: {  	_ =	swait.ge [sflag:s15], $0x1000  }
0x82: {  	[sflag:s15] =	ssyncset.done $0x0  }
0x83: {  	s16 =	rddreg [dreg:$0x1a];
	[sflag:s15] =	ssyncadd.s32 $0xFFFFF000  }
0x84: {  	[spmem:s16] =	stream.linear.scatter [tilespmem:s18], [sflag:$0x5], $0x1000, $0x38;
	[tilespmem:$0x1FA80] =	vst v63  }
0x85: {  	_ =	swait.ge [sflag:s15], $0x1000  }
0x86: {  	[sflag:s15] =	ssyncset.done $0x0  }
0x87: {  	s25 =	rddreg [dreg:$0x1b];
	[sflag:s15] =	ssyncadd.s32 $0xFFFFF000  }
0x88: {  	[spmem:s25] =	stream.linear.scatter [tilespmem:s18], [sflag:$0x5], $0x1000, $0x38;
	[tilespmem:$0x1FA80] =	vst v63  }
0x89: {  	_ =	swait.ge [sflag:s15], $0x1000  }
0x8a: {  	[sflag:s15] =	ssyncset.done $0x0  }
0x8b: {  	s28 =	rddreg [dreg:$0x1c];
	[sflag:s15] =	ssyncadd.s32 $0xFFFFF000  }
0x8c: {  	[spmem:s28] =	stream.linear.scatter [tilespmem:s18], [sflag:$0x5], $0x1000, $0x38;
	[tilespmem:$0x1FA80] =	vst v63  }
0x8d: {  	_ =	swait.ge [sflag:s15], $0x1000  }
0x8e: {  	[sflag:s15] =	ssyncset.done $0x0  }
0x8f: {  	s31 =	rddreg [dreg:$0x1d];
	[sflag:s15] =	ssyncadd.s32 $0xFFFFF000  }
0x90: {  	[spmem:s31] =	stream.linear.scatter [tilespmem:s18], [sflag:$0x5], $0x1000, $0x38;
	[tilespmem:$0x1FA80] =	vst v63  }
0x91: {  	_ =	swait.ge [sflag:s15], $0x1000  }
0x92: {  	[sflag:s15] =	ssyncset.done $0x0  }
0x93: {  	s0 =	simm.s32 $0x0;
	[sflag:s15] =	ssyncadd.s32 $0xFFFFF000  }
.LBB2_4:
0x94: {  	s25 =	sshll.u32 s0, $0x1;
	s5 =	rddreg [dreg:$0x4]  }
0x95: {  	[dreg:$0x1f] =	wrdreg s0;
	s0 =	sor.u32 s5, s25  }
0x96: {  	s28 =	smul.u32 $0x140000, s0  }
0x97: {  	[bflag:$0x0] =	sbarrier.arrive $0xFFFF  }
0x98: {  	s31 =	rddreg [dreg:$0x3];
	s0 =	sshrl.u32 s28, $0x3  }
0x99: {  	s7 =	simm.s32 $0x18000;
	s0 =	sadd.s32 s31, s0  }
0x9a: {  	[tilespmem:s20], [sflag:$0x1] =	stream.indirect.gather [hbm4b:s0+s19], $0x80, s7, s19, $0xb8;
	[tilespmem:$0x1FA80] =	vst v63  }
0x9b: {  	s9 =	simm.s32 $0x18080  }
0x9c: {  	[tilespmem:s22], [sflag:$0x2] =	stream.indirect.gather [hbm4b:s0+s19], $0x80, s9, s19, $0xb8;
	[tilespmem:$0x1FA80] =	vst v63  }
0x9d: {  	_ =	swait.ge [sflag:s23], $0x2000  }
0x9e: {  	[sflag:s23] =	ssyncset.done $0x0  }
0x9f: {  	s11 =	simm.s32 $0x19400;
	[sflag:s23] =	ssyncadd.s32 $0xFFFFE000  }
0xa0: {  	[spmem:s2] =	stream.indirect.scatter.add.f32 [tilespmem:s20], [sflag:$0x3], $0x80, s11, s19, $0xb8;
	[tilespmem:$0x1FA80] =	vst v63  }
0xa1: {  	_ =	swait.ge [sflag:s24], $0x2000  }
0xa2: {  	[sflag:s24] =	ssyncset.done $0x0  }
0xa3: {  	s12 =	simm.s32 $0x18100;
	[sflag:s24] =	ssyncadd.s32 $0xFFFFE000  }
0xa4: {  	[tilespmem:s20], [sflag:$0x1] =	stream.indirect.gather [hbm4b:s0+s19], $0x80, s12, s19, $0xb8;
	[tilespmem:$0x1FA80] =	vst v63  }
0xa5: {  	_ =	swait.ge [sflag:s26], $0x2000  }
0xa6: {  	[sflag:s26] =	ssyncset.done $0x0  }
0xa7: {  	s13 =	simm.s32 $0x19480;
	[sflag:s26] =	ssyncadd.s32 $0xFFFFE000  }
0xa8: {  	[spmem:s2] =	stream.indirect.scatter.add.f32 [tilespmem:s22], [sflag:$0x4], $0x80, s13, s19, $0xb8;
	[tilespmem:$0x1FA80] =	vst v63  }
0xa9: {  	_ =	swait.ge [sflag:s29], $0x2000  }
0xaa: {  	[sflag:s29] =	ssyncset.done $0x0  }
0xab: {  	s16 =	simm.s32 $0x18180;
	[sflag:s29] =	ssyncadd.s32 $0xFFFFE000  }
0xac: {  	[tilespmem:s22], [sflag:$0x2] =	stream.indirect.gather [hbm4b:s0+s19], $0x80, s16, s19, $0xb8;
	[tilespmem:$0x1FA80] =	vst v63  }
0xad: {  	_ =	swait.ge [sflag:s23], $0x2000  }
0xae: {  	[sflag:s23] =	ssyncset.done $0x0  }
0xaf: {  	s25 =	simm.s32 $0x19500;
	[sflag:s23] =	ssyncadd.s32 $0xFFFFE000  }
0xb0: {  	[spmem:s2] =	stream.indirect.scatter.add.f32 [tilespmem:s20], [sflag:$0x3], $0x80, s25, s19, $0xb8;
	[tilespmem:$0x1FA80] =	vst v63  }
0xb1: {  	_ =	swait.ge [sflag:s24], $0x2000  }
0xb2: {  	[sflag:s24] =	ssyncset.done $0x0  }
0xb3: {  	s31 =	simm.s32 $0x18200;
	[sflag:s24] =	ssyncadd.s32 $0xFFFFE000  }
0xb4: {  	[tilespmem:s20], [sflag:$0x1] =	stream.indirect.gather [hbm4b:s0+s19], $0x80, s31, s19, $0xb8;
	[tilespmem:$0x1FA80] =	vst v63  }
0xb5: {  	_ =	swait.ge [sflag:s26], $0x2000  }
0xb6: {  	[sflag:s26] =	ssyncset.done $0x0  }
0xb7: {  	s5 =	simm.s32 $0xFFFFBC00;
	s7 =	simm.s32 $0x19580;
	[sflag:s26] =	ssyncadd.s32 $0xFFFFE000  }
.LBB2_5:
0xb8: {  	[spmem:s2] =	stream.indirect.scatter.add.f32 [tilespmem:s22], [sflag:$0x4], $0x80, s7, s19, $0xb8;
	[tilespmem:$0x1FA80] =	vst v63  }
0xb9: {  	s7 =	smov.u32 s5  }
0xba: {  	p0 =	sne.s32 s5, $0xFFFFFC00;
	s5 =	sadd.s32 $0x400, s5;
	_ =	swait.ge [sflag:s29], $0x2000  }
0xbb: {  	s7 =	sshra.s32 s7, $0x2;
	[sflag:s29] =	ssyncset.done $0x0  }
0xbc: {  	s9 =	sadd.s32 $0x19380, s7;
	[sflag:s29] =	ssyncadd.s32 $0xFFFFE000  }
0xbd: {  	[tilespmem:s22], [sflag:$0x2] =	stream.indirect.gather [hbm4b:s0+s19], $0x80, s9, s19, $0xb8;
	[tilespmem:$0x1FA80] =	vst v63  }
0xbe: {  	_ =	swait.ge [sflag:s23], $0x2000  }
0xbf: {  	[sflag:s23] =	ssyncset.done $0x0  }
0xc0: {  	s9 =	sadd.s32 $0x1A700, s7;
	[sflag:s23] =	ssyncadd.s32 $0xFFFFE000  }
0xc1: {  	[spmem:s2] =	stream.indirect.scatter.add.f32 [tilespmem:s20], [sflag:$0x3], $0x80, s9, s19, $0xb8;
	[tilespmem:$0x1FA80] =	vst v63  }
0xc2: {  	_ =	swait.ge [sflag:s24], $0x2000  }
0xc3: {  	[sflag:s24] =	ssyncset.done $0x0  }
.Ltmp1:
0xc4: {  	s9 =	sadd.s32 $0x19400, s7;
	[sflag:s24] =	ssyncadd.s32 $0xFFFFE000;
	(pc) =	sbr.rel @p0 .LBB2_5-.Ltmp1, $4  }
0xc5: {  	[tilespmem:s20], [sflag:$0x1] =	stream.indirect.gather [hbm4b:s0+s19], $0x80, s9, s19, $0xb8;
	[tilespmem:$0x1FA80] =	vst v63  }
0xc6: {  	_ =	swait.ge [sflag:s26], $0x2000  }
0xc7: {  	[sflag:s26] =	ssyncset.done $0x0  }
0xc8: {  	s7 =	sadd.s32 $0x1A780, s7;
	[sflag:s26] =	ssyncadd.s32 $0xFFFFE000  }
0xc9: {  	[spmem:s2] =	stream.indirect.scatter.add.f32 [tilespmem:s22], [sflag:$0x4], $0x80, s7, s19, $0xb8;
	[tilespmem:$0x1FA80] =	vst v63  }
0xca: {  	_ =	swait.ge [sflag:s29], $0x2000  }
0xcb: {  	[sflag:s29] =	ssyncset.done $0x0  }
0xcc: {  	s5 =	simm.s32 $0x19380;
	[sflag:s29] =	ssyncadd.s32 $0xFFFFE000  }
0xcd: {  	[tilespmem:s22], [sflag:$0x2] =	stream.indirect.gather [hbm4b:s0+s19], $0x80, s5, s19, $0xb8;
	[tilespmem:$0x1FA80] =	vst v63  }
0xce: {  	_ =	swait.ge [sflag:s23], $0x2000  }
0xcf: {  	[sflag:s23] =	ssyncset.done $0x0  }
0xd0: {  	s11 =	simm.s32 $0x1A700;
	[sflag:s23] =	ssyncadd.s32 $0xFFFFE000  }
0xd1: {  	[spmem:s2] =	stream.indirect.scatter.add.f32 [tilespmem:s20], [sflag:$0x3], $0x80, s11, s19, $0xb8;
	[tilespmem:$0x1FA80] =	vst v63  }
0xd2: {  	_ =	swait.ge [sflag:s26], $0x2000  }
0xd3: {  	[sflag:s26] =	ssyncset.done $0x0  }
0xd4: {  	s12 =	simm.s32 $0x1A780;
	[sflag:s26] =	ssyncadd.s32 $0xFFFFE000  }
0xd5: {  	[spmem:s2] =	stream.indirect.scatter.add.f32 [tilespmem:s22], [sflag:$0x4], $0x80, s12, s19, $0xb8;
	[tilespmem:$0x1FA80] =	vst v63  }
0xd6: {  	_ =	swait.ge [sflag:s24], $0x2000  }
0xd7: {  	[sflag:s24] =	ssyncset.done $0x0  }
0xd8: {  	[sflag:s24] =	ssyncadd.s32 $0xFFFFE000  }
0xd9: {  	_ =	swait.ge [sflag:s29], $0x2000  }
0xda: {  	[sflag:s29] =	ssyncset.done $0x0  }
0xdb: {  	[sflag:s29] =	ssyncadd.s32 $0xFFFFE000  }
0xdc: {  	[bflag:$0x0] =	sbarrier.arrive $0xFFFF  }
0xdd: {  	s13 =	rddreg [dreg:$0x8]  }
0xde: {  	s16 =	rddreg [dreg:$0x9]  }
0xdf: {  	[tilespmem:s1], [sflag:$0x3] =	stream.linear.gather [spmem:s13], $0x1000, $0x38;
	[tilespmem:$0x1FA80] =	vst v63  }
0xe0: {  	s0 =	sadd.s32 s16, s28  }
0xe1: {  	s0 =	sshrl.u32 s0, $0x3  }
0xe2: {  	s25 =	simm.s32 $0x1BA80;
	s0 =	sadd.s32 s6, s0  }
0xe3: {  	[tilespmem:s25], [sflag:$0x1] =	stream.linear.gather [hbm4b:s0+s30], $0x1000, $0x38;
	[tilespmem:$0x1FA80] =	vst v63  }
0xe4: {  	s31 =	simm.s32 $0x20;
	s16 =	simm.s32 $0x0;
	s0 =	simm.s32 $0x0  }
.LBB2_7:
0xe5: {  	s5 =	sshll.u32 s16, $0x6  }
0xe6: {  	s7 =	sadd.s32 s5, s4  }
0xe7: {  	s7 =	sshll.u32 s7, $0x7  }
0xe8: {  	s7 =	sadd.s32 $0x1000, s7  }
0xe9: {  	s9 =	sand.u32 $0x3FFFFF80, s7;
	s7 =	sadd.s32 s28, s7  }
0xea: {  	s11 =	sadd.s32 s9, s2;
	s9 =	sshrl.u32 s7, $0x3  }
0xeb: {  	[tilespmem:s10], [sflag:$0x4] =	stream.linear.gather [spmem:s11], $0x1000, $0x38;
	[tilespmem:$0x1FA80] =	vst v63  }
0xec: {  	s7 =	sadd.s32 s6, s9  }
0xed: {  	[tilespmem:s21], [sflag:$0x2] =	stream.linear.gather [hbm4b:s7+s30], $0x1000, $0x38;
	[tilespmem:$0x1FA80] =	vst v63  }
0xee: {  	_ =	swait.ge [sflag:s24], $0x1000  }
0xef: {  	[sflag:s24] =	ssyncset.done $0x0  }
0xf0: {  	[sflag:s24] =	ssyncadd.s32 $0xFFFFF000  }
0xf1: {  	_ =	swait.ge [sflag:s23], $0x1000  }
0xf2: {  	[sflag:s23] =	ssyncset.done $0x0  }
0xf3: {  	s7 =	simm.s32 $0x0;
	[sflag:s23] =	ssyncadd.s32 $0xFFFFF000  }
0xf4: {  	v1 =	vld [tilespmem:s7+$0x1BAC0]  }
0xf5: {  	v4 =	vld [tilespmem:s7+$0x1BAD0]  }
0xf6: {  	v2 =	vld [tilespmem:s7+$0x1BAF0]  }
0xf7: {  	v3 =	vld [tilespmem:s7+$0x1BAE0]  }
0xf8: {  	v6 =	vmov s0;
	v10 =	vld [tilespmem:s7+$0x1AAB0]  }
0xf9: {  	v7 =	vld [tilespmem:s7+$0x1AAF0]  }
0xfa: {  	v9 =	vld [tilespmem:s7+$0x1AAE0]  }
0xfb: {  	v8 =	vld [tilespmem:s7+$0x1BAA0]  }
0xfc: {  	v5 =	vld [tilespmem:s7+$0x1BA90]  }
0xfd: {  	v6 =	vld.idx.msk [tilespmem:v6+s17+$0x0], $0xffff  }
0xfe: {  	v13 =	vld [tilespmem:s7+$0x1AAD0]  }
0xff: {  	v11 =	vld [tilespmem:s7+$0x1BAB0]  }
0x100: {  	s13 =	simm.s32 $0x200;
	s12 =	sadd.s32 $0x1, s0;
	v12 =	vld [tilespmem:s7+$0x1AAA0]  }
.LBB2_8:
0x101: {  	v14 =	vmov s12;
	p0 =	sne.s32 s13, $0x3E00;
	v15 =	vld [tilespmem:s7+$0x1AA90];
	s25 =	smov.u32 s13;
	s13 =	sadd.s32 $0x200, s13  }
0x102: {  	v16 =	vld [tilespmem:s7+$0x1AA80]  }
0x103: {  	v10 =	vmul.f32 v10, v6;
	v17 =	vld [tilespmem:s7+$0x1AAC0];
	v13 =	vmul.f32 v13, v6  }
0x104: {  	s25 =	sshra.s32 s25, $0x2;
	v18 =	vld [tilespmem:s7+$0x1BA80]  }
0x105: {  	v10 =	vadd.f32 v11, v10;
	v19 =	vld [tilespmem:s25+$0x1BAC0];
	v12 =	vmul.f32 v12, v6;
	v11 =	vadd.f32 v4, v13  }
0x106: {  	v9 =	vmul.f32 v9, v6;
	v7 =	vmul.f32 v7, v6  }
0x107: {  	v15 =	vmul.f32 v15, v6;
	v4 =	vld [tilespmem:s25+$0x1BAD0];
	v13 =	vmul.f32 v16, v6;
	v8 =	vadd.f32 v8, v12;
	[tilespmem:s7+$0x1AAD0] =	vst v11  }
0x108: {  	v9 =	vadd.f32 v3, v9;
	v7 =	vadd.f32 v2, v7;
	[tilespmem:s7+$0x1AAB0] =	vst v10;
	v6 =	vmul.f32 v17, v6;
	v2 =	vld [tilespmem:s25+$0x1BAF0]  }
0x109: {  	v5 =	vadd.f32 v5, v15;
	v3 =	vld [tilespmem:s25+$0x1BAE0];
	v11 =	vadd.f32 v18, v13;
	[tilespmem:s7+$0x1AAA0] =	vst v8  }
0x10a: {  	v10 =	vld [tilespmem:s25+$0x1AAB0];
	v6 =	vadd.f32 v1, v6;
	[tilespmem:s7+$0x1AAF0] =	vst v7;
	v1 =	vmov v19  }
0x10b: {  	v7 =	vld [tilespmem:s25+$0x1AAF0];
	[tilespmem:s7+$0x1AAE0] =	vst v9  }
0x10c: {  	v9 =	vld [tilespmem:s25+$0x1AAE0];
	[tilespmem:s7+$0x1AAC0] =	vst v6  }
0x10d: {  	v8 =	vld [tilespmem:s25+$0x1BAA0];
	[tilespmem:s7+$0x1AA90] =	vst v5  }
.Ltmp2:
0x10e: {  	v5 =	vld [tilespmem:s25+$0x1BA90];
	[tilespmem:s7+$0x1AA80] =	vst v11;
	s7 =	smov.u32 s25;
	(pc) =	sbr.rel @p0 .LBB2_8-.Ltmp2, $4  }
0x10f: {  	v6 =	vld.idx.msk [tilespmem:v14+s17+$0x0], $0xffff  }
0x110: {  	v13 =	vld [tilespmem:s7+$0x1AAD0]  }
0x111: {  	v11 =	vld [tilespmem:s7+$0x1BAB0]  }
0x112: {  	s12 =	sadd.s32 $0x1, s12;
	v12 =	vld [tilespmem:s7+$0x1AAA0]  }
0x113: {  	_ = 	snop  }
0x114: {  	v15 =	vld [tilespmem:s7+$0x1AA90];
	v10 =	vmul.f32 v10, v6  }
0x115: {  	v14 =	vld [tilespmem:s7+$0x1AAC0];
	v7 =	vmul.f32 v7, v6  }
0x116: {  	v16 =	vld [tilespmem:s7+$0x1AA80];
	v13 =	vmul.f32 v13, v6;
	v10 =	vadd.f32 v11, v10  }
0x117: {  	v9 =	vmul.f32 v9, v6;
	v2 =	vadd.f32 v2, v7  }
0x118: {  	v12 =	vmul.f32 v12, v6;
	v4 =	vadd.f32 v4, v13;
	v13 =	vld [tilespmem:s7+$0x1BA80];
	[tilespmem:s7+$0x1AAB0] =	vst v10  }
0x119: {  	v3 =	vadd.f32 v3, v9;
	v7 =	vmul.f32 v15, v6;
	[tilespmem:s7+$0x1AAF0] =	vst v2  }
0x11a: {  	v8 =	vadd.f32 v8, v12;
	[tilespmem:s7+$0x1AAD0] =	vst v4;
	v4 =	vmul.f32 v14, v6  }
0x11b: {  	s12 =	sadd.s32 s4, s5;
	[tilespmem:s7+$0x1AAE0] =	vst v3;
	v6 =	vmul.f32 v16, v6;
	v2 =	vadd.f32 v5, v7  }
0x11c: {  	s12 =	sshll.u32 s12, $0x7;
	[tilespmem:s7+$0x1AAA0] =	vst v8;
	v1 =	vadd.f32 v1, v4  }
0x11d: {  	s13 =	sadd.s32 s28, s12;
	v3 =	vadd.f32 v13, v6;
	[tilespmem:s7+$0x1AA90] =	vst v2  }
0x11e: {  	s13 =	sshrl.u32 s13, $0x3;
	[tilespmem:s7+$0x1AAC0] =	vst v1  }
0x11f: {  	s13 =	sadd.s32 s8, s13;
	[tilespmem:s7+$0x1AA80] =	vst v3  }
0x120: {  	[hbm4b:s13+s3] =	stream.linear.scatter [tilespmem:s1], [sflag:$0x5], $0x1000, $0x38;
	[tilespmem:$0x1FA80] =	vst v63  }
0x121: {  	_ =	swait.ge [sflag:s15], $0x1000  }
0x122: {  	p0 =	seq.s32 s16, $0x9;
	s25 =	sand.u32 $0x3FFFFF80, s12;
	[sflag:s15] =	ssyncset.done $0x0  }
0x123: {  	s5 =	sadd.s32 @!p0 s5, s14;
	s7 =	sadd.s32 s25, s2;
	[sflag:s15] =	ssyncadd.s32 $0xFFFFF000  }
0x124: {  	[spmem:s7] =	stream.linear.scatter [tilespmem:s18], [sflag:$0x5], $0x1000, $0x38;
	[tilespmem:$0x1FA80] =	vst v63  }
0x125: {  	s5 =	sshll.u32 @!p0 s5, $0x7;
	s12 =	simm.s32 @!p0 $0x1AA80;
	_ =	swait.ge [sflag:s15], $0x1000  }
0x126: {  	s7 =	sand.u32 @!p0 $0x3FFFFF80, s5;
	s5 =	sadd.s32 @!p0 s28, s5;
	[sflag:s15] =	ssyncset.done $0x0  }
0x127: {  	s7 =	sadd.s32 @!p0 s7, s2;
	s5 =	sshrl.u32 @!p0 s5, $0x3;
	[sflag:s15] =	ssyncadd.s32 $0xFFFFF000  }
0x128: {  	[tilespmem:s12], [sflag:$0x3] =	stream.linear.gather @!p0 [spmem:s7], $0x1000, $0x38;
	[tilespmem:$0x1FA80] =	vst v63  }
0x129: {  	s5 =	sadd.s32 @!p0 s6, s5;
	s7 =	simm.s32 @!p0 $0x0;
	s12 =	simm.s32 @!p0 $0x1BA80  }
0x12a: {  	[tilespmem:s12], [sflag:$0x1] =	stream.linear.gather @!p0 [hbm4b:s5+s7], $0x1000, $0x38;
	[tilespmem:$0x1FA80] =	vst v63  }
0x12b: {  	_ =	swait.ge [sflag:s29], $0x1000  }
0x12c: {  	[sflag:s29] =	ssyncset.done $0x0  }
0x12d: {  	[sflag:s29] =	ssyncadd.s32 $0xFFFFF000  }
0x12e: {  	_ =	swait.ge [sflag:s26], $0x1000  }
0x12f: {  	[sflag:s26] =	ssyncset.done $0x0  }
0x130: {  	s5 =	simm.s32 $0x0;
	[sflag:s26] =	ssyncadd.s32 $0xFFFFF000  }
0x131: {  	v1 =	vld [tilespmem:s5+$0x1DAC0]  }
0x132: {  	v4 =	vld [tilespmem:s5+$0x1DAD0]  }
0x133: {  	v2 =	vld [tilespmem:s5+$0x1DAF0]  }
0x134: {  	v3 =	vld [tilespmem:s5+$0x1DAE0]  }
0x135: {  	v6 =	vmov s31;
	v10 =	vld [tilespmem:s5+$0x1CAB0]  }
0x136: {  	v7 =	vld [tilespmem:s5+$0x1CAF0]  }
0x137: {  	v9 =	vld [tilespmem:s5+$0x1CAE0]  }
0x138: {  	v8 =	vld [tilespmem:s5+$0x1DAA0]  }
0x139: {  	v5 =	vld [tilespmem:s5+$0x1DA90]  }
0x13a: {  	v6 =	vld.idx.msk [tilespmem:v6+s17+$0x0], $0xffff  }
0x13b: {  	v13 =	vld [tilespmem:s5+$0x1CAD0]  }
0x13c: {  	v11 =	vld [tilespmem:s5+$0x1DAB0]  }
0x13d: {  	s16 =	sadd.s32 $0x1, s16;
	s7 =	simm.s32 $0x200;
	s12 =	sadd.s32 $0x1, s31;
	v12 =	vld [tilespmem:s5+$0x1CAA0]  }
.LBB2_10:
0x13e: {  	v14 =	vmov s12;
	p0 =	sne.s32 s7, $0x3E00;
	v15 =	vld [tilespmem:s5+$0x1CA90];
	s13 =	smov.u32 s7;
	s7 =	sadd.s32 $0x200, s7  }
0x13f: {  	v16 =	vld [tilespmem:s5+$0x1CA80]  }
0x140: {  	v10 =	vmul.f32 v10, v6;
	v17 =	vld [tilespmem:s5+$0x1CAC0];
	v13 =	vmul.f32 v13, v6  }
0x141: {  	s13 =	sshra.s32 s13, $0x2;
	v18 =	vld [tilespmem:s5+$0x1DA80]  }
0x142: {  	v10 =	vadd.f32 v11, v10;
	v19 =	vld [tilespmem:s13+$0x1DAC0];
	v12 =	vmul.f32 v12, v6;
	v11 =	vadd.f32 v4, v13  }
0x143: {  	v9 =	vmul.f32 v9, v6;
	v7 =	vmul.f32 v7, v6  }
0x144: {  	v15 =	vmul.f32 v15, v6;
	v4 =	vld [tilespmem:s13+$0x1DAD0];
	v13 =	vmul.f32 v16, v6;
	v8 =	vadd.f32 v8, v12;
	[tilespmem:s5+$0x1CAD0] =	vst v11  }
0x145: {  	v9 =	vadd.f32 v3, v9;
	v7 =	vadd.f32 v2, v7;
	[tilespmem:s5+$0x1CAB0] =	vst v10;
	v6 =	vmul.f32 v17, v6;
	v2 =	vld [tilespmem:s13+$0x1DAF0]  }
0x146: {  	v5 =	vadd.f32 v5, v15;
	v3 =	vld [tilespmem:s13+$0x1DAE0];
	v11 =	vadd.f32 v18, v13;
	[tilespmem:s5+$0x1CAA0] =	vst v8  }
0x147: {  	v10 =	vld [tilespmem:s13+$0x1CAB0];
	v6 =	vadd.f32 v1, v6;
	[tilespmem:s5+$0x1CAF0] =	vst v7;
	v1 =	vmov v19  }
0x148: {  	v7 =	vld [tilespmem:s13+$0x1CAF0];
	[tilespmem:s5+$0x1CAE0] =	vst v9  }
0x149: {  	v9 =	vld [tilespmem:s13+$0x1CAE0];
	[tilespmem:s5+$0x1CAC0] =	vst v6  }
0x14a: {  	v8 =	vld [tilespmem:s13+$0x1DAA0];
	[tilespmem:s5+$0x1CA90] =	vst v5  }
.Ltmp3:
0x14b: {  	v5 =	vld [tilespmem:s13+$0x1DA90];
	[tilespmem:s5+$0x1CA80] =	vst v11;
	s5 =	smov.u32 s13;
	(pc) =	sbr.rel @p0 .LBB2_10-.Ltmp3, $4  }
0x14c: {  	v6 =	vld.idx.msk [tilespmem:v14+s17+$0x0], $0xffff  }
0x14d: {  	v13 =	vld [tilespmem:s5+$0x1CAD0]  }
0x14e: {  	v11 =	vld [tilespmem:s5+$0x1DAB0]  }
0x14f: {  	s12 =	sadd.s32 $0x1, s12;
	v12 =	vld [tilespmem:s5+$0x1CAA0]  }
0x150: {  	_ = 	snop  }
0x151: {  	v14 =	vld [tilespmem:s5+$0x1CAC0];
	v10 =	vmul.f32 v10, v6  }
0x152: {  	v15 =	vld [tilespmem:s5+$0x1CA90];
	v7 =	vmul.f32 v7, v6  }
0x153: {  	v16 =	vld [tilespmem:s5+$0x1CA80];
	v9 =	vmul.f32 v9, v6;
	v10 =	vadd.f32 v11, v10  }
0x154: {  	v13 =	vmul.f32 v13, v6;
	v2 =	vadd.f32 v2, v7  }
0x155: {  	v60 =	vld [tilespmem:s5+$0x1DA80];
	v3 =	vadd.f32 v3, v9;
	v12 =	vmul.f32 v12, v6;
	[tilespmem:s5+$0x1CAB0] =	vst v10  }
0x156: {  	v4 =	vadd.f32 v4, v13;
	v61 =	vmul.f32 v14, v6;
	[tilespmem:s5+$0x1CAF0] =	vst v2  }
0x157: {  	v62 =	vmul.f32 v15, v6;
	[tilespmem:s5+$0x1CAE0] =	vst v3;
	v8 =	vadd.f32 v8, v12  }
0x158: {  	v63 =	vmul.f32 v16, v6;
	[tilespmem:s5+$0x1CAD0] =	vst v4;
	v1 =	vadd.f32 v1, v61  }
0x159: {  	v2 =	vadd.f32 v5, v62;
	[tilespmem:s5+$0x1CAA0] =	vst v8  }
0x15a: {  	v3 =	vadd.f32 v60, v63;
	[tilespmem:s5+$0x1CAC0] =	vst v1  }
0x15b: {  	[tilespmem:s5+$0x1CA90] =	vst v2  }
0x15c: {  	s25 =	sadd.s32 s8, s9;
	[tilespmem:s5+$0x1CA80] =	vst v3  }
0x15d: {  	[hbm4b:s25+s3] =	stream.linear.scatter [tilespmem:s10], [sflag:$0x5], $0x1000, $0x38;
	[tilespmem:$0x1FA80] =	vst v63  }
0x15e: {  	_ =	swait.ge [sflag:s15], $0x1000  }
0x15f: {  	p0 =	sne.s32 s16, $0xA;
	[sflag:s15] =	ssyncset.done $0x0  }
.Ltmp4:
0x160: {  	[sflag:s15] =	ssyncadd.s32 $0xFFFFF000;
	(pc) =	sbr.rel @p0 .LBB2_7-.Ltmp4, $4  }
0x161: {  	[spmem:s11] =	stream.linear.scatter [tilespmem:s18], [sflag:$0x5], $0x1000, $0x38;
	[tilespmem:$0x1FA80] =	vst v63  }
0x162: {  	_ =	swait.ge [sflag:s15], $0x1000  }
0x163: {  	[sflag:s15] =	ssyncset.done $0x0  }
0x164: {  	s0 =	sadd.s32 $0x40, s0;
	s31 =	sadd.s32 $0x40, s31;
	[sflag:s15] =	ssyncadd.s32 $0xFFFFF000  }
0x165: {  	s0 =	rddreg [dreg:$0x1f]  }
0x166: {  	s0 =	sadd.s32 $0x1, s0  }
0x167: {  	p0 =	sne.s32 s0, $0xC  }
.Ltmp5:
0x168: {  	_ = 	snop;
	(pc) =	sbr.rel @p0 .LBB2_4-.Ltmp5, $1  }
0x169: {  	_ =	sdelay $0x3  }
0x16a: {  	s5 =	rddreg [dreg:$0x1e]  }
0x16b: {  	s0 =	rddreg [dreg:$0xa];
	s5 =	sadd.s32 $0x1, s5  }
0x16c: {  	p0 =	sne.s32 s5, s0  }
.Ltmp6:
0x16d: {  	_ = 	snop;
	(pc) =	sbr.rel @p0 .LBB2_1-.Ltmp6, $1  }
0x16e: {  	_ =	sdelay $0x3  }
0x16f: {  	_ =	sfence.sel $0x180000  }
0x170: {  	[bflag:$0x0] =	sbarrier.arrive $0xFFFF  }
0x171: {  	_ =	strace $0x9000004A  }
0x172: {  	s0 =	stileid.u32;
	[bflag:$0x2] =	sbarrier.arrive $0xFFFF  }
0x173: {  	p0 =	sne.s32 s0, $0x0;
	s0 =	rddreg [dreg:$0x2]  }
0x174: {  	s0 =	sadd.s32 @!p0 $0x100000, s0  }
0x175: {  	[sflag:s0] =	ssyncadd.tile.s32 @!p0 $0x1;
	_ =	shalt  }
.Lfunc_end2:
_tile_overlayer_lowered:
.L_overlay_start_2:
0x176: {  	(tag) =	ssettag $0x2  }
0x177: {  	s0 =	rddreg [dreg:$0x0];
	s2 =	stileid.u32  }
0x178: {  	s1 =	rddreg [dreg:$0x1];
	p0 =	sne.s32 s2, $0x0  }
0x179: {  	s3 =	rddreg [dreg:$0x2];
	[bflag:$0x3] =	sbarrier.arrive $0xFFFF;
	s2 =	simm.s32 @!p0 $0x1C05  }
0x17a: {  	[timem:s3], [sflag:s2] =	dma.local @!p0 [hbm:s0], s1  }
0x17b: {  	s0 =	simm.s32 @!p0 $0x5  }
0x17c: {  	_ =	swait.ge @!p0 [sflag:s0], s1  }
0x17d: {  	s1 =	ssub.s32 @!p0 $0x0, s1;
	[sflag:s0] =	ssyncset.done @!p0 $0x0  }
0x17e: {  	[sflag:s0] =	ssyncadd.s32 @!p0 s1  }
0x17f: {  	[bflag:$0x3] =	sbarrier.arrive $0xFFFF  }
0x180: {  	_ =	shalt  }

// kernel: kernel.17.cloned.1.call-start
scs
__scs_entry_jumppad:
0x0: {  	(pc) =	sbr.rel $0x88, $3  }
0x1: {  	(tag) =	ssettag $0x0;
	lr =	simm.s32 $0x1  }
0x2: {  	[smem:$0x3F93] =	sst lr;
	_ =	strace $0xD0000000  }
0x3: {  	_ = 	snop  }
0x4: {  	_ = 	snop  }
0x5: {  	_ = 	snop  }
0x6: {  	_ = 	snop  }
0x7: {  	_ = 	snop  }
__scs_overlays_trampoline_lowered:
0x8: {  	[smem:$0x3FA2] =	sst s0  }
0x9: {  	[smem:$0x3FA3] =	sst s1  }
0xa: {  	[smem:$0x3FA4] =	sst s2  }
0xb: {  	[smem:$0x3FA5] =	sst s3  }
0xc: {  	[smem:$0x3FA6] =	sst s4  }
0xd: {  	[smem:$0x3FA7] =	sst s5  }
0xe: {  	[smem:$0x3FA8] =	sst s6  }
0xf: {  	[smem:$0x3FA9] =	sst s7  }
0x10: {  	[smem:$0x3FAA] =	sst s8  }
0x11: {  	[smem:$0x3FAB] =	sst s9;
	s0 =	simm.s32 @!p0 $0x0  }
0x12: {  	s1 =	sld [smem:$0x3F91];
	s0 =	simm.s32 @p0 $0x1  }
0x13: {  	[smem:$0x3FAC] =	sst s0;
	s0 =	simm.s32 @!p1 $0x0  }
0x14: {  	s2 =	sld [smem:$0x3F90];
	s0 =	simm.s32 @p1 $0x1  }
0x15: {  	[smem:$0x3FAD] =	sst s0;
	s0 =	simm.s32 @!p2 $0x0  }
0x16: {  	s3 =	sld [smem:$0x3FDB];
	s0 =	simm.s32 @p2 $0x1  }
0x17: {  	s4 =	simm.s32 $0x1BF5;
	[smem:$0x3FAF] =	sst s0  }
0x18: {  	s0 =	sld [smem:$0x3F92];
	_ =	swait.ge [sflag:s4], $0x0  }
0x19: {  	s7 =	sld [smem:$0x3F93]  }
0x1a: {  	s8 =	sadd.s32 $0xFFFFE003, lr  }
0x1b: {  	s9 =	sadd.s32 $0xFFFFFEF7, lr;
	s5 =	simm.s32 $0xFFFFFFFF;
	p2 =	slt.u32 s8, $0xFFFFF086  }
0x1c: {  	p1 =	slt.u32 s9, $0xF7A;
	s5 =	simm.s32 @!p2 $0x0  }
0x1d: {  	s5 =	simm.s32 @p1 $0x1;
	p0 =	seq.s32 s7, s2  }
0x1e: {  	s7 =	smul.u32 @!p0 $0xF7A, s2;
	p2 =	seq.s32 @!p0 s5, $0x0  }
0x1f: {  	s9 =	smul.u32 $0xF7A, s1;
	s8 =	simm.s32 @!p0 $0x1BF5;
	p2 =	por !p2, p0  }
0x20: {  	[sflag:s8] =	ssyncset.s32 @!p0 $0xFFFFF086;
	s6 =	sadd.s32 @!p0 s3, s7;
	s7 =	simm.s32 @!p0 $0x108  }
0x21: {  	s3 =	sadd.s32 s3, s9;
	s6 =	sadd.s32 @!p0 $0x88, s6;
	s7 =	simm.s32 @p2 $0x1082  }
0x22: {  	[simem:s7], [sflag:s8] =	dma.local @!p0 [hbm:s6], $0xF7A  }
0x23: {  	s9 =	sor.u32 $0xD0000000, s2;
	s6 =	simm.s32 $0x108;
	_ =	swait.ge @!p0 [sflag:s8], $0x0  }
0x24: {  	s3 =	sadd.s32 $0x88, s3;
	s6 =	simm.s32 @!p1 $0x1082;
	[sflag:s4] =	ssyncset.s32 $0xFFFFF086  }
0x25: {  	[simem:s6], [sflag:s4] =	dma.local [hbm:s3], $0xF7A  }
0x26: {  	[smem:$0x3F93] =	sst s1;
	(tag) =	ssettag s2;
	_ =	strace s9  }
0x27: {  	s1 =	sld [smem:$0x3FA3]  }
0x28: {  	s2 =	sld [smem:$0x3FA4]  }
0x29: {  	s4 =	sld [smem:$0x3FA6]  }
0x2a: {  	p0 =	seq.s32 s5, $0x0;
	s5 =	sld [smem:$0x3FA7]  }
0x2b: {  	s6 =	sld [smem:$0x3FA8]  }
0x2c: {  	s7 =	sld [smem:$0x3FA9]  }
0x2d: {  	s3 =	simm.s32 $0x108;
	s8 =	sld [smem:$0x3FAA]  }
0x2e: {  	s3 =	simm.s32 @!p0 $0x1082;
	s9 =	sld [smem:$0x3FAB]  }
0x2f: {  	lr =	sadd.s32 s0, s3;
	s0 =	sld [smem:$0x3FA2]  }
0x30: {  	s3 =	sld [smem:$0x3FA5]  }
0x31: {  	[smem:$0x3FAE] =	sst s10  }
0x32: {  	s10 =	sld [smem:$0x3FAC];
	_ =	sdelay $0x3  }
0x33: {  	p0 =	seq.s32 s10, $0x1;
	s10 =	sld [smem:$0x3FAE];
	_ =	sdelay $0x3  }
0x34: {  	[smem:$0x3FAE] =	sst s10  }
0x35: {  	s10 =	sld [smem:$0x3FAD];
	_ =	sdelay $0x3  }
0x36: {  	p1 =	seq.s32 s10, $0x1;
	s10 =	sld [smem:$0x3FAE];
	_ =	sdelay $0x3  }
0x37: {  	[smem:$0x3FAE] =	sst s10  }
0x38: {  	s10 =	sld [smem:$0x3FAF]  }
0x39: {  	_ = 	snop;
	(pc) =	sbr.ind lr, $3  }
0x3a: {  	_ = 	snop  }
0x3b: {  	_ = 	snop  }
0x3c: {  	p2 =	seq.s32 s10, $0x1;
	s10 =	sld [smem:$0x3FAE]  }
0x3d: {  	_ =	shalt  }
0x3e: {  	_ =	shalt  }
0x3f: {  	_ =	shalt  }
0x40: {  	_ =	shalt  }
0x41: {  	_ =	shalt  }
0x42: {  	_ =	shalt  }
0x43: {  	_ =	shalt  }
0x44: {  	_ =	shalt  }
0x45: {  	_ =	shalt  }
0x46: {  	_ =	shalt  }
0x47: {  	_ =	shalt  }
0x48: {  	_ =	shalt  }
0x49: {  	_ =	shalt  }
0x4a: {  	_ =	shalt  }
0x4b: {  	_ =	shalt  }
0x4c: {  	_ =	shalt  }
0x4d: {  	_ =	shalt  }
0x4e: {  	_ =	shalt  }
0x4f: {  	_ =	shalt  }
0x50: {  	_ =	shalt  }
0x51: {  	_ =	shalt  }
0x52: {  	_ =	shalt  }
0x53: {  	_ =	shalt  }
0x54: {  	_ =	shalt  }
0x55: {  	_ =	shalt  }
0x56: {  	_ =	shalt  }
0x57: {  	_ =	shalt  }
0x58: {  	_ =	shalt  }
0x59: {  	_ =	shalt  }
0x5a: {  	_ =	shalt  }
0x5b: {  	_ =	shalt  }
0x5c: {  	_ =	shalt  }
0x5d: {  	_ =	shalt  }
0x5e: {  	_ =	shalt  }
0x5f: {  	_ =	shalt  }
0x60: {  	_ =	shalt  }
0x61: {  	_ =	shalt  }
0x62: {  	_ =	shalt  }
0x63: {  	_ =	shalt  }
0x64: {  	_ =	shalt  }
0x65: {  	_ =	shalt  }
0x66: {  	_ =	shalt  }
0x67: {  	_ =	shalt  }
0x68: {  	_ =	shalt  }
0x69: {  	_ =	shalt  }
0x6a: {  	_ =	shalt  }
0x6b: {  	_ =	shalt  }
0x6c: {  	_ =	shalt  }
0x6d: {  	_ =	shalt  }
0x6e: {  	_ =	shalt  }
0x6f: {  	_ =	shalt  }
0x70: {  	_ =	shalt  }
0x71: {  	_ =	shalt  }
0x72: {  	_ =	shalt  }
0x73: {  	_ =	shalt  }
0x74: {  	_ =	shalt  }
0x75: {  	_ =	shalt  }
0x76: {  	_ =	shalt  }
0x77: {  	_ =	shalt  }
0x78: {  	_ =	shalt  }
0x79: {  	_ =	shalt  }
0x7a: {  	_ =	shalt  }
0x7b: {  	_ =	shalt  }
0x7c: {  	_ =	shalt  }
0x7d: {  	_ =	shalt  }
0x7e: {  	_ =	shalt  }
0x7f: {  	_ =	shalt  }
0x80: {  	_ =	shalt  }
0x81: {  	_ =	shalt  }
0x82: {  	_ =	shalt  }
0x83: {  	_ =	shalt  }
0x84: {  	_ =	shalt  }
0x85: {  	_ =	shalt  }
0x86: {  	_ =	shalt  }
0x87: {  	_ =	shalt  }
.Lfunc_end0:
.L_simem_size_0:
called_computation.2_lowered:
.L_overlay_start_0:
0x88: {  	s2 =	sld [smem:$0x3FD9]  }
0x89: {  	s3 =	sld [smem:$0x3FFE];
	_ =	sdelay $0x1  }
0x8a: {  	s1 =	srdreg.scid  }
0x8b: {  	s0 =	sand.u32 $0x1, s1  }
0x8c: {  	s16 =	sshll.u32 s0, $0xA;
	s2 =	sadd.s32 s3, s2  }
0x8d: {  	s2 =	sadd.s32 s2, s16  }
0x8e: {  	[smem:$0x3FBA] =	sst s2  }
0x8f: {  	_ = 	snop  }
0x90: {  	(tm) =	ssettm $0x1  }
0x91: {  	s17 =	sld [smem:$0x3FFB];
	_ =	sdelay $0x3  }
0x92: {  	_ =	strace s17  }
0x93: {  	s2 =	sld [smem:$0x3FFC];
	_ =	sdelay $0x3  }
0x94: {  	_ =	strace s2  }
0x95: {  	s2 =	sld [smem:$0x3FFD];
	_ =	sdelay $0x3  }
0x96: {  	_ =	strace s2  }
0x97: {  	_ =	strace $0x8FFFFFFF  }
0x98: {  	s18 =	sld [smem:$0x3FDB];
	_ =	sdelay $0x1  }
0x99: {  	s19 =	simm.s32 $_scs_section_size  }
0x9a: {  	s4 =	simm.s32 $_size__tile_overlayer_lowered;
	s5 =	simm.s32 $_tile_overlayer_lowered  }
0x9b: {  	s22 =	simm.s32 $0x1BFF;
	s21 =	sshll.u32 s5, $0x1;
	s2 =	sadd.s32 s19, s18  }
0x9c: {  	s6 =	simm.s32 $0x0;
	s20 =	sshll.u32 s4, $0x1;
	s4 =	sadd.s32 s21, s2  }
0x9d: {  	[timem:s6], [sflag:s22] =	dma.local [hbm:s4], s20  }
0x9e: {  	_ =	swait.ge [sflag:s22], s20  }
0x9f: {  	s3 =	ssub.s32 $0x0, s20;
	[sflag:s22] =	ssyncset.done $0x0  }
0xa0: {  	[sflag:s22] =	ssyncadd.s32 s3;
	_ =	sdelay $0x1  }
0xa1: {  	s23 =	simm.s32 $0x1B8B  }
0xa2: {  	_ =	swait.ge [sflag:s23], $0x1  }
0xa3: {  	[sflag:s23] =	ssyncset.done $0x0  }
0xa4: {  	s25 =	simm.s32 $0x1B8E;
	s24 =	sld [smem:$0x3FFE];
	[sflag:s23] =	ssyncadd.s32 $0xFFFFFFFF  }
0xa5: {  	s26 =	simm.s32 $execute0_lowered;
	[smem:$0x3FD2] =	sst s25  }
0xa6: {  	s4 =	sshll.u32 s26, $0x1;
	_ =	strace $0x8000004C;
	[dreg:$0x1] =	wrdreg $0xFFFFFFFF  }
0xa7: {  	s28 =	simm.s32 $_size_execute0_lowered;
	s2 =	sadd.s32 s2, s4;
	[dreg:$0x0] =	wrdreg $0x0  }
0xa8: {  	s4 =	sshll.u32 s28, $0x1;
	[dreg:$0x2] =	wrdreg s2  }
0xa9: {  	[dreg:$0x3] =	wrdreg s4  }
0xaa: {  	[dreg:$0x4] =	wrdreg $0xC0  }
0xab: {  	_ =	task [dreg:s6], $0x5FFFF  }
0xac: {  	[dreg:$0x1] =	wrdreg $0xFFFFFFFF  }
0xad: {  	[dreg:$0x0] =	wrdreg $0x60  }
0xae: {  	[dreg:$0x2] =	wrdreg s24  }
0xaf: {  	[dreg:$0x3] =	wrdreg $0x0  }
0xb0: {  	[dreg:$0x4] =	wrdreg $0x9  }
0xb1: {  	_ =	task.clear_ibuf [dreg:s6], $0x5FFFF;
	_ =	strace $0x9000004C  }
0xb2: {  	s29 =	simm.s32 $0x9;
	_ =	strace $0x8000004E  }
0xb3: {  	_ =	swait.ge [sflag:s29], $0x1  }
0xb4: {  	[sflag:s29] =	ssyncadd.s32 $0xFFFFFFFF  }
0xb5: {  	_ =	strace $0x9000004E  }
0xb6: {  	_ =	sfence  }
0xb7: {  	s30 =	sld [smem:$0x0];
	_ =	sdelay $0x2  }
0xb8: {  	s31 =	sshll.u32 s1, $0xD;
	s1 =	sshrl.u32 s1, $0x2  }
0xb9: {  	s3 =	sand.u32 $0x4000, s31;
	s1 =	sadd.s32 s1, s30  }
0xba: {  	s0 =	sor.u32 s3, s0;
	s1 =	sshll.u32 s1, $0x11  }
0xbb: {  	s0 =	sor.u32 s1, s0  }
0xbc: {  	s0 =	sadd.s32 $0x8F2B, s0  }
0xbd: {  	[sflag:s0] =	ssyncadd.remote.s32 $0x1  }
0xbe: {  	_ =	sfence.sel $0xFFFF  }
0xbf: {  	[dreg:$0x0] =	wrdreg $0xFFFFFFFF;
	(pc) =	sbr.abs _section_cstart, $3  }
0xc0: {  	[dreg:$0x1] =	wrdreg $0xFFFFFFFF  }
0xc1: {  	_ =	task.clear_ibuf [dreg:s6], $0x2FFFF;
	_ =	strace $0x9FFFFFFF  }
0xc2: {  	(tm) =	ssettm $0x7FFFFFFF  }
0xc3: {  	_ =	shalt  }
tec
execute0_lowered:
.L_overlay_start_1:
0x0: {  	(tag) =	ssettag $0x1  }
0x1: {  	s0 =	rddreg [dreg:$0x0]  }
0x2: {  	s2 =	rddreg [dreg:$0x1];
	s3 =	simm.s32 $0x0;
	s10 =	stileid.u32  }
0x3: {  	s23 =	srdreg.scid;
	[smem:$0x7FF] =	sst s3  }
0x4: {  	s4 =	smul.u32 $0x280, s10;
	s1 =	sadd.s32 $0xA9200, s0;
	s6 =	sadd.s32 $0x469200, s0  }
0x5: {  	s7 =	sand.u32 $0x1, s23;
	_ =	strace $0x8000004D;
	[dreg:$0x3] =	wrdreg s1  }
0x6: {  	s9 =	smul.u32 $0x50000, s10;
	s8 =	sadd.s32 $0x829200, s0;
	[dreg:$0x4] =	wrdreg s7  }
0x7: {  	s7 =	ssub.s32 $0x2, s7;
	s5 =	sadd.s32 s4, s0;
	s24 =	sshrl.u32 s4, $0x3  }
0x8: {  	s25 =	sshrl.u32 s7, $0x1;
	s28 =	sshrl.u32 s9, $0x2;
	s26 =	sadd.s32 $0xA6800, s5  }
0x9: {  	s1 =	sadd.s32 s24, s0;
	s5 =	sadd.s32 $0x3A00, s5;
	[dreg:$0x5] =	wrdreg s26  }
0xa: {  	s0 =	ssub.s32 s7, s25;
	s31 =	sadd.s32 s28, s2;
	[dreg:$0x6] =	wrdreg s5  }
0xb: {  	s7 =	smul.u32 $0x14000, s10;
	s1 =	sadd.s32 $0x6200, s1;
	[dreg:$0x8] =	wrdreg s31  }
0xc: {  	[dreg:$0x7] =	wrdreg s1  }
0xd: {  	s0 =	smax.u32 s0, $0x1;
	[dreg:$0x9] =	wrdreg s7  }
0xe: {  	s9 =	sadd.s32 $0x1000, s31;
	[dreg:$0xa] =	wrdreg s0  }
0xf: {  	s10 =	sadd.s32 $0x2000, s31;
	[dreg:$0xb] =	wrdreg s9  }
0x10: {  	s11 =	sadd.s32 $0x3000, s31;
	[dreg:$0xc] =	wrdreg s10  }
0x11: {  	s12 =	sadd.s32 $0x4000, s31;
	[dreg:$0xd] =	wrdreg s11  }
0x12: {  	s13 =	sadd.s32 $0x5000, s31;
	[dreg:$0xe] =	wrdreg s12  }
0x13: {  	s15 =	sadd.s32 $0x6000, s31;
	[dreg:$0xf] =	wrdreg s13  }
0x14: {  	s16 =	sadd.s32 $0x7000, s31;
	[dreg:$0x10] =	wrdreg s15  }
0x15: {  	s17 =	sadd.s32 $0x8000, s31;
	[dreg:$0x11] =	wrdreg s16  }
0x16: {  	s18 =	sadd.s32 $0x9000, s31;
	[dreg:$0x12] =	wrdreg s17  }
0x17: {  	s19 =	sadd.s32 $0xA000, s31;
	[dreg:$0x13] =	wrdreg s18  }
0x18: {  	s20 =	sadd.s32 $0xB000, s31;
	[dreg:$0x14] =	wrdreg s19  }
0x19: {  	s21 =	sadd.s32 $0xC000, s31;
	[dreg:$0x15] =	wrdreg s20  }
0x1a: {  	s22 =	sadd.s32 $0xD000, s31;
	[dreg:$0x16] =	wrdreg s21  }
0x1b: {  	s23 =	sadd.s32 $0xE000, s31;
	[dreg:$0x17] =	wrdreg s22  }
0x1c: {  	s24 =	sadd.s32 $0xF000, s31;
	[dreg:$0x18] =	wrdreg s23  }
0x1d: {  	s25 =	sadd.s32 $0x10000, s31;
	[dreg:$0x19] =	wrdreg s24  }
0x1e: {  	s26 =	sadd.s32 $0x11000, s31;
	[dreg:$0x1a] =	wrdreg s25  }
0x1f: {  	s29 =	simm.s32 $0x4;
	s28 =	sadd.s32 $0x12000, s31;
	[dreg:$0x1b] =	wrdreg s26  }
0x20: {  	s30 =	simm.s32 $0x0;
	s31 =	sadd.s32 $0x13000, s31;
	[dreg:$0x1c] =	wrdreg s28  }
0x21: {  	s14 =	sor.u32 $0x40, s4;
	s5 =	simm.s32 $0x0;
	[dreg:$0x1d] =	wrdreg s31  }
0x22: {  	s15 =	simm.s32 $0x5;
	s17 =	simm.s32 $0x1A800;
	s18 =	simm.s32 $0x1EA80  }
0x23: {  	s19 =	simm.s32 $0x40;
	s20 =	simm.s32 $0x14000;
	s22 =	simm.s32 $0x16000  }
0x24: {  	s23 =	simm.s32 $0x1;
	s24 =	simm.s32 $0x3;
	s26 =	simm.s32 $0x2  }
0x25: {  	v0 =	vimm.f32 $0.0e+00;
	s1 =	simm.s32 $0x1AA80;
	s10 =	simm.s32 $0x1CA80;
	s21 =	simm.s32 $0x1DA80  }
.LBB2_1:
0x26: {  	[dreg:$0x1e] =	wrdreg s5  }
0x27: {  	s0 =	rddreg [dreg:$0x5];
	s16 =	simm.s32 $0x18000  }
0x28: {  	[tilespmem:s16], [sflag:$0x5] =	stream.linear.gather [hbm4b:s0+s3], $0x1400, $0x38;
	[tilespmem:$0x1FA80] =	vst v63  }
0x29: {  	_ =	swait.ge [sflag:s15], $0x1400  }
0x2a: {  	[sflag:s15] =	ssyncset.done $0x0  }
0x2b: {  	s28 =	simm.s32 $0x19400;
	s25 =	rddreg [dreg:$0x6];
	[sflag:s15] =	ssyncadd.s32 $0xFFFFEC00  }
0x2c: {  	[tilespmem:s28], [sflag:$0x5] =	stream.linear.gather [hbm4b:s25+s3], $0x1400, $0x38;
	[tilespmem:$0x1FA80] =	vst v63  }
0x2d: {  	_ =	swait.ge [sflag:s15], $0x1400  }
0x2e: {  	[sflag:s15] =	ssyncset.done $0x0  }
0x2f: {  	s31 =	rddreg [dreg:$0x7];
	[sflag:s15] =	ssyncadd.s32 $0xFFFFEC00  }
0x30: {  	[tilespmem:s17], [sflag:$0x5] =	stream.linear.gather [hbm4b:s31+s3], $0x280, $0x38;
	[tilespmem:$0x1FA80] =	vst v63  }
0x31: {  	_ =	swait.ge [sflag:s15], $0x280  }
0x32: {  	[sflag:s15] =	ssyncset.done $0x0  }
0x33: {  	s5 =	simm.s32 $0x200;
	s0 =	simm.s32 $0x0;
	[sflag:s15] =	ssyncadd.s32 $0xFFFFFD80  }
.LBB2_2:
0x34: {  	p0 =	sne.s32 s5, $0x3E00;
	[tilespmem:s0+$0x1EAF0] =	vst v0  }
0x35: {  	[tilespmem:s0+$0x1EA80] =	vst v0  }
0x36: {  	[tilespmem:s0+$0x1EA90] =	vst v0  }
.Ltmp0:
0x37: {  	[tilespmem:s0+$0x1EAA0] =	vst v0;
	(pc) =	sbr.rel @p0 .LBB2_2-.Ltmp0, $4  }
0x38: {  	[tilespmem:s0+$0x1EAB0] =	vst v0  }
0x39: {  	[tilespmem:s0+$0x1EAC0] =	vst v0  }
0x3a: {  	[tilespmem:s0+$0x1EAD0] =	vst v0  }
0x3b: {  	[tilespmem:s0+$0x1EAE0] =	vst v0;
	s0 =	sshra.s32 s5, $0x2;
	s5 =	sadd.s32 $0x200, s5  }
0x3c: {  	[tilespmem:s0+$0x1EAF0] =	vst v0  }
0x3d: {  	[tilespmem:s0+$0x1EA80] =	vst v0  }
0x3e: {  	[tilespmem:s0+$0x1EA90] =	vst v0  }
0x3f: {  	[tilespmem:s0+$0x1EAA0] =	vst v0  }
0x40: {  	[tilespmem:s0+$0x1EAB0] =	vst v0  }
0x41: {  	[tilespmem:s0+$0x1EAC0] =	vst v0  }
0x42: {  	[tilespmem:s0+$0x1EAD0] =	vst v0  }
0x43: {  	[tilespmem:s0+$0x1EAE0] =	vst v0;
	s5 =	rddreg [dreg:$0x8]  }
0x44: {  	[spmem:s5] =	stream.linear.scatter [tilespmem:s18], [sflag:$0x5], $0x1000, $0x38;
	[tilespmem:$0x1FA80] =	vst v63  }
0x45: {  	_ =	swait.ge [sflag:s15], $0x1000  }
0x46: {  	[sflag:s15] =	ssyncset.done $0x0  }
0x47: {  	s7 =	rddreg [dreg:$0xb];
	[sflag:s15] =	ssyncadd.s32 $0xFFFFF000  }
0x48: {  	[spmem:s7] =	stream.linear.scatter [tilespmem:s18], [sflag:$0x5], $0x1000, $0x38;
	[tilespmem:$0x1FA80] =	vst v63  }
0x49: {  	_ =	swait.ge [sflag:s15], $0x1000  }
0x4a: {  	[sflag:s15] =	ssyncset.done $0x0  }
0x4b: {  	s9 =	rddreg [dreg:$0xc];
	[sflag:s15] =	ssyncadd.s32 $0xFFFFF000  }
0x4c: {  	[spmem:s9] =	stream.linear.scatter [tilespmem:s18], [sflag:$0x5], $0x1000, $0x38;
	[tilespmem:$0x1FA80] =	vst v63  }
0x4d: {  	_ =	swait.ge [sflag:s15], $0x1000  }
0x4e: {  	[sflag:s15] =	ssyncset.done $0x0  }
0x4f: {  	s11 =	rddreg [dreg:$0xd];
	[sflag:s15] =	ssyncadd.s32 $0xFFFFF000  }
0x50: {  	[spmem:s11] =	stream.linear.scatter [tilespmem:s18], [sflag:$0x5], $0x1000, $0x38;
	[tilespmem:$0x1FA80] =	vst v63  }
0x51: {  	_ =	swait.ge [sflag:s15], $0x1000  }
0x52: {  	[sflag:s15] =	ssyncset.done $0x0  }
0x53: {  	s12 =	rddreg [dreg:$0xe];
	[sflag:s15] =	ssyncadd.s32 $0xFFFFF000  }
0x54: {  	[spmem:s12] =	stream.linear.scatter [tilespmem:s18], [sflag:$0x5], $0x1000, $0x38;
	[tilespmem:$0x1FA80] =	vst v63  }
0x55: {  	_ =	swait.ge [sflag:s15], $0x1000  }
0x56: {  	[sflag:s15] =	ssyncset.done $0x0  }
0x57: {  	s13 =	rddreg [dreg:$0xf];
	[sflag:s15] =	ssyncadd.s32 $0xFFFFF000  }
0x58: {  	[spmem:s13] =	stream.linear.scatter [tilespmem:s18], [sflag:$0x5], $0x1000, $0x38;
	[tilespmem:$0x1FA80] =	vst v63  }
0x59: {  	_ =	swait.ge [sflag:s15], $0x1000  }
0x5a: {  	[sflag:s15] =	ssyncset.done $0x0  }
0x5b: {  	s16 =	rddreg [dreg:$0x10];
	[sflag:s15] =	ssyncadd.s32 $0xFFFFF000  }
0x5c: {  	[spmem:s16] =	stream.linear.scatter [tilespmem:s18], [sflag:$0x5], $0x1000, $0x38;
	[tilespmem:$0x1FA80] =	vst v63  }
0x5d: {  	_ =	swait.ge [sflag:s15], $0x1000  }
0x5e: {  	[sflag:s15] =	ssyncset.done $0x0  }
0x5f: {  	s25 =	rddreg [dreg:$0x11];
	[sflag:s15] =	ssyncadd.s32 $0xFFFFF000  }
0x60: {  	[spmem:s25] =	stream.linear.scatter [tilespmem:s18], [sflag:$0x5], $0x1000, $0x38;
	[tilespmem:$0x1FA80] =	vst v63  }
0x61: {  	_ =	swait.ge [sflag:s15], $0x1000  }
0x62: {  	[sflag:s15] =	ssyncset.done $0x0  }
0x63: {  	s28 =	rddreg [dreg:$0x12];
	[sflag:s15] =	ssyncadd.s32 $0xFFFFF000  }
0x64: {  	[spmem:s28] =	stream.linear.scatter [tilespmem:s18], [sflag:$0x5], $0x1000, $0x38;
	[tilespmem:$0x1FA80] =	vst v63  }
0x65: {  	_ =	swait.ge [sflag:s15], $0x1000  }
0x66: {  	[sflag:s15] =	ssyncset.done $0x0  }
0x67: {  	s31 =	rddreg [dreg:$0x13];
	[sflag:s15] =	ssyncadd.s32 $0xFFFFF000  }
0x68: {  	[spmem:s31] =	stream.linear.scatter [tilespmem:s18], [sflag:$0x5], $0x1000, $0x38;
	[tilespmem:$0x1FA80] =	vst v63  }
0x69: {  	_ =	swait.ge [sflag:s15], $0x1000  }
0x6a: {  	[sflag:s15] =	ssyncset.done $0x0  }
0x6b: {  	s5 =	rddreg [dreg:$0x14];
	[sflag:s15] =	ssyncadd.s32 $0xFFFFF000  }
0x6c: {  	[spmem:s5] =	stream.linear.scatter [tilespmem:s18], [sflag:$0x5], $0x1000, $0x38;
	[tilespmem:$0x1FA80] =	vst v63  }
0x6d: {  	_ =	swait.ge [sflag:s15], $0x1000  }
0x6e: {  	[sflag:s15] =	ssyncset.done $0x0  }
0x6f: {  	s7 =	rddreg [dreg:$0x15];
	[sflag:s15] =	ssyncadd.s32 $0xFFFFF000  }
0x70: {  	[spmem:s7] =	stream.linear.scatter [tilespmem:s18], [sflag:$0x5], $0x1000, $0x38;
	[tilespmem:$0x1FA80] =	vst v63  }
0x71: {  	_ =	swait.ge [sflag:s15], $0x1000  }
0x72: {  	[sflag:s15] =	ssyncset.done $0x0  }
0x73: {  	s9 =	rddreg [dreg:$0x16];
	[sflag:s15] =	ssyncadd.s32 $0xFFFFF000  }
0x74: {  	[spmem:s9] =	stream.linear.scatter [tilespmem:s18], [sflag:$0x5], $0x1000, $0x38;
	[tilespmem:$0x1FA80] =	vst v63  }
0x75: {  	_ =	swait.ge [sflag:s15], $0x1000  }
0x76: {  	[sflag:s15] =	ssyncset.done $0x0  }
0x77: {  	s11 =	rddreg [dreg:$0x17];
	[sflag:s15] =	ssyncadd.s32 $0xFFFFF000  }
0x78: {  	[spmem:s11] =	stream.linear.scatter [tilespmem:s18], [sflag:$0x5], $0x1000, $0x38;
	[tilespmem:$0x1FA80] =	vst v63  }
0x79: {  	_ =	swait.ge [sflag:s15], $0x1000  }
0x7a: {  	[sflag:s15] =	ssyncset.done $0x0  }
0x7b: {  	s12 =	rddreg [dreg:$0x18];
	[sflag:s15] =	ssyncadd.s32 $0xFFFFF000  }
0x7c: {  	[spmem:s12] =	stream.linear.scatter [tilespmem:s18], [sflag:$0x5], $0x1000, $0x38;
	[tilespmem:$0x1FA80] =	vst v63  }
0x7d: {  	_ =	swait.ge [sflag:s15], $0x1000  }
0x7e: {  	[sflag:s15] =	ssyncset.done $0x0  }
0x7f: {  	s13 =	rddreg [dreg:$0x19];
	[sflag:s15] =	ssyncadd.s32 $0xFFFFF000  }
0x80: {  	[spmem:s13] =	stream.linear.scatter [tilespmem:s18], [sflag:$0x5], $0x1000, $0x38;
	[tilespmem:$0x1FA80] =	vst v63  }
0x81: {  	_ =	swait.ge [sflag:s15], $0x1000  }
0x82: {  	[sflag:s15] =	ssyncset.done $0x0  }
0x83: {  	s16 =	rddreg [dreg:$0x1a];
	[sflag:s15] =	ssyncadd.s32 $0xFFFFF000  }
0x84: {  	[spmem:s16] =	stream.linear.scatter [tilespmem:s18], [sflag:$0x5], $0x1000, $0x38;
	[tilespmem:$0x1FA80] =	vst v63  }
0x85: {  	_ =	swait.ge [sflag:s15], $0x1000  }
0x86: {  	[sflag:s15] =	ssyncset.done $0x0  }
0x87: {  	s25 =	rddreg [dreg:$0x1b];
	[sflag:s15] =	ssyncadd.s32 $0xFFFFF000  }
0x88: {  	[spmem:s25] =	stream.linear.scatter [tilespmem:s18], [sflag:$0x5], $0x1000, $0x38;
	[tilespmem:$0x1FA80] =	vst v63  }
0x89: {  	_ =	swait.ge [sflag:s15], $0x1000  }
0x8a: {  	[sflag:s15] =	ssyncset.done $0x0  }
0x8b: {  	s28 =	rddreg [dreg:$0x1c];
	[sflag:s15] =	ssyncadd.s32 $0xFFFFF000  }
0x8c: {  	[spmem:s28] =	stream.linear.scatter [tilespmem:s18], [sflag:$0x5], $0x1000, $0x38;
	[tilespmem:$0x1FA80] =	vst v63  }
0x8d: {  	_ =	swait.ge [sflag:s15], $0x1000  }
0x8e: {  	[sflag:s15] =	ssyncset.done $0x0  }
0x8f: {  	s31 =	rddreg [dreg:$0x1d];
	[sflag:s15] =	ssyncadd.s32 $0xFFFFF000  }
0x90: {  	[spmem:s31] =	stream.linear.scatter [tilespmem:s18], [sflag:$0x5], $0x1000, $0x38;
	[tilespmem:$0x1FA80] =	vst v63  }
0x91: {  	_ =	swait.ge [sflag:s15], $0x1000  }
0x92: {  	[sflag:s15] =	ssyncset.done $0x0  }
0x93: {  	s0 =	simm.s32 $0x0;
	[sflag:s15] =	ssyncadd.s32 $0xFFFFF000  }
.LBB2_4:
0x94: {  	s25 =	sshll.u32 s0, $0x1;
	s5 =	rddreg [dreg:$0x4]  }
0x95: {  	[dreg:$0x1f] =	wrdreg s0;
	s0 =	sor.u32 s5, s25  }
0x96: {  	s28 =	smul.u32 $0x140000, s0  }
0x97: {  	[bflag:$0x0] =	sbarrier.arrive $0xFFFF  }
0x98: {  	s31 =	rddreg [dreg:$0x3];
	s0 =	sshrl.u32 s28, $0x3  }
0x99: {  	s7 =	simm.s32 $0x18000;
	s0 =	sadd.s32 s31, s0  }
0x9a: {  	[tilespmem:s20], [sflag:$0x1] =	stream.indirect.gather [hbm4b:s0+s19], $0x80, s7, s19, $0xb8;
	[tilespmem:$0x1FA80] =	vst v63  }
0x9b: {  	s9 =	simm.s32 $0x18080  }
0x9c: {  	[tilespmem:s22], [sflag:$0x2] =	stream.indirect.gather [hbm4b:s0+s19], $0x80, s9, s19, $0xb8;
	[tilespmem:$0x1FA80] =	vst v63  }
0x9d: {  	_ =	swait.ge [sflag:s23], $0x2000  }
0x9e: {  	[sflag:s23] =	ssyncset.done $0x0  }
0x9f: {  	s11 =	simm.s32 $0x19400;
	[sflag:s23] =	ssyncadd.s32 $0xFFFFE000  }
0xa0: {  	[spmem:s2] =	stream.indirect.scatter.add.f32 [tilespmem:s20], [sflag:$0x3], $0x80, s11, s19, $0xb8;
	[tilespmem:$0x1FA80] =	vst v63  }
0xa1: {  	_ =	swait.ge [sflag:s24], $0x2000  }
0xa2: {  	[sflag:s24] =	ssyncset.done $0x0  }
0xa3: {  	s12 =	simm.s32 $0x18100;
	[sflag:s24] =	ssyncadd.s32 $0xFFFFE000  }
0xa4: {  	[tilespmem:s20], [sflag:$0x1] =	stream.indirect.gather [hbm4b:s0+s19], $0x80, s12, s19, $0xb8;
	[tilespmem:$0x1FA80] =	vst v63  }
0xa5: {  	_ =	swait.ge [sflag:s26], $0x2000  }
0xa6: {  	[sflag:s26] =	ssyncset.done $0x0  }
0xa7: {  	s13 =	simm.s32 $0x19480;
	[sflag:s26] =	ssyncadd.s32 $0xFFFFE000  }
0xa8: {  	[spmem:s2] =	stream.indirect.scatter.add.f32 [tilespmem:s22], [sflag:$0x4], $0x80, s13, s19, $0xb8;
	[tilespmem:$0x1FA80] =	vst v63  }
0xa9: {  	_ =	swait.ge [sflag:s29], $0x2000  }
0xaa: {  	[sflag:s29] =	ssyncset.done $0x0  }
0xab: {  	s16 =	simm.s32 $0x18180;
	[sflag:s29] =	ssyncadd.s32 $0xFFFFE000  }
0xac: {  	[tilespmem:s22], [sflag:$0x2] =	stream.indirect.gather [hbm4b:s0+s19], $0x80, s16, s19, $0xb8;
	[tilespmem:$0x1FA80] =	vst v63  }
0xad: {  	_ =	swait.ge [sflag:s23], $0x2000  }
0xae: {  	[sflag:s23] =	ssyncset.done $0x0  }
0xaf: {  	s25 =	simm.s32 $0x19500;
	[sflag:s23] =	ssyncadd.s32 $0xFFFFE000  }
0xb0: {  	[spmem:s2] =	stream.indirect.scatter.add.f32 [tilespmem:s20], [sflag:$0x3], $0x80, s25, s19, $0xb8;
	[tilespmem:$0x1FA80] =	vst v63  }
0xb1: {  	_ =	swait.ge [sflag:s24], $0x2000  }
0xb2: {  	[sflag:s24] =	ssyncset.done $0x0  }
0xb3: {  	s31 =	simm.s32 $0x18200;
	[sflag:s24] =	ssyncadd.s32 $0xFFFFE000  }
0xb4: {  	[tilespmem:s20], [sflag:$0x1] =	stream.indirect.gather [hbm4b:s0+s19], $0x80, s31, s19, $0xb8;
	[tilespmem:$0x1FA80] =	vst v63  }
0xb5: {  	_ =	swait.ge [sflag:s26], $0x2000  }
0xb6: {  	[sflag:s26] =	ssyncset.done $0x0  }
0xb7: {  	s5 =	simm.s32 $0xFFFFBC00;
	s7 =	simm.s32 $0x19580;
	[sflag:s26] =	ssyncadd.s32 $0xFFFFE000  }
.LBB2_5:
0xb8: {  	[spmem:s2] =	stream.indirect.scatter.add.f32 [tilespmem:s22], [sflag:$0x4], $0x80, s7, s19, $0xb8;
	[tilespmem:$0x1FA80] =	vst v63  }
0xb9: {  	s7 =	smov.u32 s5  }
0xba: {  	p0 =	sne.s32 s5, $0xFFFFFC00;
	s5 =	sadd.s32 $0x400, s5;
	_ =	swait.ge [sflag:s29], $0x2000  }
0xbb: {  	s7 =	sshra.s32 s7, $0x2;
	[sflag:s29] =	ssyncset.done $0x0  }
0xbc: {  	s9 =	sadd.s32 $0x19380, s7;
	[sflag:s29] =	ssyncadd.s32 $0xFFFFE000  }
0xbd: {  	[tilespmem:s22], [sflag:$0x2] =	stream.indirect.gather [hbm4b:s0+s19], $0x80, s9, s19, $0xb8;
	[tilespmem:$0x1FA80] =	vst v63  }
0xbe: {  	_ =	swait.ge [sflag:s23], $0x2000  }
0xbf: {  	[sflag:s23] =	ssyncset.done $0x0  }
0xc0: {  	s9 =	sadd.s32 $0x1A700, s7;
	[sflag:s23] =	ssyncadd.s32 $0xFFFFE000  }
0xc1: {  	[spmem:s2] =	stream.indirect.scatter.add.f32 [tilespmem:s20], [sflag:$0x3], $0x80, s9, s19, $0xb8;
	[tilespmem:$0x1FA80] =	vst v63  }
0xc2: {  	_ =	swait.ge [sflag:s24], $0x2000  }
0xc3: {  	[sflag:s24] =	ssyncset.done $0x0  }
.Ltmp1:
0xc4: {  	s9 =	sadd.s32 $0x19400, s7;
	[sflag:s24] =	ssyncadd.s32 $0xFFFFE000;
	(pc) =	sbr.rel @p0 .LBB2_5-.Ltmp1, $4  }
0xc5: {  	[tilespmem:s20], [sflag:$0x1] =	stream.indirect.gather [hbm4b:s0+s19], $0x80, s9, s19, $0xb8;
	[tilespmem:$0x1FA80] =	vst v63  }
0xc6: {  	_ =	swait.ge [sflag:s26], $0x2000  }
0xc7: {  	[sflag:s26] =	ssyncset.done $0x0  }
0xc8: {  	s7 =	sadd.s32 $0x1A780, s7;
	[sflag:s26] =	ssyncadd.s32 $0xFFFFE000  }
0xc9: {  	[spmem:s2] =	stream.indirect.scatter.add.f32 [tilespmem:s22], [sflag:$0x4], $0x80, s7, s19, $0xb8;
	[tilespmem:$0x1FA80] =	vst v63  }
0xca: {  	_ =	swait.ge [sflag:s29], $0x2000  }
0xcb: {  	[sflag:s29] =	ssyncset.done $0x0  }
0xcc: {  	s5 =	simm.s32 $0x19380;
	[sflag:s29] =	ssyncadd.s32 $0xFFFFE000  }
0xcd: {  	[tilespmem:s22], [sflag:$0x2] =	stream.indirect.gather [hbm4b:s0+s19], $0x80, s5, s19, $0xb8;
	[tilespmem:$0x1FA80] =	vst v63  }
0xce: {  	_ =	swait.ge [sflag:s23], $0x2000  }
0xcf: {  	[sflag:s23] =	ssyncset.done $0x0  }
0xd0: {  	s11 =	simm.s32 $0x1A700;
	[sflag:s23] =	ssyncadd.s32 $0xFFFFE000  }
0xd1: {  	[spmem:s2] =	stream.indirect.scatter.add.f32 [tilespmem:s20], [sflag:$0x3], $0x80, s11, s19, $0xb8;
	[tilespmem:$0x1FA80] =	vst v63  }
0xd2: {  	_ =	swait.ge [sflag:s26], $0x2000  }
0xd3: {  	[sflag:s26] =	ssyncset.done $0x0  }
0xd4: {  	s12 =	simm.s32 $0x1A780;
	[sflag:s26] =	ssyncadd.s32 $0xFFFFE000  }
0xd5: {  	[spmem:s2] =	stream.indirect.scatter.add.f32 [tilespmem:s22], [sflag:$0x4], $0x80, s12, s19, $0xb8;
	[tilespmem:$0x1FA80] =	vst v63  }
0xd6: {  	_ =	swait.ge [sflag:s24], $0x2000  }
0xd7: {  	[sflag:s24] =	ssyncset.done $0x0  }
0xd8: {  	[sflag:s24] =	ssyncadd.s32 $0xFFFFE000  }
0xd9: {  	_ =	swait.ge [sflag:s29], $0x2000  }
0xda: {  	[sflag:s29] =	ssyncset.done $0x0  }
0xdb: {  	[sflag:s29] =	ssyncadd.s32 $0xFFFFE000  }
0xdc: {  	[bflag:$0x0] =	sbarrier.arrive $0xFFFF  }
0xdd: {  	s13 =	rddreg [dreg:$0x8]  }
0xde: {  	s16 =	rddreg [dreg:$0x9]  }
0xdf: {  	[tilespmem:s1], [sflag:$0x3] =	stream.linear.gather [spmem:s13], $0x1000, $0x38;
	[tilespmem:$0x1FA80] =	vst v63  }
0xe0: {  	s0 =	sadd.s32 s16, s28  }
0xe1: {  	s0 =	sshrl.u32 s0, $0x3  }
0xe2: {  	s25 =	simm.s32 $0x1BA80;
	s0 =	sadd.s32 s6, s0  }
0xe3: {  	[tilespmem:s25], [sflag:$0x1] =	stream.linear.gather [hbm4b:s0+s30], $0x1000, $0x38;
	[tilespmem:$0x1FA80] =	vst v63  }
0xe4: {  	s31 =	simm.s32 $0x20;
	s16 =	simm.s32 $0x0;
	s0 =	simm.s32 $0x0  }
.LBB2_7:
0xe5: {  	s5 =	sshll.u32 s16, $0x6  }
0xe6: {  	s7 =	sadd.s32 s5, s4  }
0xe7: {  	s7 =	sshll.u32 s7, $0x7  }
0xe8: {  	s7 =	sadd.s32 $0x1000, s7  }
0xe9: {  	s9 =	sand.u32 $0x3FFFFF80, s7;
	s7 =	sadd.s32 s28, s7  }
0xea: {  	s11 =	sadd.s32 s9, s2;
	s9 =	sshrl.u32 s7, $0x3  }
0xeb: {  	[tilespmem:s10], [sflag:$0x4] =	stream.linear.gather [spmem:s11], $0x1000, $0x38;
	[tilespmem:$0x1FA80] =	vst v63  }
0xec: {  	s7 =	sadd.s32 s6, s9  }
0xed: {  	[tilespmem:s21], [sflag:$0x2] =	stream.linear.gather [hbm4b:s7+s30], $0x1000, $0x38;
	[tilespmem:$0x1FA80] =	vst v63  }
0xee: {  	_ =	swait.ge [sflag:s24], $0x1000  }
0xef: {  	[sflag:s24] =	ssyncset.done $0x0  }
0xf0: {  	[sflag:s24] =	ssyncadd.s32 $0xFFFFF000  }
0xf1: {  	_ =	swait.ge [sflag:s23], $0x1000  }
0xf2: {  	[sflag:s23] =	ssyncset.done $0x0  }
0xf3: {  	s7 =	simm.s32 $0x0;
	[sflag:s23] =	ssyncadd.s32 $0xFFFFF000  }
0xf4: {  	v1 =	vld [tilespmem:s7+$0x1BAC0]  }
0xf5: {  	v4 =	vld [tilespmem:s7+$0x1BAD0]  }
0xf6: {  	v2 =	vld [tilespmem:s7+$0x1BAF0]  }
0xf7: {  	v3 =	vld [tilespmem:s7+$0x1BAE0]  }
0xf8: {  	v6 =	vmov s0;
	v10 =	vld [tilespmem:s7+$0x1AAB0]  }
0xf9: {  	v7 =	vld [tilespmem:s7+$0x1AAF0]  }
0xfa: {  	v9 =	vld [tilespmem:s7+$0x1AAE0]  }
0xfb: {  	v8 =	vld [tilespmem:s7+$0x1BAA0]  }
0xfc: {  	v5 =	vld [tilespmem:s7+$0x1BA90]  }
0xfd: {  	v6 =	vld.idx.msk [tilespmem:v6+s17+$0x0], $0xffff  }
0xfe: {  	v13 =	vld [tilespmem:s7+$0x1AAD0]  }
0xff: {  	v11 =	vld [tilespmem:s7+$0x1BAB0]  }
0x100: {  	s13 =	simm.s32 $0x200;
	s12 =	sadd.s32 $0x1, s0;
	v12 =	vld [tilespmem:s7+$0x1AAA0]  }
.LBB2_8:
0x101: {  	v14 =	vmov s12;
	p0 =	sne.s32 s13, $0x3E00;
	v15 =	vld [tilespmem:s7+$0x1AA90];
	s25 =	smov.u32 s13;
	s13 =	sadd.s32 $0x200, s13  }
0x102: {  	v16 =	vld [tilespmem:s7+$0x1AA80]  }
0x103: {  	v10 =	vmul.f32 v10, v6;
	v17 =	vld [tilespmem:s7+$0x1AAC0];
	v13 =	vmul.f32 v13, v6  }
0x104: {  	s25 =	sshra.s32 s25, $0x2;
	v18 =	vld [tilespmem:s7+$0x1BA80]  }
0x105: {  	v10 =	vadd.f32 v11, v10;
	v19 =	vld [tilespmem:s25+$0x1BAC0];
	v12 =	vmul.f32 v12, v6;
	v11 =	vadd.f32 v4, v13  }
0x106: {  	v9 =	vmul.f32 v9, v6;
	v7 =	vmul.f32 v7, v6  }
0x107: {  	v15 =	vmul.f32 v15, v6;
	v4 =	vld [tilespmem:s25+$0x1BAD0];
	v13 =	vmul.f32 v16, v6;
	v8 =	vadd.f32 v8, v12;
	[tilespmem:s7+$0x1AAD0] =	vst v11  }
0x108: {  	v9 =	vadd.f32 v3, v9;
	v7 =	vadd.f32 v2, v7;
	[tilespmem:s7+$0x1AAB0] =	vst v10;
	v6 =	vmul.f32 v17, v6;
	v2 =	vld [tilespmem:s25+$0x1BAF0]  }
0x109: {  	v5 =	vadd.f32 v5, v15;
	v3 =	vld [tilespmem:s25+$0x1BAE0];
	v11 =	vadd.f32 v18, v13;
	[tilespmem:s7+$0x1AAA0] =	vst v8  }
0x10a: {  	v10 =	vld [tilespmem:s25+$0x1AAB0];
	v6 =	vadd.f32 v1, v6;
	[tilespmem:s7+$0x1AAF0] =	vst v7;
	v1 =	vmov v19  }
0x10b: {  	v7 =	vld [tilespmem:s25+$0x1AAF0];
	[tilespmem:s7+$0x1AAE0] =	vst v9  }
0x10c: {  	v9 =	vld [tilespmem:s25+$0x1AAE0];
	[tilespmem:s7+$0x1AAC0] =	vst v6  }
0x10d: {  	v8 =	vld [tilespmem:s25+$0x1BAA0];
	[tilespmem:s7+$0x1AA90] =	vst v5  }
.Ltmp2:
0x10e: {  	v5 =	vld [tilespmem:s25+$0x1BA90];
	[tilespmem:s7+$0x1AA80] =	vst v11;
	s7 =	smov.u32 s25;
	(pc) =	sbr.rel @p0 .LBB2_8-.Ltmp2, $4  }
0x10f: {  	v6 =	vld.idx.msk [tilespmem:v14+s17+$0x0], $0xffff  }
0x110: {  	v13 =	vld [tilespmem:s7+$0x1AAD0]  }
0x111: {  	v11 =	vld [tilespmem:s7+$0x1BAB0]  }
0x112: {  	s12 =	sadd.s32 $0x1, s12;
	v12 =	vld [tilespmem:s7+$0x1AAA0]  }
0x113: {  	_ = 	snop  }
0x114: {  	v15 =	vld [tilespmem:s7+$0x1AA90];
	v10 =	vmul.f32 v10, v6  }
0x115: {  	v14 =	vld [tilespmem:s7+$0x1AAC0];
	v7 =	vmul.f32 v7, v6  }
0x116: {  	v16 =	vld [tilespmem:s7+$0x1AA80];
	v13 =	vmul.f32 v13, v6;
	v10 =	vadd.f32 v11, v10  }
0x117: {  	v9 =	vmul.f32 v9, v6;
	v2 =	vadd.f32 v2, v7  }
0x118: {  	v12 =	vmul.f32 v12, v6;
	v4 =	vadd.f32 v4, v13;
	v13 =	vld [tilespmem:s7+$0x1BA80];
	[tilespmem:s7+$0x1AAB0] =	vst v10  }
0x119: {  	v3 =	vadd.f32 v3, v9;
	v7 =	vmul.f32 v15, v6;
	[tilespmem:s7+$0x1AAF0] =	vst v2  }
0x11a: {  	v8 =	vadd.f32 v8, v12;
	[tilespmem:s7+$0x1AAD0] =	vst v4;
	v4 =	vmul.f32 v14, v6  }
0x11b: {  	s12 =	sadd.s32 s4, s5;
	[tilespmem:s7+$0x1AAE0] =	vst v3;
	v6 =	vmul.f32 v16, v6;
	v2 =	vadd.f32 v5, v7  }
0x11c: {  	s12 =	sshll.u32 s12, $0x7;
	[tilespmem:s7+$0x1AAA0] =	vst v8;
	v1 =	vadd.f32 v1, v4  }
0x11d: {  	s13 =	sadd.s32 s28, s12;
	v3 =	vadd.f32 v13, v6;
	[tilespmem:s7+$0x1AA90] =	vst v2  }
0x11e: {  	s13 =	sshrl.u32 s13, $0x3;
	[tilespmem:s7+$0x1AAC0] =	vst v1  }
0x11f: {  	s13 =	sadd.s32 s8, s13;
	[tilespmem:s7+$0x1AA80] =	vst v3  }
0x120: {  	[hbm4b:s13+s3] =	stream.linear.scatter [tilespmem:s1], [sflag:$0x5], $0x1000, $0x38;
	[tilespmem:$0x1FA80] =	vst v63  }
0x121: {  	_ =	swait.ge [sflag:s15], $0x1000  }
0x122: {  	p0 =	seq.s32 s16, $0x9;
	s25 =	sand.u32 $0x3FFFFF80, s12;
	[sflag:s15] =	ssyncset.done $0x0  }
0x123: {  	s5 =	sadd.s32 @!p0 s5, s14;
	s7 =	sadd.s32 s25, s2;
	[sflag:s15] =	ssyncadd.s32 $0xFFFFF000  }
0x124: {  	[spmem:s7] =	stream.linear.scatter [tilespmem:s18], [sflag:$0x5], $0x1000, $0x38;
	[tilespmem:$0x1FA80] =	vst v63  }
0x125: {  	s5 =	sshll.u32 @!p0 s5, $0x7;
	s12 =	simm.s32 @!p0 $0x1AA80;
	_ =	swait.ge [sflag:s15], $0x1000  }
0x126: {  	s7 =	sand.u32 @!p0 $0x3FFFFF80, s5;
	s5 =	sadd.s32 @!p0 s28, s5;
	[sflag:s15] =	ssyncset.done $0x0  }
0x127: {  	s7 =	sadd.s32 @!p0 s7, s2;
	s5 =	sshrl.u32 @!p0 s5, $0x3;
	[sflag:s15] =	ssyncadd.s32 $0xFFFFF000  }
0x128: {  	[tilespmem:s12], [sflag:$0x3] =	stream.linear.gather @!p0 [spmem:s7], $0x1000, $0x38;
	[tilespmem:$0x1FA80] =	vst v63  }
0x129: {  	s5 =	sadd.s32 @!p0 s6, s5;
	s7 =	simm.s32 @!p0 $0x0;
	s12 =	simm.s32 @!p0 $0x1BA80  }
0x12a: {  	[tilespmem:s12], [sflag:$0x1] =	stream.linear.gather @!p0 [hbm4b:s5+s7], $0x1000, $0x38;
	[tilespmem:$0x1FA80] =	vst v63  }
0x12b: {  	_ =	swait.ge [sflag:s29], $0x1000  }
0x12c: {  	[sflag:s29] =	ssyncset.done $0x0  }
0x12d: {  	[sflag:s29] =	ssyncadd.s32 $0xFFFFF000  }
0x12e: {  	_ =	swait.ge [sflag:s26], $0x1000  }
0x12f: {  	[sflag:s26] =	ssyncset.done $0x0  }
0x130: {  	s5 =	simm.s32 $0x0;
	[sflag:s26] =	ssyncadd.s32 $0xFFFFF000  }
0x131: {  	v1 =	vld [tilespmem:s5+$0x1DAC0]  }
0x132: {  	v4 =	vld [tilespmem:s5+$0x1DAD0]  }
0x133: {  	v2 =	vld [tilespmem:s5+$0x1DAF0]  }
0x134: {  	v3 =	vld [tilespmem:s5+$0x1DAE0]  }
0x135: {  	v6 =	vmov s31;
	v10 =	vld [tilespmem:s5+$0x1CAB0]  }
0x136: {  	v7 =	vld [tilespmem:s5+$0x1CAF0]  }
0x137: {  	v9 =	vld [tilespmem:s5+$0x1CAE0]  }
0x138: {  	v8 =	vld [tilespmem:s5+$0x1DAA0]  }
0x139: {  	v5 =	vld [tilespmem:s5+$0x1DA90]  }
0x13a: {  	v6 =	vld.idx.msk [tilespmem:v6+s17+$0x0], $0xffff  }
0x13b: {  	v13 =	vld [tilespmem:s5+$0x1CAD0]  }
0x13c: {  	v11 =	vld [tilespmem:s5+$0x1DAB0]  }
0x13d: {  	s16 =	sadd.s32 $0x1, s16;
	s7 =	simm.s32 $0x200;
	s12 =	sadd.s32 $0x1, s31;
	v12 =	vld [tilespmem:s5+$0x1CAA0]  }
.LBB2_10:
0x13e: {  	v14 =	vmov s12;
	p0 =	sne.s32 s7, $0x3E00;
	v15 =	vld [tilespmem:s5+$0x1CA90];
	s13 =	smov.u32 s7;
	s7 =	sadd.s32 $0x200, s7  }
0x13f: {  	v16 =	vld [tilespmem:s5+$0x1CA80]  }
0x140: {  	v10 =	vmul.f32 v10, v6;
	v17 =	vld [tilespmem:s5+$0x1CAC0];
	v13 =	vmul.f32 v13, v6  }
0x141: {  	s13 =	sshra.s32 s13, $0x2;
	v18 =	vld [tilespmem:s5+$0x1DA80]  }
0x142: {  	v10 =	vadd.f32 v11, v10;
	v19 =	vld [tilespmem:s13+$0x1DAC0];
	v12 =	vmul.f32 v12, v6;
	v11 =	vadd.f32 v4, v13  }
0x143: {  	v9 =	vmul.f32 v9, v6;
	v7 =	vmul.f32 v7, v6  }
0x144: {  	v15 =	vmul.f32 v15, v6;
	v4 =	vld [tilespmem:s13+$0x1DAD0];
	v13 =	vmul.f32 v16, v6;
	v8 =	vadd.f32 v8, v12;
	[tilespmem:s5+$0x1CAD0] =	vst v11  }
0x145: {  	v9 =	vadd.f32 v3, v9;
	v7 =	vadd.f32 v2, v7;
	[tilespmem:s5+$0x1CAB0] =	vst v10;
	v6 =	vmul.f32 v17, v6;
	v2 =	vld [tilespmem:s13+$0x1DAF0]  }
0x146: {  	v5 =	vadd.f32 v5, v15;
	v3 =	vld [tilespmem:s13+$0x1DAE0];
	v11 =	vadd.f32 v18, v13;
	[tilespmem:s5+$0x1CAA0] =	vst v8  }
0x147: {  	v10 =	vld [tilespmem:s13+$0x1CAB0];
	v6 =	vadd.f32 v1, v6;
	[tilespmem:s5+$0x1CAF0] =	vst v7;
	v1 =	vmov v19  }
0x148: {  	v7 =	vld [tilespmem:s13+$0x1CAF0];
	[tilespmem:s5+$0x1CAE0] =	vst v9  }
0x149: {  	v9 =	vld [tilespmem:s13+$0x1CAE0];
	[tilespmem:s5+$0x1CAC0] =	vst v6  }
0x14a: {  	v8 =	vld [tilespmem:s13+$0x1DAA0];
	[tilespmem:s5+$0x1CA90] =	vst v5  }
.Ltmp3:
0x14b: {  	v5 =	vld [tilespmem:s13+$0x1DA90];
	[tilespmem:s5+$0x1CA80] =	vst v11;
	s5 =	smov.u32 s13;
	(pc) =	sbr.rel @p0 .LBB2_10-.Ltmp3, $4  }
0x14c: {  	v6 =	vld.idx.msk [tilespmem:v14+s17+$0x0], $0xffff  }
0x14d: {  	v13 =	vld [tilespmem:s5+$0x1CAD0]  }
0x14e: {  	v11 =	vld [tilespmem:s5+$0x1DAB0]  }
0x14f: {  	s12 =	sadd.s32 $0x1, s12;
	v12 =	vld [tilespmem:s5+$0x1CAA0]  }
0x150: {  	_ = 	snop  }
0x151: {  	v14 =	vld [tilespmem:s5+$0x1CAC0];
	v10 =	vmul.f32 v10, v6  }
0x152: {  	v15 =	vld [tilespmem:s5+$0x1CA90];
	v7 =	vmul.f32 v7, v6  }
0x153: {  	v16 =	vld [tilespmem:s5+$0x1CA80];
	v9 =	vmul.f32 v9, v6;
	v10 =	vadd.f32 v11, v10  }
0x154: {  	v13 =	vmul.f32 v13, v6;
	v2 =	vadd.f32 v2, v7  }
0x155: {  	v60 =	vld [tilespmem:s5+$0x1DA80];
	v3 =	vadd.f32 v3, v9;
	v12 =	vmul.f32 v12, v6;
	[tilespmem:s5+$0x1CAB0] =	vst v10  }
0x156: {  	v4 =	vadd.f32 v4, v13;
	v61 =	vmul.f32 v14, v6;
	[tilespmem:s5+$0x1CAF0] =	vst v2  }
0x157: {  	v62 =	vmul.f32 v15, v6;
	[tilespmem:s5+$0x1CAE0] =	vst v3;
	v8 =	vadd.f32 v8, v12  }
0x158: {  	v63 =	vmul.f32 v16, v6;
	[tilespmem:s5+$0x1CAD0] =	vst v4;
	v1 =	vadd.f32 v1, v61  }
0x159: {  	v2 =	vadd.f32 v5, v62;
	[tilespmem:s5+$0x1CAA0] =	vst v8  }
0x15a: {  	v3 =	vadd.f32 v60, v63;
	[tilespmem:s5+$0x1CAC0] =	vst v1  }
0x15b: {  	[tilespmem:s5+$0x1CA90] =	vst v2  }
0x15c: {  	s25 =	sadd.s32 s8, s9;
	[tilespmem:s5+$0x1CA80] =	vst v3  }
0x15d: {  	[hbm4b:s25+s3] =	stream.linear.scatter [tilespmem:s10], [sflag:$0x5], $0x1000, $0x38;
	[tilespmem:$0x1FA80] =	vst v63  }
0x15e: {  	_ =	swait.ge [sflag:s15], $0x1000  }
0x15f: {  	p0 =	sne.s32 s16, $0xA;
	[sflag:s15] =	ssyncset.done $0x0  }
.Ltmp4:
0x160: {  	[sflag:s15] =	ssyncadd.s32 $0xFFFFF000;
	(pc) =	sbr.rel @p0 .LBB2_7-.Ltmp4, $4  }
0x161: {  	[spmem:s11] =	stream.linear.scatter [tilespmem:s18], [sflag:$0x5], $0x1000, $0x38;
	[tilespmem:$0x1FA80] =	vst v63  }
0x162: {  	_ =	swait.ge [sflag:s15], $0x1000  }
0x163: {  	[sflag:s15] =	ssyncset.done $0x0  }
0x164: {  	s0 =	sadd.s32 $0x40, s0;
	s31 =	sadd.s32 $0x40, s31;
	[sflag:s15] =	ssyncadd.s32 $0xFFFFF000  }
0x165: {  	s0 =	rddreg [dreg:$0x1f]  }
0x166: {  	s0 =	sadd.s32 $0x1, s0  }
0x167: {  	p0 =	sne.s32 s0, $0xC  }
.Ltmp5:
0x168: {  	_ = 	snop;
	(pc) =	sbr.rel @p0 .LBB2_4-.Ltmp5, $1  }
0x169: {  	_ =	sdelay $0x3  }
0x16a: {  	s5 =	rddreg [dreg:$0x1e]  }
0x16b: {  	s0 =	rddreg [dreg:$0xa];
	s5 =	sadd.s32 $0x1, s5  }
0x16c: {  	p0 =	sne.s32 s5, s0  }
.Ltmp6:
0x16d: {  	_ = 	snop;
	(pc) =	sbr.rel @p0 .LBB2_1-.Ltmp6, $1  }
0x16e: {  	_ =	sdelay $0x3  }
0x16f: {  	_ =	sfence.sel $0x180000  }
0x170: {  	[bflag:$0x0] =	sbarrier.arrive $0xFFFF  }
0x171: {  	_ =	strace $0x9000004D  }
0x172: {  	s0 =	stileid.u32;
	[bflag:$0x2] =	sbarrier.arrive $0xFFFF  }
0x173: {  	p0 =	sne.s32 s0, $0x0;
	s0 =	rddreg [dreg:$0x2]  }
0x174: {  	s0 =	sadd.s32 @!p0 $0x100000, s0  }
0x175: {  	[sflag:s0] =	ssyncadd.tile.s32 @!p0 $0x1;
	_ =	shalt  }
.Lfunc_end2:
_tile_overlayer_lowered:
.L_overlay_start_2:
0x176: {  	(tag) =	ssettag $0x2  }
0x177: {  	s0 =	rddreg [dreg:$0x0];
	s2 =	stileid.u32  }
0x178: {  	s1 =	rddreg [dreg:$0x1];
	p0 =	sne.s32 s2, $0x0  }
0x179: {  	s3 =	rddreg [dreg:$0x2];
	[bflag:$0x3] =	sbarrier.arrive $0xFFFF;
	s2 =	simm.s32 @!p0 $0x1C05  }
0x17a: {  	[timem:s3], [sflag:s2] =	dma.local @!p0 [hbm:s0], s1  }
0x17b: {  	s0 =	simm.s32 @!p0 $0x5  }
0x17c: {  	_ =	swait.ge @!p0 [sflag:s0], s1  }
0x17d: {  	s1 =	ssub.s32 @!p0 $0x0, s1;
	[sflag:s0] =	ssyncset.done @!p0 $0x0  }
0x17e: {  	[sflag:s0] =	ssyncadd.s32 @!p0 s1  }
0x17f: {  	[bflag:$0x3] =	sbarrier.arrive $0xFFFF  }
0x180: {  	_ =	shalt  }

</sc_bundles>
